<compile_context>
chip_gen: v7x
topology: tpu7x:2x2x1
jax: 0.10.2.dev20260603
libtpu: 0.0.44.dev20260713+nightly
codegen_flags: <defaults>
</compile_context>

<pallas_src>
import functools

import jax
import jax.numpy as jnp
from jax import lax
from jax.experimental import pallas as pl
from jax.experimental.pallas import tpu as pltpu
from jax.experimental.pallas import tpu_sc as plsc

NUM_EMBEDDINGS = 1_000_000
EMB_DIM = 32
BATCH_B = 16384
SEQ_T = 50
NUM_CORES = 2
NUM_SUBCORES = 16
NUM_WORKERS = NUM_CORES * NUM_SUBCORES
PER_B = BATCH_B // NUM_WORKERS
GROUP_B = 16
NUM_GROUPS = PER_B // GROUP_B
NBUF = 2

_mesh = plsc.VectorSubcoreMesh(core_axis_name="c", subcore_axis_name="s")


@functools.partial(
    pl.kernel,
    mesh=_mesh,
    out_type=jax.ShapeDtypeStruct((SEQ_T, EMB_DIM, BATCH_B), jnp.float32),
    scratch_types=[
        pltpu.VMEM((NBUF, GROUP_B, SEQ_T), jnp.int32),
        pltpu.VMEM((NBUF, GROUP_B, SEQ_T, EMB_DIM), jnp.float32),
        pltpu.VMEM((NBUF, SEQ_T, EMB_DIM, GROUP_B + 1), jnp.float32),
        pltpu.SemaphoreType.DMA((NBUF,)),
        pltpu.SemaphoreType.DMA((NBUF,)),
    ],
    compiler_params=pltpu.CompilerParams(
        use_tc_tiling_on_sc=False, needs_layout_passes=False
    ),
)
def _gather_kernel(ids_hbm, table_hbm, out_hbm, idx_v, gbuf, tbuf, gsem, wsem):
    wid = lax.axis_index("s") * NUM_CORES + lax.axis_index("c")
    b_base = wid * PER_B
    lane = lax.iota(jnp.int32, 16)

    def fire_group(g):
        p = lax.rem(g, NBUF)
        b0 = b_base + g * GROUP_B
        pltpu.sync_copy(ids_hbm.at[pl.ds(b0, GROUP_B)], idx_v.at[p])
        for k in range(GROUP_B):
            pltpu.async_copy(
                table_hbm.at[idx_v.at[p].at[k]], gbuf.at[p].at[k], gsem.at[p]
            )

    fire_group(0)

    def body(g, carry):
        p = lax.rem(g, NBUF)
        b0 = b_base + g * GROUP_B

        @pl.when(g + 1 < NUM_GROUPS)
        def _():
            fire_group(g + 1)

        for k in range(GROUP_B):
            pltpu.make_async_copy(
                table_hbm.at[idx_v.at[p].at[k]], gbuf.at[p].at[k], gsem.at[p]
            ).wait()

        @pl.when(g >= NBUF)
        def _():
            pltpu.make_async_copy(
                tbuf.at[p].at[:, :, pl.ds(0, GROUP_B)],
                out_hbm.at[:, :, pl.ds(0, GROUP_B)],
                wsem.at[p],
            ).wait()

        @plsc.parallel_loop(0, SEQ_T, unroll=4)
        def tbody(t):
            tvec = jnp.full((16,), 0, jnp.int32) + t
            for k in range(GROUP_B):
                kvec = jnp.full((16,), k, jnp.int32)
                for dh in range(EMB_DIM // 16):
                    v = gbuf[p, k, t, pl.ds(dh * 16, 16)]
                    plsc.store_scatter(
                        tbuf.at[p], [tvec, lane + dh * 16, kvec], v
                    )

        pltpu.async_copy(
            tbuf.at[p].at[:, :, pl.ds(0, GROUP_B)],
            out_hbm.at[:, :, pl.ds(b0, GROUP_B)],
            wsem.at[p],
        )
        return carry

    lax.fori_loop(0, NUM_GROUPS, body, 0)

    for p in range(NBUF):
        pltpu.make_async_copy(
            tbuf.at[p].at[:, :, pl.ds(0, GROUP_B)],
            out_hbm.at[:, :, pl.ds(0, GROUP_B)],
            wsem.at[p],
        ).wait()


@jax.jit
def kernel(ids, emb_matrix):
    out_t = _gather_kernel(ids.astype(jnp.int32), emb_matrix)
    return jnp.transpose(out_t, (2, 0, 1))

# --- scband reference (transcript-rebuilt; emitter-appended) ---
"""Pipeline reference for scband-my-token-embedding-40750649704991 (READ-ONLY COPY).

The authoritative reference and input builder live on the scoring server;
editing this copy changes nothing except your own understanding.
"""

import jax, jax.numpy as jnp
import numpy as np

NUM_EMBEDDINGS = 1000000
EMBEDDING_DIM = 32

def setup_inputs(seed: int = 0) -> dict:
    key = jax.random.key(seed)
    k_ids, k_emb = jax.random.split(key)
    ids = jax.random.randint(k_ids, (16384, 50), 0, NUM_EMBEDDINGS, dtype=jnp.int64 if jax.config.jax_enable_x64 else jnp.int32)
    # kaiming normal, fan_in mode: std = sqrt(2 / fan_in); fan_in = embedding_dim
    std = float(np.sqrt(2.0 / EMBEDDING_DIM))
    emb_matrix = jax.random.normal(k_emb, (NUM_EMBEDDINGS, EMBEDDING_DIM), dtype=jnp.float32) * std
    return {"ids": ids, "emb_matrix": emb_matrix}

def reference(ids, emb_matrix):
    # id_list -> emb_matrix[id_list]
    return jnp.take(emb_matrix, ids, axis=0)

if __name__ == "__main__":
    import jax
    _d = setup_inputs()
    print(jax.jit(kernel)(*tuple(_d.values())))

</pallas_src>

<mosaic_0001>
#map = affine_map<(d0, d1) -> (0, 0)>
#map1 = affine_map<(d0, d1) -> (0, 0, 0)>
module attributes {stable_mosaic.version = 14 : i64} {
  func.func @_gather_kernel(%arg0: i32, %arg1: i32, %arg2: memref<16384x50xi32, #tpu.memory_space<hbm>>, %arg3: memref<1000000x32xf32, #tpu.memory_space<hbm>>, %arg4: memref<50x32x16384xf32, #tpu.memory_space<hbm>>, %arg5: memref<2x16x50xi32, #tpu.memory_space<vmem>>, %arg6: memref<2x16x50x32xf32, #tpu.memory_space<vmem>>, %arg7: memref<2x50x32x17xf32, #tpu.memory_space<vmem>>, %arg8: memref<2x!tpu.dma_semaphore, #tpu.memory_space<semaphore_mem>>, %arg9: memref<2x!tpu.dma_semaphore, #tpu.memory_space<semaphore_mem>>) attributes {dimension_semantics = [#tpu.dimension_semantics<core_parallel>, #tpu.dimension_semantics<subcore_parallel>], iteration_bounds = array<i64: 2, 16>, scalar_prefetch = 0 : i64, scratch_operands = 5 : i64, tpu.core_type = #tpu.core_type<sc_vector_subcore>, window_params = [{transform_indices = #map}, {transform_indices = #map}, {transform_indices = #map1}]} {
    %mul3A = arith.constant 2 : i32
    %mul3A_0 = arith.muli %arg1, %mul3A : i32
    %add3A = arith.addi %mul3A_0, %arg0 : i32
    %mul3A_1 = arith.constant 512 : i32
    %mul3A_2 = arith.muli %add3A, %mul3A_1 : i32
    %iota3A = tpu.iota {dimensions = array<i32: 0>} : vector<16xi32>
    %rem3A = arith.constant 0 : i32
    %rem3A_3 = arith.constant 2 : i32
    %rem3A_4 = arith.remsi %rem3A, %rem3A_3 : i32
    %add3A_5 = arith.constant 0 : i32
    %add3A_6 = arith.addi %mul3A_2, %add3A_5 : i32
    "tpu.region"() ({
      %run_scoped3A = tpu.sem_alloc : memref<!tpu.dma_semaphore, #tpu.memory_space<semaphore_mem>>
      %dma_start3A_438 = arith.constant 0 : i32
      %dma_start3A_439 = arith.constant 0 : i32
      %dma_start3A_440 = tpu.memref_slice %arg5[%rem3A_4, %dma_start3A_438, %dma_start3A_439] : memref<2x16x50xi32, #tpu.memory_space<vmem>> -> memref<1x16x50xi32, #tpu.memory_space<vmem>>
      %dma_start3A_441 = tpu.memref_squeeze %dma_start3A_440 : memref<1x16x50xi32, #tpu.memory_space<vmem>> -> memref<16x50xi32, #tpu.memory_space<vmem>>
      %dma_start3A_442 = arith.constant 0 : i32
      %dma_start3A_443 = tpu.memref_slice %arg2[%add3A_6, %dma_start3A_442] : memref<16384x50xi32, #tpu.memory_space<hbm>> -> memref<16x50xi32, #tpu.memory_space<hbm>>
      %dma_start3A_444 = arith.constant 0 : i32
      %dma_start3A_445 = arith.constant 0 : i32
      %dma_start3A_446 = tpu.memref_slice %arg5[%rem3A_4, %dma_start3A_444, %dma_start3A_445] : memref<2x16x50xi32, #tpu.memory_space<vmem>> -> memref<1x16x50xi32, #tpu.memory_space<vmem>>
      %dma_start3A_447 = tpu.memref_squeeze %dma_start3A_446 : memref<1x16x50xi32, #tpu.memory_space<vmem>> -> memref<16x50xi32, #tpu.memory_space<vmem>>
      %dma_start3A_448 = arith.constant 0 : i32
      %dma_start3A_449 = tpu.memref_slice %arg2[%add3A_6, %dma_start3A_448] : memref<16384x50xi32, #tpu.memory_space<hbm>> -> memref<16x50xi32, #tpu.memory_space<hbm>>
      tpu.enqueue_dma source(%dma_start3A_449 : memref<16x50xi32, #tpu.memory_space<hbm>>) target(%dma_start3A_447 : memref<16x50xi32, #tpu.memory_space<vmem>>) target_semaphore(%run_scoped3A : memref<!tpu.dma_semaphore, #tpu.memory_space<semaphore_mem>>)
      %dma_wait3A_450 = arith.constant 0 : i32
      %dma_wait3A_451 = arith.constant 0 : i32
      %dma_wait3A_452 = tpu.memref_slice %arg5[%rem3A_4, %dma_wait3A_450, %dma_wait3A_451] : memref<2x16x50xi32, #tpu.memory_space<vmem>> -> memref<1x16x50xi32, #tpu.memory_space<vmem>>
      %dma_wait3A_453 = tpu.memref_squeeze %dma_wait3A_452 : memref<1x16x50xi32, #tpu.memory_space<vmem>> -> memref<16x50xi32, #tpu.memory_space<vmem>>
      %dma_wait3A_454 = arith.constant 0 : i32
      %dma_wait3A_455 = tpu.memref_slice %arg2[%add3A_6, %dma_wait3A_454] : memref<16384x50xi32, #tpu.memory_space<hbm>> -> memref<16x50xi32, #tpu.memory_space<hbm>>
      %dma_wait3A_456 = arith.constant 0 : i32
      %dma_wait3A_457 = arith.constant 0 : i32
      %dma_wait3A_458 = tpu.memref_slice %arg5[%rem3A_4, %dma_wait3A_456, %dma_wait3A_457] : memref<2x16x50xi32, #tpu.memory_space<vmem>> -> memref<1x16x50xi32, #tpu.memory_space<vmem>>
      %dma_wait3A_459 = tpu.memref_squeeze %dma_wait3A_458 : memref<1x16x50xi32, #tpu.memory_space<vmem>> -> memref<16x50xi32, #tpu.memory_space<vmem>>
      %dma_wait3A_460 = arith.constant 0 : i32
      %dma_wait3A_461 = tpu.memref_slice %arg2[%add3A_6, %dma_wait3A_460] : memref<16384x50xi32, #tpu.memory_space<hbm>> -> memref<16x50xi32, #tpu.memory_space<hbm>>
      tpu.wait_dma2 semaphore(%run_scoped3A : memref<!tpu.dma_semaphore, #tpu.memory_space<semaphore_mem>>) src(%dma_wait3A_461 : memref<16x50xi32, #tpu.memory_space<hbm>>) dst(%dma_wait3A_459 : memref<16x50xi32, #tpu.memory_space<vmem>>)
      tpu.yield
    }) : () -> ()
    %dma_start3A = arith.constant 0 : i32
    %dma_start3A_7 = arith.constant 0 : i32
    %dma_start3A_8 = arith.constant 0 : i32
    %dma_start3A_9 = arith.constant 0 : i32
    %dma_start3A_10 = arith.constant 0 : i32
    %dma_start3A_11 = tpu.memref_slice %arg6[%rem3A_4, %dma_start3A_8, %dma_start3A_9, %dma_start3A_10] : memref<2x16x50x32xf32, #tpu.memory_space<vmem>> -> memref<1x16x50x32xf32, #tpu.memory_space<vmem>>
    %dma_start3A_12 = tpu.memref_squeeze %dma_start3A_11 : memref<1x16x50x32xf32, #tpu.memory_space<vmem>> -> memref<16x50x32xf32, #tpu.memory_space<vmem>>
    %dma_start3A_13 = arith.constant 0 : i32
    %dma_start3A_14 = arith.constant 0 : i32
    %dma_start3A_15 = tpu.memref_slice %dma_start3A_12[%dma_start3A_7, %dma_start3A_13, %dma_start3A_14] : memref<16x50x32xf32, #tpu.memory_space<vmem>> -> memref<1x50x32xf32, #tpu.memory_space<vmem>>
    %dma_start3A_16 = tpu.memref_squeeze %dma_start3A_15 : memref<1x50x32xf32, #tpu.memory_space<vmem>> -> memref<50x32xf32, #tpu.memory_space<vmem>>
    %dma_start3A_17 = arith.constant 0 : i32
    %dma_start3A_18 = arith.constant 0 : i32
    %dma_start3A_19 = tpu.memref_slice %arg5[%rem3A_4, %dma_start3A_17, %dma_start3A_18] : memref<2x16x50xi32, #tpu.memory_space<vmem>> -> memref<1x16x50xi32, #tpu.memory_space<vmem>>
    %dma_start3A_20 = tpu.memref_squeeze %dma_start3A_19 : memref<1x16x50xi32, #tpu.memory_space<vmem>> -> memref<16x50xi32, #tpu.memory_space<vmem>>
    %dma_start3A_21 = arith.constant 0 : i32
    %dma_start3A_22 = tpu.memref_slice %dma_start3A_20[%dma_start3A, %dma_start3A_21] : memref<16x50xi32, #tpu.memory_space<vmem>> -> memref<1x50xi32, #tpu.memory_space<vmem>>
    %dma_start3A_23 = tpu.memref_squeeze %dma_start3A_22 : memref<1x50xi32, #tpu.memory_space<vmem>> -> memref<50xi32, #tpu.memory_space<vmem>>
    %dma_start3A_24 = arith.constant 0 : i32
    %dma_start3A_25 = arith.constant 0 : i32
    %dma_start3A_26 = tpu.memref_slice %arg3[%dma_start3A_24, %dma_start3A_25] : memref<1000000x32xf32, #tpu.memory_space<hbm>> -> memref<1000000x32xf32, #tpu.memory_space<hbm>>
    %dma_start3A_27 = tpu.memref_slice %arg8[%rem3A_4] : memref<2x!tpu.dma_semaphore, #tpu.memory_space<semaphore_mem>> -> memref<1x!tpu.dma_semaphore, #tpu.memory_space<semaphore_mem>>
    %dma_start3A_28 = tpu.memref_squeeze %dma_start3A_27 : memref<1x!tpu.dma_semaphore, #tpu.memory_space<semaphore_mem>> -> memref<!tpu.dma_semaphore, #tpu.memory_space<semaphore_mem>>
    tpu.enqueue_indirect_dma source(%dma_start3A_26 : memref<1000000x32xf32, #tpu.memory_space<hbm>>) target(%dma_start3A_16 : memref<50x32xf32, #tpu.memory_space<vmem>>) offsets(%dma_start3A_23 : memref<50xi32, #tpu.memory_space<vmem>>) semaphore(%dma_start3A_28 : memref<!tpu.dma_semaphore, #tpu.memory_space<semaphore_mem>>)
    %dma_start3A_29 = arith.constant 1 : i32
    %dma_start3A_30 = arith.constant 1 : i32
    %dma_start3A_31 = arith.constant 0 : i32
    %dma_start3A_32 = arith.constant 0 : i32
    %dma_start3A_33 = arith.constant 0 : i32
    %dma_start3A_34 = tpu.memref_slice %arg6[%rem3A_4, %dma_start3A_31, %dma_start3A_32, %dma_start3A_33] : memref<2x16x50x32xf32, #tpu.memory_space<vmem>> -> memref<1x16x50x32xf32, #tpu.memory_space<vmem>>
    %dma_start3A_35 = tpu.memref_squeeze %dma_start3A_34 : memref<1x16x50x32xf32, #tpu.memory_space<vmem>> -> memref<16x50x32xf32, #tpu.memory_space<vmem>>
    %dma_start3A_36 = arith.constant 0 : i32
    %dma_start3A_37 = arith.constant 0 : i32
    %dma_start3A_38 = tpu.memref_slice %dma_start3A_35[%dma_start3A_30, %dma_start3A_36, %dma_start3A_37] : memref<16x50x32xf32, #tpu.memory_space<vmem>> -> memref<1x50x32xf32, #tpu.memory_space<vmem>>
    %dma_start3A_39 = tpu.memref_squeeze %dma_start3A_38 : memref<1x50x32xf32, #tpu.memory_space<vmem>> -> memref<50x32xf32, #tpu.memory_space<vmem>>
    %dma_start3A_40 = arith.constant 0 : i32
    %dma_start3A_41 = arith.constant 0 : i32
    %dma_start3A_42 = tpu.memref_slice %arg5[%rem3A_4, %dma_start3A_40, %dma_start3A_41] : memref<2x16x50xi32, #tpu.memory_space<vmem>> -> memref<1x16x50xi32, #tpu.memory_space<vmem>>
    %dma_start3A_43 = tpu.memref_squeeze %dma_start3A_42 : memref<1x16x50xi32, #tpu.memory_space<vmem>> -> memref<16x50xi32, #tpu.memory_space<vmem>>
    %dma_start3A_44 = arith.constant 0 : i32
    %dma_start3A_45 = tpu.memref_slice %dma_start3A_43[%dma_start3A_29, %dma_start3A_44] : memref<16x50xi32, #tpu.memory_space<vmem>> -> memref<1x50xi32, #tpu.memory_space<vmem>>
    %dma_start3A_46 = tpu.memref_squeeze %dma_start3A_45 : memref<1x50xi32, #tpu.memory_space<vmem>> -> memref<50xi32, #tpu.memory_space<vmem>>
    %dma_start3A_47 = arith.constant 0 : i32
    %dma_start3A_48 = arith.constant 0 : i32
    %dma_start3A_49 = tpu.memref_slice %arg3[%dma_start3A_47, %dma_start3A_48] : memref<1000000x32xf32, #tpu.memory_space<hbm>> -> memref<1000000x32xf32, #tpu.memory_space<hbm>>
    %dma_start3A_50 = tpu.memref_slice %arg8[%rem3A_4] : memref<2x!tpu.dma_semaphore, #tpu.memory_space<semaphore_mem>> -> memref<1x!tpu.dma_semaphore, #tpu.memory_space<semaphore_mem>>
    %dma_start3A_51 = tpu.memref_squeeze %dma_start3A_50 : memref<1x!tpu.dma_semaphore, #tpu.memory_space<semaphore_mem>> -> memref<!tpu.dma_semaphore, #tpu.memory_space<semaphore_mem>>
    tpu.enqueue_indirect_dma source(%dma_start3A_49 : memref<1000000x32xf32, #tpu.memory_space<hbm>>) target(%dma_start3A_39 : memref<50x32xf32, #tpu.memory_space<vmem>>) offsets(%dma_start3A_46 : memref<50xi32, #tpu.memory_space<vmem>>) semaphore(%dma_start3A_51 : memref<!tpu.dma_semaphore, #tpu.memory_space<semaphore_mem>>)
    %dma_start3A_52 = arith.constant 2 : i32
    %dma_start3A_53 = arith.constant 2 : i32
    %dma_start3A_54 = arith.constant 0 : i32
    %dma_start3A_55 = arith.constant 0 : i32
    %dma_start3A_56 = arith.constant 0 : i32
    %dma_start3A_57 = tpu.memref_slice %arg6[%rem3A_4, %dma_start3A_54, %dma_start3A_55, %dma_start3A_56] : memref<2x16x50x32xf32, #tpu.memory_space<vmem>> -> memref<1x16x50x32xf32, #tpu.memory_space<vmem>>
    %dma_start3A_58 = tpu.memref_squeeze %dma_start3A_57 : memref<1x16x50x32xf32, #tpu.memory_space<vmem>> -> memref<16x50x32xf32, #tpu.memory_space<vmem>>
    %dma_start3A_59 = arith.constant 0 : i32
    %dma_start3A_60 = arith.constant 0 : i32
    %dma_start3A_61 = tpu.memref_slice %dma_start3A_58[%dma_start3A_53, %dma_start3A_59, %dma_start3A_60] : memref<16x50x32xf32, #tpu.memory_space<vmem>> -> memref<1x50x32xf32, #tpu.memory_space<vmem>>
    %dma_start3A_62 = tpu.memref_squeeze %dma_start3A_61 : memref<1x50x32xf32, #tpu.memory_space<vmem>> -> memref<50x32xf32, #tpu.memory_space<vmem>>
    %dma_start3A_63 = arith.constant 0 : i32
    %dma_start3A_64 = arith.constant 0 : i32
    %dma_start3A_65 = tpu.memref_slice %arg5[%rem3A_4, %dma_start3A_63, %dma_start3A_64] : memref<2x16x50xi32, #tpu.memory_space<vmem>> -> memref<1x16x50xi32, #tpu.memory_space<vmem>>
    %dma_start3A_66 = tpu.memref_squeeze %dma_start3A_65 : memref<1x16x50xi32, #tpu.memory_space<vmem>> -> memref<16x50xi32, #tpu.memory_space<vmem>>
    %dma_start3A_67 = arith.constant 0 : i32
    %dma_start3A_68 = tpu.memref_slice %dma_start3A_66[%dma_start3A_52, %dma_start3A_67] : memref<16x50xi32, #tpu.memory_space<vmem>> -> memref<1x50xi32, #tpu.memory_space<vmem>>
    %dma_start3A_69 = tpu.memref_squeeze %dma_start3A_68 : memref<1x50xi32, #tpu.memory_space<vmem>> -> memref<50xi32, #tpu.memory_space<vmem>>
    %dma_start3A_70 = arith.constant 0 : i32
    %dma_start3A_71 = arith.constant 0 : i32
    %dma_start3A_72 = tpu.memref_slice %arg3[%dma_start3A_70, %dma_start3A_71] : memref<1000000x32xf32, #tpu.memory_space<hbm>> -> memref<1000000x32xf32, #tpu.memory_space<hbm>>
    %dma_start3A_73 = tpu.memref_slice %arg8[%rem3A_4] : memref<2x!tpu.dma_semaphore, #tpu.memory_space<semaphore_mem>> -> memref<1x!tpu.dma_semaphore, #tpu.memory_space<semaphore_mem>>
    %dma_start3A_74 = tpu.memref_squeeze %dma_start3A_73 : memref<1x!tpu.dma_semaphore, #tpu.memory_space<semaphore_mem>> -> memref<!tpu.dma_semaphore, #tpu.memory_space<semaphore_mem>>
    tpu.enqueue_indirect_dma source(%dma_start3A_72 : memref<1000000x32xf32, #tpu.memory_space<hbm>>) target(%dma_start3A_62 : memref<50x32xf32, #tpu.memory_space<vmem>>) offsets(%dma_start3A_69 : memref<50xi32, #tpu.memory_space<vmem>>) semaphore(%dma_start3A_74 : memref<!tpu.dma_semaphore, #tpu.memory_space<semaphore_mem>>)
    %dma_start3A_75 = arith.constant 3 : i32
    %dma_start3A_76 = arith.constant 3 : i32
    %dma_start3A_77 = arith.constant 0 : i32
    %dma_start3A_78 = arith.constant 0 : i32
    %dma_start3A_79 = arith.constant 0 : i32
    %dma_start3A_80 = tpu.memref_slice %arg6[%rem3A_4, %dma_start3A_77, %dma_start3A_78, %dma_start3A_79] : memref<2x16x50x32xf32, #tpu.memory_space<vmem>> -> memref<1x16x50x32xf32, #tpu.memory_space<vmem>>
    %dma_start3A_81 = tpu.memref_squeeze %dma_start3A_80 : memref<1x16x50x32xf32, #tpu.memory_space<vmem>> -> memref<16x50x32xf32, #tpu.memory_space<vmem>>
    %dma_start3A_82 = arith.constant 0 : i32
    %dma_start3A_83 = arith.constant 0 : i32
    %dma_start3A_84 = tpu.memref_slice %dma_start3A_81[%dma_start3A_76, %dma_start3A_82, %dma_start3A_83] : memref<16x50x32xf32, #tpu.memory_space<vmem>> -> memref<1x50x32xf32, #tpu.memory_space<vmem>>
    %dma_start3A_85 = tpu.memref_squeeze %dma_start3A_84 : memref<1x50x32xf32, #tpu.memory_space<vmem>> -> memref<50x32xf32, #tpu.memory_space<vmem>>
    %dma_start3A_86 = arith.constant 0 : i32
    %dma_start3A_87 = arith.constant 0 : i32
    %dma_start3A_88 = tpu.memref_slice %arg5[%rem3A_4, %dma_start3A_86, %dma_start3A_87] : memref<2x16x50xi32, #tpu.memory_space<vmem>> -> memref<1x16x50xi32, #tpu.memory_space<vmem>>
    %dma_start3A_89 = tpu.memref_squeeze %dma_start3A_88 : memref<1x16x50xi32, #tpu.memory_space<vmem>> -> memref<16x50xi32, #tpu.memory_space<vmem>>
    %dma_start3A_90 = arith.constant 0 : i32
    %dma_start3A_91 = tpu.memref_slice %dma_start3A_89[%dma_start3A_75, %dma_start3A_90] : memref<16x50xi32, #tpu.memory_space<vmem>> -> memref<1x50xi32, #tpu.memory_space<vmem>>
    %dma_start3A_92 = tpu.memref_squeeze %dma_start3A_91 : memref<1x50xi32, #tpu.memory_space<vmem>> -> memref<50xi32, #tpu.memory_space<vmem>>
    %dma_start3A_93 = arith.constant 0 : i32
    %dma_start3A_94 = arith.constant 0 : i32
    %dma_start3A_95 = tpu.memref_slice %arg3[%dma_start3A_93, %dma_start3A_94] : memref<1000000x32xf32, #tpu.memory_space<hbm>> -> memref<1000000x32xf32, #tpu.memory_space<hbm>>
    %dma_start3A_96 = tpu.memref_slice %arg8[%rem3A_4] : memref<2x!tpu.dma_semaphore, #tpu.memory_space<semaphore_mem>> -> memref<1x!tpu.dma_semaphore, #tpu.memory_space<semaphore_mem>>
    %dma_start3A_97 = tpu.memref_squeeze %dma_start3A_96 : memref<1x!tpu.dma_semaphore, #tpu.memory_space<semaphore_mem>> -> memref<!tpu.dma_semaphore, #tpu.memory_space<semaphore_mem>>
    tpu.enqueue_indirect_dma source(%dma_start3A_95 : memref<1000000x32xf32, #tpu.memory_space<hbm>>) target(%dma_start3A_85 : memref<50x32xf32, #tpu.memory_space<vmem>>) offsets(%dma_start3A_92 : memref<50xi32, #tpu.memory_space<vmem>>) semaphore(%dma_start3A_97 : memref<!tpu.dma_semaphore, #tpu.memory_space<semaphore_mem>>)
    %dma_start3A_98 = arith.constant 4 : i32
    %dma_start3A_99 = arith.constant 4 : i32
    %dma_start3A_100 = arith.constant 0 : i32
    %dma_start3A_101 = arith.constant 0 : i32
    %dma_start3A_102 = arith.constant 0 : i32
    %dma_start3A_103 = tpu.memref_slice %arg6[%rem3A_4, %dma_start3A_100, %dma_start3A_101, %dma_start3A_102] : memref<2x16x50x32xf32, #tpu.memory_space<vmem>> -> memref<1x16x50x32xf32, #tpu.memory_space<vmem>>
    %dma_start3A_104 = tpu.memref_squeeze %dma_start3A_103 : memref<1x16x50x32xf32, #tpu.memory_space<vmem>> -> memref<16x50x32xf32, #tpu.memory_space<vmem>>
    %dma_start3A_105 = arith.constant 0 : i32
    %dma_start3A_106 = arith.constant 0 : i32
    %dma_start3A_107 = tpu.memref_slice %dma_start3A_104[%dma_start3A_99, %dma_start3A_105, %dma_start3A_106] : memref<16x50x32xf32, #tpu.memory_space<vmem>> -> memref<1x50x32xf32, #tpu.memory_space<vmem>>
    %dma_start3A_108 = tpu.memref_squeeze %dma_start3A_107 : memref<1x50x32xf32, #tpu.memory_space<vmem>> -> memref<50x32xf32, #tpu.memory_space<vmem>>
    %dma_start3A_109 = arith.constant 0 : i32
    %dma_start3A_110 = arith.constant 0 : i32
    %dma_start3A_111 = tpu.memref_slice %arg5[%rem3A_4, %dma_start3A_109, %dma_start3A_110] : memref<2x16x50xi32, #tpu.memory_space<vmem>> -> memref<1x16x50xi32, #tpu.memory_space<vmem>>
    %dma_start3A_112 = tpu.memref_squeeze %dma_start3A_111 : memref<1x16x50xi32, #tpu.memory_space<vmem>> -> memref<16x50xi32, #tpu.memory_space<vmem>>
    %dma_start3A_113 = arith.constant 0 : i32
    %dma_start3A_114 = tpu.memref_slice %dma_start3A_112[%dma_start3A_98, %dma_start3A_113] : memref<16x50xi32, #tpu.memory_space<vmem>> -> memref<1x50xi32, #tpu.memory_space<vmem>>
    %dma_start3A_115 = tpu.memref_squeeze %dma_start3A_114 : memref<1x50xi32, #tpu.memory_space<vmem>> -> memref<50xi32, #tpu.memory_space<vmem>>
    %dma_start3A_116 = arith.constant 0 : i32
    %dma_start3A_117 = arith.constant 0 : i32
    %dma_start3A_118 = tpu.memref_slice %arg3[%dma_start3A_116, %dma_start3A_117] : memref<1000000x32xf32, #tpu.memory_space<hbm>> -> memref<1000000x32xf32, #tpu.memory_space<hbm>>
    %dma_start3A_119 = tpu.memref_slice %arg8[%rem3A_4] : memref<2x!tpu.dma_semaphore, #tpu.memory_space<semaphore_mem>> -> memref<1x!tpu.dma_semaphore, #tpu.memory_space<semaphore_mem>>
    %dma_start3A_120 = tpu.memref_squeeze %dma_start3A_119 : memref<1x!tpu.dma_semaphore, #tpu.memory_space<semaphore_mem>> -> memref<!tpu.dma_semaphore, #tpu.memory_space<semaphore_mem>>
    tpu.enqueue_indirect_dma source(%dma_start3A_118 : memref<1000000x32xf32, #tpu.memory_space<hbm>>) target(%dma_start3A_108 : memref<50x32xf32, #tpu.memory_space<vmem>>) offsets(%dma_start3A_115 : memref<50xi32, #tpu.memory_space<vmem>>) semaphore(%dma_start3A_120 : memref<!tpu.dma_semaphore, #tpu.memory_space<semaphore_mem>>)
    %dma_start3A_121 = arith.constant 5 : i32
    %dma_start3A_122 = arith.constant 5 : i32
    %dma_start3A_123 = arith.constant 0 : i32
    %dma_start3A_124 = arith.constant 0 : i32
    %dma_start3A_125 = arith.constant 0 : i32
    %dma_start3A_126 = tpu.memref_slice %arg6[%rem3A_4, %dma_start3A_123, %dma_start3A_124, %dma_start3A_125] : memref<2x16x50x32xf32, #tpu.memory_space<vmem>> -> memref<1x16x50x32xf32, #tpu.memory_space<vmem>>
    %dma_start3A_127 = tpu.memref_squeeze %dma_start3A_126 : memref<1x16x50x32xf32, #tpu.memory_space<vmem>> -> memref<16x50x32xf32, #tpu.memory_space<vmem>>
    %dma_start3A_128 = arith.constant 0 : i32
    %dma_start3A_129 = arith.constant 0 : i32
    %dma_start3A_130 = tpu.memref_slice %dma_start3A_127[%dma_start3A_122, %dma_start3A_128, %dma_start3A_129] : memref<16x50x32xf32, #tpu.memory_space<vmem>> -> memref<1x50x32xf32, #tpu.memory_space<vmem>>
    %dma_start3A_131 = tpu.memref_squeeze %dma_start3A_130 : memref<1x50x32xf32, #tpu.memory_space<vmem>> -> memref<50x32xf32, #tpu.memory_space<vmem>>
    %dma_start3A_132 = arith.constant 0 : i32
    %dma_start3A_133 = arith.constant 0 : i32
    %dma_start3A_134 = tpu.memref_slice %arg5[%rem3A_4, %dma_start3A_132, %dma_start3A_133] : memref<2x16x50xi32, #tpu.memory_space<vmem>> -> memref<1x16x50xi32, #tpu.memory_space<vmem>>
    %dma_start3A_135 = tpu.memref_squeeze %dma_start3A_134 : memref<1x16x50xi32, #tpu.memory_space<vmem>> -> memref<16x50xi32, #tpu.memory_space<vmem>>
    %dma_start3A_136 = arith.constant 0 : i32
    %dma_start3A_137 = tpu.memref_slice %dma_start3A_135[%dma_start3A_121, %dma_start3A_136] : memref<16x50xi32, #tpu.memory_space<vmem>> -> memref<1x50xi32, #tpu.memory_space<vmem>>
    %dma_start3A_138 = tpu.memref_squeeze %dma_start3A_137 : memref<1x50xi32, #tpu.memory_space<vmem>> -> memref<50xi32, #tpu.memory_space<vmem>>
    %dma_start3A_139 = arith.constant 0 : i32
    %dma_start3A_140 = arith.constant 0 : i32
    %dma_start3A_141 = tpu.memref_slice %arg3[%dma_start3A_139, %dma_start3A_140] : memref<1000000x32xf32, #tpu.memory_space<hbm>> -> memref<1000000x32xf32, #tpu.memory_space<hbm>>
    %dma_start3A_142 = tpu.memref_slice %arg8[%rem3A_4] : memref<2x!tpu.dma_semaphore, #tpu.memory_space<semaphore_mem>> -> memref<1x!tpu.dma_semaphore, #tpu.memory_space<semaphore_mem>>
    %dma_start3A_143 = tpu.memref_squeeze %dma_start3A_142 : memref<1x!tpu.dma_semaphore, #tpu.memory_space<semaphore_mem>> -> memref<!tpu.dma_semaphore, #tpu.memory_space<semaphore_mem>>
    tpu.enqueue_indirect_dma source(%dma_start3A_141 : memref<1000000x32xf32, #tpu.memory_space<hbm>>) target(%dma_start3A_131 : memref<50x32xf32, #tpu.memory_space<vmem>>) offsets(%dma_start3A_138 : memref<50xi32, #tpu.memory_space<vmem>>) semaphore(%dma_start3A_143 : memref<!tpu.dma_semaphore, #tpu.memory_space<semaphore_mem>>)
    %dma_start3A_144 = arith.constant 6 : i32
    %dma_start3A_145 = arith.constant 6 : i32
    %dma_start3A_146 = arith.constant 0 : i32
    %dma_start3A_147 = arith.constant 0 : i32
    %dma_start3A_148 = arith.constant 0 : i32
    %dma_start3A_149 = tpu.memref_slice %arg6[%rem3A_4, %dma_start3A_146, %dma_start3A_147, %dma_start3A_148] : memref<2x16x50x32xf32, #tpu.memory_space<vmem>> -> memref<1x16x50x32xf32, #tpu.memory_space<vmem>>
    %dma_start3A_150 = tpu.memref_squeeze %dma_start3A_149 : memref<1x16x50x32xf32, #tpu.memory_space<vmem>> -> memref<16x50x32xf32, #tpu.memory_space<vmem>>
    %dma_start3A_151 = arith.constant 0 : i32
    %dma_start3A_152 = arith.constant 0 : i32
    %dma_start3A_153 = tpu.memref_slice %dma_start3A_150[%dma_start3A_145, %dma_start3A_151, %dma_start3A_152] : memref<16x50x32xf32, #tpu.memory_space<vmem>> -> memref<1x50x32xf32, #tpu.memory_space<vmem>>
    %dma_start3A_154 = tpu.memref_squeeze %dma_start3A_153 : memref<1x50x32xf32, #tpu.memory_space<vmem>> -> memref<50x32xf32, #tpu.memory_space<vmem>>
    %dma_start3A_155 = arith.constant 0 : i32
    %dma_start3A_156 = arith.constant 0 : i32
    %dma_start3A_157 = tpu.memref_slice %arg5[%rem3A_4, %dma_start3A_155, %dma_start3A_156] : memref<2x16x50xi32, #tpu.memory_space<vmem>> -> memref<1x16x50xi32, #tpu.memory_space<vmem>>
    %dma_start3A_158 = tpu.memref_squeeze %dma_start3A_157 : memref<1x16x50xi32, #tpu.memory_space<vmem>> -> memref<16x50xi32, #tpu.memory_space<vmem>>
    %dma_start3A_159 = arith.constant 0 : i32
    %dma_start3A_160 = tpu.memref_slice %dma_start3A_158[%dma_start3A_144, %dma_start3A_159] : memref<16x50xi32, #tpu.memory_space<vmem>> -> memref<1x50xi32, #tpu.memory_space<vmem>>
    %dma_start3A_161 = tpu.memref_squeeze %dma_start3A_160 : memref<1x50xi32, #tpu.memory_space<vmem>> -> memref<50xi32, #tpu.memory_space<vmem>>
    %dma_start3A_162 = arith.constant 0 : i32
    %dma_start3A_163 = arith.constant 0 : i32
    %dma_start3A_164 = tpu.memref_slice %arg3[%dma_start3A_162, %dma_start3A_163] : memref<1000000x32xf32, #tpu.memory_space<hbm>> -> memref<1000000x32xf32, #tpu.memory_space<hbm>>
    %dma_start3A_165 = tpu.memref_slice %arg8[%rem3A_4] : memref<2x!tpu.dma_semaphore, #tpu.memory_space<semaphore_mem>> -> memref<1x!tpu.dma_semaphore, #tpu.memory_space<semaphore_mem>>
    %dma_start3A_166 = tpu.memref_squeeze %dma_start3A_165 : memref<1x!tpu.dma_semaphore, #tpu.memory_space<semaphore_mem>> -> memref<!tpu.dma_semaphore, #tpu.memory_space<semaphore_mem>>
    tpu.enqueue_indirect_dma source(%dma_start3A_164 : memref<1000000x32xf32, #tpu.memory_space<hbm>>) target(%dma_start3A_154 : memref<50x32xf32, #tpu.memory_space<vmem>>) offsets(%dma_start3A_161 : memref<50xi32, #tpu.memory_space<vmem>>) semaphore(%dma_start3A_166 : memref<!tpu.dma_semaphore, #tpu.memory_space<semaphore_mem>>)
    %dma_start3A_167 = arith.constant 7 : i32
    %dma_start3A_168 = arith.constant 7 : i32
    %dma_start3A_169 = arith.constant 0 : i32
    %dma_start3A_170 = arith.constant 0 : i32
    %dma_start3A_171 = arith.constant 0 : i32
    %dma_start3A_172 = tpu.memref_slice %arg6[%rem3A_4, %dma_start3A_169, %dma_start3A_170, %dma_start3A_171] : memref<2x16x50x32xf32, #tpu.memory_space<vmem>> -> memref<1x16x50x32xf32, #tpu.memory_space<vmem>>
    %dma_start3A_173 = tpu.memref_squeeze %dma_start3A_172 : memref<1x16x50x32xf32, #tpu.memory_space<vmem>> -> memref<16x50x32xf32, #tpu.memory_space<vmem>>
    %dma_start3A_174 = arith.constant 0 : i32
    %dma_start3A_175 = arith.constant 0 : i32
    %dma_start3A_176 = tpu.memref_slice %dma_start3A_173[%dma_start3A_168, %dma_start3A_174, %dma_start3A_175] : memref<16x50x32xf32, #tpu.memory_space<vmem>> -> memref<1x50x32xf32, #tpu.memory_space<vmem>>
    %dma_start3A_177 = tpu.memref_squeeze %dma_start3A_176 : memref<1x50x32xf32, #tpu.memory_space<vmem>> -> memref<50x32xf32, #tpu.memory_space<vmem>>
    %dma_start3A_178 = arith.constant 0 : i32
    %dma_start3A_179 = arith.constant 0 : i32
    %dma_start3A_180 = tpu.memref_slice %arg5[%rem3A_4, %dma_start3A_178, %dma_start3A_179] : memref<2x16x50xi32, #tpu.memory_space<vmem>> -> memref<1x16x50xi32, #tpu.memory_space<vmem>>
    %dma_start3A_181 = tpu.memref_squeeze %dma_start3A_180 : memref<1x16x50xi32, #tpu.memory_space<vmem>> -> memref<16x50xi32, #tpu.memory_space<vmem>>
    %dma_start3A_182 = arith.constant 0 : i32
    %dma_start3A_183 = tpu.memref_slice %dma_start3A_181[%dma_start3A_167, %dma_start3A_182] : memref<16x50xi32, #tpu.memory_space<vmem>> -> memref<1x50xi32, #tpu.memory_space<vmem>>
    %dma_start3A_184 = tpu.memref_squeeze %dma_start3A_183 : memref<1x50xi32, #tpu.memory_space<vmem>> -> memref<50xi32, #tpu.memory_space<vmem>>
    %dma_start3A_185 = arith.constant 0 : i32
    %dma_start3A_186 = arith.constant 0 : i32
    %dma_start3A_187 = tpu.memref_slice %arg3[%dma_start3A_185, %dma_start3A_186] : memref<1000000x32xf32, #tpu.memory_space<hbm>> -> memref<1000000x32xf32, #tpu.memory_space<hbm>>
    %dma_start3A_188 = tpu.memref_slice %arg8[%rem3A_4] : memref<2x!tpu.dma_semaphore, #tpu.memory_space<semaphore_mem>> -> memref<1x!tpu.dma_semaphore, #tpu.memory_space<semaphore_mem>>
    %dma_start3A_189 = tpu.memref_squeeze %dma_start3A_188 : memref<1x!tpu.dma_semaphore, #tpu.memory_space<semaphore_mem>> -> memref<!tpu.dma_semaphore, #tpu.memory_space<semaphore_mem>>
    tpu.enqueue_indirect_dma source(%dma_start3A_187 : memref<1000000x32xf32, #tpu.memory_space<hbm>>) target(%dma_start3A_177 : memref<50x32xf32, #tpu.memory_space<vmem>>) offsets(%dma_start3A_184 : memref<50xi32, #tpu.memory_space<vmem>>) semaphore(%dma_start3A_189 : memref<!tpu.dma_semaphore, #tpu.memory_space<semaphore_mem>>)
    %dma_start3A_190 = arith.constant 8 : i32
    %dma_start3A_191 = arith.constant 8 : i32
    %dma_start3A_192 = arith.constant 0 : i32
    %dma_start3A_193 = arith.constant 0 : i32
    %dma_start3A_194 = arith.constant 0 : i32
    %dma_start3A_195 = tpu.memref_slice %arg6[%rem3A_4, %dma_start3A_192, %dma_start3A_193, %dma_start3A_194] : memref<2x16x50x32xf32, #tpu.memory_space<vmem>> -> memref<1x16x50x32xf32, #tpu.memory_space<vmem>>
    %dma_start3A_196 = tpu.memref_squeeze %dma_start3A_195 : memref<1x16x50x32xf32, #tpu.memory_space<vmem>> -> memref<16x50x32xf32, #tpu.memory_space<vmem>>
    %dma_start3A_197 = arith.constant 0 : i32
    %dma_start3A_198 = arith.constant 0 : i32
    %dma_start3A_199 = tpu.memref_slice %dma_start3A_196[%dma_start3A_191, %dma_start3A_197, %dma_start3A_198] : memref<16x50x32xf32, #tpu.memory_space<vmem>> -> memref<1x50x32xf32, #tpu.memory_space<vmem>>
    %dma_start3A_200 = tpu.memref_squeeze %dma_start3A_199 : memref<1x50x32xf32, #tpu.memory_space<vmem>> -> memref<50x32xf32, #tpu.memory_space<vmem>>
    %dma_start3A_201 = arith.constant 0 : i32
    %dma_start3A_202 = arith.constant 0 : i32
    %dma_start3A_203 = tpu.memref_slice %arg5[%rem3A_4, %dma_start3A_201, %dma_start3A_202] : memref<2x16x50xi32, #tpu.memory_space<vmem>> -> memref<1x16x50xi32, #tpu.memory_space<vmem>>
    %dma_start3A_204 = tpu.memref_squeeze %dma_start3A_203 : memref<1x16x50xi32, #tpu.memory_space<vmem>> -> memref<16x50xi32, #tpu.memory_space<vmem>>
    %dma_start3A_205 = arith.constant 0 : i32
    %dma_start3A_206 = tpu.memref_slice %dma_start3A_204[%dma_start3A_190, %dma_start3A_205] : memref<16x50xi32, #tpu.memory_space<vmem>> -> memref<1x50xi32, #tpu.memory_space<vmem>>
    %dma_start3A_207 = tpu.memref_squeeze %dma_start3A_206 : memref<1x50xi32, #tpu.memory_space<vmem>> -> memref<50xi32, #tpu.memory_space<vmem>>
    %dma_start3A_208 = arith.constant 0 : i32
    %dma_start3A_209 = arith.constant 0 : i32
    %dma_start3A_210 = tpu.memref_slice %arg3[%dma_start3A_208, %dma_start3A_209] : memref<1000000x32xf32, #tpu.memory_space<hbm>> -> memref<1000000x32xf32, #tpu.memory_space<hbm>>
    %dma_start3A_211 = tpu.memref_slice %arg8[%rem3A_4] : memref<2x!tpu.dma_semaphore, #tpu.memory_space<semaphore_mem>> -> memref<1x!tpu.dma_semaphore, #tpu.memory_space<semaphore_mem>>
    %dma_start3A_212 = tpu.memref_squeeze %dma_start3A_211 : memref<1x!tpu.dma_semaphore, #tpu.memory_space<semaphore_mem>> -> memref<!tpu.dma_semaphore, #tpu.memory_space<semaphore_mem>>
    tpu.enqueue_indirect_dma source(%dma_start3A_210 : memref<1000000x32xf32, #tpu.memory_space<hbm>>) target(%dma_start3A_200 : memref<50x32xf32, #tpu.memory_space<vmem>>) offsets(%dma_start3A_207 : memref<50xi32, #tpu.memory_space<vmem>>) semaphore(%dma_start3A_212 : memref<!tpu.dma_semaphore, #tpu.memory_space<semaphore_mem>>)
    %dma_start3A_213 = arith.constant 9 : i32
    %dma_start3A_214 = arith.constant 9 : i32
    %dma_start3A_215 = arith.constant 0 : i32
    %dma_start3A_216 = arith.constant 0 : i32
    %dma_start3A_217 = arith.constant 0 : i32
    %dma_start3A_218 = tpu.memref_slice %arg6[%rem3A_4, %dma_start3A_215, %dma_start3A_216, %dma_start3A_217] : memref<2x16x50x32xf32, #tpu.memory_space<vmem>> -> memref<1x16x50x32xf32, #tpu.memory_space<vmem>>
    %dma_start3A_219 = tpu.memref_squeeze %dma_start3A_218 : memref<1x16x50x32xf32, #tpu.memory_space<vmem>> -> memref<16x50x32xf32, #tpu.memory_space<vmem>>
    %dma_start3A_220 = arith.constant 0 : i32
    %dma_start3A_221 = arith.constant 0 : i32
    %dma_start3A_222 = tpu.memref_slice %dma_start3A_219[%dma_start3A_214, %dma_start3A_220, %dma_start3A_221] : memref<16x50x32xf32, #tpu.memory_space<vmem>> -> memref<1x50x32xf32, #tpu.memory_space<vmem>>
    %dma_start3A_223 = tpu.memref_squeeze %dma_start3A_222 : memref<1x50x32xf32, #tpu.memory_space<vmem>> -> memref<50x32xf32, #tpu.memory_space<vmem>>
    %dma_start3A_224 = arith.constant 0 : i32
    %dma_start3A_225 = arith.constant 0 : i32
    %dma_start3A_226 = tpu.memref_slice %arg5[%rem3A_4, %dma_start3A_224, %dma_start3A_225] : memref<2x16x50xi32, #tpu.memory_space<vmem>> -> memref<1x16x50xi32, #tpu.memory_space<vmem>>
    %dma_start3A_227 = tpu.memref_squeeze %dma_start3A_226 : memref<1x16x50xi32, #tpu.memory_space<vmem>> -> memref<16x50xi32, #tpu.memory_space<vmem>>
    %dma_start3A_228 = arith.constant 0 : i32
    %dma_start3A_229 = tpu.memref_slice %dma_start3A_227[%dma_start3A_213, %dma_start3A_228] : memref<16x50xi32, #tpu.memory_space<vmem>> -> memref<1x50xi32, #tpu.memory_space<vmem>>
    %dma_start3A_230 = tpu.memref_squeeze %dma_start3A_229 : memref<1x50xi32, #tpu.memory_space<vmem>> -> memref<50xi32, #tpu.memory_space<vmem>>
    %dma_start3A_231 = arith.constant 0 : i32
    %dma_start3A_232 = arith.constant 0 : i32
    %dma_start3A_233 = tpu.memref_slice %arg3[%dma_start3A_231, %dma_start3A_232] : memref<1000000x32xf32, #tpu.memory_space<hbm>> -> memref<1000000x32xf32, #tpu.memory_space<hbm>>
    %dma_start3A_234 = tpu.memref_slice %arg8[%rem3A_4] : memref<2x!tpu.dma_semaphore, #tpu.memory_space<semaphore_mem>> -> memref<1x!tpu.dma_semaphore, #tpu.memory_space<semaphore_mem>>
    %dma_start3A_235 = tpu.memref_squeeze %dma_start3A_234 : memref<1x!tpu.dma_semaphore, #tpu.memory_space<semaphore_mem>> -> memref<!tpu.dma_semaphore, #tpu.memory_space<semaphore_mem>>
    tpu.enqueue_indirect_dma source(%dma_start3A_233 : memref<1000000x32xf32, #tpu.memory_space<hbm>>) target(%dma_start3A_223 : memref<50x32xf32, #tpu.memory_space<vmem>>) offsets(%dma_start3A_230 : memref<50xi32, #tpu.memory_space<vmem>>) semaphore(%dma_start3A_235 : memref<!tpu.dma_semaphore, #tpu.memory_space<semaphore_mem>>)
    %dma_start3A_236 = arith.constant 10 : i32
    %dma_start3A_237 = arith.constant 10 : i32
    %dma_start3A_238 = arith.constant 0 : i32
    %dma_start3A_239 = arith.constant 0 : i32
    %dma_start3A_240 = arith.constant 0 : i32
    %dma_start3A_241 = tpu.memref_slice %arg6[%rem3A_4, %dma_start3A_238, %dma_start3A_239, %dma_start3A_240] : memref<2x16x50x32xf32, #tpu.memory_space<vmem>> -> memref<1x16x50x32xf32, #tpu.memory_space<vmem>>
    %dma_start3A_242 = tpu.memref_squeeze %dma_start3A_241 : memref<1x16x50x32xf32, #tpu.memory_space<vmem>> -> memref<16x50x32xf32, #tpu.memory_space<vmem>>
    %dma_start3A_243 = arith.constant 0 : i32
    %dma_start3A_244 = arith.constant 0 : i32
    %dma_start3A_245 = tpu.memref_slice %dma_start3A_242[%dma_start3A_237, %dma_start3A_243, %dma_start3A_244] : memref<16x50x32xf32, #tpu.memory_space<vmem>> -> memref<1x50x32xf32, #tpu.memory_space<vmem>>
    %dma_start3A_246 = tpu.memref_squeeze %dma_start3A_245 : memref<1x50x32xf32, #tpu.memory_space<vmem>> -> memref<50x32xf32, #tpu.memory_space<vmem>>
    %dma_start3A_247 = arith.constant 0 : i32
    %dma_start3A_248 = arith.constant 0 : i32
    %dma_start3A_249 = tpu.memref_slice %arg5[%rem3A_4, %dma_start3A_247, %dma_start3A_248] : memref<2x16x50xi32, #tpu.memory_space<vmem>> -> memref<1x16x50xi32, #tpu.memory_space<vmem>>
    %dma_start3A_250 = tpu.memref_squeeze %dma_start3A_249 : memref<1x16x50xi32, #tpu.memory_space<vmem>> -> memref<16x50xi32, #tpu.memory_space<vmem>>
    %dma_start3A_251 = arith.constant 0 : i32
    %dma_start3A_252 = tpu.memref_slice %dma_start3A_250[%dma_start3A_236, %dma_start3A_251] : memref<16x50xi32, #tpu.memory_space<vmem>> -> memref<1x50xi32, #tpu.memory_space<vmem>>
    %dma_start3A_253 = tpu.memref_squeeze %dma_start3A_252 : memref<1x50xi32, #tpu.memory_space<vmem>> -> memref<50xi32, #tpu.memory_space<vmem>>
    %dma_start3A_254 = arith.constant 0 : i32
    %dma_start3A_255 = arith.constant 0 : i32
    %dma_start3A_256 = tpu.memref_slice %arg3[%dma_start3A_254, %dma_start3A_255] : memref<1000000x32xf32, #tpu.memory_space<hbm>> -> memref<1000000x32xf32, #tpu.memory_space<hbm>>
    %dma_start3A_257 = tpu.memref_slice %arg8[%rem3A_4] : memref<2x!tpu.dma_semaphore, #tpu.memory_space<semaphore_mem>> -> memref<1x!tpu.dma_semaphore, #tpu.memory_space<semaphore_mem>>
    %dma_start3A_258 = tpu.memref_squeeze %dma_start3A_257 : memref<1x!tpu.dma_semaphore, #tpu.memory_space<semaphore_mem>> -> memref<!tpu.dma_semaphore, #tpu.memory_space<semaphore_mem>>
    tpu.enqueue_indirect_dma source(%dma_start3A_256 : memref<1000000x32xf32, #tpu.memory_space<hbm>>) target(%dma_start3A_246 : memref<50x32xf32, #tpu.memory_space<vmem>>) offsets(%dma_start3A_253 : memref<50xi32, #tpu.memory_space<vmem>>) semaphore(%dma_start3A_258 : memref<!tpu.dma_semaphore, #tpu.memory_space<semaphore_mem>>)
    %dma_start3A_259 = arith.constant 11 : i32
    %dma_start3A_260 = arith.constant 11 : i32
    %dma_start3A_261 = arith.constant 0 : i32
    %dma_start3A_262 = arith.constant 0 : i32
    %dma_start3A_263 = arith.constant 0 : i32
    %dma_start3A_264 = tpu.memref_slice %arg6[%rem3A_4, %dma_start3A_261, %dma_start3A_262, %dma_start3A_263] : memref<2x16x50x32xf32, #tpu.memory_space<vmem>> -> memref<1x16x50x32xf32, #tpu.memory_space<vmem>>
    %dma_start3A_265 = tpu.memref_squeeze %dma_start3A_264 : memref<1x16x50x32xf32, #tpu.memory_space<vmem>> -> memref<16x50x32xf32, #tpu.memory_space<vmem>>
    %dma_start3A_266 = arith.constant 0 : i32
    %dma_start3A_267 = arith.constant 0 : i32
    %dma_start3A_268 = tpu.memref_slice %dma_start3A_265[%dma_start3A_260, %dma_start3A_266, %dma_start3A_267] : memref<16x50x32xf32, #tpu.memory_space<vmem>> -> memref<1x50x32xf32, #tpu.memory_space<vmem>>
    %dma_start3A_269 = tpu.memref_squeeze %dma_start3A_268 : memref<1x50x32xf32, #tpu.memory_space<vmem>> -> memref<50x32xf32, #tpu.memory_space<vmem>>
    %dma_start3A_270 = arith.constant 0 : i32
    %dma_start3A_271 = arith.constant 0 : i32
    %dma_start3A_272 = tpu.memref_slice %arg5[%rem3A_4, %dma_start3A_270, %dma_start3A_271] : memref<2x16x50xi32, #tpu.memory_space<vmem>> -> memref<1x16x50xi32, #tpu.memory_space<vmem>>
    %dma_start3A_273 = tpu.memref_squeeze %dma_start3A_272 : memref<1x16x50xi32, #tpu.memory_space<vmem>> -> memref<16x50xi32, #tpu.memory_space<vmem>>
    %dma_start3A_274 = arith.constant 0 : i32
    %dma_start3A_275 = tpu.memref_slice %dma_start3A_273[%dma_start3A_259, %dma_start3A_274] : memref<16x50xi32, #tpu.memory_space<vmem>> -> memref<1x50xi32, #tpu.memory_space<vmem>>
    %dma_start3A_276 = tpu.memref_squeeze %dma_start3A_275 : memref<1x50xi32, #tpu.memory_space<vmem>> -> memref<50xi32, #tpu.memory_space<vmem>>
    %dma_start3A_277 = arith.constant 0 : i32
    %dma_start3A_278 = arith.constant 0 : i32
    %dma_start3A_279 = tpu.memref_slice %arg3[%dma_start3A_277, %dma_start3A_278] : memref<1000000x32xf32, #tpu.memory_space<hbm>> -> memref<1000000x32xf32, #tpu.memory_space<hbm>>
    %dma_start3A_280 = tpu.memref_slice %arg8[%rem3A_4] : memref<2x!tpu.dma_semaphore, #tpu.memory_space<semaphore_mem>> -> memref<1x!tpu.dma_semaphore, #tpu.memory_space<semaphore_mem>>
    %dma_start3A_281 = tpu.memref_squeeze %dma_start3A_280 : memref<1x!tpu.dma_semaphore, #tpu.memory_space<semaphore_mem>> -> memref<!tpu.dma_semaphore, #tpu.memory_space<semaphore_mem>>
    tpu.enqueue_indirect_dma source(%dma_start3A_279 : memref<1000000x32xf32, #tpu.memory_space<hbm>>) target(%dma_start3A_269 : memref<50x32xf32, #tpu.memory_space<vmem>>) offsets(%dma_start3A_276 : memref<50xi32, #tpu.memory_space<vmem>>) semaphore(%dma_start3A_281 : memref<!tpu.dma_semaphore, #tpu.memory_space<semaphore_mem>>)
    %dma_start3A_282 = arith.constant 12 : i32
    %dma_start3A_283 = arith.constant 12 : i32
    %dma_start3A_284 = arith.constant 0 : i32
    %dma_start3A_285 = arith.constant 0 : i32
    %dma_start3A_286 = arith.constant 0 : i32
    %dma_start3A_287 = tpu.memref_slice %arg6[%rem3A_4, %dma_start3A_284, %dma_start3A_285, %dma_start3A_286] : memref<2x16x50x32xf32, #tpu.memory_space<vmem>> -> memref<1x16x50x32xf32, #tpu.memory_space<vmem>>
    %dma_start3A_288 = tpu.memref_squeeze %dma_start3A_287 : memref<1x16x50x32xf32, #tpu.memory_space<vmem>> -> memref<16x50x32xf32, #tpu.memory_space<vmem>>
    %dma_start3A_289 = arith.constant 0 : i32
    %dma_start3A_290 = arith.constant 0 : i32
    %dma_start3A_291 = tpu.memref_slice %dma_start3A_288[%dma_start3A_283, %dma_start3A_289, %dma_start3A_290] : memref<16x50x32xf32, #tpu.memory_space<vmem>> -> memref<1x50x32xf32, #tpu.memory_space<vmem>>
    %dma_start3A_292 = tpu.memref_squeeze %dma_start3A_291 : memref<1x50x32xf32, #tpu.memory_space<vmem>> -> memref<50x32xf32, #tpu.memory_space<vmem>>
    %dma_start3A_293 = arith.constant 0 : i32
    %dma_start3A_294 = arith.constant 0 : i32
    %dma_start3A_295 = tpu.memref_slice %arg5[%rem3A_4, %dma_start3A_293, %dma_start3A_294] : memref<2x16x50xi32, #tpu.memory_space<vmem>> -> memref<1x16x50xi32, #tpu.memory_space<vmem>>
    %dma_start3A_296 = tpu.memref_squeeze %dma_start3A_295 : memref<1x16x50xi32, #tpu.memory_space<vmem>> -> memref<16x50xi32, #tpu.memory_space<vmem>>
    %dma_start3A_297 = arith.constant 0 : i32
    %dma_start3A_298 = tpu.memref_slice %dma_start3A_296[%dma_start3A_282, %dma_start3A_297] : memref<16x50xi32, #tpu.memory_space<vmem>> -> memref<1x50xi32, #tpu.memory_space<vmem>>
    %dma_start3A_299 = tpu.memref_squeeze %dma_start3A_298 : memref<1x50xi32, #tpu.memory_space<vmem>> -> memref<50xi32, #tpu.memory_space<vmem>>
    %dma_start3A_300 = arith.constant 0 : i32
    %dma_start3A_301 = arith.constant 0 : i32
    %dma_start3A_302 = tpu.memref_slice %arg3[%dma_start3A_300, %dma_start3A_301] : memref<1000000x32xf32, #tpu.memory_space<hbm>> -> memref<1000000x32xf32, #tpu.memory_space<hbm>>
    %dma_start3A_303 = tpu.memref_slice %arg8[%rem3A_4] : memref<2x!tpu.dma_semaphore, #tpu.memory_space<semaphore_mem>> -> memref<1x!tpu.dma_semaphore, #tpu.memory_space<semaphore_mem>>
    %dma_start3A_304 = tpu.memref_squeeze %dma_start3A_303 : memref<1x!tpu.dma_semaphore, #tpu.memory_space<semaphore_mem>> -> memref<!tpu.dma_semaphore, #tpu.memory_space<semaphore_mem>>
    tpu.enqueue_indirect_dma source(%dma_start3A_302 : memref<1000000x32xf32, #tpu.memory_space<hbm>>) target(%dma_start3A_292 : memref<50x32xf32, #tpu.memory_space<vmem>>) offsets(%dma_start3A_299 : memref<50xi32, #tpu.memory_space<vmem>>) semaphore(%dma_start3A_304 : memref<!tpu.dma_semaphore, #tpu.memory_space<semaphore_mem>>)
    %dma_start3A_305 = arith.constant 13 : i32
    %dma_start3A_306 = arith.constant 13 : i32
    %dma_start3A_307 = arith.constant 0 : i32
    %dma_start3A_308 = arith.constant 0 : i32
    %dma_start3A_309 = arith.constant 0 : i32
    %dma_start3A_310 = tpu.memref_slice %arg6[%rem3A_4, %dma_start3A_307, %dma_start3A_308, %dma_start3A_309] : memref<2x16x50x32xf32, #tpu.memory_space<vmem>> -> memref<1x16x50x32xf32, #tpu.memory_space<vmem>>
    %dma_start3A_311 = tpu.memref_squeeze %dma_start3A_310 : memref<1x16x50x32xf32, #tpu.memory_space<vmem>> -> memref<16x50x32xf32, #tpu.memory_space<vmem>>
    %dma_start3A_312 = arith.constant 0 : i32
    %dma_start3A_313 = arith.constant 0 : i32
    %dma_start3A_314 = tpu.memref_slice %dma_start3A_311[%dma_start3A_306, %dma_start3A_312, %dma_start3A_313] : memref<16x50x32xf32, #tpu.memory_space<vmem>> -> memref<1x50x32xf32, #tpu.memory_space<vmem>>
    %dma_start3A_315 = tpu.memref_squeeze %dma_start3A_314 : memref<1x50x32xf32, #tpu.memory_space<vmem>> -> memref<50x32xf32, #tpu.memory_space<vmem>>
    %dma_start3A_316 = arith.constant 0 : i32
    %dma_start3A_317 = arith.constant 0 : i32
    %dma_start3A_318 = tpu.memref_slice %arg5[%rem3A_4, %dma_start3A_316, %dma_start3A_317] : memref<2x16x50xi32, #tpu.memory_space<vmem>> -> memref<1x16x50xi32, #tpu.memory_space<vmem>>
    %dma_start3A_319 = tpu.memref_squeeze %dma_start3A_318 : memref<1x16x50xi32, #tpu.memory_space<vmem>> -> memref<16x50xi32, #tpu.memory_space<vmem>>
    %dma_start3A_320 = arith.constant 0 : i32
    %dma_start3A_321 = tpu.memref_slice %dma_start3A_319[%dma_start3A_305, %dma_start3A_320] : memref<16x50xi32, #tpu.memory_space<vmem>> -> memref<1x50xi32, #tpu.memory_space<vmem>>
    %dma_start3A_322 = tpu.memref_squeeze %dma_start3A_321 : memref<1x50xi32, #tpu.memory_space<vmem>> -> memref<50xi32, #tpu.memory_space<vmem>>
    %dma_start3A_323 = arith.constant 0 : i32
    %dma_start3A_324 = arith.constant 0 : i32
    %dma_start3A_325 = tpu.memref_slice %arg3[%dma_start3A_323, %dma_start3A_324] : memref<1000000x32xf32, #tpu.memory_space<hbm>> -> memref<1000000x32xf32, #tpu.memory_space<hbm>>
    %dma_start3A_326 = tpu.memref_slice %arg8[%rem3A_4] : memref<2x!tpu.dma_semaphore, #tpu.memory_space<semaphore_mem>> -> memref<1x!tpu.dma_semaphore, #tpu.memory_space<semaphore_mem>>
    %dma_start3A_327 = tpu.memref_squeeze %dma_start3A_326 : memref<1x!tpu.dma_semaphore, #tpu.memory_space<semaphore_mem>> -> memref<!tpu.dma_semaphore, #tpu.memory_space<semaphore_mem>>
    tpu.enqueue_indirect_dma source(%dma_start3A_325 : memref<1000000x32xf32, #tpu.memory_space<hbm>>) target(%dma_start3A_315 : memref<50x32xf32, #tpu.memory_space<vmem>>) offsets(%dma_start3A_322 : memref<50xi32, #tpu.memory_space<vmem>>) semaphore(%dma_start3A_327 : memref<!tpu.dma_semaphore, #tpu.memory_space<semaphore_mem>>)
    %dma_start3A_328 = arith.constant 14 : i32
    %dma_start3A_329 = arith.constant 14 : i32
    %dma_start3A_330 = arith.constant 0 : i32
    %dma_start3A_331 = arith.constant 0 : i32
    %dma_start3A_332 = arith.constant 0 : i32
    %dma_start3A_333 = tpu.memref_slice %arg6[%rem3A_4, %dma_start3A_330, %dma_start3A_331, %dma_start3A_332] : memref<2x16x50x32xf32, #tpu.memory_space<vmem>> -> memref<1x16x50x32xf32, #tpu.memory_space<vmem>>
    %dma_start3A_334 = tpu.memref_squeeze %dma_start3A_333 : memref<1x16x50x32xf32, #tpu.memory_space<vmem>> -> memref<16x50x32xf32, #tpu.memory_space<vmem>>
    %dma_start3A_335 = arith.constant 0 : i32
    %dma_start3A_336 = arith.constant 0 : i32
    %dma_start3A_337 = tpu.memref_slice %dma_start3A_334[%dma_start3A_329, %dma_start3A_335, %dma_start3A_336] : memref<16x50x32xf32, #tpu.memory_space<vmem>> -> memref<1x50x32xf32, #tpu.memory_space<vmem>>
    %dma_start3A_338 = tpu.memref_squeeze %dma_start3A_337 : memref<1x50x32xf32, #tpu.memory_space<vmem>> -> memref<50x32xf32, #tpu.memory_space<vmem>>
    %dma_start3A_339 = arith.constant 0 : i32
    %dma_start3A_340 = arith.constant 0 : i32
    %dma_start3A_341 = tpu.memref_slice %arg5[%rem3A_4, %dma_start3A_339, %dma_start3A_340] : memref<2x16x50xi32, #tpu.memory_space<vmem>> -> memref<1x16x50xi32, #tpu.memory_space<vmem>>
    %dma_start3A_342 = tpu.memref_squeeze %dma_start3A_341 : memref<1x16x50xi32, #tpu.memory_space<vmem>> -> memref<16x50xi32, #tpu.memory_space<vmem>>
    %dma_start3A_343 = arith.constant 0 : i32
    %dma_start3A_344 = tpu.memref_slice %dma_start3A_342[%dma_start3A_328, %dma_start3A_343] : memref<16x50xi32, #tpu.memory_space<vmem>> -> memref<1x50xi32, #tpu.memory_space<vmem>>
    %dma_start3A_345 = tpu.memref_squeeze %dma_start3A_344 : memref<1x50xi32, #tpu.memory_space<vmem>> -> memref<50xi32, #tpu.memory_space<vmem>>
    %dma_start3A_346 = arith.constant 0 : i32
    %dma_start3A_347 = arith.constant 0 : i32
    %dma_start3A_348 = tpu.memref_slice %arg3[%dma_start3A_346, %dma_start3A_347] : memref<1000000x32xf32, #tpu.memory_space<hbm>> -> memref<1000000x32xf32, #tpu.memory_space<hbm>>
    %dma_start3A_349 = tpu.memref_slice %arg8[%rem3A_4] : memref<2x!tpu.dma_semaphore, #tpu.memory_space<semaphore_mem>> -> memref<1x!tpu.dma_semaphore, #tpu.memory_space<semaphore_mem>>
    %dma_start3A_350 = tpu.memref_squeeze %dma_start3A_349 : memref<1x!tpu.dma_semaphore, #tpu.memory_space<semaphore_mem>> -> memref<!tpu.dma_semaphore, #tpu.memory_space<semaphore_mem>>
    tpu.enqueue_indirect_dma source(%dma_start3A_348 : memref<1000000x32xf32, #tpu.memory_space<hbm>>) target(%dma_start3A_338 : memref<50x32xf32, #tpu.memory_space<vmem>>) offsets(%dma_start3A_345 : memref<50xi32, #tpu.memory_space<vmem>>) semaphore(%dma_start3A_350 : memref<!tpu.dma_semaphore, #tpu.memory_space<semaphore_mem>>)
    %dma_start3A_351 = arith.constant 15 : i32
    %dma_start3A_352 = arith.constant 15 : i32
    %dma_start3A_353 = arith.constant 0 : i32
    %dma_start3A_354 = arith.constant 0 : i32
    %dma_start3A_355 = arith.constant 0 : i32
    %dma_start3A_356 = tpu.memref_slice %arg6[%rem3A_4, %dma_start3A_353, %dma_start3A_354, %dma_start3A_355] : memref<2x16x50x32xf32, #tpu.memory_space<vmem>> -> memref<1x16x50x32xf32, #tpu.memory_space<vmem>>
    %dma_start3A_357 = tpu.memref_squeeze %dma_start3A_356 : memref<1x16x50x32xf32, #tpu.memory_space<vmem>> -> memref<16x50x32xf32, #tpu.memory_space<vmem>>
    %dma_start3A_358 = arith.constant 0 : i32
    %dma_start3A_359 = arith.constant 0 : i32
    %dma_start3A_360 = tpu.memref_slice %dma_start3A_357[%dma_start3A_352, %dma_start3A_358, %dma_start3A_359] : memref<16x50x32xf32, #tpu.memory_space<vmem>> -> memref<1x50x32xf32, #tpu.memory_space<vmem>>
    %dma_start3A_361 = tpu.memref_squeeze %dma_start3A_360 : memref<1x50x32xf32, #tpu.memory_space<vmem>> -> memref<50x32xf32, #tpu.memory_space<vmem>>
    %dma_start3A_362 = arith.constant 0 : i32
    %dma_start3A_363 = arith.constant 0 : i32
    %dma_start3A_364 = tpu.memref_slice %arg5[%rem3A_4, %dma_start3A_362, %dma_start3A_363] : memref<2x16x50xi32, #tpu.memory_space<vmem>> -> memref<1x16x50xi32, #tpu.memory_space<vmem>>
    %dma_start3A_365 = tpu.memref_squeeze %dma_start3A_364 : memref<1x16x50xi32, #tpu.memory_space<vmem>> -> memref<16x50xi32, #tpu.memory_space<vmem>>
    %dma_start3A_366 = arith.constant 0 : i32
    %dma_start3A_367 = tpu.memref_slice %dma_start3A_365[%dma_start3A_351, %dma_start3A_366] : memref<16x50xi32, #tpu.memory_space<vmem>> -> memref<1x50xi32, #tpu.memory_space<vmem>>
    %dma_start3A_368 = tpu.memref_squeeze %dma_start3A_367 : memref<1x50xi32, #tpu.memory_space<vmem>> -> memref<50xi32, #tpu.memory_space<vmem>>
    %dma_start3A_369 = arith.constant 0 : i32
    %dma_start3A_370 = arith.constant 0 : i32
    %dma_start3A_371 = tpu.memref_slice %arg3[%dma_start3A_369, %dma_start3A_370] : memref<1000000x32xf32, #tpu.memory_space<hbm>> -> memref<1000000x32xf32, #tpu.memory_space<hbm>>
    %dma_start3A_372 = tpu.memref_slice %arg8[%rem3A_4] : memref<2x!tpu.dma_semaphore, #tpu.memory_space<semaphore_mem>> -> memref<1x!tpu.dma_semaphore, #tpu.memory_space<semaphore_mem>>
    %dma_start3A_373 = tpu.memref_squeeze %dma_start3A_372 : memref<1x!tpu.dma_semaphore, #tpu.memory_space<semaphore_mem>> -> memref<!tpu.dma_semaphore, #tpu.memory_space<semaphore_mem>>
    tpu.enqueue_indirect_dma source(%dma_start3A_371 : memref<1000000x32xf32, #tpu.memory_space<hbm>>) target(%dma_start3A_361 : memref<50x32xf32, #tpu.memory_space<vmem>>) offsets(%dma_start3A_368 : memref<50xi32, #tpu.memory_space<vmem>>) semaphore(%dma_start3A_373 : memref<!tpu.dma_semaphore, #tpu.memory_space<semaphore_mem>>)
    %scan3A = arith.constant 0 : i32
    %scan3A_374 = arith.constant 0 : i32
    %scan3A_375 = arith.constant 32 : i32
    %scan3A_376 = arith.addi %scan3A_374, %scan3A_375 : i32
    %scan3A_377 = arith.constant 1 : i32
    scf.for %scan3A_438 = %scan3A_374 to %scan3A_376 step %scan3A_377  : i32 {
      %rem3A_439 = arith.constant 2 : i32
      %rem3A_440 = arith.remsi %scan3A_438, %rem3A_439 : i32
      %mul3A_441 = arith.constant 16 : i32
      %mul3A_442 = arith.muli %scan3A_438, %mul3A_441 : i32
      %add3A_443 = arith.addi %mul3A_2, %mul3A_442 : i32
      %add3A_444 = arith.constant 1 : i32
      %add3A_445 = arith.addi %scan3A_438, %add3A_444 : i32
      %lt3A = arith.constant 32 : i32
      %lt3A_446 = arith.cmpi slt, %add3A_445, %lt3A : i32
      %convert_element_type3A = arith.extui %lt3A_446 : i1 to i32
      %cond3A = arith.constant 0 : i32
      %cond3A_447 = arith.cmpi ne, %convert_element_type3A, %cond3A : i32
      scf.if %cond3A_447 {
        %add3A_848 = arith.constant 1 : i32
        %add3A_849 = arith.addi %scan3A_438, %add3A_848 : i32
        %rem3A_850 = arith.constant 2 : i32
        %rem3A_851 = arith.remsi %add3A_849, %rem3A_850 : i32
        %mul3A_852 = arith.constant 16 : i32
        %mul3A_853 = arith.muli %add3A_849, %mul3A_852 : i32
        %add3A_854 = arith.addi %mul3A_2, %mul3A_853 : i32
        "tpu.region"() ({
          %run_scoped3A = tpu.sem_alloc : memref<!tpu.dma_semaphore, #tpu.memory_space<semaphore_mem>>
          %dma_start3A_1223 = arith.constant 0 : i32
          %dma_start3A_1224 = arith.constant 0 : i32
          %dma_start3A_1225 = tpu.memref_slice %arg5[%rem3A_851, %dma_start3A_1223, %dma_start3A_1224] : memref<2x16x50xi32, #tpu.memory_space<vmem>> -> memref<1x16x50xi32, #tpu.memory_space<vmem>>
          %dma_start3A_1226 = tpu.memref_squeeze %dma_start3A_1225 : memref<1x16x50xi32, #tpu.memory_space<vmem>> -> memref<16x50xi32, #tpu.memory_space<vmem>>
          %dma_start3A_1227 = arith.constant 0 : i32
          %dma_start3A_1228 = tpu.memref_slice %arg2[%add3A_854, %dma_start3A_1227] : memref<16384x50xi32, #tpu.memory_space<hbm>> -> memref<16x50xi32, #tpu.memory_space<hbm>>
          %dma_start3A_1229 = arith.constant 0 : i32
          %dma_start3A_1230 = arith.constant 0 : i32
          %dma_start3A_1231 = tpu.memref_slice %arg5[%rem3A_851, %dma_start3A_1229, %dma_start3A_1230] : memref<2x16x50xi32, #tpu.memory_space<vmem>> -> memref<1x16x50xi32, #tpu.memory_space<vmem>>
          %dma_start3A_1232 = tpu.memref_squeeze %dma_start3A_1231 : memref<1x16x50xi32, #tpu.memory_space<vmem>> -> memref<16x50xi32, #tpu.memory_space<vmem>>
          %dma_start3A_1233 = arith.constant 0 : i32
          %dma_start3A_1234 = tpu.memref_slice %arg2[%add3A_854, %dma_start3A_1233] : memref<16384x50xi32, #tpu.memory_space<hbm>> -> memref<16x50xi32, #tpu.memory_space<hbm>>
          tpu.enqueue_dma source(%dma_start3A_1234 : memref<16x50xi32, #tpu.memory_space<hbm>>) target(%dma_start3A_1232 : memref<16x50xi32, #tpu.memory_space<vmem>>) target_semaphore(%run_scoped3A : memref<!tpu.dma_semaphore, #tpu.memory_space<semaphore_mem>>)
          %dma_wait3A_1235 = arith.constant 0 : i32
          %dma_wait3A_1236 = arith.constant 0 : i32
          %dma_wait3A_1237 = tpu.memref_slice %arg5[%rem3A_851, %dma_wait3A_1235, %dma_wait3A_1236] : memref<2x16x50xi32, #tpu.memory_space<vmem>> -> memref<1x16x50xi32, #tpu.memory_space<vmem>>
          %dma_wait3A_1238 = tpu.memref_squeeze %dma_wait3A_1237 : memref<1x16x50xi32, #tpu.memory_space<vmem>> -> memref<16x50xi32, #tpu.memory_space<vmem>>
          %dma_wait3A_1239 = arith.constant 0 : i32
          %dma_wait3A_1240 = tpu.memref_slice %arg2[%add3A_854, %dma_wait3A_1239] : memref<16384x50xi32, #tpu.memory_space<hbm>> -> memref<16x50xi32, #tpu.memory_space<hbm>>
          %dma_wait3A_1241 = arith.constant 0 : i32
          %dma_wait3A_1242 = arith.constant 0 : i32
          %dma_wait3A_1243 = tpu.memref_slice %arg5[%rem3A_851, %dma_wait3A_1241, %dma_wait3A_1242] : memref<2x16x50xi32, #tpu.memory_space<vmem>> -> memref<1x16x50xi32, #tpu.memory_space<vmem>>
          %dma_wait3A_1244 = tpu.memref_squeeze %dma_wait3A_1243 : memref<1x16x50xi32, #tpu.memory_space<vmem>> -> memref<16x50xi32, #tpu.memory_space<vmem>>
          %dma_wait3A_1245 = arith.constant 0 : i32
          %dma_wait3A_1246 = tpu.memref_slice %arg2[%add3A_854, %dma_wait3A_1245] : memref<16384x50xi32, #tpu.memory_space<hbm>> -> memref<16x50xi32, #tpu.memory_space<hbm>>
          tpu.wait_dma2 semaphore(%run_scoped3A : memref<!tpu.dma_semaphore, #tpu.memory_space<semaphore_mem>>) src(%dma_wait3A_1246 : memref<16x50xi32, #tpu.memory_space<hbm>>) dst(%dma_wait3A_1244 : memref<16x50xi32, #tpu.memory_space<vmem>>)
          tpu.yield
        }) : () -> ()
        %dma_start3A_855 = arith.constant 0 : i32
        %dma_start3A_856 = arith.constant 0 : i32
        %dma_start3A_857 = arith.constant 0 : i32
        %dma_start3A_858 = arith.constant 0 : i32
        %dma_start3A_859 = arith.constant 0 : i32
        %dma_start3A_860 = tpu.memref_slice %arg6[%rem3A_851, %dma_start3A_857, %dma_start3A_858, %dma_start3A_859] : memref<2x16x50x32xf32, #tpu.memory_space<vmem>> -> memref<1x16x50x32xf32, #tpu.memory_space<vmem>>
        %dma_start3A_861 = tpu.memref_squeeze %dma_start3A_860 : memref<1x16x50x32xf32, #tpu.memory_space<vmem>> -> memref<16x50x32xf32, #tpu.memory_space<vmem>>
        %dma_start3A_862 = arith.constant 0 : i32
        %dma_start3A_863 = arith.constant 0 : i32
        %dma_start3A_864 = tpu.memref_slice %dma_start3A_861[%dma_start3A_856, %dma_start3A_862, %dma_start3A_863] : memref<16x50x32xf32, #tpu.memory_space<vmem>> -> memref<1x50x32xf32, #tpu.memory_space<vmem>>
        %dma_start3A_865 = tpu.memref_squeeze %dma_start3A_864 : memref<1x50x32xf32, #tpu.memory_space<vmem>> -> memref<50x32xf32, #tpu.memory_space<vmem>>
        %dma_start3A_866 = arith.constant 0 : i32
        %dma_start3A_867 = arith.constant 0 : i32
        %dma_start3A_868 = tpu.memref_slice %arg5[%rem3A_851, %dma_start3A_866, %dma_start3A_867] : memref<2x16x50xi32, #tpu.memory_space<vmem>> -> memref<1x16x50xi32, #tpu.memory_space<vmem>>
        %dma_start3A_869 = tpu.memref_squeeze %dma_start3A_868 : memref<1x16x50xi32, #tpu.memory_space<vmem>> -> memref<16x50xi32, #tpu.memory_space<vmem>>
        %dma_start3A_870 = arith.constant 0 : i32
        %dma_start3A_871 = tpu.memref_slice %dma_start3A_869[%dma_start3A_855, %dma_start3A_870] : memref<16x50xi32, #tpu.memory_space<vmem>> -> memref<1x50xi32, #tpu.memory_space<vmem>>
        %dma_start3A_872 = tpu.memref_squeeze %dma_start3A_871 : memref<1x50xi32, #tpu.memory_space<vmem>> -> memref<50xi32, #tpu.memory_space<vmem>>
        %dma_start3A_873 = arith.constant 0 : i32
        %dma_start3A_874 = arith.constant 0 : i32
        %dma_start3A_875 = tpu.memref_slice %arg3[%dma_start3A_873, %dma_start3A_874] : memref<1000000x32xf32, #tpu.memory_space<hbm>> -> memref<1000000x32xf32, #tpu.memory_space<hbm>>
        %dma_start3A_876 = tpu.memref_slice %arg8[%rem3A_851] : memref<2x!tpu.dma_semaphore, #tpu.memory_space<semaphore_mem>> -> memref<1x!tpu.dma_semaphore, #tpu.memory_space<semaphore_mem>>
        %dma_start3A_877 = tpu.memref_squeeze %dma_start3A_876 : memref<1x!tpu.dma_semaphore, #tpu.memory_space<semaphore_mem>> -> memref<!tpu.dma_semaphore, #tpu.memory_space<semaphore_mem>>
        tpu.enqueue_indirect_dma source(%dma_start3A_875 : memref<1000000x32xf32, #tpu.memory_space<hbm>>) target(%dma_start3A_865 : memref<50x32xf32, #tpu.memory_space<vmem>>) offsets(%dma_start3A_872 : memref<50xi32, #tpu.memory_space<vmem>>) semaphore(%dma_start3A_877 : memref<!tpu.dma_semaphore, #tpu.memory_space<semaphore_mem>>)
        %dma_start3A_878 = arith.constant 1 : i32
        %dma_start3A_879 = arith.constant 1 : i32
        %dma_start3A_880 = arith.constant 0 : i32
        %dma_start3A_881 = arith.constant 0 : i32
        %dma_start3A_882 = arith.constant 0 : i32
        %dma_start3A_883 = tpu.memref_slice %arg6[%rem3A_851, %dma_start3A_880, %dma_start3A_881, %dma_start3A_882] : memref<2x16x50x32xf32, #tpu.memory_space<vmem>> -> memref<1x16x50x32xf32, #tpu.memory_space<vmem>>
        %dma_start3A_884 = tpu.memref_squeeze %dma_start3A_883 : memref<1x16x50x32xf32, #tpu.memory_space<vmem>> -> memref<16x50x32xf32, #tpu.memory_space<vmem>>
        %dma_start3A_885 = arith.constant 0 : i32
        %dma_start3A_886 = arith.constant 0 : i32
        %dma_start3A_887 = tpu.memref_slice %dma_start3A_884[%dma_start3A_879, %dma_start3A_885, %dma_start3A_886] : memref<16x50x32xf32, #tpu.memory_space<vmem>> -> memref<1x50x32xf32, #tpu.memory_space<vmem>>
        %dma_start3A_888 = tpu.memref_squeeze %dma_start3A_887 : memref<1x50x32xf32, #tpu.memory_space<vmem>> -> memref<50x32xf32, #tpu.memory_space<vmem>>
        %dma_start3A_889 = arith.constant 0 : i32
        %dma_start3A_890 = arith.constant 0 : i32
        %dma_start3A_891 = tpu.memref_slice %arg5[%rem3A_851, %dma_start3A_889, %dma_start3A_890] : memref<2x16x50xi32, #tpu.memory_space<vmem>> -> memref<1x16x50xi32, #tpu.memory_space<vmem>>
        %dma_start3A_892 = tpu.memref_squeeze %dma_start3A_891 : memref<1x16x50xi32, #tpu.memory_space<vmem>> -> memref<16x50xi32, #tpu.memory_space<vmem>>
        %dma_start3A_893 = arith.constant 0 : i32
        %dma_start3A_894 = tpu.memref_slice %dma_start3A_892[%dma_start3A_878, %dma_start3A_893] : memref<16x50xi32, #tpu.memory_space<vmem>> -> memref<1x50xi32, #tpu.memory_space<vmem>>
        %dma_start3A_895 = tpu.memref_squeeze %dma_start3A_894 : memref<1x50xi32, #tpu.memory_space<vmem>> -> memref<50xi32, #tpu.memory_space<vmem>>
        %dma_start3A_896 = arith.constant 0 : i32
        %dma_start3A_897 = arith.constant 0 : i32
        %dma_start3A_898 = tpu.memref_slice %arg3[%dma_start3A_896, %dma_start3A_897] : memref<1000000x32xf32, #tpu.memory_space<hbm>> -> memref<1000000x32xf32, #tpu.memory_space<hbm>>
        %dma_start3A_899 = tpu.memref_slice %arg8[%rem3A_851] : memref<2x!tpu.dma_semaphore, #tpu.memory_space<semaphore_mem>> -> memref<1x!tpu.dma_semaphore, #tpu.memory_space<semaphore_mem>>
        %dma_start3A_900 = tpu.memref_squeeze %dma_start3A_899 : memref<1x!tpu.dma_semaphore, #tpu.memory_space<semaphore_mem>> -> memref<!tpu.dma_semaphore, #tpu.memory_space<semaphore_mem>>
        tpu.enqueue_indirect_dma source(%dma_start3A_898 : memref<1000000x32xf32, #tpu.memory_space<hbm>>) target(%dma_start3A_888 : memref<50x32xf32, #tpu.memory_space<vmem>>) offsets(%dma_start3A_895 : memref<50xi32, #tpu.memory_space<vmem>>) semaphore(%dma_start3A_900 : memref<!tpu.dma_semaphore, #tpu.memory_space<semaphore_mem>>)
        %dma_start3A_901 = arith.constant 2 : i32
        %dma_start3A_902 = arith.constant 2 : i32
        %dma_start3A_903 = arith.constant 0 : i32
        %dma_start3A_904 = arith.constant 0 : i32
        %dma_start3A_905 = arith.constant 0 : i32
        %dma_start3A_906 = tpu.memref_slice %arg6[%rem3A_851, %dma_start3A_903, %dma_start3A_904, %dma_start3A_905] : memref<2x16x50x32xf32, #tpu.memory_space<vmem>> -> memref<1x16x50x32xf32, #tpu.memory_space<vmem>>
        %dma_start3A_907 = tpu.memref_squeeze %dma_start3A_906 : memref<1x16x50x32xf32, #tpu.memory_space<vmem>> -> memref<16x50x32xf32, #tpu.memory_space<vmem>>
        %dma_start3A_908 = arith.constant 0 : i32
        %dma_start3A_909 = arith.constant 0 : i32
        %dma_start3A_910 = tpu.memref_slice %dma_start3A_907[%dma_start3A_902, %dma_start3A_908, %dma_start3A_909] : memref<16x50x32xf32, #tpu.memory_space<vmem>> -> memref<1x50x32xf32, #tpu.memory_space<vmem>>
        %dma_start3A_911 = tpu.memref_squeeze %dma_start3A_910 : memref<1x50x32xf32, #tpu.memory_space<vmem>> -> memref<50x32xf32, #tpu.memory_space<vmem>>
        %dma_start3A_912 = arith.constant 0 : i32
        %dma_start3A_913 = arith.constant 0 : i32
        %dma_start3A_914 = tpu.memref_slice %arg5[%rem3A_851, %dma_start3A_912, %dma_start3A_913] : memref<2x16x50xi32, #tpu.memory_space<vmem>> -> memref<1x16x50xi32, #tpu.memory_space<vmem>>
        %dma_start3A_915 = tpu.memref_squeeze %dma_start3A_914 : memref<1x16x50xi32, #tpu.memory_space<vmem>> -> memref<16x50xi32, #tpu.memory_space<vmem>>
        %dma_start3A_916 = arith.constant 0 : i32
        %dma_start3A_917 = tpu.memref_slice %dma_start3A_915[%dma_start3A_901, %dma_start3A_916] : memref<16x50xi32, #tpu.memory_space<vmem>> -> memref<1x50xi32, #tpu.memory_space<vmem>>
        %dma_start3A_918 = tpu.memref_squeeze %dma_start3A_917 : memref<1x50xi32, #tpu.memory_space<vmem>> -> memref<50xi32, #tpu.memory_space<vmem>>
        %dma_start3A_919 = arith.constant 0 : i32
        %dma_start3A_920 = arith.constant 0 : i32
        %dma_start3A_921 = tpu.memref_slice %arg3[%dma_start3A_919, %dma_start3A_920] : memref<1000000x32xf32, #tpu.memory_space<hbm>> -> memref<1000000x32xf32, #tpu.memory_space<hbm>>
        %dma_start3A_922 = tpu.memref_slice %arg8[%rem3A_851] : memref<2x!tpu.dma_semaphore, #tpu.memory_space<semaphore_mem>> -> memref<1x!tpu.dma_semaphore, #tpu.memory_space<semaphore_mem>>
        %dma_start3A_923 = tpu.memref_squeeze %dma_start3A_922 : memref<1x!tpu.dma_semaphore, #tpu.memory_space<semaphore_mem>> -> memref<!tpu.dma_semaphore, #tpu.memory_space<semaphore_mem>>
        tpu.enqueue_indirect_dma source(%dma_start3A_921 : memref<1000000x32xf32, #tpu.memory_space<hbm>>) target(%dma_start3A_911 : memref<50x32xf32, #tpu.memory_space<vmem>>) offsets(%dma_start3A_918 : memref<50xi32, #tpu.memory_space<vmem>>) semaphore(%dma_start3A_923 : memref<!tpu.dma_semaphore, #tpu.memory_space<semaphore_mem>>)
        %dma_start3A_924 = arith.constant 3 : i32
        %dma_start3A_925 = arith.constant 3 : i32
        %dma_start3A_926 = arith.constant 0 : i32
        %dma_start3A_927 = arith.constant 0 : i32
        %dma_start3A_928 = arith.constant 0 : i32
        %dma_start3A_929 = tpu.memref_slice %arg6[%rem3A_851, %dma_start3A_926, %dma_start3A_927, %dma_start3A_928] : memref<2x16x50x32xf32, #tpu.memory_space<vmem>> -> memref<1x16x50x32xf32, #tpu.memory_space<vmem>>
        %dma_start3A_930 = tpu.memref_squeeze %dma_start3A_929 : memref<1x16x50x32xf32, #tpu.memory_space<vmem>> -> memref<16x50x32xf32, #tpu.memory_space<vmem>>
        %dma_start3A_931 = arith.constant 0 : i32
        %dma_start3A_932 = arith.constant 0 : i32
        %dma_start3A_933 = tpu.memref_slice %dma_start3A_930[%dma_start3A_925, %dma_start3A_931, %dma_start3A_932] : memref<16x50x32xf32, #tpu.memory_space<vmem>> -> memref<1x50x32xf32, #tpu.memory_space<vmem>>
        %dma_start3A_934 = tpu.memref_squeeze %dma_start3A_933 : memref<1x50x32xf32, #tpu.memory_space<vmem>> -> memref<50x32xf32, #tpu.memory_space<vmem>>
        %dma_start3A_935 = arith.constant 0 : i32
        %dma_start3A_936 = arith.constant 0 : i32
        %dma_start3A_937 = tpu.memref_slice %arg5[%rem3A_851, %dma_start3A_935, %dma_start3A_936] : memref<2x16x50xi32, #tpu.memory_space<vmem>> -> memref<1x16x50xi32, #tpu.memory_space<vmem>>
        %dma_start3A_938 = tpu.memref_squeeze %dma_start3A_937 : memref<1x16x50xi32, #tpu.memory_space<vmem>> -> memref<16x50xi32, #tpu.memory_space<vmem>>
        %dma_start3A_939 = arith.constant 0 : i32
        %dma_start3A_940 = tpu.memref_slice %dma_start3A_938[%dma_start3A_924, %dma_start3A_939] : memref<16x50xi32, #tpu.memory_space<vmem>> -> memref<1x50xi32, #tpu.memory_space<vmem>>
        %dma_start3A_941 = tpu.memref_squeeze %dma_start3A_940 : memref<1x50xi32, #tpu.memory_space<vmem>> -> memref<50xi32, #tpu.memory_space<vmem>>
        %dma_start3A_942 = arith.constant 0 : i32
        %dma_start3A_943 = arith.constant 0 : i32
        %dma_start3A_944 = tpu.memref_slice %arg3[%dma_start3A_942, %dma_start3A_943] : memref<1000000x32xf32, #tpu.memory_space<hbm>> -> memref<1000000x32xf32, #tpu.memory_space<hbm>>
        %dma_start3A_945 = tpu.memref_slice %arg8[%rem3A_851] : memref<2x!tpu.dma_semaphore, #tpu.memory_space<semaphore_mem>> -> memref<1x!tpu.dma_semaphore, #tpu.memory_space<semaphore_mem>>
        %dma_start3A_946 = tpu.memref_squeeze %dma_start3A_945 : memref<1x!tpu.dma_semaphore, #tpu.memory_space<semaphore_mem>> -> memref<!tpu.dma_semaphore, #tpu.memory_space<semaphore_mem>>
        tpu.enqueue_indirect_dma source(%dma_start3A_944 : memref<1000000x32xf32, #tpu.memory_space<hbm>>) target(%dma_start3A_934 : memref<50x32xf32, #tpu.memory_space<vmem>>) offsets(%dma_start3A_941 : memref<50xi32, #tpu.memory_space<vmem>>) semaphore(%dma_start3A_946 : memref<!tpu.dma_semaphore, #tpu.memory_space<semaphore_mem>>)
        %dma_start3A_947 = arith.constant 4 : i32
        %dma_start3A_948 = arith.constant 4 : i32
        %dma_start3A_949 = arith.constant 0 : i32
        %dma_start3A_950 = arith.constant 0 : i32
        %dma_start3A_951 = arith.constant 0 : i32
        %dma_start3A_952 = tpu.memref_slice %arg6[%rem3A_851, %dma_start3A_949, %dma_start3A_950, %dma_start3A_951] : memref<2x16x50x32xf32, #tpu.memory_space<vmem>> -> memref<1x16x50x32xf32, #tpu.memory_space<vmem>>
        %dma_start3A_953 = tpu.memref_squeeze %dma_start3A_952 : memref<1x16x50x32xf32, #tpu.memory_space<vmem>> -> memref<16x50x32xf32, #tpu.memory_space<vmem>>
        %dma_start3A_954 = arith.constant 0 : i32
        %dma_start3A_955 = arith.constant 0 : i32
        %dma_start3A_956 = tpu.memref_slice %dma_start3A_953[%dma_start3A_948, %dma_start3A_954, %dma_start3A_955] : memref<16x50x32xf32, #tpu.memory_space<vmem>> -> memref<1x50x32xf32, #tpu.memory_space<vmem>>
        %dma_start3A_957 = tpu.memref_squeeze %dma_start3A_956 : memref<1x50x32xf32, #tpu.memory_space<vmem>> -> memref<50x32xf32, #tpu.memory_space<vmem>>
        %dma_start3A_958 = arith.constant 0 : i32
        %dma_start3A_959 = arith.constant 0 : i32
        %dma_start3A_960 = tpu.memref_slice %arg5[%rem3A_851, %dma_start3A_958, %dma_start3A_959] : memref<2x16x50xi32, #tpu.memory_space<vmem>> -> memref<1x16x50xi32, #tpu.memory_space<vmem>>
        %dma_start3A_961 = tpu.memref_squeeze %dma_start3A_960 : memref<1x16x50xi32, #tpu.memory_space<vmem>> -> memref<16x50xi32, #tpu.memory_space<vmem>>
        %dma_start3A_962 = arith.constant 0 : i32
        %dma_start3A_963 = tpu.memref_slice %dma_start3A_961[%dma_start3A_947, %dma_start3A_962] : memref<16x50xi32, #tpu.memory_space<vmem>> -> memref<1x50xi32, #tpu.memory_space<vmem>>
        %dma_start3A_964 = tpu.memref_squeeze %dma_start3A_963 : memref<1x50xi32, #tpu.memory_space<vmem>> -> memref<50xi32, #tpu.memory_space<vmem>>
        %dma_start3A_965 = arith.constant 0 : i32
        %dma_start3A_966 = arith.constant 0 : i32
        %dma_start3A_967 = tpu.memref_slice %arg3[%dma_start3A_965, %dma_start3A_966] : memref<1000000x32xf32, #tpu.memory_space<hbm>> -> memref<1000000x32xf32, #tpu.memory_space<hbm>>
        %dma_start3A_968 = tpu.memref_slice %arg8[%rem3A_851] : memref<2x!tpu.dma_semaphore, #tpu.memory_space<semaphore_mem>> -> memref<1x!tpu.dma_semaphore, #tpu.memory_space<semaphore_mem>>
        %dma_start3A_969 = tpu.memref_squeeze %dma_start3A_968 : memref<1x!tpu.dma_semaphore, #tpu.memory_space<semaphore_mem>> -> memref<!tpu.dma_semaphore, #tpu.memory_space<semaphore_mem>>
        tpu.enqueue_indirect_dma source(%dma_start3A_967 : memref<1000000x32xf32, #tpu.memory_space<hbm>>) target(%dma_start3A_957 : memref<50x32xf32, #tpu.memory_space<vmem>>) offsets(%dma_start3A_964 : memref<50xi32, #tpu.memory_space<vmem>>) semaphore(%dma_start3A_969 : memref<!tpu.dma_semaphore, #tpu.memory_space<semaphore_mem>>)
        %dma_start3A_970 = arith.constant 5 : i32
        %dma_start3A_971 = arith.constant 5 : i32
        %dma_start3A_972 = arith.constant 0 : i32
        %dma_start3A_973 = arith.constant 0 : i32
        %dma_start3A_974 = arith.constant 0 : i32
        %dma_start3A_975 = tpu.memref_slice %arg6[%rem3A_851, %dma_start3A_972, %dma_start3A_973, %dma_start3A_974] : memref<2x16x50x32xf32, #tpu.memory_space<vmem>> -> memref<1x16x50x32xf32, #tpu.memory_space<vmem>>
        %dma_start3A_976 = tpu.memref_squeeze %dma_start3A_975 : memref<1x16x50x32xf32, #tpu.memory_space<vmem>> -> memref<16x50x32xf32, #tpu.memory_space<vmem>>
        %dma_start3A_977 = arith.constant 0 : i32
        %dma_start3A_978 = arith.constant 0 : i32
        %dma_start3A_979 = tpu.memref_slice %dma_start3A_976[%dma_start3A_971, %dma_start3A_977, %dma_start3A_978] : memref<16x50x32xf32, #tpu.memory_space<vmem>> -> memref<1x50x32xf32, #tpu.memory_space<vmem>>
        %dma_start3A_980 = tpu.memref_squeeze %dma_start3A_979 : memref<1x50x32xf32, #tpu.memory_space<vmem>> -> memref<50x32xf32, #tpu.memory_space<vmem>>
        %dma_start3A_981 = arith.constant 0 : i32
        %dma_start3A_982 = arith.constant 0 : i32
        %dma_start3A_983 = tpu.memref_slice %arg5[%rem3A_851, %dma_start3A_981, %dma_start3A_982] : memref<2x16x50xi32, #tpu.memory_space<vmem>> -> memref<1x16x50xi32, #tpu.memory_space<vmem>>
        %dma_start3A_984 = tpu.memref_squeeze %dma_start3A_983 : memref<1x16x50xi32, #tpu.memory_space<vmem>> -> memref<16x50xi32, #tpu.memory_space<vmem>>
        %dma_start3A_985 = arith.constant 0 : i32
        %dma_start3A_986 = tpu.memref_slice %dma_start3A_984[%dma_start3A_970, %dma_start3A_985] : memref<16x50xi32, #tpu.memory_space<vmem>> -> memref<1x50xi32, #tpu.memory_space<vmem>>
        %dma_start3A_987 = tpu.memref_squeeze %dma_start3A_986 : memref<1x50xi32, #tpu.memory_space<vmem>> -> memref<50xi32, #tpu.memory_space<vmem>>
        %dma_start3A_988 = arith.constant 0 : i32
        %dma_start3A_989 = arith.constant 0 : i32
        %dma_start3A_990 = tpu.memref_slice %arg3[%dma_start3A_988, %dma_start3A_989] : memref<1000000x32xf32, #tpu.memory_space<hbm>> -> memref<1000000x32xf32, #tpu.memory_space<hbm>>
        %dma_start3A_991 = tpu.memref_slice %arg8[%rem3A_851] : memref<2x!tpu.dma_semaphore, #tpu.memory_space<semaphore_mem>> -> memref<1x!tpu.dma_semaphore, #tpu.memory_space<semaphore_mem>>
        %dma_start3A_992 = tpu.memref_squeeze %dma_start3A_991 : memref<1x!tpu.dma_semaphore, #tpu.memory_space<semaphore_mem>> -> memref<!tpu.dma_semaphore, #tpu.memory_space<semaphore_mem>>
        tpu.enqueue_indirect_dma source(%dma_start3A_990 : memref<1000000x32xf32, #tpu.memory_space<hbm>>) target(%dma_start3A_980 : memref<50x32xf32, #tpu.memory_space<vmem>>) offsets(%dma_start3A_987 : memref<50xi32, #tpu.memory_space<vmem>>) semaphore(%dma_start3A_992 : memref<!tpu.dma_semaphore, #tpu.memory_space<semaphore_mem>>)
        %dma_start3A_993 = arith.constant 6 : i32
        %dma_start3A_994 = arith.constant 6 : i32
        %dma_start3A_995 = arith.constant 0 : i32
        %dma_start3A_996 = arith.constant 0 : i32
        %dma_start3A_997 = arith.constant 0 : i32
        %dma_start3A_998 = tpu.memref_slice %arg6[%rem3A_851, %dma_start3A_995, %dma_start3A_996, %dma_start3A_997] : memref<2x16x50x32xf32, #tpu.memory_space<vmem>> -> memref<1x16x50x32xf32, #tpu.memory_space<vmem>>
        %dma_start3A_999 = tpu.memref_squeeze %dma_start3A_998 : memref<1x16x50x32xf32, #tpu.memory_space<vmem>> -> memref<16x50x32xf32, #tpu.memory_space<vmem>>
        %dma_start3A_1000 = arith.constant 0 : i32
        %dma_start3A_1001 = arith.constant 0 : i32
        %dma_start3A_1002 = tpu.memref_slice %dma_start3A_999[%dma_start3A_994, %dma_start3A_1000, %dma_start3A_1001] : memref<16x50x32xf32, #tpu.memory_space<vmem>> -> memref<1x50x32xf32, #tpu.memory_space<vmem>>
        %dma_start3A_1003 = tpu.memref_squeeze %dma_start3A_1002 : memref<1x50x32xf32, #tpu.memory_space<vmem>> -> memref<50x32xf32, #tpu.memory_space<vmem>>
        %dma_start3A_1004 = arith.constant 0 : i32
        %dma_start3A_1005 = arith.constant 0 : i32
        %dma_start3A_1006 = tpu.memref_slice %arg5[%rem3A_851, %dma_start3A_1004, %dma_start3A_1005] : memref<2x16x50xi32, #tpu.memory_space<vmem>> -> memref<1x16x50xi32, #tpu.memory_space<vmem>>
        %dma_start3A_1007 = tpu.memref_squeeze %dma_start3A_1006 : memref<1x16x50xi32, #tpu.memory_space<vmem>> -> memref<16x50xi32, #tpu.memory_space<vmem>>
        %dma_start3A_1008 = arith.constant 0 : i32
        %dma_start3A_1009 = tpu.memref_slice %dma_start3A_1007[%dma_start3A_993, %dma_start3A_1008] : memref<16x50xi32, #tpu.memory_space<vmem>> -> memref<1x50xi32, #tpu.memory_space<vmem>>
        %dma_start3A_1010 = tpu.memref_squeeze %dma_start3A_1009 : memref<1x50xi32, #tpu.memory_space<vmem>> -> memref<50xi32, #tpu.memory_space<vmem>>
        %dma_start3A_1011 = arith.constant 0 : i32
        %dma_start3A_1012 = arith.constant 0 : i32
        %dma_start3A_1013 = tpu.memref_slice %arg3[%dma_start3A_1011, %dma_start3A_1012] : memref<1000000x32xf32, #tpu.memory_space<hbm>> -> memref<1000000x32xf32, #tpu.memory_space<hbm>>
        %dma_start3A_1014 = tpu.memref_slice %arg8[%rem3A_851] : memref<2x!tpu.dma_semaphore, #tpu.memory_space<semaphore_mem>> -> memref<1x!tpu.dma_semaphore, #tpu.memory_space<semaphore_mem>>
        %dma_start3A_1015 = tpu.memref_squeeze %dma_start3A_1014 : memref<1x!tpu.dma_semaphore, #tpu.memory_space<semaphore_mem>> -> memref<!tpu.dma_semaphore, #tpu.memory_space<semaphore_mem>>
        tpu.enqueue_indirect_dma source(%dma_start3A_1013 : memref<1000000x32xf32, #tpu.memory_space<hbm>>) target(%dma_start3A_1003 : memref<50x32xf32, #tpu.memory_space<vmem>>) offsets(%dma_start3A_1010 : memref<50xi32, #tpu.memory_space<vmem>>) semaphore(%dma_start3A_1015 : memref<!tpu.dma_semaphore, #tpu.memory_space<semaphore_mem>>)
        %dma_start3A_1016 = arith.constant 7 : i32
        %dma_start3A_1017 = arith.constant 7 : i32
        %dma_start3A_1018 = arith.constant 0 : i32
        %dma_start3A_1019 = arith.constant 0 : i32
        %dma_start3A_1020 = arith.constant 0 : i32
        %dma_start3A_1021 = tpu.memref_slice %arg6[%rem3A_851, %dma_start3A_1018, %dma_start3A_1019, %dma_start3A_1020] : memref<2x16x50x32xf32, #tpu.memory_space<vmem>> -> memref<1x16x50x32xf32, #tpu.memory_space<vmem>>
        %dma_start3A_1022 = tpu.memref_squeeze %dma_start3A_1021 : memref<1x16x50x32xf32, #tpu.memory_space<vmem>> -> memref<16x50x32xf32, #tpu.memory_space<vmem>>
        %dma_start3A_1023 = arith.constant 0 : i32
        %dma_start3A_1024 = arith.constant 0 : i32
        %dma_start3A_1025 = tpu.memref_slice %dma_start3A_1022[%dma_start3A_1017, %dma_start3A_1023, %dma_start3A_1024] : memref<16x50x32xf32, #tpu.memory_space<vmem>> -> memref<1x50x32xf32, #tpu.memory_space<vmem>>
        %dma_start3A_1026 = tpu.memref_squeeze %dma_start3A_1025 : memref<1x50x32xf32, #tpu.memory_space<vmem>> -> memref<50x32xf32, #tpu.memory_space<vmem>>
        %dma_start3A_1027 = arith.constant 0 : i32
        %dma_start3A_1028 = arith.constant 0 : i32
        %dma_start3A_1029 = tpu.memref_slice %arg5[%rem3A_851, %dma_start3A_1027, %dma_start3A_1028] : memref<2x16x50xi32, #tpu.memory_space<vmem>> -> memref<1x16x50xi32, #tpu.memory_space<vmem>>
        %dma_start3A_1030 = tpu.memref_squeeze %dma_start3A_1029 : memref<1x16x50xi32, #tpu.memory_space<vmem>> -> memref<16x50xi32, #tpu.memory_space<vmem>>
        %dma_start3A_1031 = arith.constant 0 : i32
        %dma_start3A_1032 = tpu.memref_slice %dma_start3A_1030[%dma_start3A_1016, %dma_start3A_1031] : memref<16x50xi32, #tpu.memory_space<vmem>> -> memref<1x50xi32, #tpu.memory_space<vmem>>
        %dma_start3A_1033 = tpu.memref_squeeze %dma_start3A_1032 : memref<1x50xi32, #tpu.memory_space<vmem>> -> memref<50xi32, #tpu.memory_space<vmem>>
        %dma_start3A_1034 = arith.constant 0 : i32
        %dma_start3A_1035 = arith.constant 0 : i32
        %dma_start3A_1036 = tpu.memref_slice %arg3[%dma_start3A_1034, %dma_start3A_1035] : memref<1000000x32xf32, #tpu.memory_space<hbm>> -> memref<1000000x32xf32, #tpu.memory_space<hbm>>
        %dma_start3A_1037 = tpu.memref_slice %arg8[%rem3A_851] : memref<2x!tpu.dma_semaphore, #tpu.memory_space<semaphore_mem>> -> memref<1x!tpu.dma_semaphore, #tpu.memory_space<semaphore_mem>>
        %dma_start3A_1038 = tpu.memref_squeeze %dma_start3A_1037 : memref<1x!tpu.dma_semaphore, #tpu.memory_space<semaphore_mem>> -> memref<!tpu.dma_semaphore, #tpu.memory_space<semaphore_mem>>
        tpu.enqueue_indirect_dma source(%dma_start3A_1036 : memref<1000000x32xf32, #tpu.memory_space<hbm>>) target(%dma_start3A_1026 : memref<50x32xf32, #tpu.memory_space<vmem>>) offsets(%dma_start3A_1033 : memref<50xi32, #tpu.memory_space<vmem>>) semaphore(%dma_start3A_1038 : memref<!tpu.dma_semaphore, #tpu.memory_space<semaphore_mem>>)
        %dma_start3A_1039 = arith.constant 8 : i32
        %dma_start3A_1040 = arith.constant 8 : i32
        %dma_start3A_1041 = arith.constant 0 : i32
        %dma_start3A_1042 = arith.constant 0 : i32
        %dma_start3A_1043 = arith.constant 0 : i32
        %dma_start3A_1044 = tpu.memref_slice %arg6[%rem3A_851, %dma_start3A_1041, %dma_start3A_1042, %dma_start3A_1043] : memref<2x16x50x32xf32, #tpu.memory_space<vmem>> -> memref<1x16x50x32xf32, #tpu.memory_space<vmem>>
        %dma_start3A_1045 = tpu.memref_squeeze %dma_start3A_1044 : memref<1x16x50x32xf32, #tpu.memory_space<vmem>> -> memref<16x50x32xf32, #tpu.memory_space<vmem>>
        %dma_start3A_1046 = arith.constant 0 : i32
        %dma_start3A_1047 = arith.constant 0 : i32
        %dma_start3A_1048 = tpu.memref_slice %dma_start3A_1045[%dma_start3A_1040, %dma_start3A_1046, %dma_start3A_1047] : memref<16x50x32xf32, #tpu.memory_space<vmem>> -> memref<1x50x32xf32, #tpu.memory_space<vmem>>
        %dma_start3A_1049 = tpu.memref_squeeze %dma_start3A_1048 : memref<1x50x32xf32, #tpu.memory_space<vmem>> -> memref<50x32xf32, #tpu.memory_space<vmem>>
        %dma_start3A_1050 = arith.constant 0 : i32
        %dma_start3A_1051 = arith.constant 0 : i32
        %dma_start3A_1052 = tpu.memref_slice %arg5[%rem3A_851, %dma_start3A_1050, %dma_start3A_1051] : memref<2x16x50xi32, #tpu.memory_space<vmem>> -> memref<1x16x50xi32, #tpu.memory_space<vmem>>
        %dma_start3A_1053 = tpu.memref_squeeze %dma_start3A_1052 : memref<1x16x50xi32, #tpu.memory_space<vmem>> -> memref<16x50xi32, #tpu.memory_space<vmem>>
        %dma_start3A_1054 = arith.constant 0 : i32
        %dma_start3A_1055 = tpu.memref_slice %dma_start3A_1053[%dma_start3A_1039, %dma_start3A_1054] : memref<16x50xi32, #tpu.memory_space<vmem>> -> memref<1x50xi32, #tpu.memory_space<vmem>>
        %dma_start3A_1056 = tpu.memref_squeeze %dma_start3A_1055 : memref<1x50xi32, #tpu.memory_space<vmem>> -> memref<50xi32, #tpu.memory_space<vmem>>
        %dma_start3A_1057 = arith.constant 0 : i32
        %dma_start3A_1058 = arith.constant 0 : i32
        %dma_start3A_1059 = tpu.memref_slice %arg3[%dma_start3A_1057, %dma_start3A_1058] : memref<1000000x32xf32, #tpu.memory_space<hbm>> -> memref<1000000x32xf32, #tpu.memory_space<hbm>>
        %dma_start3A_1060 = tpu.memref_slice %arg8[%rem3A_851] : memref<2x!tpu.dma_semaphore, #tpu.memory_space<semaphore_mem>> -> memref<1x!tpu.dma_semaphore, #tpu.memory_space<semaphore_mem>>
        %dma_start3A_1061 = tpu.memref_squeeze %dma_start3A_1060 : memref<1x!tpu.dma_semaphore, #tpu.memory_space<semaphore_mem>> -> memref<!tpu.dma_semaphore, #tpu.memory_space<semaphore_mem>>
        tpu.enqueue_indirect_dma source(%dma_start3A_1059 : memref<1000000x32xf32, #tpu.memory_space<hbm>>) target(%dma_start3A_1049 : memref<50x32xf32, #tpu.memory_space<vmem>>) offsets(%dma_start3A_1056 : memref<50xi32, #tpu.memory_space<vmem>>) semaphore(%dma_start3A_1061 : memref<!tpu.dma_semaphore, #tpu.memory_space<semaphore_mem>>)
        %dma_start3A_1062 = arith.constant 9 : i32
        %dma_start3A_1063 = arith.constant 9 : i32
        %dma_start3A_1064 = arith.constant 0 : i32
        %dma_start3A_1065 = arith.constant 0 : i32
        %dma_start3A_1066 = arith.constant 0 : i32
        %dma_start3A_1067 = tpu.memref_slice %arg6[%rem3A_851, %dma_start3A_1064, %dma_start3A_1065, %dma_start3A_1066] : memref<2x16x50x32xf32, #tpu.memory_space<vmem>> -> memref<1x16x50x32xf32, #tpu.memory_space<vmem>>
        %dma_start3A_1068 = tpu.memref_squeeze %dma_start3A_1067 : memref<1x16x50x32xf32, #tpu.memory_space<vmem>> -> memref<16x50x32xf32, #tpu.memory_space<vmem>>
        %dma_start3A_1069 = arith.constant 0 : i32
        %dma_start3A_1070 = arith.constant 0 : i32
        %dma_start3A_1071 = tpu.memref_slice %dma_start3A_1068[%dma_start3A_1063, %dma_start3A_1069, %dma_start3A_1070] : memref<16x50x32xf32, #tpu.memory_space<vmem>> -> memref<1x50x32xf32, #tpu.memory_space<vmem>>
        %dma_start3A_1072 = tpu.memref_squeeze %dma_start3A_1071 : memref<1x50x32xf32, #tpu.memory_space<vmem>> -> memref<50x32xf32, #tpu.memory_space<vmem>>
        %dma_start3A_1073 = arith.constant 0 : i32
        %dma_start3A_1074 = arith.constant 0 : i32
        %dma_start3A_1075 = tpu.memref_slice %arg5[%rem3A_851, %dma_start3A_1073, %dma_start3A_1074] : memref<2x16x50xi32, #tpu.memory_space<vmem>> -> memref<1x16x50xi32, #tpu.memory_space<vmem>>
        %dma_start3A_1076 = tpu.memref_squeeze %dma_start3A_1075 : memref<1x16x50xi32, #tpu.memory_space<vmem>> -> memref<16x50xi32, #tpu.memory_space<vmem>>
        %dma_start3A_1077 = arith.constant 0 : i32
        %dma_start3A_1078 = tpu.memref_slice %dma_start3A_1076[%dma_start3A_1062, %dma_start3A_1077] : memref<16x50xi32, #tpu.memory_space<vmem>> -> memref<1x50xi32, #tpu.memory_space<vmem>>
        %dma_start3A_1079 = tpu.memref_squeeze %dma_start3A_1078 : memref<1x50xi32, #tpu.memory_space<vmem>> -> memref<50xi32, #tpu.memory_space<vmem>>
        %dma_start3A_1080 = arith.constant 0 : i32
        %dma_start3A_1081 = arith.constant 0 : i32
        %dma_start3A_1082 = tpu.memref_slice %arg3[%dma_start3A_1080, %dma_start3A_1081] : memref<1000000x32xf32, #tpu.memory_space<hbm>> -> memref<1000000x32xf32, #tpu.memory_space<hbm>>
        %dma_start3A_1083 = tpu.memref_slice %arg8[%rem3A_851] : memref<2x!tpu.dma_semaphore, #tpu.memory_space<semaphore_mem>> -> memref<1x!tpu.dma_semaphore, #tpu.memory_space<semaphore_mem>>
        %dma_start3A_1084 = tpu.memref_squeeze %dma_start3A_1083 : memref<1x!tpu.dma_semaphore, #tpu.memory_space<semaphore_mem>> -> memref<!tpu.dma_semaphore, #tpu.memory_space<semaphore_mem>>
        tpu.enqueue_indirect_dma source(%dma_start3A_1082 : memref<1000000x32xf32, #tpu.memory_space<hbm>>) target(%dma_start3A_1072 : memref<50x32xf32, #tpu.memory_space<vmem>>) offsets(%dma_start3A_1079 : memref<50xi32, #tpu.memory_space<vmem>>) semaphore(%dma_start3A_1084 : memref<!tpu.dma_semaphore, #tpu.memory_space<semaphore_mem>>)
        %dma_start3A_1085 = arith.constant 10 : i32
        %dma_start3A_1086 = arith.constant 10 : i32
        %dma_start3A_1087 = arith.constant 0 : i32
        %dma_start3A_1088 = arith.constant 0 : i32
        %dma_start3A_1089 = arith.constant 0 : i32
        %dma_start3A_1090 = tpu.memref_slice %arg6[%rem3A_851, %dma_start3A_1087, %dma_start3A_1088, %dma_start3A_1089] : memref<2x16x50x32xf32, #tpu.memory_space<vmem>> -> memref<1x16x50x32xf32, #tpu.memory_space<vmem>>
        %dma_start3A_1091 = tpu.memref_squeeze %dma_start3A_1090 : memref<1x16x50x32xf32, #tpu.memory_space<vmem>> -> memref<16x50x32xf32, #tpu.memory_space<vmem>>
        %dma_start3A_1092 = arith.constant 0 : i32
        %dma_start3A_1093 = arith.constant 0 : i32
        %dma_start3A_1094 = tpu.memref_slice %dma_start3A_1091[%dma_start3A_1086, %dma_start3A_1092, %dma_start3A_1093] : memref<16x50x32xf32, #tpu.memory_space<vmem>> -> memref<1x50x32xf32, #tpu.memory_space<vmem>>
        %dma_start3A_1095 = tpu.memref_squeeze %dma_start3A_1094 : memref<1x50x32xf32, #tpu.memory_space<vmem>> -> memref<50x32xf32, #tpu.memory_space<vmem>>
        %dma_start3A_1096 = arith.constant 0 : i32
        %dma_start3A_1097 = arith.constant 0 : i32
        %dma_start3A_1098 = tpu.memref_slice %arg5[%rem3A_851, %dma_start3A_1096, %dma_start3A_1097] : memref<2x16x50xi32, #tpu.memory_space<vmem>> -> memref<1x16x50xi32, #tpu.memory_space<vmem>>
        %dma_start3A_1099 = tpu.memref_squeeze %dma_start3A_1098 : memref<1x16x50xi32, #tpu.memory_space<vmem>> -> memref<16x50xi32, #tpu.memory_space<vmem>>
        %dma_start3A_1100 = arith.constant 0 : i32
        %dma_start3A_1101 = tpu.memref_slice %dma_start3A_1099[%dma_start3A_1085, %dma_start3A_1100] : memref<16x50xi32, #tpu.memory_space<vmem>> -> memref<1x50xi32, #tpu.memory_space<vmem>>
        %dma_start3A_1102 = tpu.memref_squeeze %dma_start3A_1101 : memref<1x50xi32, #tpu.memory_space<vmem>> -> memref<50xi32, #tpu.memory_space<vmem>>
        %dma_start3A_1103 = arith.constant 0 : i32
        %dma_start3A_1104 = arith.constant 0 : i32
        %dma_start3A_1105 = tpu.memref_slice %arg3[%dma_start3A_1103, %dma_start3A_1104] : memref<1000000x32xf32, #tpu.memory_space<hbm>> -> memref<1000000x32xf32, #tpu.memory_space<hbm>>
        %dma_start3A_1106 = tpu.memref_slice %arg8[%rem3A_851] : memref<2x!tpu.dma_semaphore, #tpu.memory_space<semaphore_mem>> -> memref<1x!tpu.dma_semaphore, #tpu.memory_space<semaphore_mem>>
        %dma_start3A_1107 = tpu.memref_squeeze %dma_start3A_1106 : memref<1x!tpu.dma_semaphore, #tpu.memory_space<semaphore_mem>> -> memref<!tpu.dma_semaphore, #tpu.memory_space<semaphore_mem>>
        tpu.enqueue_indirect_dma source(%dma_start3A_1105 : memref<1000000x32xf32, #tpu.memory_space<hbm>>) target(%dma_start3A_1095 : memref<50x32xf32, #tpu.memory_space<vmem>>) offsets(%dma_start3A_1102 : memref<50xi32, #tpu.memory_space<vmem>>) semaphore(%dma_start3A_1107 : memref<!tpu.dma_semaphore, #tpu.memory_space<semaphore_mem>>)
        %dma_start3A_1108 = arith.constant 11 : i32
        %dma_start3A_1109 = arith.constant 11 : i32
        %dma_start3A_1110 = arith.constant 0 : i32
        %dma_start3A_1111 = arith.constant 0 : i32
        %dma_start3A_1112 = arith.constant 0 : i32
        %dma_start3A_1113 = tpu.memref_slice %arg6[%rem3A_851, %dma_start3A_1110, %dma_start3A_1111, %dma_start3A_1112] : memref<2x16x50x32xf32, #tpu.memory_space<vmem>> -> memref<1x16x50x32xf32, #tpu.memory_space<vmem>>
        %dma_start3A_1114 = tpu.memref_squeeze %dma_start3A_1113 : memref<1x16x50x32xf32, #tpu.memory_space<vmem>> -> memref<16x50x32xf32, #tpu.memory_space<vmem>>
        %dma_start3A_1115 = arith.constant 0 : i32
        %dma_start3A_1116 = arith.constant 0 : i32
        %dma_start3A_1117 = tpu.memref_slice %dma_start3A_1114[%dma_start3A_1109, %dma_start3A_1115, %dma_start3A_1116] : memref<16x50x32xf32, #tpu.memory_space<vmem>> -> memref<1x50x32xf32, #tpu.memory_space<vmem>>
        %dma_start3A_1118 = tpu.memref_squeeze %dma_start3A_1117 : memref<1x50x32xf32, #tpu.memory_space<vmem>> -> memref<50x32xf32, #tpu.memory_space<vmem>>
        %dma_start3A_1119 = arith.constant 0 : i32
        %dma_start3A_1120 = arith.constant 0 : i32
        %dma_start3A_1121 = tpu.memref_slice %arg5[%rem3A_851, %dma_start3A_1119, %dma_start3A_1120] : memref<2x16x50xi32, #tpu.memory_space<vmem>> -> memref<1x16x50xi32, #tpu.memory_space<vmem>>
        %dma_start3A_1122 = tpu.memref_squeeze %dma_start3A_1121 : memref<1x16x50xi32, #tpu.memory_space<vmem>> -> memref<16x50xi32, #tpu.memory_space<vmem>>
        %dma_start3A_1123 = arith.constant 0 : i32
        %dma_start3A_1124 = tpu.memref_slice %dma_start3A_1122[%dma_start3A_1108, %dma_start3A_1123] : memref<16x50xi32, #tpu.memory_space<vmem>> -> memref<1x50xi32, #tpu.memory_space<vmem>>
        %dma_start3A_1125 = tpu.memref_squeeze %dma_start3A_1124 : memref<1x50xi32, #tpu.memory_space<vmem>> -> memref<50xi32, #tpu.memory_space<vmem>>
        %dma_start3A_1126 = arith.constant 0 : i32
        %dma_start3A_1127 = arith.constant 0 : i32
        %dma_start3A_1128 = tpu.memref_slice %arg3[%dma_start3A_1126, %dma_start3A_1127] : memref<1000000x32xf32, #tpu.memory_space<hbm>> -> memref<1000000x32xf32, #tpu.memory_space<hbm>>
        %dma_start3A_1129 = tpu.memref_slice %arg8[%rem3A_851] : memref<2x!tpu.dma_semaphore, #tpu.memory_space<semaphore_mem>> -> memref<1x!tpu.dma_semaphore, #tpu.memory_space<semaphore_mem>>
        %dma_start3A_1130 = tpu.memref_squeeze %dma_start3A_1129 : memref<1x!tpu.dma_semaphore, #tpu.memory_space<semaphore_mem>> -> memref<!tpu.dma_semaphore, #tpu.memory_space<semaphore_mem>>
        tpu.enqueue_indirect_dma source(%dma_start3A_1128 : memref<1000000x32xf32, #tpu.memory_space<hbm>>) target(%dma_start3A_1118 : memref<50x32xf32, #tpu.memory_space<vmem>>) offsets(%dma_start3A_1125 : memref<50xi32, #tpu.memory_space<vmem>>) semaphore(%dma_start3A_1130 : memref<!tpu.dma_semaphore, #tpu.memory_space<semaphore_mem>>)
        %dma_start3A_1131 = arith.constant 12 : i32
        %dma_start3A_1132 = arith.constant 12 : i32
        %dma_start3A_1133 = arith.constant 0 : i32
        %dma_start3A_1134 = arith.constant 0 : i32
        %dma_start3A_1135 = arith.constant 0 : i32
        %dma_start3A_1136 = tpu.memref_slice %arg6[%rem3A_851, %dma_start3A_1133, %dma_start3A_1134, %dma_start3A_1135] : memref<2x16x50x32xf32, #tpu.memory_space<vmem>> -> memref<1x16x50x32xf32, #tpu.memory_space<vmem>>
        %dma_start3A_1137 = tpu.memref_squeeze %dma_start3A_1136 : memref<1x16x50x32xf32, #tpu.memory_space<vmem>> -> memref<16x50x32xf32, #tpu.memory_space<vmem>>
        %dma_start3A_1138 = arith.constant 0 : i32
        %dma_start3A_1139 = arith.constant 0 : i32
        %dma_start3A_1140 = tpu.memref_slice %dma_start3A_1137[%dma_start3A_1132, %dma_start3A_1138, %dma_start3A_1139] : memref<16x50x32xf32, #tpu.memory_space<vmem>> -> memref<1x50x32xf32, #tpu.memory_space<vmem>>
        %dma_start3A_1141 = tpu.memref_squeeze %dma_start3A_1140 : memref<1x50x32xf32, #tpu.memory_space<vmem>> -> memref<50x32xf32, #tpu.memory_space<vmem>>
        %dma_start3A_1142 = arith.constant 0 : i32
        %dma_start3A_1143 = arith.constant 0 : i32
        %dma_start3A_1144 = tpu.memref_slice %arg5[%rem3A_851, %dma_start3A_1142, %dma_start3A_1143] : memref<2x16x50xi32, #tpu.memory_space<vmem>> -> memref<1x16x50xi32, #tpu.memory_space<vmem>>
        %dma_start3A_1145 = tpu.memref_squeeze %dma_start3A_1144 : memref<1x16x50xi32, #tpu.memory_space<vmem>> -> memref<16x50xi32, #tpu.memory_space<vmem>>
        %dma_start3A_1146 = arith.constant 0 : i32
        %dma_start3A_1147 = tpu.memref_slice %dma_start3A_1145[%dma_start3A_1131, %dma_start3A_1146] : memref<16x50xi32, #tpu.memory_space<vmem>> -> memref<1x50xi32, #tpu.memory_space<vmem>>
        %dma_start3A_1148 = tpu.memref_squeeze %dma_start3A_1147 : memref<1x50xi32, #tpu.memory_space<vmem>> -> memref<50xi32, #tpu.memory_space<vmem>>
        %dma_start3A_1149 = arith.constant 0 : i32
        %dma_start3A_1150 = arith.constant 0 : i32
        %dma_start3A_1151 = tpu.memref_slice %arg3[%dma_start3A_1149, %dma_start3A_1150] : memref<1000000x32xf32, #tpu.memory_space<hbm>> -> memref<1000000x32xf32, #tpu.memory_space<hbm>>
        %dma_start3A_1152 = tpu.memref_slice %arg8[%rem3A_851] : memref<2x!tpu.dma_semaphore, #tpu.memory_space<semaphore_mem>> -> memref<1x!tpu.dma_semaphore, #tpu.memory_space<semaphore_mem>>
        %dma_start3A_1153 = tpu.memref_squeeze %dma_start3A_1152 : memref<1x!tpu.dma_semaphore, #tpu.memory_space<semaphore_mem>> -> memref<!tpu.dma_semaphore, #tpu.memory_space<semaphore_mem>>
        tpu.enqueue_indirect_dma source(%dma_start3A_1151 : memref<1000000x32xf32, #tpu.memory_space<hbm>>) target(%dma_start3A_1141 : memref<50x32xf32, #tpu.memory_space<vmem>>) offsets(%dma_start3A_1148 : memref<50xi32, #tpu.memory_space<vmem>>) semaphore(%dma_start3A_1153 : memref<!tpu.dma_semaphore, #tpu.memory_space<semaphore_mem>>)
        %dma_start3A_1154 = arith.constant 13 : i32
        %dma_start3A_1155 = arith.constant 13 : i32
        %dma_start3A_1156 = arith.constant 0 : i32
        %dma_start3A_1157 = arith.constant 0 : i32
        %dma_start3A_1158 = arith.constant 0 : i32
        %dma_start3A_1159 = tpu.memref_slice %arg6[%rem3A_851, %dma_start3A_1156, %dma_start3A_1157, %dma_start3A_1158] : memref<2x16x50x32xf32, #tpu.memory_space<vmem>> -> memref<1x16x50x32xf32, #tpu.memory_space<vmem>>
        %dma_start3A_1160 = tpu.memref_squeeze %dma_start3A_1159 : memref<1x16x50x32xf32, #tpu.memory_space<vmem>> -> memref<16x50x32xf32, #tpu.memory_space<vmem>>
        %dma_start3A_1161 = arith.constant 0 : i32
        %dma_start3A_1162 = arith.constant 0 : i32
        %dma_start3A_1163 = tpu.memref_slice %dma_start3A_1160[%dma_start3A_1155, %dma_start3A_1161, %dma_start3A_1162] : memref<16x50x32xf32, #tpu.memory_space<vmem>> -> memref<1x50x32xf32, #tpu.memory_space<vmem>>
        %dma_start3A_1164 = tpu.memref_squeeze %dma_start3A_1163 : memref<1x50x32xf32, #tpu.memory_space<vmem>> -> memref<50x32xf32, #tpu.memory_space<vmem>>
        %dma_start3A_1165 = arith.constant 0 : i32
        %dma_start3A_1166 = arith.constant 0 : i32
        %dma_start3A_1167 = tpu.memref_slice %arg5[%rem3A_851, %dma_start3A_1165, %dma_start3A_1166] : memref<2x16x50xi32, #tpu.memory_space<vmem>> -> memref<1x16x50xi32, #tpu.memory_space<vmem>>
        %dma_start3A_1168 = tpu.memref_squeeze %dma_start3A_1167 : memref<1x16x50xi32, #tpu.memory_space<vmem>> -> memref<16x50xi32, #tpu.memory_space<vmem>>
        %dma_start3A_1169 = arith.constant 0 : i32
        %dma_start3A_1170 = tpu.memref_slice %dma_start3A_1168[%dma_start3A_1154, %dma_start3A_1169] : memref<16x50xi32, #tpu.memory_space<vmem>> -> memref<1x50xi32, #tpu.memory_space<vmem>>
        %dma_start3A_1171 = tpu.memref_squeeze %dma_start3A_1170 : memref<1x50xi32, #tpu.memory_space<vmem>> -> memref<50xi32, #tpu.memory_space<vmem>>
        %dma_start3A_1172 = arith.constant 0 : i32
        %dma_start3A_1173 = arith.constant 0 : i32
        %dma_start3A_1174 = tpu.memref_slice %arg3[%dma_start3A_1172, %dma_start3A_1173] : memref<1000000x32xf32, #tpu.memory_space<hbm>> -> memref<1000000x32xf32, #tpu.memory_space<hbm>>
        %dma_start3A_1175 = tpu.memref_slice %arg8[%rem3A_851] : memref<2x!tpu.dma_semaphore, #tpu.memory_space<semaphore_mem>> -> memref<1x!tpu.dma_semaphore, #tpu.memory_space<semaphore_mem>>
        %dma_start3A_1176 = tpu.memref_squeeze %dma_start3A_1175 : memref<1x!tpu.dma_semaphore, #tpu.memory_space<semaphore_mem>> -> memref<!tpu.dma_semaphore, #tpu.memory_space<semaphore_mem>>
        tpu.enqueue_indirect_dma source(%dma_start3A_1174 : memref<1000000x32xf32, #tpu.memory_space<hbm>>) target(%dma_start3A_1164 : memref<50x32xf32, #tpu.memory_space<vmem>>) offsets(%dma_start3A_1171 : memref<50xi32, #tpu.memory_space<vmem>>) semaphore(%dma_start3A_1176 : memref<!tpu.dma_semaphore, #tpu.memory_space<semaphore_mem>>)
        %dma_start3A_1177 = arith.constant 14 : i32
        %dma_start3A_1178 = arith.constant 14 : i32
        %dma_start3A_1179 = arith.constant 0 : i32
        %dma_start3A_1180 = arith.constant 0 : i32
        %dma_start3A_1181 = arith.constant 0 : i32
        %dma_start3A_1182 = tpu.memref_slice %arg6[%rem3A_851, %dma_start3A_1179, %dma_start3A_1180, %dma_start3A_1181] : memref<2x16x50x32xf32, #tpu.memory_space<vmem>> -> memref<1x16x50x32xf32, #tpu.memory_space<vmem>>
        %dma_start3A_1183 = tpu.memref_squeeze %dma_start3A_1182 : memref<1x16x50x32xf32, #tpu.memory_space<vmem>> -> memref<16x50x32xf32, #tpu.memory_space<vmem>>
        %dma_start3A_1184 = arith.constant 0 : i32
        %dma_start3A_1185 = arith.constant 0 : i32
        %dma_start3A_1186 = tpu.memref_slice %dma_start3A_1183[%dma_start3A_1178, %dma_start3A_1184, %dma_start3A_1185] : memref<16x50x32xf32, #tpu.memory_space<vmem>> -> memref<1x50x32xf32, #tpu.memory_space<vmem>>
        %dma_start3A_1187 = tpu.memref_squeeze %dma_start3A_1186 : memref<1x50x32xf32, #tpu.memory_space<vmem>> -> memref<50x32xf32, #tpu.memory_space<vmem>>
        %dma_start3A_1188 = arith.constant 0 : i32
        %dma_start3A_1189 = arith.constant 0 : i32
        %dma_start3A_1190 = tpu.memref_slice %arg5[%rem3A_851, %dma_start3A_1188, %dma_start3A_1189] : memref<2x16x50xi32, #tpu.memory_space<vmem>> -> memref<1x16x50xi32, #tpu.memory_space<vmem>>
        %dma_start3A_1191 = tpu.memref_squeeze %dma_start3A_1190 : memref<1x16x50xi32, #tpu.memory_space<vmem>> -> memref<16x50xi32, #tpu.memory_space<vmem>>
        %dma_start3A_1192 = arith.constant 0 : i32
        %dma_start3A_1193 = tpu.memref_slice %dma_start3A_1191[%dma_start3A_1177, %dma_start3A_1192] : memref<16x50xi32, #tpu.memory_space<vmem>> -> memref<1x50xi32, #tpu.memory_space<vmem>>
        %dma_start3A_1194 = tpu.memref_squeeze %dma_start3A_1193 : memref<1x50xi32, #tpu.memory_space<vmem>> -> memref<50xi32, #tpu.memory_space<vmem>>
        %dma_start3A_1195 = arith.constant 0 : i32
        %dma_start3A_1196 = arith.constant 0 : i32
        %dma_start3A_1197 = tpu.memref_slice %arg3[%dma_start3A_1195, %dma_start3A_1196] : memref<1000000x32xf32, #tpu.memory_space<hbm>> -> memref<1000000x32xf32, #tpu.memory_space<hbm>>
        %dma_start3A_1198 = tpu.memref_slice %arg8[%rem3A_851] : memref<2x!tpu.dma_semaphore, #tpu.memory_space<semaphore_mem>> -> memref<1x!tpu.dma_semaphore, #tpu.memory_space<semaphore_mem>>
        %dma_start3A_1199 = tpu.memref_squeeze %dma_start3A_1198 : memref<1x!tpu.dma_semaphore, #tpu.memory_space<semaphore_mem>> -> memref<!tpu.dma_semaphore, #tpu.memory_space<semaphore_mem>>
        tpu.enqueue_indirect_dma source(%dma_start3A_1197 : memref<1000000x32xf32, #tpu.memory_space<hbm>>) target(%dma_start3A_1187 : memref<50x32xf32, #tpu.memory_space<vmem>>) offsets(%dma_start3A_1194 : memref<50xi32, #tpu.memory_space<vmem>>) semaphore(%dma_start3A_1199 : memref<!tpu.dma_semaphore, #tpu.memory_space<semaphore_mem>>)
        %dma_start3A_1200 = arith.constant 15 : i32
        %dma_start3A_1201 = arith.constant 15 : i32
        %dma_start3A_1202 = arith.constant 0 : i32
        %dma_start3A_1203 = arith.constant 0 : i32
        %dma_start3A_1204 = arith.constant 0 : i32
        %dma_start3A_1205 = tpu.memref_slice %arg6[%rem3A_851, %dma_start3A_1202, %dma_start3A_1203, %dma_start3A_1204] : memref<2x16x50x32xf32, #tpu.memory_space<vmem>> -> memref<1x16x50x32xf32, #tpu.memory_space<vmem>>
        %dma_start3A_1206 = tpu.memref_squeeze %dma_start3A_1205 : memref<1x16x50x32xf32, #tpu.memory_space<vmem>> -> memref<16x50x32xf32, #tpu.memory_space<vmem>>
        %dma_start3A_1207 = arith.constant 0 : i32
        %dma_start3A_1208 = arith.constant 0 : i32
        %dma_start3A_1209 = tpu.memref_slice %dma_start3A_1206[%dma_start3A_1201, %dma_start3A_1207, %dma_start3A_1208] : memref<16x50x32xf32, #tpu.memory_space<vmem>> -> memref<1x50x32xf32, #tpu.memory_space<vmem>>
        %dma_start3A_1210 = tpu.memref_squeeze %dma_start3A_1209 : memref<1x50x32xf32, #tpu.memory_space<vmem>> -> memref<50x32xf32, #tpu.memory_space<vmem>>
        %dma_start3A_1211 = arith.constant 0 : i32
        %dma_start3A_1212 = arith.constant 0 : i32
        %dma_start3A_1213 = tpu.memref_slice %arg5[%rem3A_851, %dma_start3A_1211, %dma_start3A_1212] : memref<2x16x50xi32, #tpu.memory_space<vmem>> -> memref<1x16x50xi32, #tpu.memory_space<vmem>>
        %dma_start3A_1214 = tpu.memref_squeeze %dma_start3A_1213 : memref<1x16x50xi32, #tpu.memory_space<vmem>> -> memref<16x50xi32, #tpu.memory_space<vmem>>
        %dma_start3A_1215 = arith.constant 0 : i32
        %dma_start3A_1216 = tpu.memref_slice %dma_start3A_1214[%dma_start3A_1200, %dma_start3A_1215] : memref<16x50xi32, #tpu.memory_space<vmem>> -> memref<1x50xi32, #tpu.memory_space<vmem>>
        %dma_start3A_1217 = tpu.memref_squeeze %dma_start3A_1216 : memref<1x50xi32, #tpu.memory_space<vmem>> -> memref<50xi32, #tpu.memory_space<vmem>>
        %dma_start3A_1218 = arith.constant 0 : i32
        %dma_start3A_1219 = arith.constant 0 : i32
        %dma_start3A_1220 = tpu.memref_slice %arg3[%dma_start3A_1218, %dma_start3A_1219] : memref<1000000x32xf32, #tpu.memory_space<hbm>> -> memref<1000000x32xf32, #tpu.memory_space<hbm>>
        %dma_start3A_1221 = tpu.memref_slice %arg8[%rem3A_851] : memref<2x!tpu.dma_semaphore, #tpu.memory_space<semaphore_mem>> -> memref<1x!tpu.dma_semaphore, #tpu.memory_space<semaphore_mem>>
        %dma_start3A_1222 = tpu.memref_squeeze %dma_start3A_1221 : memref<1x!tpu.dma_semaphore, #tpu.memory_space<semaphore_mem>> -> memref<!tpu.dma_semaphore, #tpu.memory_space<semaphore_mem>>
        tpu.enqueue_indirect_dma source(%dma_start3A_1220 : memref<1000000x32xf32, #tpu.memory_space<hbm>>) target(%dma_start3A_1210 : memref<50x32xf32, #tpu.memory_space<vmem>>) offsets(%dma_start3A_1217 : memref<50xi32, #tpu.memory_space<vmem>>) semaphore(%dma_start3A_1222 : memref<!tpu.dma_semaphore, #tpu.memory_space<semaphore_mem>>)
      } else {
      }
      %dma_wait3A_448 = arith.constant 0 : i32
      %dma_wait3A_449 = arith.constant 0 : i32
      %dma_wait3A_450 = arith.constant 0 : i32
      %dma_wait3A_451 = arith.constant 0 : i32
      %dma_wait3A_452 = arith.constant 0 : i32
      %dma_wait3A_453 = tpu.memref_slice %arg6[%rem3A_440, %dma_wait3A_450, %dma_wait3A_451, %dma_wait3A_452] : memref<2x16x50x32xf32, #tpu.memory_space<vmem>> -> memref<1x16x50x32xf32, #tpu.memory_space<vmem>>
      %dma_wait3A_454 = tpu.memref_squeeze %dma_wait3A_453 : memref<1x16x50x32xf32, #tpu.memory_space<vmem>> -> memref<16x50x32xf32, #tpu.memory_space<vmem>>
      %dma_wait3A_455 = arith.constant 0 : i32
      %dma_wait3A_456 = arith.constant 0 : i32
      %dma_wait3A_457 = tpu.memref_slice %dma_wait3A_454[%dma_wait3A_449, %dma_wait3A_455, %dma_wait3A_456] : memref<16x50x32xf32, #tpu.memory_space<vmem>> -> memref<1x50x32xf32, #tpu.memory_space<vmem>>
      %dma_wait3A_458 = tpu.memref_squeeze %dma_wait3A_457 : memref<1x50x32xf32, #tpu.memory_space<vmem>> -> memref<50x32xf32, #tpu.memory_space<vmem>>
      %dma_wait3A_459 = arith.constant 0 : i32
      %dma_wait3A_460 = arith.constant 0 : i32
      %dma_wait3A_461 = tpu.memref_slice %arg5[%rem3A_440, %dma_wait3A_459, %dma_wait3A_460] : memref<2x16x50xi32, #tpu.memory_space<vmem>> -> memref<1x16x50xi32, #tpu.memory_space<vmem>>
      %dma_wait3A_462 = tpu.memref_squeeze %dma_wait3A_461 : memref<1x16x50xi32, #tpu.memory_space<vmem>> -> memref<16x50xi32, #tpu.memory_space<vmem>>
      %dma_wait3A_463 = arith.constant 0 : i32
      %dma_wait3A_464 = tpu.memref_slice %dma_wait3A_462[%dma_wait3A_448, %dma_wait3A_463] : memref<16x50xi32, #tpu.memory_space<vmem>> -> memref<1x50xi32, #tpu.memory_space<vmem>>
      %dma_wait3A_465 = tpu.memref_squeeze %dma_wait3A_464 : memref<1x50xi32, #tpu.memory_space<vmem>> -> memref<50xi32, #tpu.memory_space<vmem>>
      %dma_wait3A_466 = arith.constant 0 : i32
      %dma_wait3A_467 = arith.constant 0 : i32
      %dma_wait3A_468 = tpu.memref_slice %arg3[%dma_wait3A_466, %dma_wait3A_467] : memref<1000000x32xf32, #tpu.memory_space<hbm>> -> memref<1000000x32xf32, #tpu.memory_space<hbm>>
      %dma_wait3A_469 = tpu.memref_slice %arg8[%rem3A_440] : memref<2x!tpu.dma_semaphore, #tpu.memory_space<semaphore_mem>> -> memref<1x!tpu.dma_semaphore, #tpu.memory_space<semaphore_mem>>
      %dma_wait3A_470 = tpu.memref_squeeze %dma_wait3A_469 : memref<1x!tpu.dma_semaphore, #tpu.memory_space<semaphore_mem>> -> memref<!tpu.dma_semaphore, #tpu.memory_space<semaphore_mem>>
      tpu.wait_indirect_dma semaphore(%dma_wait3A_470 : memref<!tpu.dma_semaphore, #tpu.memory_space<semaphore_mem>>) src(%dma_wait3A_468 : memref<1000000x32xf32, #tpu.memory_space<hbm>>) dst(%dma_wait3A_458 : memref<50x32xf32, #tpu.memory_space<vmem>>)
      %dma_wait3A_471 = arith.constant 1 : i32
      %dma_wait3A_472 = arith.constant 1 : i32
      %dma_wait3A_473 = arith.constant 0 : i32
      %dma_wait3A_474 = arith.constant 0 : i32
      %dma_wait3A_475 = arith.constant 0 : i32
      %dma_wait3A_476 = tpu.memref_slice %arg6[%rem3A_440, %dma_wait3A_473, %dma_wait3A_474, %dma_wait3A_475] : memref<2x16x50x32xf32, #tpu.memory_space<vmem>> -> memref<1x16x50x32xf32, #tpu.memory_space<vmem>>
      %dma_wait3A_477 = tpu.memref_squeeze %dma_wait3A_476 : memref<1x16x50x32xf32, #tpu.memory_space<vmem>> -> memref<16x50x32xf32, #tpu.memory_space<vmem>>
      %dma_wait3A_478 = arith.constant 0 : i32
      %dma_wait3A_479 = arith.constant 0 : i32
      %dma_wait3A_480 = tpu.memref_slice %dma_wait3A_477[%dma_wait3A_472, %dma_wait3A_478, %dma_wait3A_479] : memref<16x50x32xf32, #tpu.memory_space<vmem>> -> memref<1x50x32xf32, #tpu.memory_space<vmem>>
      %dma_wait3A_481 = tpu.memref_squeeze %dma_wait3A_480 : memref<1x50x32xf32, #tpu.memory_space<vmem>> -> memref<50x32xf32, #tpu.memory_space<vmem>>
      %dma_wait3A_482 = arith.constant 0 : i32
      %dma_wait3A_483 = arith.constant 0 : i32
      %dma_wait3A_484 = tpu.memref_slice %arg5[%rem3A_440, %dma_wait3A_482, %dma_wait3A_483] : memref<2x16x50xi32, #tpu.memory_space<vmem>> -> memref<1x16x50xi32, #tpu.memory_space<vmem>>
      %dma_wait3A_485 = tpu.memref_squeeze %dma_wait3A_484 : memref<1x16x50xi32, #tpu.memory_space<vmem>> -> memref<16x50xi32, #tpu.memory_space<vmem>>
      %dma_wait3A_486 = arith.constant 0 : i32
      %dma_wait3A_487 = tpu.memref_slice %dma_wait3A_485[%dma_wait3A_471, %dma_wait3A_486] : memref<16x50xi32, #tpu.memory_space<vmem>> -> memref<1x50xi32, #tpu.memory_space<vmem>>
      %dma_wait3A_488 = tpu.memref_squeeze %dma_wait3A_487 : memref<1x50xi32, #tpu.memory_space<vmem>> -> memref<50xi32, #tpu.memory_space<vmem>>
      %dma_wait3A_489 = arith.constant 0 : i32
      %dma_wait3A_490 = arith.constant 0 : i32
      %dma_wait3A_491 = tpu.memref_slice %arg3[%dma_wait3A_489, %dma_wait3A_490] : memref<1000000x32xf32, #tpu.memory_space<hbm>> -> memref<1000000x32xf32, #tpu.memory_space<hbm>>
      %dma_wait3A_492 = tpu.memref_slice %arg8[%rem3A_440] : memref<2x!tpu.dma_semaphore, #tpu.memory_space<semaphore_mem>> -> memref<1x!tpu.dma_semaphore, #tpu.memory_space<semaphore_mem>>
      %dma_wait3A_493 = tpu.memref_squeeze %dma_wait3A_492 : memref<1x!tpu.dma_semaphore, #tpu.memory_space<semaphore_mem>> -> memref<!tpu.dma_semaphore, #tpu.memory_space<semaphore_mem>>
      tpu.wait_indirect_dma semaphore(%dma_wait3A_493 : memref<!tpu.dma_semaphore, #tpu.memory_space<semaphore_mem>>) src(%dma_wait3A_491 : memref<1000000x32xf32, #tpu.memory_space<hbm>>) dst(%dma_wait3A_481 : memref<50x32xf32, #tpu.memory_space<vmem>>)
      %dma_wait3A_494 = arith.constant 2 : i32
      %dma_wait3A_495 = arith.constant 2 : i32
      %dma_wait3A_496 = arith.constant 0 : i32
      %dma_wait3A_497 = arith.constant 0 : i32
      %dma_wait3A_498 = arith.constant 0 : i32
      %dma_wait3A_499 = tpu.memref_slice %arg6[%rem3A_440, %dma_wait3A_496, %dma_wait3A_497, %dma_wait3A_498] : memref<2x16x50x32xf32, #tpu.memory_space<vmem>> -> memref<1x16x50x32xf32, #tpu.memory_space<vmem>>
      %dma_wait3A_500 = tpu.memref_squeeze %dma_wait3A_499 : memref<1x16x50x32xf32, #tpu.memory_space<vmem>> -> memref<16x50x32xf32, #tpu.memory_space<vmem>>
      %dma_wait3A_501 = arith.constant 0 : i32
      %dma_wait3A_502 = arith.constant 0 : i32
      %dma_wait3A_503 = tpu.memref_slice %dma_wait3A_500[%dma_wait3A_495, %dma_wait3A_501, %dma_wait3A_502] : memref<16x50x32xf32, #tpu.memory_space<vmem>> -> memref<1x50x32xf32, #tpu.memory_space<vmem>>
      %dma_wait3A_504 = tpu.memref_squeeze %dma_wait3A_503 : memref<1x50x32xf32, #tpu.memory_space<vmem>> -> memref<50x32xf32, #tpu.memory_space<vmem>>
      %dma_wait3A_505 = arith.constant 0 : i32
      %dma_wait3A_506 = arith.constant 0 : i32
      %dma_wait3A_507 = tpu.memref_slice %arg5[%rem3A_440, %dma_wait3A_505, %dma_wait3A_506] : memref<2x16x50xi32, #tpu.memory_space<vmem>> -> memref<1x16x50xi32, #tpu.memory_space<vmem>>
      %dma_wait3A_508 = tpu.memref_squeeze %dma_wait3A_507 : memref<1x16x50xi32, #tpu.memory_space<vmem>> -> memref<16x50xi32, #tpu.memory_space<vmem>>
      %dma_wait3A_509 = arith.constant 0 : i32
      %dma_wait3A_510 = tpu.memref_slice %dma_wait3A_508[%dma_wait3A_494, %dma_wait3A_509] : memref<16x50xi32, #tpu.memory_space<vmem>> -> memref<1x50xi32, #tpu.memory_space<vmem>>
      %dma_wait3A_511 = tpu.memref_squeeze %dma_wait3A_510 : memref<1x50xi32, #tpu.memory_space<vmem>> -> memref<50xi32, #tpu.memory_space<vmem>>
      %dma_wait3A_512 = arith.constant 0 : i32
      %dma_wait3A_513 = arith.constant 0 : i32
      %dma_wait3A_514 = tpu.memref_slice %arg3[%dma_wait3A_512, %dma_wait3A_513] : memref<1000000x32xf32, #tpu.memory_space<hbm>> -> memref<1000000x32xf32, #tpu.memory_space<hbm>>
      %dma_wait3A_515 = tpu.memref_slice %arg8[%rem3A_440] : memref<2x!tpu.dma_semaphore, #tpu.memory_space<semaphore_mem>> -> memref<1x!tpu.dma_semaphore, #tpu.memory_space<semaphore_mem>>
      %dma_wait3A_516 = tpu.memref_squeeze %dma_wait3A_515 : memref<1x!tpu.dma_semaphore, #tpu.memory_space<semaphore_mem>> -> memref<!tpu.dma_semaphore, #tpu.memory_space<semaphore_mem>>
      tpu.wait_indirect_dma semaphore(%dma_wait3A_516 : memref<!tpu.dma_semaphore, #tpu.memory_space<semaphore_mem>>) src(%dma_wait3A_514 : memref<1000000x32xf32, #tpu.memory_space<hbm>>) dst(%dma_wait3A_504 : memref<50x32xf32, #tpu.memory_space<vmem>>)
      %dma_wait3A_517 = arith.constant 3 : i32
      %dma_wait3A_518 = arith.constant 3 : i32
      %dma_wait3A_519 = arith.constant 0 : i32
      %dma_wait3A_520 = arith.constant 0 : i32
      %dma_wait3A_521 = arith.constant 0 : i32
      %dma_wait3A_522 = tpu.memref_slice %arg6[%rem3A_440, %dma_wait3A_519, %dma_wait3A_520, %dma_wait3A_521] : memref<2x16x50x32xf32, #tpu.memory_space<vmem>> -> memref<1x16x50x32xf32, #tpu.memory_space<vmem>>
      %dma_wait3A_523 = tpu.memref_squeeze %dma_wait3A_522 : memref<1x16x50x32xf32, #tpu.memory_space<vmem>> -> memref<16x50x32xf32, #tpu.memory_space<vmem>>
      %dma_wait3A_524 = arith.constant 0 : i32
      %dma_wait3A_525 = arith.constant 0 : i32
      %dma_wait3A_526 = tpu.memref_slice %dma_wait3A_523[%dma_wait3A_518, %dma_wait3A_524, %dma_wait3A_525] : memref<16x50x32xf32, #tpu.memory_space<vmem>> -> memref<1x50x32xf32, #tpu.memory_space<vmem>>
      %dma_wait3A_527 = tpu.memref_squeeze %dma_wait3A_526 : memref<1x50x32xf32, #tpu.memory_space<vmem>> -> memref<50x32xf32, #tpu.memory_space<vmem>>
      %dma_wait3A_528 = arith.constant 0 : i32
      %dma_wait3A_529 = arith.constant 0 : i32
      %dma_wait3A_530 = tpu.memref_slice %arg5[%rem3A_440, %dma_wait3A_528, %dma_wait3A_529] : memref<2x16x50xi32, #tpu.memory_space<vmem>> -> memref<1x16x50xi32, #tpu.memory_space<vmem>>
      %dma_wait3A_531 = tpu.memref_squeeze %dma_wait3A_530 : memref<1x16x50xi32, #tpu.memory_space<vmem>> -> memref<16x50xi32, #tpu.memory_space<vmem>>
      %dma_wait3A_532 = arith.constant 0 : i32
      %dma_wait3A_533 = tpu.memref_slice %dma_wait3A_531[%dma_wait3A_517, %dma_wait3A_532] : memref<16x50xi32, #tpu.memory_space<vmem>> -> memref<1x50xi32, #tpu.memory_space<vmem>>
      %dma_wait3A_534 = tpu.memref_squeeze %dma_wait3A_533 : memref<1x50xi32, #tpu.memory_space<vmem>> -> memref<50xi32, #tpu.memory_space<vmem>>
      %dma_wait3A_535 = arith.constant 0 : i32
      %dma_wait3A_536 = arith.constant 0 : i32
      %dma_wait3A_537 = tpu.memref_slice %arg3[%dma_wait3A_535, %dma_wait3A_536] : memref<1000000x32xf32, #tpu.memory_space<hbm>> -> memref<1000000x32xf32, #tpu.memory_space<hbm>>
      %dma_wait3A_538 = tpu.memref_slice %arg8[%rem3A_440] : memref<2x!tpu.dma_semaphore, #tpu.memory_space<semaphore_mem>> -> memref<1x!tpu.dma_semaphore, #tpu.memory_space<semaphore_mem>>
      %dma_wait3A_539 = tpu.memref_squeeze %dma_wait3A_538 : memref<1x!tpu.dma_semaphore, #tpu.memory_space<semaphore_mem>> -> memref<!tpu.dma_semaphore, #tpu.memory_space<semaphore_mem>>
      tpu.wait_indirect_dma semaphore(%dma_wait3A_539 : memref<!tpu.dma_semaphore, #tpu.memory_space<semaphore_mem>>) src(%dma_wait3A_537 : memref<1000000x32xf32, #tpu.memory_space<hbm>>) dst(%dma_wait3A_527 : memref<50x32xf32, #tpu.memory_space<vmem>>)
      %dma_wait3A_540 = arith.constant 4 : i32
      %dma_wait3A_541 = arith.constant 4 : i32
      %dma_wait3A_542 = arith.constant 0 : i32
      %dma_wait3A_543 = arith.constant 0 : i32
      %dma_wait3A_544 = arith.constant 0 : i32
      %dma_wait3A_545 = tpu.memref_slice %arg6[%rem3A_440, %dma_wait3A_542, %dma_wait3A_543, %dma_wait3A_544] : memref<2x16x50x32xf32, #tpu.memory_space<vmem>> -> memref<1x16x50x32xf32, #tpu.memory_space<vmem>>
      %dma_wait3A_546 = tpu.memref_squeeze %dma_wait3A_545 : memref<1x16x50x32xf32, #tpu.memory_space<vmem>> -> memref<16x50x32xf32, #tpu.memory_space<vmem>>
      %dma_wait3A_547 = arith.constant 0 : i32
      %dma_wait3A_548 = arith.constant 0 : i32
      %dma_wait3A_549 = tpu.memref_slice %dma_wait3A_546[%dma_wait3A_541, %dma_wait3A_547, %dma_wait3A_548] : memref<16x50x32xf32, #tpu.memory_space<vmem>> -> memref<1x50x32xf32, #tpu.memory_space<vmem>>
      %dma_wait3A_550 = tpu.memref_squeeze %dma_wait3A_549 : memref<1x50x32xf32, #tpu.memory_space<vmem>> -> memref<50x32xf32, #tpu.memory_space<vmem>>
      %dma_wait3A_551 = arith.constant 0 : i32
      %dma_wait3A_552 = arith.constant 0 : i32
      %dma_wait3A_553 = tpu.memref_slice %arg5[%rem3A_440, %dma_wait3A_551, %dma_wait3A_552] : memref<2x16x50xi32, #tpu.memory_space<vmem>> -> memref<1x16x50xi32, #tpu.memory_space<vmem>>
      %dma_wait3A_554 = tpu.memref_squeeze %dma_wait3A_553 : memref<1x16x50xi32, #tpu.memory_space<vmem>> -> memref<16x50xi32, #tpu.memory_space<vmem>>
      %dma_wait3A_555 = arith.constant 0 : i32
      %dma_wait3A_556 = tpu.memref_slice %dma_wait3A_554[%dma_wait3A_540, %dma_wait3A_555] : memref<16x50xi32, #tpu.memory_space<vmem>> -> memref<1x50xi32, #tpu.memory_space<vmem>>
      %dma_wait3A_557 = tpu.memref_squeeze %dma_wait3A_556 : memref<1x50xi32, #tpu.memory_space<vmem>> -> memref<50xi32, #tpu.memory_space<vmem>>
      %dma_wait3A_558 = arith.constant 0 : i32
      %dma_wait3A_559 = arith.constant 0 : i32
      %dma_wait3A_560 = tpu.memref_slice %arg3[%dma_wait3A_558, %dma_wait3A_559] : memref<1000000x32xf32, #tpu.memory_space<hbm>> -> memref<1000000x32xf32, #tpu.memory_space<hbm>>
      %dma_wait3A_561 = tpu.memref_slice %arg8[%rem3A_440] : memref<2x!tpu.dma_semaphore, #tpu.memory_space<semaphore_mem>> -> memref<1x!tpu.dma_semaphore, #tpu.memory_space<semaphore_mem>>
      %dma_wait3A_562 = tpu.memref_squeeze %dma_wait3A_561 : memref<1x!tpu.dma_semaphore, #tpu.memory_space<semaphore_mem>> -> memref<!tpu.dma_semaphore, #tpu.memory_space<semaphore_mem>>
      tpu.wait_indirect_dma semaphore(%dma_wait3A_562 : memref<!tpu.dma_semaphore, #tpu.memory_space<semaphore_mem>>) src(%dma_wait3A_560 : memref<1000000x32xf32, #tpu.memory_space<hbm>>) dst(%dma_wait3A_550 : memref<50x32xf32, #tpu.memory_space<vmem>>)
      %dma_wait3A_563 = arith.constant 5 : i32
      %dma_wait3A_564 = arith.constant 5 : i32
      %dma_wait3A_565 = arith.constant 0 : i32
      %dma_wait3A_566 = arith.constant 0 : i32
      %dma_wait3A_567 = arith.constant 0 : i32
      %dma_wait3A_568 = tpu.memref_slice %arg6[%rem3A_440, %dma_wait3A_565, %dma_wait3A_566, %dma_wait3A_567] : memref<2x16x50x32xf32, #tpu.memory_space<vmem>> -> memref<1x16x50x32xf32, #tpu.memory_space<vmem>>
      %dma_wait3A_569 = tpu.memref_squeeze %dma_wait3A_568 : memref<1x16x50x32xf32, #tpu.memory_space<vmem>> -> memref<16x50x32xf32, #tpu.memory_space<vmem>>
      %dma_wait3A_570 = arith.constant 0 : i32
      %dma_wait3A_571 = arith.constant 0 : i32
      %dma_wait3A_572 = tpu.memref_slice %dma_wait3A_569[%dma_wait3A_564, %dma_wait3A_570, %dma_wait3A_571] : memref<16x50x32xf32, #tpu.memory_space<vmem>> -> memref<1x50x32xf32, #tpu.memory_space<vmem>>
      %dma_wait3A_573 = tpu.memref_squeeze %dma_wait3A_572 : memref<1x50x32xf32, #tpu.memory_space<vmem>> -> memref<50x32xf32, #tpu.memory_space<vmem>>
      %dma_wait3A_574 = arith.constant 0 : i32
      %dma_wait3A_575 = arith.constant 0 : i32
      %dma_wait3A_576 = tpu.memref_slice %arg5[%rem3A_440, %dma_wait3A_574, %dma_wait3A_575] : memref<2x16x50xi32, #tpu.memory_space<vmem>> -> memref<1x16x50xi32, #tpu.memory_space<vmem>>
      %dma_wait3A_577 = tpu.memref_squeeze %dma_wait3A_576 : memref<1x16x50xi32, #tpu.memory_space<vmem>> -> memref<16x50xi32, #tpu.memory_space<vmem>>
      %dma_wait3A_578 = arith.constant 0 : i32
      %dma_wait3A_579 = tpu.memref_slice %dma_wait3A_577[%dma_wait3A_563, %dma_wait3A_578] : memref<16x50xi32, #tpu.memory_space<vmem>> -> memref<1x50xi32, #tpu.memory_space<vmem>>
      %dma_wait3A_580 = tpu.memref_squeeze %dma_wait3A_579 : memref<1x50xi32, #tpu.memory_space<vmem>> -> memref<50xi32, #tpu.memory_space<vmem>>
      %dma_wait3A_581 = arith.constant 0 : i32
      %dma_wait3A_582 = arith.constant 0 : i32
      %dma_wait3A_583 = tpu.memref_slice %arg3[%dma_wait3A_581, %dma_wait3A_582] : memref<1000000x32xf32, #tpu.memory_space<hbm>> -> memref<1000000x32xf32, #tpu.memory_space<hbm>>
      %dma_wait3A_584 = tpu.memref_slice %arg8[%rem3A_440] : memref<2x!tpu.dma_semaphore, #tpu.memory_space<semaphore_mem>> -> memref<1x!tpu.dma_semaphore, #tpu.memory_space<semaphore_mem>>
      %dma_wait3A_585 = tpu.memref_squeeze %dma_wait3A_584 : memref<1x!tpu.dma_semaphore, #tpu.memory_space<semaphore_mem>> -> memref<!tpu.dma_semaphore, #tpu.memory_space<semaphore_mem>>
      tpu.wait_indirect_dma semaphore(%dma_wait3A_585 : memref<!tpu.dma_semaphore, #tpu.memory_space<semaphore_mem>>) src(%dma_wait3A_583 : memref<1000000x32xf32, #tpu.memory_space<hbm>>) dst(%dma_wait3A_573 : memref<50x32xf32, #tpu.memory_space<vmem>>)
      %dma_wait3A_586 = arith.constant 6 : i32
      %dma_wait3A_587 = arith.constant 6 : i32
      %dma_wait3A_588 = arith.constant 0 : i32
      %dma_wait3A_589 = arith.constant 0 : i32
      %dma_wait3A_590 = arith.constant 0 : i32
      %dma_wait3A_591 = tpu.memref_slice %arg6[%rem3A_440, %dma_wait3A_588, %dma_wait3A_589, %dma_wait3A_590] : memref<2x16x50x32xf32, #tpu.memory_space<vmem>> -> memref<1x16x50x32xf32, #tpu.memory_space<vmem>>
      %dma_wait3A_592 = tpu.memref_squeeze %dma_wait3A_591 : memref<1x16x50x32xf32, #tpu.memory_space<vmem>> -> memref<16x50x32xf32, #tpu.memory_space<vmem>>
      %dma_wait3A_593 = arith.constant 0 : i32
      %dma_wait3A_594 = arith.constant 0 : i32
      %dma_wait3A_595 = tpu.memref_slice %dma_wait3A_592[%dma_wait3A_587, %dma_wait3A_593, %dma_wait3A_594] : memref<16x50x32xf32, #tpu.memory_space<vmem>> -> memref<1x50x32xf32, #tpu.memory_space<vmem>>
      %dma_wait3A_596 = tpu.memref_squeeze %dma_wait3A_595 : memref<1x50x32xf32, #tpu.memory_space<vmem>> -> memref<50x32xf32, #tpu.memory_space<vmem>>
      %dma_wait3A_597 = arith.constant 0 : i32
      %dma_wait3A_598 = arith.constant 0 : i32
      %dma_wait3A_599 = tpu.memref_slice %arg5[%rem3A_440, %dma_wait3A_597, %dma_wait3A_598] : memref<2x16x50xi32, #tpu.memory_space<vmem>> -> memref<1x16x50xi32, #tpu.memory_space<vmem>>
      %dma_wait3A_600 = tpu.memref_squeeze %dma_wait3A_599 : memref<1x16x50xi32, #tpu.memory_space<vmem>> -> memref<16x50xi32, #tpu.memory_space<vmem>>
      %dma_wait3A_601 = arith.constant 0 : i32
      %dma_wait3A_602 = tpu.memref_slice %dma_wait3A_600[%dma_wait3A_586, %dma_wait3A_601] : memref<16x50xi32, #tpu.memory_space<vmem>> -> memref<1x50xi32, #tpu.memory_space<vmem>>
      %dma_wait3A_603 = tpu.memref_squeeze %dma_wait3A_602 : memref<1x50xi32, #tpu.memory_space<vmem>> -> memref<50xi32, #tpu.memory_space<vmem>>
      %dma_wait3A_604 = arith.constant 0 : i32
      %dma_wait3A_605 = arith.constant 0 : i32
      %dma_wait3A_606 = tpu.memref_slice %arg3[%dma_wait3A_604, %dma_wait3A_605] : memref<1000000x32xf32, #tpu.memory_space<hbm>> -> memref<1000000x32xf32, #tpu.memory_space<hbm>>
      %dma_wait3A_607 = tpu.memref_slice %arg8[%rem3A_440] : memref<2x!tpu.dma_semaphore, #tpu.memory_space<semaphore_mem>> -> memref<1x!tpu.dma_semaphore, #tpu.memory_space<semaphore_mem>>
      %dma_wait3A_608 = tpu.memref_squeeze %dma_wait3A_607 : memref<1x!tpu.dma_semaphore, #tpu.memory_space<semaphore_mem>> -> memref<!tpu.dma_semaphore, #tpu.memory_space<semaphore_mem>>
      tpu.wait_indirect_dma semaphore(%dma_wait3A_608 : memref<!tpu.dma_semaphore, #tpu.memory_space<semaphore_mem>>) src(%dma_wait3A_606 : memref<1000000x32xf32, #tpu.memory_space<hbm>>) dst(%dma_wait3A_596 : memref<50x32xf32, #tpu.memory_space<vmem>>)
      %dma_wait3A_609 = arith.constant 7 : i32
      %dma_wait3A_610 = arith.constant 7 : i32
      %dma_wait3A_611 = arith.constant 0 : i32
      %dma_wait3A_612 = arith.constant 0 : i32
      %dma_wait3A_613 = arith.constant 0 : i32
      %dma_wait3A_614 = tpu.memref_slice %arg6[%rem3A_440, %dma_wait3A_611, %dma_wait3A_612, %dma_wait3A_613] : memref<2x16x50x32xf32, #tpu.memory_space<vmem>> -> memref<1x16x50x32xf32, #tpu.memory_space<vmem>>
      %dma_wait3A_615 = tpu.memref_squeeze %dma_wait3A_614 : memref<1x16x50x32xf32, #tpu.memory_space<vmem>> -> memref<16x50x32xf32, #tpu.memory_space<vmem>>
      %dma_wait3A_616 = arith.constant 0 : i32
      %dma_wait3A_617 = arith.constant 0 : i32
      %dma_wait3A_618 = tpu.memref_slice %dma_wait3A_615[%dma_wait3A_610, %dma_wait3A_616, %dma_wait3A_617] : memref<16x50x32xf32, #tpu.memory_space<vmem>> -> memref<1x50x32xf32, #tpu.memory_space<vmem>>
      %dma_wait3A_619 = tpu.memref_squeeze %dma_wait3A_618 : memref<1x50x32xf32, #tpu.memory_space<vmem>> -> memref<50x32xf32, #tpu.memory_space<vmem>>
      %dma_wait3A_620 = arith.constant 0 : i32
      %dma_wait3A_621 = arith.constant 0 : i32
      %dma_wait3A_622 = tpu.memref_slice %arg5[%rem3A_440, %dma_wait3A_620, %dma_wait3A_621] : memref<2x16x50xi32, #tpu.memory_space<vmem>> -> memref<1x16x50xi32, #tpu.memory_space<vmem>>
      %dma_wait3A_623 = tpu.memref_squeeze %dma_wait3A_622 : memref<1x16x50xi32, #tpu.memory_space<vmem>> -> memref<16x50xi32, #tpu.memory_space<vmem>>
      %dma_wait3A_624 = arith.constant 0 : i32
      %dma_wait3A_625 = tpu.memref_slice %dma_wait3A_623[%dma_wait3A_609, %dma_wait3A_624] : memref<16x50xi32, #tpu.memory_space<vmem>> -> memref<1x50xi32, #tpu.memory_space<vmem>>
      %dma_wait3A_626 = tpu.memref_squeeze %dma_wait3A_625 : memref<1x50xi32, #tpu.memory_space<vmem>> -> memref<50xi32, #tpu.memory_space<vmem>>
      %dma_wait3A_627 = arith.constant 0 : i32
      %dma_wait3A_628 = arith.constant 0 : i32
      %dma_wait3A_629 = tpu.memref_slice %arg3[%dma_wait3A_627, %dma_wait3A_628] : memref<1000000x32xf32, #tpu.memory_space<hbm>> -> memref<1000000x32xf32, #tpu.memory_space<hbm>>
      %dma_wait3A_630 = tpu.memref_slice %arg8[%rem3A_440] : memref<2x!tpu.dma_semaphore, #tpu.memory_space<semaphore_mem>> -> memref<1x!tpu.dma_semaphore, #tpu.memory_space<semaphore_mem>>
      %dma_wait3A_631 = tpu.memref_squeeze %dma_wait3A_630 : memref<1x!tpu.dma_semaphore, #tpu.memory_space<semaphore_mem>> -> memref<!tpu.dma_semaphore, #tpu.memory_space<semaphore_mem>>
      tpu.wait_indirect_dma semaphore(%dma_wait3A_631 : memref<!tpu.dma_semaphore, #tpu.memory_space<semaphore_mem>>) src(%dma_wait3A_629 : memref<1000000x32xf32, #tpu.memory_space<hbm>>) dst(%dma_wait3A_619 : memref<50x32xf32, #tpu.memory_space<vmem>>)
      %dma_wait3A_632 = arith.constant 8 : i32
      %dma_wait3A_633 = arith.constant 8 : i32
      %dma_wait3A_634 = arith.constant 0 : i32
      %dma_wait3A_635 = arith.constant 0 : i32
      %dma_wait3A_636 = arith.constant 0 : i32
      %dma_wait3A_637 = tpu.memref_slice %arg6[%rem3A_440, %dma_wait3A_634, %dma_wait3A_635, %dma_wait3A_636] : memref<2x16x50x32xf32, #tpu.memory_space<vmem>> -> memref<1x16x50x32xf32, #tpu.memory_space<vmem>>
      %dma_wait3A_638 = tpu.memref_squeeze %dma_wait3A_637 : memref<1x16x50x32xf32, #tpu.memory_space<vmem>> -> memref<16x50x32xf32, #tpu.memory_space<vmem>>
      %dma_wait3A_639 = arith.constant 0 : i32
      %dma_wait3A_640 = arith.constant 0 : i32
      %dma_wait3A_641 = tpu.memref_slice %dma_wait3A_638[%dma_wait3A_633, %dma_wait3A_639, %dma_wait3A_640] : memref<16x50x32xf32, #tpu.memory_space<vmem>> -> memref<1x50x32xf32, #tpu.memory_space<vmem>>
      %dma_wait3A_642 = tpu.memref_squeeze %dma_wait3A_641 : memref<1x50x32xf32, #tpu.memory_space<vmem>> -> memref<50x32xf32, #tpu.memory_space<vmem>>
      %dma_wait3A_643 = arith.constant 0 : i32
      %dma_wait3A_644 = arith.constant 0 : i32
      %dma_wait3A_645 = tpu.memref_slice %arg5[%rem3A_440, %dma_wait3A_643, %dma_wait3A_644] : memref<2x16x50xi32, #tpu.memory_space<vmem>> -> memref<1x16x50xi32, #tpu.memory_space<vmem>>
      %dma_wait3A_646 = tpu.memref_squeeze %dma_wait3A_645 : memref<1x16x50xi32, #tpu.memory_space<vmem>> -> memref<16x50xi32, #tpu.memory_space<vmem>>
      %dma_wait3A_647 = arith.constant 0 : i32
      %dma_wait3A_648 = tpu.memref_slice %dma_wait3A_646[%dma_wait3A_632, %dma_wait3A_647] : memref<16x50xi32, #tpu.memory_space<vmem>> -> memref<1x50xi32, #tpu.memory_space<vmem>>
      %dma_wait3A_649 = tpu.memref_squeeze %dma_wait3A_648 : memref<1x50xi32, #tpu.memory_space<vmem>> -> memref<50xi32, #tpu.memory_space<vmem>>
      %dma_wait3A_650 = arith.constant 0 : i32
      %dma_wait3A_651 = arith.constant 0 : i32
      %dma_wait3A_652 = tpu.memref_slice %arg3[%dma_wait3A_650, %dma_wait3A_651] : memref<1000000x32xf32, #tpu.memory_space<hbm>> -> memref<1000000x32xf32, #tpu.memory_space<hbm>>
      %dma_wait3A_653 = tpu.memref_slice %arg8[%rem3A_440] : memref<2x!tpu.dma_semaphore, #tpu.memory_space<semaphore_mem>> -> memref<1x!tpu.dma_semaphore, #tpu.memory_space<semaphore_mem>>
      %dma_wait3A_654 = tpu.memref_squeeze %dma_wait3A_653 : memref<1x!tpu.dma_semaphore, #tpu.memory_space<semaphore_mem>> -> memref<!tpu.dma_semaphore, #tpu.memory_space<semaphore_mem>>
      tpu.wait_indirect_dma semaphore(%dma_wait3A_654 : memref<!tpu.dma_semaphore, #tpu.memory_space<semaphore_mem>>) src(%dma_wait3A_652 : memref<1000000x32xf32, #tpu.memory_space<hbm>>) dst(%dma_wait3A_642 : memref<50x32xf32, #tpu.memory_space<vmem>>)
      %dma_wait3A_655 = arith.constant 9 : i32
      %dma_wait3A_656 = arith.constant 9 : i32
      %dma_wait3A_657 = arith.constant 0 : i32
      %dma_wait3A_658 = arith.constant 0 : i32
      %dma_wait3A_659 = arith.constant 0 : i32
      %dma_wait3A_660 = tpu.memref_slice %arg6[%rem3A_440, %dma_wait3A_657, %dma_wait3A_658, %dma_wait3A_659] : memref<2x16x50x32xf32, #tpu.memory_space<vmem>> -> memref<1x16x50x32xf32, #tpu.memory_space<vmem>>
      %dma_wait3A_661 = tpu.memref_squeeze %dma_wait3A_660 : memref<1x16x50x32xf32, #tpu.memory_space<vmem>> -> memref<16x50x32xf32, #tpu.memory_space<vmem>>
      %dma_wait3A_662 = arith.constant 0 : i32
      %dma_wait3A_663 = arith.constant 0 : i32
      %dma_wait3A_664 = tpu.memref_slice %dma_wait3A_661[%dma_wait3A_656, %dma_wait3A_662, %dma_wait3A_663] : memref<16x50x32xf32, #tpu.memory_space<vmem>> -> memref<1x50x32xf32, #tpu.memory_space<vmem>>
      %dma_wait3A_665 = tpu.memref_squeeze %dma_wait3A_664 : memref<1x50x32xf32, #tpu.memory_space<vmem>> -> memref<50x32xf32, #tpu.memory_space<vmem>>
      %dma_wait3A_666 = arith.constant 0 : i32
      %dma_wait3A_667 = arith.constant 0 : i32
      %dma_wait3A_668 = tpu.memref_slice %arg5[%rem3A_440, %dma_wait3A_666, %dma_wait3A_667] : memref<2x16x50xi32, #tpu.memory_space<vmem>> -> memref<1x16x50xi32, #tpu.memory_space<vmem>>
      %dma_wait3A_669 = tpu.memref_squeeze %dma_wait3A_668 : memref<1x16x50xi32, #tpu.memory_space<vmem>> -> memref<16x50xi32, #tpu.memory_space<vmem>>
      %dma_wait3A_670 = arith.constant 0 : i32
      %dma_wait3A_671 = tpu.memref_slice %dma_wait3A_669[%dma_wait3A_655, %dma_wait3A_670] : memref<16x50xi32, #tpu.memory_space<vmem>> -> memref<1x50xi32, #tpu.memory_space<vmem>>
      %dma_wait3A_672 = tpu.memref_squeeze %dma_wait3A_671 : memref<1x50xi32, #tpu.memory_space<vmem>> -> memref<50xi32, #tpu.memory_space<vmem>>
      %dma_wait3A_673 = arith.constant 0 : i32
      %dma_wait3A_674 = arith.constant 0 : i32
      %dma_wait3A_675 = tpu.memref_slice %arg3[%dma_wait3A_673, %dma_wait3A_674] : memref<1000000x32xf32, #tpu.memory_space<hbm>> -> memref<1000000x32xf32, #tpu.memory_space<hbm>>
      %dma_wait3A_676 = tpu.memref_slice %arg8[%rem3A_440] : memref<2x!tpu.dma_semaphore, #tpu.memory_space<semaphore_mem>> -> memref<1x!tpu.dma_semaphore, #tpu.memory_space<semaphore_mem>>
      %dma_wait3A_677 = tpu.memref_squeeze %dma_wait3A_676 : memref<1x!tpu.dma_semaphore, #tpu.memory_space<semaphore_mem>> -> memref<!tpu.dma_semaphore, #tpu.memory_space<semaphore_mem>>
      tpu.wait_indirect_dma semaphore(%dma_wait3A_677 : memref<!tpu.dma_semaphore, #tpu.memory_space<semaphore_mem>>) src(%dma_wait3A_675 : memref<1000000x32xf32, #tpu.memory_space<hbm>>) dst(%dma_wait3A_665 : memref<50x32xf32, #tpu.memory_space<vmem>>)
      %dma_wait3A_678 = arith.constant 10 : i32
      %dma_wait3A_679 = arith.constant 10 : i32
      %dma_wait3A_680 = arith.constant 0 : i32
      %dma_wait3A_681 = arith.constant 0 : i32
      %dma_wait3A_682 = arith.constant 0 : i32
      %dma_wait3A_683 = tpu.memref_slice %arg6[%rem3A_440, %dma_wait3A_680, %dma_wait3A_681, %dma_wait3A_682] : memref<2x16x50x32xf32, #tpu.memory_space<vmem>> -> memref<1x16x50x32xf32, #tpu.memory_space<vmem>>
      %dma_wait3A_684 = tpu.memref_squeeze %dma_wait3A_683 : memref<1x16x50x32xf32, #tpu.memory_space<vmem>> -> memref<16x50x32xf32, #tpu.memory_space<vmem>>
      %dma_wait3A_685 = arith.constant 0 : i32
      %dma_wait3A_686 = arith.constant 0 : i32
      %dma_wait3A_687 = tpu.memref_slice %dma_wait3A_684[%dma_wait3A_679, %dma_wait3A_685, %dma_wait3A_686] : memref<16x50x32xf32, #tpu.memory_space<vmem>> -> memref<1x50x32xf32, #tpu.memory_space<vmem>>
      %dma_wait3A_688 = tpu.memref_squeeze %dma_wait3A_687 : memref<1x50x32xf32, #tpu.memory_space<vmem>> -> memref<50x32xf32, #tpu.memory_space<vmem>>
      %dma_wait3A_689 = arith.constant 0 : i32
      %dma_wait3A_690 = arith.constant 0 : i32
      %dma_wait3A_691 = tpu.memref_slice %arg5[%rem3A_440, %dma_wait3A_689, %dma_wait3A_690] : memref<2x16x50xi32, #tpu.memory_space<vmem>> -> memref<1x16x50xi32, #tpu.memory_space<vmem>>
      %dma_wait3A_692 = tpu.memref_squeeze %dma_wait3A_691 : memref<1x16x50xi32, #tpu.memory_space<vmem>> -> memref<16x50xi32, #tpu.memory_space<vmem>>
      %dma_wait3A_693 = arith.constant 0 : i32
      %dma_wait3A_694 = tpu.memref_slice %dma_wait3A_692[%dma_wait3A_678, %dma_wait3A_693] : memref<16x50xi32, #tpu.memory_space<vmem>> -> memref<1x50xi32, #tpu.memory_space<vmem>>
      %dma_wait3A_695 = tpu.memref_squeeze %dma_wait3A_694 : memref<1x50xi32, #tpu.memory_space<vmem>> -> memref<50xi32, #tpu.memory_space<vmem>>
      %dma_wait3A_696 = arith.constant 0 : i32
      %dma_wait3A_697 = arith.constant 0 : i32
      %dma_wait3A_698 = tpu.memref_slice %arg3[%dma_wait3A_696, %dma_wait3A_697] : memref<1000000x32xf32, #tpu.memory_space<hbm>> -> memref<1000000x32xf32, #tpu.memory_space<hbm>>
      %dma_wait3A_699 = tpu.memref_slice %arg8[%rem3A_440] : memref<2x!tpu.dma_semaphore, #tpu.memory_space<semaphore_mem>> -> memref<1x!tpu.dma_semaphore, #tpu.memory_space<semaphore_mem>>
      %dma_wait3A_700 = tpu.memref_squeeze %dma_wait3A_699 : memref<1x!tpu.dma_semaphore, #tpu.memory_space<semaphore_mem>> -> memref<!tpu.dma_semaphore, #tpu.memory_space<semaphore_mem>>
      tpu.wait_indirect_dma semaphore(%dma_wait3A_700 : memref<!tpu.dma_semaphore, #tpu.memory_space<semaphore_mem>>) src(%dma_wait3A_698 : memref<1000000x32xf32, #tpu.memory_space<hbm>>) dst(%dma_wait3A_688 : memref<50x32xf32, #tpu.memory_space<vmem>>)
      %dma_wait3A_701 = arith.constant 11 : i32
      %dma_wait3A_702 = arith.constant 11 : i32
      %dma_wait3A_703 = arith.constant 0 : i32
      %dma_wait3A_704 = arith.constant 0 : i32
      %dma_wait3A_705 = arith.constant 0 : i32
      %dma_wait3A_706 = tpu.memref_slice %arg6[%rem3A_440, %dma_wait3A_703, %dma_wait3A_704, %dma_wait3A_705] : memref<2x16x50x32xf32, #tpu.memory_space<vmem>> -> memref<1x16x50x32xf32, #tpu.memory_space<vmem>>
      %dma_wait3A_707 = tpu.memref_squeeze %dma_wait3A_706 : memref<1x16x50x32xf32, #tpu.memory_space<vmem>> -> memref<16x50x32xf32, #tpu.memory_space<vmem>>
      %dma_wait3A_708 = arith.constant 0 : i32
      %dma_wait3A_709 = arith.constant 0 : i32
      %dma_wait3A_710 = tpu.memref_slice %dma_wait3A_707[%dma_wait3A_702, %dma_wait3A_708, %dma_wait3A_709] : memref<16x50x32xf32, #tpu.memory_space<vmem>> -> memref<1x50x32xf32, #tpu.memory_space<vmem>>
      %dma_wait3A_711 = tpu.memref_squeeze %dma_wait3A_710 : memref<1x50x32xf32, #tpu.memory_space<vmem>> -> memref<50x32xf32, #tpu.memory_space<vmem>>
      %dma_wait3A_712 = arith.constant 0 : i32
      %dma_wait3A_713 = arith.constant 0 : i32
      %dma_wait3A_714 = tpu.memref_slice %arg5[%rem3A_440, %dma_wait3A_712, %dma_wait3A_713] : memref<2x16x50xi32, #tpu.memory_space<vmem>> -> memref<1x16x50xi32, #tpu.memory_space<vmem>>
      %dma_wait3A_715 = tpu.memref_squeeze %dma_wait3A_714 : memref<1x16x50xi32, #tpu.memory_space<vmem>> -> memref<16x50xi32, #tpu.memory_space<vmem>>
      %dma_wait3A_716 = arith.constant 0 : i32
      %dma_wait3A_717 = tpu.memref_slice %dma_wait3A_715[%dma_wait3A_701, %dma_wait3A_716] : memref<16x50xi32, #tpu.memory_space<vmem>> -> memref<1x50xi32, #tpu.memory_space<vmem>>
      %dma_wait3A_718 = tpu.memref_squeeze %dma_wait3A_717 : memref<1x50xi32, #tpu.memory_space<vmem>> -> memref<50xi32, #tpu.memory_space<vmem>>
      %dma_wait3A_719 = arith.constant 0 : i32
      %dma_wait3A_720 = arith.constant 0 : i32
      %dma_wait3A_721 = tpu.memref_slice %arg3[%dma_wait3A_719, %dma_wait3A_720] : memref<1000000x32xf32, #tpu.memory_space<hbm>> -> memref<1000000x32xf32, #tpu.memory_space<hbm>>
      %dma_wait3A_722 = tpu.memref_slice %arg8[%rem3A_440] : memref<2x!tpu.dma_semaphore, #tpu.memory_space<semaphore_mem>> -> memref<1x!tpu.dma_semaphore, #tpu.memory_space<semaphore_mem>>
      %dma_wait3A_723 = tpu.memref_squeeze %dma_wait3A_722 : memref<1x!tpu.dma_semaphore, #tpu.memory_space<semaphore_mem>> -> memref<!tpu.dma_semaphore, #tpu.memory_space<semaphore_mem>>
      tpu.wait_indirect_dma semaphore(%dma_wait3A_723 : memref<!tpu.dma_semaphore, #tpu.memory_space<semaphore_mem>>) src(%dma_wait3A_721 : memref<1000000x32xf32, #tpu.memory_space<hbm>>) dst(%dma_wait3A_711 : memref<50x32xf32, #tpu.memory_space<vmem>>)
      %dma_wait3A_724 = arith.constant 12 : i32
      %dma_wait3A_725 = arith.constant 12 : i32
      %dma_wait3A_726 = arith.constant 0 : i32
      %dma_wait3A_727 = arith.constant 0 : i32
      %dma_wait3A_728 = arith.constant 0 : i32
      %dma_wait3A_729 = tpu.memref_slice %arg6[%rem3A_440, %dma_wait3A_726, %dma_wait3A_727, %dma_wait3A_728] : memref<2x16x50x32xf32, #tpu.memory_space<vmem>> -> memref<1x16x50x32xf32, #tpu.memory_space<vmem>>
      %dma_wait3A_730 = tpu.memref_squeeze %dma_wait3A_729 : memref<1x16x50x32xf32, #tpu.memory_space<vmem>> -> memref<16x50x32xf32, #tpu.memory_space<vmem>>
      %dma_wait3A_731 = arith.constant 0 : i32
      %dma_wait3A_732 = arith.constant 0 : i32
      %dma_wait3A_733 = tpu.memref_slice %dma_wait3A_730[%dma_wait3A_725, %dma_wait3A_731, %dma_wait3A_732] : memref<16x50x32xf32, #tpu.memory_space<vmem>> -> memref<1x50x32xf32, #tpu.memory_space<vmem>>
      %dma_wait3A_734 = tpu.memref_squeeze %dma_wait3A_733 : memref<1x50x32xf32, #tpu.memory_space<vmem>> -> memref<50x32xf32, #tpu.memory_space<vmem>>
      %dma_wait3A_735 = arith.constant 0 : i32
      %dma_wait3A_736 = arith.constant 0 : i32
      %dma_wait3A_737 = tpu.memref_slice %arg5[%rem3A_440, %dma_wait3A_735, %dma_wait3A_736] : memref<2x16x50xi32, #tpu.memory_space<vmem>> -> memref<1x16x50xi32, #tpu.memory_space<vmem>>
      %dma_wait3A_738 = tpu.memref_squeeze %dma_wait3A_737 : memref<1x16x50xi32, #tpu.memory_space<vmem>> -> memref<16x50xi32, #tpu.memory_space<vmem>>
      %dma_wait3A_739 = arith.constant 0 : i32
      %dma_wait3A_740 = tpu.memref_slice %dma_wait3A_738[%dma_wait3A_724, %dma_wait3A_739] : memref<16x50xi32, #tpu.memory_space<vmem>> -> memref<1x50xi32, #tpu.memory_space<vmem>>
      %dma_wait3A_741 = tpu.memref_squeeze %dma_wait3A_740 : memref<1x50xi32, #tpu.memory_space<vmem>> -> memref<50xi32, #tpu.memory_space<vmem>>
      %dma_wait3A_742 = arith.constant 0 : i32
      %dma_wait3A_743 = arith.constant 0 : i32
      %dma_wait3A_744 = tpu.memref_slice %arg3[%dma_wait3A_742, %dma_wait3A_743] : memref<1000000x32xf32, #tpu.memory_space<hbm>> -> memref<1000000x32xf32, #tpu.memory_space<hbm>>
      %dma_wait3A_745 = tpu.memref_slice %arg8[%rem3A_440] : memref<2x!tpu.dma_semaphore, #tpu.memory_space<semaphore_mem>> -> memref<1x!tpu.dma_semaphore, #tpu.memory_space<semaphore_mem>>
      %dma_wait3A_746 = tpu.memref_squeeze %dma_wait3A_745 : memref<1x!tpu.dma_semaphore, #tpu.memory_space<semaphore_mem>> -> memref<!tpu.dma_semaphore, #tpu.memory_space<semaphore_mem>>
      tpu.wait_indirect_dma semaphore(%dma_wait3A_746 : memref<!tpu.dma_semaphore, #tpu.memory_space<semaphore_mem>>) src(%dma_wait3A_744 : memref<1000000x32xf32, #tpu.memory_space<hbm>>) dst(%dma_wait3A_734 : memref<50x32xf32, #tpu.memory_space<vmem>>)
      %dma_wait3A_747 = arith.constant 13 : i32
      %dma_wait3A_748 = arith.constant 13 : i32
      %dma_wait3A_749 = arith.constant 0 : i32
      %dma_wait3A_750 = arith.constant 0 : i32
      %dma_wait3A_751 = arith.constant 0 : i32
      %dma_wait3A_752 = tpu.memref_slice %arg6[%rem3A_440, %dma_wait3A_749, %dma_wait3A_750, %dma_wait3A_751] : memref<2x16x50x32xf32, #tpu.memory_space<vmem>> -> memref<1x16x50x32xf32, #tpu.memory_space<vmem>>
      %dma_wait3A_753 = tpu.memref_squeeze %dma_wait3A_752 : memref<1x16x50x32xf32, #tpu.memory_space<vmem>> -> memref<16x50x32xf32, #tpu.memory_space<vmem>>
      %dma_wait3A_754 = arith.constant 0 : i32
      %dma_wait3A_755 = arith.constant 0 : i32
      %dma_wait3A_756 = tpu.memref_slice %dma_wait3A_753[%dma_wait3A_748, %dma_wait3A_754, %dma_wait3A_755] : memref<16x50x32xf32, #tpu.memory_space<vmem>> -> memref<1x50x32xf32, #tpu.memory_space<vmem>>
      %dma_wait3A_757 = tpu.memref_squeeze %dma_wait3A_756 : memref<1x50x32xf32, #tpu.memory_space<vmem>> -> memref<50x32xf32, #tpu.memory_space<vmem>>
      %dma_wait3A_758 = arith.constant 0 : i32
      %dma_wait3A_759 = arith.constant 0 : i32
      %dma_wait3A_760 = tpu.memref_slice %arg5[%rem3A_440, %dma_wait3A_758, %dma_wait3A_759] : memref<2x16x50xi32, #tpu.memory_space<vmem>> -> memref<1x16x50xi32, #tpu.memory_space<vmem>>
      %dma_wait3A_761 = tpu.memref_squeeze %dma_wait3A_760 : memref<1x16x50xi32, #tpu.memory_space<vmem>> -> memref<16x50xi32, #tpu.memory_space<vmem>>
      %dma_wait3A_762 = arith.constant 0 : i32
      %dma_wait3A_763 = tpu.memref_slice %dma_wait3A_761[%dma_wait3A_747, %dma_wait3A_762] : memref<16x50xi32, #tpu.memory_space<vmem>> -> memref<1x50xi32, #tpu.memory_space<vmem>>
      %dma_wait3A_764 = tpu.memref_squeeze %dma_wait3A_763 : memref<1x50xi32, #tpu.memory_space<vmem>> -> memref<50xi32, #tpu.memory_space<vmem>>
      %dma_wait3A_765 = arith.constant 0 : i32
      %dma_wait3A_766 = arith.constant 0 : i32
      %dma_wait3A_767 = tpu.memref_slice %arg3[%dma_wait3A_765, %dma_wait3A_766] : memref<1000000x32xf32, #tpu.memory_space<hbm>> -> memref<1000000x32xf32, #tpu.memory_space<hbm>>
      %dma_wait3A_768 = tpu.memref_slice %arg8[%rem3A_440] : memref<2x!tpu.dma_semaphore, #tpu.memory_space<semaphore_mem>> -> memref<1x!tpu.dma_semaphore, #tpu.memory_space<semaphore_mem>>
      %dma_wait3A_769 = tpu.memref_squeeze %dma_wait3A_768 : memref<1x!tpu.dma_semaphore, #tpu.memory_space<semaphore_mem>> -> memref<!tpu.dma_semaphore, #tpu.memory_space<semaphore_mem>>
      tpu.wait_indirect_dma semaphore(%dma_wait3A_769 : memref<!tpu.dma_semaphore, #tpu.memory_space<semaphore_mem>>) src(%dma_wait3A_767 : memref<1000000x32xf32, #tpu.memory_space<hbm>>) dst(%dma_wait3A_757 : memref<50x32xf32, #tpu.memory_space<vmem>>)
      %dma_wait3A_770 = arith.constant 14 : i32
      %dma_wait3A_771 = arith.constant 14 : i32
      %dma_wait3A_772 = arith.constant 0 : i32
      %dma_wait3A_773 = arith.constant 0 : i32
      %dma_wait3A_774 = arith.constant 0 : i32
      %dma_wait3A_775 = tpu.memref_slice %arg6[%rem3A_440, %dma_wait3A_772, %dma_wait3A_773, %dma_wait3A_774] : memref<2x16x50x32xf32, #tpu.memory_space<vmem>> -> memref<1x16x50x32xf32, #tpu.memory_space<vmem>>
      %dma_wait3A_776 = tpu.memref_squeeze %dma_wait3A_775 : memref<1x16x50x32xf32, #tpu.memory_space<vmem>> -> memref<16x50x32xf32, #tpu.memory_space<vmem>>
      %dma_wait3A_777 = arith.constant 0 : i32
      %dma_wait3A_778 = arith.constant 0 : i32
      %dma_wait3A_779 = tpu.memref_slice %dma_wait3A_776[%dma_wait3A_771, %dma_wait3A_777, %dma_wait3A_778] : memref<16x50x32xf32, #tpu.memory_space<vmem>> -> memref<1x50x32xf32, #tpu.memory_space<vmem>>
      %dma_wait3A_780 = tpu.memref_squeeze %dma_wait3A_779 : memref<1x50x32xf32, #tpu.memory_space<vmem>> -> memref<50x32xf32, #tpu.memory_space<vmem>>
      %dma_wait3A_781 = arith.constant 0 : i32
      %dma_wait3A_782 = arith.constant 0 : i32
      %dma_wait3A_783 = tpu.memref_slice %arg5[%rem3A_440, %dma_wait3A_781, %dma_wait3A_782] : memref<2x16x50xi32, #tpu.memory_space<vmem>> -> memref<1x16x50xi32, #tpu.memory_space<vmem>>
      %dma_wait3A_784 = tpu.memref_squeeze %dma_wait3A_783 : memref<1x16x50xi32, #tpu.memory_space<vmem>> -> memref<16x50xi32, #tpu.memory_space<vmem>>
      %dma_wait3A_785 = arith.constant 0 : i32
      %dma_wait3A_786 = tpu.memref_slice %dma_wait3A_784[%dma_wait3A_770, %dma_wait3A_785] : memref<16x50xi32, #tpu.memory_space<vmem>> -> memref<1x50xi32, #tpu.memory_space<vmem>>
      %dma_wait3A_787 = tpu.memref_squeeze %dma_wait3A_786 : memref<1x50xi32, #tpu.memory_space<vmem>> -> memref<50xi32, #tpu.memory_space<vmem>>
      %dma_wait3A_788 = arith.constant 0 : i32
      %dma_wait3A_789 = arith.constant 0 : i32
      %dma_wait3A_790 = tpu.memref_slice %arg3[%dma_wait3A_788, %dma_wait3A_789] : memref<1000000x32xf32, #tpu.memory_space<hbm>> -> memref<1000000x32xf32, #tpu.memory_space<hbm>>
      %dma_wait3A_791 = tpu.memref_slice %arg8[%rem3A_440] : memref<2x!tpu.dma_semaphore, #tpu.memory_space<semaphore_mem>> -> memref<1x!tpu.dma_semaphore, #tpu.memory_space<semaphore_mem>>
      %dma_wait3A_792 = tpu.memref_squeeze %dma_wait3A_791 : memref<1x!tpu.dma_semaphore, #tpu.memory_space<semaphore_mem>> -> memref<!tpu.dma_semaphore, #tpu.memory_space<semaphore_mem>>
      tpu.wait_indirect_dma semaphore(%dma_wait3A_792 : memref<!tpu.dma_semaphore, #tpu.memory_space<semaphore_mem>>) src(%dma_wait3A_790 : memref<1000000x32xf32, #tpu.memory_space<hbm>>) dst(%dma_wait3A_780 : memref<50x32xf32, #tpu.memory_space<vmem>>)
      %dma_wait3A_793 = arith.constant 15 : i32
      %dma_wait3A_794 = arith.constant 15 : i32
      %dma_wait3A_795 = arith.constant 0 : i32
      %dma_wait3A_796 = arith.constant 0 : i32
      %dma_wait3A_797 = arith.constant 0 : i32
      %dma_wait3A_798 = tpu.memref_slice %arg6[%rem3A_440, %dma_wait3A_795, %dma_wait3A_796, %dma_wait3A_797] : memref<2x16x50x32xf32, #tpu.memory_space<vmem>> -> memref<1x16x50x32xf32, #tpu.memory_space<vmem>>
      %dma_wait3A_799 = tpu.memref_squeeze %dma_wait3A_798 : memref<1x16x50x32xf32, #tpu.memory_space<vmem>> -> memref<16x50x32xf32, #tpu.memory_space<vmem>>
      %dma_wait3A_800 = arith.constant 0 : i32
      %dma_wait3A_801 = arith.constant 0 : i32
      %dma_wait3A_802 = tpu.memref_slice %dma_wait3A_799[%dma_wait3A_794, %dma_wait3A_800, %dma_wait3A_801] : memref<16x50x32xf32, #tpu.memory_space<vmem>> -> memref<1x50x32xf32, #tpu.memory_space<vmem>>
      %dma_wait3A_803 = tpu.memref_squeeze %dma_wait3A_802 : memref<1x50x32xf32, #tpu.memory_space<vmem>> -> memref<50x32xf32, #tpu.memory_space<vmem>>
      %dma_wait3A_804 = arith.constant 0 : i32
      %dma_wait3A_805 = arith.constant 0 : i32
      %dma_wait3A_806 = tpu.memref_slice %arg5[%rem3A_440, %dma_wait3A_804, %dma_wait3A_805] : memref<2x16x50xi32, #tpu.memory_space<vmem>> -> memref<1x16x50xi32, #tpu.memory_space<vmem>>
      %dma_wait3A_807 = tpu.memref_squeeze %dma_wait3A_806 : memref<1x16x50xi32, #tpu.memory_space<vmem>> -> memref<16x50xi32, #tpu.memory_space<vmem>>
      %dma_wait3A_808 = arith.constant 0 : i32
      %dma_wait3A_809 = tpu.memref_slice %dma_wait3A_807[%dma_wait3A_793, %dma_wait3A_808] : memref<16x50xi32, #tpu.memory_space<vmem>> -> memref<1x50xi32, #tpu.memory_space<vmem>>
      %dma_wait3A_810 = tpu.memref_squeeze %dma_wait3A_809 : memref<1x50xi32, #tpu.memory_space<vmem>> -> memref<50xi32, #tpu.memory_space<vmem>>
      %dma_wait3A_811 = arith.constant 0 : i32
      %dma_wait3A_812 = arith.constant 0 : i32
      %dma_wait3A_813 = tpu.memref_slice %arg3[%dma_wait3A_811, %dma_wait3A_812] : memref<1000000x32xf32, #tpu.memory_space<hbm>> -> memref<1000000x32xf32, #tpu.memory_space<hbm>>
      %dma_wait3A_814 = tpu.memref_slice %arg8[%rem3A_440] : memref<2x!tpu.dma_semaphore, #tpu.memory_space<semaphore_mem>> -> memref<1x!tpu.dma_semaphore, #tpu.memory_space<semaphore_mem>>
      %dma_wait3A_815 = tpu.memref_squeeze %dma_wait3A_814 : memref<1x!tpu.dma_semaphore, #tpu.memory_space<semaphore_mem>> -> memref<!tpu.dma_semaphore, #tpu.memory_space<semaphore_mem>>
      tpu.wait_indirect_dma semaphore(%dma_wait3A_815 : memref<!tpu.dma_semaphore, #tpu.memory_space<semaphore_mem>>) src(%dma_wait3A_813 : memref<1000000x32xf32, #tpu.memory_space<hbm>>) dst(%dma_wait3A_803 : memref<50x32xf32, #tpu.memory_space<vmem>>)
      %ge3A = arith.constant 2 : i32
      %ge3A_816 = arith.cmpi sge, %scan3A_438, %ge3A : i32
      %convert_element_type3A_817 = arith.extui %ge3A_816 : i1 to i32
      %cond3A_818 = arith.constant 0 : i32
      %cond3A_819 = arith.cmpi ne, %convert_element_type3A_817, %cond3A_818 : i32
      scf.if %cond3A_819 {
        %dma_wait3A_848 = arith.constant 0 : i32
        %dma_wait3A_849 = arith.constant 0 : i32
        %dma_wait3A_850 = arith.constant 0 : i32
        %dma_wait3A_851 = tpu.memref_slice %arg7[%rem3A_440, %dma_wait3A_848, %dma_wait3A_849, %dma_wait3A_850] : memref<2x50x32x17xf32, #tpu.memory_space<vmem>> -> memref<1x50x32x17xf32, #tpu.memory_space<vmem>>
        %dma_wait3A_852 = tpu.memref_squeeze %dma_wait3A_851 : memref<1x50x32x17xf32, #tpu.memory_space<vmem>> -> memref<50x32x17xf32, #tpu.memory_space<vmem>>
        %dma_wait3A_853 = arith.constant 0 : i32
        %dma_wait3A_854 = arith.constant 0 : i32
        %dma_wait3A_855 = arith.constant 0 : i32
        %dma_wait3A_856 = tpu.memref_slice %dma_wait3A_852[%dma_wait3A_853, %dma_wait3A_854, %dma_wait3A_855] : memref<50x32x17xf32, #tpu.memory_space<vmem>> -> memref<50x32x16xf32, #tpu.memory_space<vmem>>
        %dma_wait3A_857 = arith.constant 0 : i32
        %dma_wait3A_858 = arith.constant 0 : i32
        %dma_wait3A_859 = arith.constant 0 : i32
        %dma_wait3A_860 = tpu.memref_slice %arg4[%dma_wait3A_857, %dma_wait3A_858, %dma_wait3A_859] : memref<50x32x16384xf32, #tpu.memory_space<hbm>> -> memref<50x32x16xf32, #tpu.memory_space<hbm>>
        %dma_wait3A_861 = tpu.memref_slice %arg9[%rem3A_440] : memref<2x!tpu.dma_semaphore, #tpu.memory_space<semaphore_mem>> -> memref<1x!tpu.dma_semaphore, #tpu.memory_space<semaphore_mem>>
        %dma_wait3A_862 = tpu.memref_squeeze %dma_wait3A_861 : memref<1x!tpu.dma_semaphore, #tpu.memory_space<semaphore_mem>> -> memref<!tpu.dma_semaphore, #tpu.memory_space<semaphore_mem>>
        %dma_wait3A_863 = arith.constant 0 : i32
        %dma_wait3A_864 = arith.constant 0 : i32
        %dma_wait3A_865 = arith.constant 0 : i32
        %dma_wait3A_866 = tpu.memref_slice %arg4[%dma_wait3A_863, %dma_wait3A_864, %dma_wait3A_865] : memref<50x32x16384xf32, #tpu.memory_space<hbm>> -> memref<50x32x16xf32, #tpu.memory_space<hbm>>
        %dma_wait3A_867 = arith.constant 0 : i32
        %dma_wait3A_868 = arith.constant 0 : i32
        %dma_wait3A_869 = arith.constant 0 : i32
        %dma_wait3A_870 = tpu.memref_slice %arg7[%rem3A_440, %dma_wait3A_867, %dma_wait3A_868, %dma_wait3A_869] : memref<2x50x32x17xf32, #tpu.memory_space<vmem>> -> memref<1x50x32x17xf32, #tpu.memory_space<vmem>>
        %dma_wait3A_871 = tpu.memref_squeeze %dma_wait3A_870 : memref<1x50x32x17xf32, #tpu.memory_space<vmem>> -> memref<50x32x17xf32, #tpu.memory_space<vmem>>
        %dma_wait3A_872 = arith.constant 0 : i32
        %dma_wait3A_873 = arith.constant 0 : i32
        %dma_wait3A_874 = arith.constant 0 : i32
        %dma_wait3A_875 = tpu.memref_slice %dma_wait3A_871[%dma_wait3A_872, %dma_wait3A_873, %dma_wait3A_874] : memref<50x32x17xf32, #tpu.memory_space<vmem>> -> memref<50x32x16xf32, #tpu.memory_space<vmem>>
        tpu.wait_dma2 semaphore(%dma_wait3A_862 : memref<!tpu.dma_semaphore, #tpu.memory_space<semaphore_mem>>) src(%dma_wait3A_875 : memref<50x32x16xf32, #tpu.memory_space<vmem>>) dst(%dma_wait3A_866 : memref<50x32x16xf32, #tpu.memory_space<hbm>>)
      } else {
      }
      %parallel_loop3A = arith.constant 0 : i32
      %parallel_loop3A_820 = arith.constant 50 : i32
      %parallel_loop3A_821 = arith.constant 1 : i32
      scf.for %parallel_loop3A_848 = %parallel_loop3A to %parallel_loop3A_820 step %parallel_loop3A_821  : i32 {
        %parallel_loop3A_849 = arith.constant 0 : i32
        %parallel_loop3A_850 = vector.broadcast %parallel_loop3A_849 : i32 to vector<16xi32>
        %parallel_loop3A_851 = vector.broadcast %parallel_loop3A_848 : i32 to vector<16xi32>
        %parallel_loop3A_852 = arith.addi %parallel_loop3A_850, %parallel_loop3A_851 : vector<16xi32>
        %parallel_loop3A_853 = arith.constant 0 : i32
        %parallel_loop3A_854 = vector.broadcast %parallel_loop3A_853 : i32 to vector<16xi32>
        %parallel_loop3A_855 = arith.constant 0 : i32
        %parallel_loop3A_856 = arith.index_cast %rem3A_440 : i32 to index
        %parallel_loop3A_857 = arith.index_cast %parallel_loop3A_855 : i32 to index
        %parallel_loop3A_858 = arith.index_cast %parallel_loop3A_848 : i32 to index
        %parallel_loop3A_859 = arith.constant 0 : index
        %parallel_loop3A_860 = tpu.vector_load %arg6[%parallel_loop3A_856, %parallel_loop3A_857, %parallel_loop3A_858, %parallel_loop3A_859] {strides = array<i32>} : memref<2x16x50x32xf32, #tpu.memory_space<vmem>>, vector<16xf32>,
        %parallel_loop3A_861 = arith.constant 0 : i32
        %parallel_loop3A_862 = vector.broadcast %parallel_loop3A_861 : i32 to vector<16xi32>
        %parallel_loop3A_863 = arith.addi %iota3A, %parallel_loop3A_862 : vector<16xi32>
        %parallel_loop3A_864 = arith.constant 0 : i32
        %parallel_loop3A_865 = arith.constant 0 : i32
        %parallel_loop3A_866 = arith.constant 0 : i32
        %parallel_loop3A_867 = tpu.memref_slice %arg7[%rem3A_440, %parallel_loop3A_864, %parallel_loop3A_865, %parallel_loop3A_866] : memref<2x50x32x17xf32, #tpu.memory_space<vmem>> -> memref<1x50x32x17xf32, #tpu.memory_space<vmem>>
        %parallel_loop3A_868 = tpu.memref_squeeze %parallel_loop3A_867 : memref<1x50x32x17xf32, #tpu.memory_space<vmem>> -> memref<50x32x17xf32, #tpu.memory_space<vmem>>
        tpu.vector_store_idx %parallel_loop3A_868[%parallel_loop3A_852, %parallel_loop3A_863, %parallel_loop3A_854], %parallel_loop3A_860 : memref<50x32x17xf32, #tpu.memory_space<vmem>>[vector<16xi32>, vector<16xi32>, vector<16xi32>], vector<16xf32>,
        %parallel_loop3A_869 = arith.constant 0 : i32
        %parallel_loop3A_870 = arith.index_cast %rem3A_440 : i32 to index
        %parallel_loop3A_871 = arith.index_cast %parallel_loop3A_869 : i32 to index
        %parallel_loop3A_872 = arith.index_cast %parallel_loop3A_848 : i32 to index
        %parallel_loop3A_873 = arith.constant 16 : index
        %parallel_loop3A_874 = tpu.vector_load %arg6[%parallel_loop3A_870, %parallel_loop3A_871, %parallel_loop3A_872, %parallel_loop3A_873] {strides = array<i32>} : memref<2x16x50x32xf32, #tpu.memory_space<vmem>>, vector<16xf32>,
        %parallel_loop3A_875 = arith.constant 16 : i32
        %parallel_loop3A_876 = vector.broadcast %parallel_loop3A_875 : i32 to vector<16xi32>
        %parallel_loop3A_877 = arith.addi %iota3A, %parallel_loop3A_876 : vector<16xi32>
        %parallel_loop3A_878 = arith.constant 0 : i32
        %parallel_loop3A_879 = arith.constant 0 : i32
        %parallel_loop3A_880 = arith.constant 0 : i32
        %parallel_loop3A_881 = tpu.memref_slice %arg7[%rem3A_440, %parallel_loop3A_878, %parallel_loop3A_879, %parallel_loop3A_880] : memref<2x50x32x17xf32, #tpu.memory_space<vmem>> -> memref<1x50x32x17xf32, #tpu.memory_space<vmem>>
        %parallel_loop3A_882 = tpu.memref_squeeze %parallel_loop3A_881 : memref<1x50x32x17xf32, #tpu.memory_space<vmem>> -> memref<50x32x17xf32, #tpu.memory_space<vmem>>
        tpu.vector_store_idx %parallel_loop3A_882[%parallel_loop3A_852, %parallel_loop3A_877, %parallel_loop3A_854], %parallel_loop3A_874 : memref<50x32x17xf32, #tpu.memory_space<vmem>>[vector<16xi32>, vector<16xi32>, vector<16xi32>], vector<16xf32>,
        %parallel_loop3A_883 = arith.constant 1 : i32
        %parallel_loop3A_884 = vector.broadcast %parallel_loop3A_883 : i32 to vector<16xi32>
        %parallel_loop3A_885 = arith.constant 1 : i32
        %parallel_loop3A_886 = arith.index_cast %rem3A_440 : i32 to index
        %parallel_loop3A_887 = arith.index_cast %parallel_loop3A_885 : i32 to index
        %parallel_loop3A_888 = arith.index_cast %parallel_loop3A_848 : i32 to index
        %parallel_loop3A_889 = arith.constant 0 : index
        %parallel_loop3A_890 = tpu.vector_load %arg6[%parallel_loop3A_886, %parallel_loop3A_887, %parallel_loop3A_888, %parallel_loop3A_889] {strides = array<i32>} : memref<2x16x50x32xf32, #tpu.memory_space<vmem>>, vector<16xf32>,
        %parallel_loop3A_891 = arith.constant 0 : i32
        %parallel_loop3A_892 = vector.broadcast %parallel_loop3A_891 : i32 to vector<16xi32>
        %parallel_loop3A_893 = arith.addi %iota3A, %parallel_loop3A_892 : vector<16xi32>
        %parallel_loop3A_894 = arith.constant 0 : i32
        %parallel_loop3A_895 = arith.constant 0 : i32
        %parallel_loop3A_896 = arith.constant 0 : i32
        %parallel_loop3A_897 = tpu.memref_slice %arg7[%rem3A_440, %parallel_loop3A_894, %parallel_loop3A_895, %parallel_loop3A_896] : memref<2x50x32x17xf32, #tpu.memory_space<vmem>> -> memref<1x50x32x17xf32, #tpu.memory_space<vmem>>
        %parallel_loop3A_898 = tpu.memref_squeeze %parallel_loop3A_897 : memref<1x50x32x17xf32, #tpu.memory_space<vmem>> -> memref<50x32x17xf32, #tpu.memory_space<vmem>>
        tpu.vector_store_idx %parallel_loop3A_898[%parallel_loop3A_852, %parallel_loop3A_893, %parallel_loop3A_884], %parallel_loop3A_890 : memref<50x32x17xf32, #tpu.memory_space<vmem>>[vector<16xi32>, vector<16xi32>, vector<16xi32>], vector<16xf32>,
        %parallel_loop3A_899 = arith.constant 1 : i32
        %parallel_loop3A_900 = arith.index_cast %rem3A_440 : i32 to index
        %parallel_loop3A_901 = arith.index_cast %parallel_loop3A_899 : i32 to index
        %parallel_loop3A_902 = arith.index_cast %parallel_loop3A_848 : i32 to index
        %parallel_loop3A_903 = arith.constant 16 : index
        %parallel_loop3A_904 = tpu.vector_load %arg6[%parallel_loop3A_900, %parallel_loop3A_901, %parallel_loop3A_902, %parallel_loop3A_903] {strides = array<i32>} : memref<2x16x50x32xf32, #tpu.memory_space<vmem>>, vector<16xf32>,
        %parallel_loop3A_905 = arith.constant 16 : i32
        %parallel_loop3A_906 = vector.broadcast %parallel_loop3A_905 : i32 to vector<16xi32>
        %parallel_loop3A_907 = arith.addi %iota3A, %parallel_loop3A_906 : vector<16xi32>
        %parallel_loop3A_908 = arith.constant 0 : i32
        %parallel_loop3A_909 = arith.constant 0 : i32
        %parallel_loop3A_910 = arith.constant 0 : i32
        %parallel_loop3A_911 = tpu.memref_slice %arg7[%rem3A_440, %parallel_loop3A_908, %parallel_loop3A_909, %parallel_loop3A_910] : memref<2x50x32x17xf32, #tpu.memory_space<vmem>> -> memref<1x50x32x17xf32, #tpu.memory_space<vmem>>
        %parallel_loop3A_912 = tpu.memref_squeeze %parallel_loop3A_911 : memref<1x50x32x17xf32, #tpu.memory_space<vmem>> -> memref<50x32x17xf32, #tpu.memory_space<vmem>>
        tpu.vector_store_idx %parallel_loop3A_912[%parallel_loop3A_852, %parallel_loop3A_907, %parallel_loop3A_884], %parallel_loop3A_904 : memref<50x32x17xf32, #tpu.memory_space<vmem>>[vector<16xi32>, vector<16xi32>, vector<16xi32>], vector<16xf32>,
        %parallel_loop3A_913 = arith.constant 2 : i32
        %parallel_loop3A_914 = vector.broadcast %parallel_loop3A_913 : i32 to vector<16xi32>
        %parallel_loop3A_915 = arith.constant 2 : i32
        %parallel_loop3A_916 = arith.index_cast %rem3A_440 : i32 to index
        %parallel_loop3A_917 = arith.index_cast %parallel_loop3A_915 : i32 to index
        %parallel_loop3A_918 = arith.index_cast %parallel_loop3A_848 : i32 to index
        %parallel_loop3A_919 = arith.constant 0 : index
        %parallel_loop3A_920 = tpu.vector_load %arg6[%parallel_loop3A_916, %parallel_loop3A_917, %parallel_loop3A_918, %parallel_loop3A_919] {strides = array<i32>} : memref<2x16x50x32xf32, #tpu.memory_space<vmem>>, vector<16xf32>,
        %parallel_loop3A_921 = arith.constant 0 : i32
        %parallel_loop3A_922 = vector.broadcast %parallel_loop3A_921 : i32 to vector<16xi32>
        %parallel_loop3A_923 = arith.addi %iota3A, %parallel_loop3A_922 : vector<16xi32>
        %parallel_loop3A_924 = arith.constant 0 : i32
        %parallel_loop3A_925 = arith.constant 0 : i32
        %parallel_loop3A_926 = arith.constant 0 : i32
        %parallel_loop3A_927 = tpu.memref_slice %arg7[%rem3A_440, %parallel_loop3A_924, %parallel_loop3A_925, %parallel_loop3A_926] : memref<2x50x32x17xf32, #tpu.memory_space<vmem>> -> memref<1x50x32x17xf32, #tpu.memory_space<vmem>>
        %parallel_loop3A_928 = tpu.memref_squeeze %parallel_loop3A_927 : memref<1x50x32x17xf32, #tpu.memory_space<vmem>> -> memref<50x32x17xf32, #tpu.memory_space<vmem>>
        tpu.vector_store_idx %parallel_loop3A_928[%parallel_loop3A_852, %parallel_loop3A_923, %parallel_loop3A_914], %parallel_loop3A_920 : memref<50x32x17xf32, #tpu.memory_space<vmem>>[vector<16xi32>, vector<16xi32>, vector<16xi32>], vector<16xf32>,
        %parallel_loop3A_929 = arith.constant 2 : i32
        %parallel_loop3A_930 = arith.index_cast %rem3A_440 : i32 to index
        %parallel_loop3A_931 = arith.index_cast %parallel_loop3A_929 : i32 to index
        %parallel_loop3A_932 = arith.index_cast %parallel_loop3A_848 : i32 to index
        %parallel_loop3A_933 = arith.constant 16 : index
        %parallel_loop3A_934 = tpu.vector_load %arg6[%parallel_loop3A_930, %parallel_loop3A_931, %parallel_loop3A_932, %parallel_loop3A_933] {strides = array<i32>} : memref<2x16x50x32xf32, #tpu.memory_space<vmem>>, vector<16xf32>,
        %parallel_loop3A_935 = arith.constant 16 : i32
        %parallel_loop3A_936 = vector.broadcast %parallel_loop3A_935 : i32 to vector<16xi32>
        %parallel_loop3A_937 = arith.addi %iota3A, %parallel_loop3A_936 : vector<16xi32>
        %parallel_loop3A_938 = arith.constant 0 : i32
        %parallel_loop3A_939 = arith.constant 0 : i32
        %parallel_loop3A_940 = arith.constant 0 : i32
        %parallel_loop3A_941 = tpu.memref_slice %arg7[%rem3A_440, %parallel_loop3A_938, %parallel_loop3A_939, %parallel_loop3A_940] : memref<2x50x32x17xf32, #tpu.memory_space<vmem>> -> memref<1x50x32x17xf32, #tpu.memory_space<vmem>>
        %parallel_loop3A_942 = tpu.memref_squeeze %parallel_loop3A_941 : memref<1x50x32x17xf32, #tpu.memory_space<vmem>> -> memref<50x32x17xf32, #tpu.memory_space<vmem>>
        tpu.vector_store_idx %parallel_loop3A_942[%parallel_loop3A_852, %parallel_loop3A_937, %parallel_loop3A_914], %parallel_loop3A_934 : memref<50x32x17xf32, #tpu.memory_space<vmem>>[vector<16xi32>, vector<16xi32>, vector<16xi32>], vector<16xf32>,
        %parallel_loop3A_943 = arith.constant 3 : i32
        %parallel_loop3A_944 = vector.broadcast %parallel_loop3A_943 : i32 to vector<16xi32>
        %parallel_loop3A_945 = arith.constant 3 : i32
        %parallel_loop3A_946 = arith.index_cast %rem3A_440 : i32 to index
        %parallel_loop3A_947 = arith.index_cast %parallel_loop3A_945 : i32 to index
        %parallel_loop3A_948 = arith.index_cast %parallel_loop3A_848 : i32 to index
        %parallel_loop3A_949 = arith.constant 0 : index
        %parallel_loop3A_950 = tpu.vector_load %arg6[%parallel_loop3A_946, %parallel_loop3A_947, %parallel_loop3A_948, %parallel_loop3A_949] {strides = array<i32>} : memref<2x16x50x32xf32, #tpu.memory_space<vmem>>, vector<16xf32>,
        %parallel_loop3A_951 = arith.constant 0 : i32
        %parallel_loop3A_952 = vector.broadcast %parallel_loop3A_951 : i32 to vector<16xi32>
        %parallel_loop3A_953 = arith.addi %iota3A, %parallel_loop3A_952 : vector<16xi32>
        %parallel_loop3A_954 = arith.constant 0 : i32
        %parallel_loop3A_955 = arith.constant 0 : i32
        %parallel_loop3A_956 = arith.constant 0 : i32
        %parallel_loop3A_957 = tpu.memref_slice %arg7[%rem3A_440, %parallel_loop3A_954, %parallel_loop3A_955, %parallel_loop3A_956] : memref<2x50x32x17xf32, #tpu.memory_space<vmem>> -> memref<1x50x32x17xf32, #tpu.memory_space<vmem>>
        %parallel_loop3A_958 = tpu.memref_squeeze %parallel_loop3A_957 : memref<1x50x32x17xf32, #tpu.memory_space<vmem>> -> memref<50x32x17xf32, #tpu.memory_space<vmem>>
        tpu.vector_store_idx %parallel_loop3A_958[%parallel_loop3A_852, %parallel_loop3A_953, %parallel_loop3A_944], %parallel_loop3A_950 : memref<50x32x17xf32, #tpu.memory_space<vmem>>[vector<16xi32>, vector<16xi32>, vector<16xi32>], vector<16xf32>,
        %parallel_loop3A_959 = arith.constant 3 : i32
        %parallel_loop3A_960 = arith.index_cast %rem3A_440 : i32 to index
        %parallel_loop3A_961 = arith.index_cast %parallel_loop3A_959 : i32 to index
        %parallel_loop3A_962 = arith.index_cast %parallel_loop3A_848 : i32 to index
        %parallel_loop3A_963 = arith.constant 16 : index
        %parallel_loop3A_964 = tpu.vector_load %arg6[%parallel_loop3A_960, %parallel_loop3A_961, %parallel_loop3A_962, %parallel_loop3A_963] {strides = array<i32>} : memref<2x16x50x32xf32, #tpu.memory_space<vmem>>, vector<16xf32>,
        %parallel_loop3A_965 = arith.constant 16 : i32
        %parallel_loop3A_966 = vector.broadcast %parallel_loop3A_965 : i32 to vector<16xi32>
        %parallel_loop3A_967 = arith.addi %iota3A, %parallel_loop3A_966 : vector<16xi32>
        %parallel_loop3A_968 = arith.constant 0 : i32
        %parallel_loop3A_969 = arith.constant 0 : i32
        %parallel_loop3A_970 = arith.constant 0 : i32
        %parallel_loop3A_971 = tpu.memref_slice %arg7[%rem3A_440, %parallel_loop3A_968, %parallel_loop3A_969, %parallel_loop3A_970] : memref<2x50x32x17xf32, #tpu.memory_space<vmem>> -> memref<1x50x32x17xf32, #tpu.memory_space<vmem>>
        %parallel_loop3A_972 = tpu.memref_squeeze %parallel_loop3A_971 : memref<1x50x32x17xf32, #tpu.memory_space<vmem>> -> memref<50x32x17xf32, #tpu.memory_space<vmem>>
        tpu.vector_store_idx %parallel_loop3A_972[%parallel_loop3A_852, %parallel_loop3A_967, %parallel_loop3A_944], %parallel_loop3A_964 : memref<50x32x17xf32, #tpu.memory_space<vmem>>[vector<16xi32>, vector<16xi32>, vector<16xi32>], vector<16xf32>,
        %parallel_loop3A_973 = arith.constant 4 : i32
        %parallel_loop3A_974 = vector.broadcast %parallel_loop3A_973 : i32 to vector<16xi32>
        %parallel_loop3A_975 = arith.constant 4 : i32
        %parallel_loop3A_976 = arith.index_cast %rem3A_440 : i32 to index
        %parallel_loop3A_977 = arith.index_cast %parallel_loop3A_975 : i32 to index
        %parallel_loop3A_978 = arith.index_cast %parallel_loop3A_848 : i32 to index
        %parallel_loop3A_979 = arith.constant 0 : index
        %parallel_loop3A_980 = tpu.vector_load %arg6[%parallel_loop3A_976, %parallel_loop3A_977, %parallel_loop3A_978, %parallel_loop3A_979] {strides = array<i32>} : memref<2x16x50x32xf32, #tpu.memory_space<vmem>>, vector<16xf32>,
        %parallel_loop3A_981 = arith.constant 0 : i32
        %parallel_loop3A_982 = vector.broadcast %parallel_loop3A_981 : i32 to vector<16xi32>
        %parallel_loop3A_983 = arith.addi %iota3A, %parallel_loop3A_982 : vector<16xi32>
        %parallel_loop3A_984 = arith.constant 0 : i32
        %parallel_loop3A_985 = arith.constant 0 : i32
        %parallel_loop3A_986 = arith.constant 0 : i32
        %parallel_loop3A_987 = tpu.memref_slice %arg7[%rem3A_440, %parallel_loop3A_984, %parallel_loop3A_985, %parallel_loop3A_986] : memref<2x50x32x17xf32, #tpu.memory_space<vmem>> -> memref<1x50x32x17xf32, #tpu.memory_space<vmem>>
        %parallel_loop3A_988 = tpu.memref_squeeze %parallel_loop3A_987 : memref<1x50x32x17xf32, #tpu.memory_space<vmem>> -> memref<50x32x17xf32, #tpu.memory_space<vmem>>
        tpu.vector_store_idx %parallel_loop3A_988[%parallel_loop3A_852, %parallel_loop3A_983, %parallel_loop3A_974], %parallel_loop3A_980 : memref<50x32x17xf32, #tpu.memory_space<vmem>>[vector<16xi32>, vector<16xi32>, vector<16xi32>], vector<16xf32>,
        %parallel_loop3A_989 = arith.constant 4 : i32
        %parallel_loop3A_990 = arith.index_cast %rem3A_440 : i32 to index
        %parallel_loop3A_991 = arith.index_cast %parallel_loop3A_989 : i32 to index
        %parallel_loop3A_992 = arith.index_cast %parallel_loop3A_848 : i32 to index
        %parallel_loop3A_993 = arith.constant 16 : index
        %parallel_loop3A_994 = tpu.vector_load %arg6[%parallel_loop3A_990, %parallel_loop3A_991, %parallel_loop3A_992, %parallel_loop3A_993] {strides = array<i32>} : memref<2x16x50x32xf32, #tpu.memory_space<vmem>>, vector<16xf32>,
        %parallel_loop3A_995 = arith.constant 16 : i32
        %parallel_loop3A_996 = vector.broadcast %parallel_loop3A_995 : i32 to vector<16xi32>
        %parallel_loop3A_997 = arith.addi %iota3A, %parallel_loop3A_996 : vector<16xi32>
        %parallel_loop3A_998 = arith.constant 0 : i32
        %parallel_loop3A_999 = arith.constant 0 : i32
        %parallel_loop3A_1000 = arith.constant 0 : i32
        %parallel_loop3A_1001 = tpu.memref_slice %arg7[%rem3A_440, %parallel_loop3A_998, %parallel_loop3A_999, %parallel_loop3A_1000] : memref<2x50x32x17xf32, #tpu.memory_space<vmem>> -> memref<1x50x32x17xf32, #tpu.memory_space<vmem>>
        %parallel_loop3A_1002 = tpu.memref_squeeze %parallel_loop3A_1001 : memref<1x50x32x17xf32, #tpu.memory_space<vmem>> -> memref<50x32x17xf32, #tpu.memory_space<vmem>>
        tpu.vector_store_idx %parallel_loop3A_1002[%parallel_loop3A_852, %parallel_loop3A_997, %parallel_loop3A_974], %parallel_loop3A_994 : memref<50x32x17xf32, #tpu.memory_space<vmem>>[vector<16xi32>, vector<16xi32>, vector<16xi32>], vector<16xf32>,
        %parallel_loop3A_1003 = arith.constant 5 : i32
        %parallel_loop3A_1004 = vector.broadcast %parallel_loop3A_1003 : i32 to vector<16xi32>
        %parallel_loop3A_1005 = arith.constant 5 : i32
        %parallel_loop3A_1006 = arith.index_cast %rem3A_440 : i32 to index
        %parallel_loop3A_1007 = arith.index_cast %parallel_loop3A_1005 : i32 to index
        %parallel_loop3A_1008 = arith.index_cast %parallel_loop3A_848 : i32 to index
        %parallel_loop3A_1009 = arith.constant 0 : index
        %parallel_loop3A_1010 = tpu.vector_load %arg6[%parallel_loop3A_1006, %parallel_loop3A_1007, %parallel_loop3A_1008, %parallel_loop3A_1009] {strides = array<i32>} : memref<2x16x50x32xf32, #tpu.memory_space<vmem>>, vector<16xf32>,
        %parallel_loop3A_1011 = arith.constant 0 : i32
        %parallel_loop3A_1012 = vector.broadcast %parallel_loop3A_1011 : i32 to vector<16xi32>
        %parallel_loop3A_1013 = arith.addi %iota3A, %parallel_loop3A_1012 : vector<16xi32>
        %parallel_loop3A_1014 = arith.constant 0 : i32
        %parallel_loop3A_1015 = arith.constant 0 : i32
        %parallel_loop3A_1016 = arith.constant 0 : i32
        %parallel_loop3A_1017 = tpu.memref_slice %arg7[%rem3A_440, %parallel_loop3A_1014, %parallel_loop3A_1015, %parallel_loop3A_1016] : memref<2x50x32x17xf32, #tpu.memory_space<vmem>> -> memref<1x50x32x17xf32, #tpu.memory_space<vmem>>
        %parallel_loop3A_1018 = tpu.memref_squeeze %parallel_loop3A_1017 : memref<1x50x32x17xf32, #tpu.memory_space<vmem>> -> memref<50x32x17xf32, #tpu.memory_space<vmem>>
        tpu.vector_store_idx %parallel_loop3A_1018[%parallel_loop3A_852, %parallel_loop3A_1013, %parallel_loop3A_1004], %parallel_loop3A_1010 : memref<50x32x17xf32, #tpu.memory_space<vmem>>[vector<16xi32>, vector<16xi32>, vector<16xi32>], vector<16xf32>,
        %parallel_loop3A_1019 = arith.constant 5 : i32
        %parallel_loop3A_1020 = arith.index_cast %rem3A_440 : i32 to index
        %parallel_loop3A_1021 = arith.index_cast %parallel_loop3A_1019 : i32 to index
        %parallel_loop3A_1022 = arith.index_cast %parallel_loop3A_848 : i32 to index
        %parallel_loop3A_1023 = arith.constant 16 : index
        %parallel_loop3A_1024 = tpu.vector_load %arg6[%parallel_loop3A_1020, %parallel_loop3A_1021, %parallel_loop3A_1022, %parallel_loop3A_1023] {strides = array<i32>} : memref<2x16x50x32xf32, #tpu.memory_space<vmem>>, vector<16xf32>,
        %parallel_loop3A_1025 = arith.constant 16 : i32
        %parallel_loop3A_1026 = vector.broadcast %parallel_loop3A_1025 : i32 to vector<16xi32>
        %parallel_loop3A_1027 = arith.addi %iota3A, %parallel_loop3A_1026 : vector<16xi32>
        %parallel_loop3A_1028 = arith.constant 0 : i32
        %parallel_loop3A_1029 = arith.constant 0 : i32
        %parallel_loop3A_1030 = arith.constant 0 : i32
        %parallel_loop3A_1031 = tpu.memref_slice %arg7[%rem3A_440, %parallel_loop3A_1028, %parallel_loop3A_1029, %parallel_loop3A_1030] : memref<2x50x32x17xf32, #tpu.memory_space<vmem>> -> memref<1x50x32x17xf32, #tpu.memory_space<vmem>>
        %parallel_loop3A_1032 = tpu.memref_squeeze %parallel_loop3A_1031 : memref<1x50x32x17xf32, #tpu.memory_space<vmem>> -> memref<50x32x17xf32, #tpu.memory_space<vmem>>
        tpu.vector_store_idx %parallel_loop3A_1032[%parallel_loop3A_852, %parallel_loop3A_1027, %parallel_loop3A_1004], %parallel_loop3A_1024 : memref<50x32x17xf32, #tpu.memory_space<vmem>>[vector<16xi32>, vector<16xi32>, vector<16xi32>], vector<16xf32>,
        %parallel_loop3A_1033 = arith.constant 6 : i32
        %parallel_loop3A_1034 = vector.broadcast %parallel_loop3A_1033 : i32 to vector<16xi32>
        %parallel_loop3A_1035 = arith.constant 6 : i32
        %parallel_loop3A_1036 = arith.index_cast %rem3A_440 : i32 to index
        %parallel_loop3A_1037 = arith.index_cast %parallel_loop3A_1035 : i32 to index
        %parallel_loop3A_1038 = arith.index_cast %parallel_loop3A_848 : i32 to index
        %parallel_loop3A_1039 = arith.constant 0 : index
        %parallel_loop3A_1040 = tpu.vector_load %arg6[%parallel_loop3A_1036, %parallel_loop3A_1037, %parallel_loop3A_1038, %parallel_loop3A_1039] {strides = array<i32>} : memref<2x16x50x32xf32, #tpu.memory_space<vmem>>, vector<16xf32>,
        %parallel_loop3A_1041 = arith.constant 0 : i32
        %parallel_loop3A_1042 = vector.broadcast %parallel_loop3A_1041 : i32 to vector<16xi32>
        %parallel_loop3A_1043 = arith.addi %iota3A, %parallel_loop3A_1042 : vector<16xi32>
        %parallel_loop3A_1044 = arith.constant 0 : i32
        %parallel_loop3A_1045 = arith.constant 0 : i32
        %parallel_loop3A_1046 = arith.constant 0 : i32
        %parallel_loop3A_1047 = tpu.memref_slice %arg7[%rem3A_440, %parallel_loop3A_1044, %parallel_loop3A_1045, %parallel_loop3A_1046] : memref<2x50x32x17xf32, #tpu.memory_space<vmem>> -> memref<1x50x32x17xf32, #tpu.memory_space<vmem>>
        %parallel_loop3A_1048 = tpu.memref_squeeze %parallel_loop3A_1047 : memref<1x50x32x17xf32, #tpu.memory_space<vmem>> -> memref<50x32x17xf32, #tpu.memory_space<vmem>>
        tpu.vector_store_idx %parallel_loop3A_1048[%parallel_loop3A_852, %parallel_loop3A_1043, %parallel_loop3A_1034], %parallel_loop3A_1040 : memref<50x32x17xf32, #tpu.memory_space<vmem>>[vector<16xi32>, vector<16xi32>, vector<16xi32>], vector<16xf32>,
        %parallel_loop3A_1049 = arith.constant 6 : i32
        %parallel_loop3A_1050 = arith.index_cast %rem3A_440 : i32 to index
        %parallel_loop3A_1051 = arith.index_cast %parallel_loop3A_1049 : i32 to index
        %parallel_loop3A_1052 = arith.index_cast %parallel_loop3A_848 : i32 to index
        %parallel_loop3A_1053 = arith.constant 16 : index
        %parallel_loop3A_1054 = tpu.vector_load %arg6[%parallel_loop3A_1050, %parallel_loop3A_1051, %parallel_loop3A_1052, %parallel_loop3A_1053] {strides = array<i32>} : memref<2x16x50x32xf32, #tpu.memory_space<vmem>>, vector<16xf32>,
        %parallel_loop3A_1055 = arith.constant 16 : i32
        %parallel_loop3A_1056 = vector.broadcast %parallel_loop3A_1055 : i32 to vector<16xi32>
        %parallel_loop3A_1057 = arith.addi %iota3A, %parallel_loop3A_1056 : vector<16xi32>
        %parallel_loop3A_1058 = arith.constant 0 : i32
        %parallel_loop3A_1059 = arith.constant 0 : i32
        %parallel_loop3A_1060 = arith.constant 0 : i32
        %parallel_loop3A_1061 = tpu.memref_slice %arg7[%rem3A_440, %parallel_loop3A_1058, %parallel_loop3A_1059, %parallel_loop3A_1060] : memref<2x50x32x17xf32, #tpu.memory_space<vmem>> -> memref<1x50x32x17xf32, #tpu.memory_space<vmem>>
        %parallel_loop3A_1062 = tpu.memref_squeeze %parallel_loop3A_1061 : memref<1x50x32x17xf32, #tpu.memory_space<vmem>> -> memref<50x32x17xf32, #tpu.memory_space<vmem>>
        tpu.vector_store_idx %parallel_loop3A_1062[%parallel_loop3A_852, %parallel_loop3A_1057, %parallel_loop3A_1034], %parallel_loop3A_1054 : memref<50x32x17xf32, #tpu.memory_space<vmem>>[vector<16xi32>, vector<16xi32>, vector<16xi32>], vector<16xf32>,
        %parallel_loop3A_1063 = arith.constant 7 : i32
        %parallel_loop3A_1064 = vector.broadcast %parallel_loop3A_1063 : i32 to vector<16xi32>
        %parallel_loop3A_1065 = arith.constant 7 : i32
        %parallel_loop3A_1066 = arith.index_cast %rem3A_440 : i32 to index
        %parallel_loop3A_1067 = arith.index_cast %parallel_loop3A_1065 : i32 to index
        %parallel_loop3A_1068 = arith.index_cast %parallel_loop3A_848 : i32 to index
        %parallel_loop3A_1069 = arith.constant 0 : index
        %parallel_loop3A_1070 = tpu.vector_load %arg6[%parallel_loop3A_1066, %parallel_loop3A_1067, %parallel_loop3A_1068, %parallel_loop3A_1069] {strides = array<i32>} : memref<2x16x50x32xf32, #tpu.memory_space<vmem>>, vector<16xf32>,
        %parallel_loop3A_1071 = arith.constant 0 : i32
        %parallel_loop3A_1072 = vector.broadcast %parallel_loop3A_1071 : i32 to vector<16xi32>
        %parallel_loop3A_1073 = arith.addi %iota3A, %parallel_loop3A_1072 : vector<16xi32>
        %parallel_loop3A_1074 = arith.constant 0 : i32
        %parallel_loop3A_1075 = arith.constant 0 : i32
        %parallel_loop3A_1076 = arith.constant 0 : i32
        %parallel_loop3A_1077 = tpu.memref_slice %arg7[%rem3A_440, %parallel_loop3A_1074, %parallel_loop3A_1075, %parallel_loop3A_1076] : memref<2x50x32x17xf32, #tpu.memory_space<vmem>> -> memref<1x50x32x17xf32, #tpu.memory_space<vmem>>
        %parallel_loop3A_1078 = tpu.memref_squeeze %parallel_loop3A_1077 : memref<1x50x32x17xf32, #tpu.memory_space<vmem>> -> memref<50x32x17xf32, #tpu.memory_space<vmem>>
        tpu.vector_store_idx %parallel_loop3A_1078[%parallel_loop3A_852, %parallel_loop3A_1073, %parallel_loop3A_1064], %parallel_loop3A_1070 : memref<50x32x17xf32, #tpu.memory_space<vmem>>[vector<16xi32>, vector<16xi32>, vector<16xi32>], vector<16xf32>,
        %parallel_loop3A_1079 = arith.constant 7 : i32
        %parallel_loop3A_1080 = arith.index_cast %rem3A_440 : i32 to index
        %parallel_loop3A_1081 = arith.index_cast %parallel_loop3A_1079 : i32 to index
        %parallel_loop3A_1082 = arith.index_cast %parallel_loop3A_848 : i32 to index
        %parallel_loop3A_1083 = arith.constant 16 : index
        %parallel_loop3A_1084 = tpu.vector_load %arg6[%parallel_loop3A_1080, %parallel_loop3A_1081, %parallel_loop3A_1082, %parallel_loop3A_1083] {strides = array<i32>} : memref<2x16x50x32xf32, #tpu.memory_space<vmem>>, vector<16xf32>,
        %parallel_loop3A_1085 = arith.constant 16 : i32
        %parallel_loop3A_1086 = vector.broadcast %parallel_loop3A_1085 : i32 to vector<16xi32>
        %parallel_loop3A_1087 = arith.addi %iota3A, %parallel_loop3A_1086 : vector<16xi32>
        %parallel_loop3A_1088 = arith.constant 0 : i32
        %parallel_loop3A_1089 = arith.constant 0 : i32
        %parallel_loop3A_1090 = arith.constant 0 : i32
        %parallel_loop3A_1091 = tpu.memref_slice %arg7[%rem3A_440, %parallel_loop3A_1088, %parallel_loop3A_1089, %parallel_loop3A_1090] : memref<2x50x32x17xf32, #tpu.memory_space<vmem>> -> memref<1x50x32x17xf32, #tpu.memory_space<vmem>>
        %parallel_loop3A_1092 = tpu.memref_squeeze %parallel_loop3A_1091 : memref<1x50x32x17xf32, #tpu.memory_space<vmem>> -> memref<50x32x17xf32, #tpu.memory_space<vmem>>
        tpu.vector_store_idx %parallel_loop3A_1092[%parallel_loop3A_852, %parallel_loop3A_1087, %parallel_loop3A_1064], %parallel_loop3A_1084 : memref<50x32x17xf32, #tpu.memory_space<vmem>>[vector<16xi32>, vector<16xi32>, vector<16xi32>], vector<16xf32>,
        %parallel_loop3A_1093 = arith.constant 8 : i32
        %parallel_loop3A_1094 = vector.broadcast %parallel_loop3A_1093 : i32 to vector<16xi32>
        %parallel_loop3A_1095 = arith.constant 8 : i32
        %parallel_loop3A_1096 = arith.index_cast %rem3A_440 : i32 to index
        %parallel_loop3A_1097 = arith.index_cast %parallel_loop3A_1095 : i32 to index
        %parallel_loop3A_1098 = arith.index_cast %parallel_loop3A_848 : i32 to index
        %parallel_loop3A_1099 = arith.constant 0 : index
        %parallel_loop3A_1100 = tpu.vector_load %arg6[%parallel_loop3A_1096, %parallel_loop3A_1097, %parallel_loop3A_1098, %parallel_loop3A_1099] {strides = array<i32>} : memref<2x16x50x32xf32, #tpu.memory_space<vmem>>, vector<16xf32>,
        %parallel_loop3A_1101 = arith.constant 0 : i32
        %parallel_loop3A_1102 = vector.broadcast %parallel_loop3A_1101 : i32 to vector<16xi32>
        %parallel_loop3A_1103 = arith.addi %iota3A, %parallel_loop3A_1102 : vector<16xi32>
        %parallel_loop3A_1104 = arith.constant 0 : i32
        %parallel_loop3A_1105 = arith.constant 0 : i32
        %parallel_loop3A_1106 = arith.constant 0 : i32
        %parallel_loop3A_1107 = tpu.memref_slice %arg7[%rem3A_440, %parallel_loop3A_1104, %parallel_loop3A_1105, %parallel_loop3A_1106] : memref<2x50x32x17xf32, #tpu.memory_space<vmem>> -> memref<1x50x32x17xf32, #tpu.memory_space<vmem>>
        %parallel_loop3A_1108 = tpu.memref_squeeze %parallel_loop3A_1107 : memref<1x50x32x17xf32, #tpu.memory_space<vmem>> -> memref<50x32x17xf32, #tpu.memory_space<vmem>>
        tpu.vector_store_idx %parallel_loop3A_1108[%parallel_loop3A_852, %parallel_loop3A_1103, %parallel_loop3A_1094], %parallel_loop3A_1100 : memref<50x32x17xf32, #tpu.memory_space<vmem>>[vector<16xi32>, vector<16xi32>, vector<16xi32>], vector<16xf32>,
        %parallel_loop3A_1109 = arith.constant 8 : i32
        %parallel_loop3A_1110 = arith.index_cast %rem3A_440 : i32 to index
        %parallel_loop3A_1111 = arith.index_cast %parallel_loop3A_1109 : i32 to index
        %parallel_loop3A_1112 = arith.index_cast %parallel_loop3A_848 : i32 to index
        %parallel_loop3A_1113 = arith.constant 16 : index
        %parallel_loop3A_1114 = tpu.vector_load %arg6[%parallel_loop3A_1110, %parallel_loop3A_1111, %parallel_loop3A_1112, %parallel_loop3A_1113] {strides = array<i32>} : memref<2x16x50x32xf32, #tpu.memory_space<vmem>>, vector<16xf32>,
        %parallel_loop3A_1115 = arith.constant 16 : i32
        %parallel_loop3A_1116 = vector.broadcast %parallel_loop3A_1115 : i32 to vector<16xi32>
        %parallel_loop3A_1117 = arith.addi %iota3A, %parallel_loop3A_1116 : vector<16xi32>
        %parallel_loop3A_1118 = arith.constant 0 : i32
        %parallel_loop3A_1119 = arith.constant 0 : i32
        %parallel_loop3A_1120 = arith.constant 0 : i32
        %parallel_loop3A_1121 = tpu.memref_slice %arg7[%rem3A_440, %parallel_loop3A_1118, %parallel_loop3A_1119, %parallel_loop3A_1120] : memref<2x50x32x17xf32, #tpu.memory_space<vmem>> -> memref<1x50x32x17xf32, #tpu.memory_space<vmem>>
        %parallel_loop3A_1122 = tpu.memref_squeeze %parallel_loop3A_1121 : memref<1x50x32x17xf32, #tpu.memory_space<vmem>> -> memref<50x32x17xf32, #tpu.memory_space<vmem>>
        tpu.vector_store_idx %parallel_loop3A_1122[%parallel_loop3A_852, %parallel_loop3A_1117, %parallel_loop3A_1094], %parallel_loop3A_1114 : memref<50x32x17xf32, #tpu.memory_space<vmem>>[vector<16xi32>, vector<16xi32>, vector<16xi32>], vector<16xf32>,
        %parallel_loop3A_1123 = arith.constant 9 : i32
        %parallel_loop3A_1124 = vector.broadcast %parallel_loop3A_1123 : i32 to vector<16xi32>
        %parallel_loop3A_1125 = arith.constant 9 : i32
        %parallel_loop3A_1126 = arith.index_cast %rem3A_440 : i32 to index
        %parallel_loop3A_1127 = arith.index_cast %parallel_loop3A_1125 : i32 to index
        %parallel_loop3A_1128 = arith.index_cast %parallel_loop3A_848 : i32 to index
        %parallel_loop3A_1129 = arith.constant 0 : index
        %parallel_loop3A_1130 = tpu.vector_load %arg6[%parallel_loop3A_1126, %parallel_loop3A_1127, %parallel_loop3A_1128, %parallel_loop3A_1129] {strides = array<i32>} : memref<2x16x50x32xf32, #tpu.memory_space<vmem>>, vector<16xf32>,
        %parallel_loop3A_1131 = arith.constant 0 : i32
        %parallel_loop3A_1132 = vector.broadcast %parallel_loop3A_1131 : i32 to vector<16xi32>
        %parallel_loop3A_1133 = arith.addi %iota3A, %parallel_loop3A_1132 : vector<16xi32>
        %parallel_loop3A_1134 = arith.constant 0 : i32
        %parallel_loop3A_1135 = arith.constant 0 : i32
        %parallel_loop3A_1136 = arith.constant 0 : i32
        %parallel_loop3A_1137 = tpu.memref_slice %arg7[%rem3A_440, %parallel_loop3A_1134, %parallel_loop3A_1135, %parallel_loop3A_1136] : memref<2x50x32x17xf32, #tpu.memory_space<vmem>> -> memref<1x50x32x17xf32, #tpu.memory_space<vmem>>
        %parallel_loop3A_1138 = tpu.memref_squeeze %parallel_loop3A_1137 : memref<1x50x32x17xf32, #tpu.memory_space<vmem>> -> memref<50x32x17xf32, #tpu.memory_space<vmem>>
        tpu.vector_store_idx %parallel_loop3A_1138[%parallel_loop3A_852, %parallel_loop3A_1133, %parallel_loop3A_1124], %parallel_loop3A_1130 : memref<50x32x17xf32, #tpu.memory_space<vmem>>[vector<16xi32>, vector<16xi32>, vector<16xi32>], vector<16xf32>,
        %parallel_loop3A_1139 = arith.constant 9 : i32
        %parallel_loop3A_1140 = arith.index_cast %rem3A_440 : i32 to index
        %parallel_loop3A_1141 = arith.index_cast %parallel_loop3A_1139 : i32 to index
        %parallel_loop3A_1142 = arith.index_cast %parallel_loop3A_848 : i32 to index
        %parallel_loop3A_1143 = arith.constant 16 : index
        %parallel_loop3A_1144 = tpu.vector_load %arg6[%parallel_loop3A_1140, %parallel_loop3A_1141, %parallel_loop3A_1142, %parallel_loop3A_1143] {strides = array<i32>} : memref<2x16x50x32xf32, #tpu.memory_space<vmem>>, vector<16xf32>,
        %parallel_loop3A_1145 = arith.constant 16 : i32
        %parallel_loop3A_1146 = vector.broadcast %parallel_loop3A_1145 : i32 to vector<16xi32>
        %parallel_loop3A_1147 = arith.addi %iota3A, %parallel_loop3A_1146 : vector<16xi32>
        %parallel_loop3A_1148 = arith.constant 0 : i32
        %parallel_loop3A_1149 = arith.constant 0 : i32
        %parallel_loop3A_1150 = arith.constant 0 : i32
        %parallel_loop3A_1151 = tpu.memref_slice %arg7[%rem3A_440, %parallel_loop3A_1148, %parallel_loop3A_1149, %parallel_loop3A_1150] : memref<2x50x32x17xf32, #tpu.memory_space<vmem>> -> memref<1x50x32x17xf32, #tpu.memory_space<vmem>>
        %parallel_loop3A_1152 = tpu.memref_squeeze %parallel_loop3A_1151 : memref<1x50x32x17xf32, #tpu.memory_space<vmem>> -> memref<50x32x17xf32, #tpu.memory_space<vmem>>
        tpu.vector_store_idx %parallel_loop3A_1152[%parallel_loop3A_852, %parallel_loop3A_1147, %parallel_loop3A_1124], %parallel_loop3A_1144 : memref<50x32x17xf32, #tpu.memory_space<vmem>>[vector<16xi32>, vector<16xi32>, vector<16xi32>], vector<16xf32>,
        %parallel_loop3A_1153 = arith.constant 10 : i32
        %parallel_loop3A_1154 = vector.broadcast %parallel_loop3A_1153 : i32 to vector<16xi32>
        %parallel_loop3A_1155 = arith.constant 10 : i32
        %parallel_loop3A_1156 = arith.index_cast %rem3A_440 : i32 to index
        %parallel_loop3A_1157 = arith.index_cast %parallel_loop3A_1155 : i32 to index
        %parallel_loop3A_1158 = arith.index_cast %parallel_loop3A_848 : i32 to index
        %parallel_loop3A_1159 = arith.constant 0 : index
        %parallel_loop3A_1160 = tpu.vector_load %arg6[%parallel_loop3A_1156, %parallel_loop3A_1157, %parallel_loop3A_1158, %parallel_loop3A_1159] {strides = array<i32>} : memref<2x16x50x32xf32, #tpu.memory_space<vmem>>, vector<16xf32>,
        %parallel_loop3A_1161 = arith.constant 0 : i32
        %parallel_loop3A_1162 = vector.broadcast %parallel_loop3A_1161 : i32 to vector<16xi32>
        %parallel_loop3A_1163 = arith.addi %iota3A, %parallel_loop3A_1162 : vector<16xi32>
        %parallel_loop3A_1164 = arith.constant 0 : i32
        %parallel_loop3A_1165 = arith.constant 0 : i32
        %parallel_loop3A_1166 = arith.constant 0 : i32
        %parallel_loop3A_1167 = tpu.memref_slice %arg7[%rem3A_440, %parallel_loop3A_1164, %parallel_loop3A_1165, %parallel_loop3A_1166] : memref<2x50x32x17xf32, #tpu.memory_space<vmem>> -> memref<1x50x32x17xf32, #tpu.memory_space<vmem>>
        %parallel_loop3A_1168 = tpu.memref_squeeze %parallel_loop3A_1167 : memref<1x50x32x17xf32, #tpu.memory_space<vmem>> -> memref<50x32x17xf32, #tpu.memory_space<vmem>>
        tpu.vector_store_idx %parallel_loop3A_1168[%parallel_loop3A_852, %parallel_loop3A_1163, %parallel_loop3A_1154], %parallel_loop3A_1160 : memref<50x32x17xf32, #tpu.memory_space<vmem>>[vector<16xi32>, vector<16xi32>, vector<16xi32>], vector<16xf32>,
        %parallel_loop3A_1169 = arith.constant 10 : i32
        %parallel_loop3A_1170 = arith.index_cast %rem3A_440 : i32 to index
        %parallel_loop3A_1171 = arith.index_cast %parallel_loop3A_1169 : i32 to index
        %parallel_loop3A_1172 = arith.index_cast %parallel_loop3A_848 : i32 to index
        %parallel_loop3A_1173 = arith.constant 16 : index
        %parallel_loop3A_1174 = tpu.vector_load %arg6[%parallel_loop3A_1170, %parallel_loop3A_1171, %parallel_loop3A_1172, %parallel_loop3A_1173] {strides = array<i32>} : memref<2x16x50x32xf32, #tpu.memory_space<vmem>>, vector<16xf32>,
        %parallel_loop3A_1175 = arith.constant 16 : i32
        %parallel_loop3A_1176 = vector.broadcast %parallel_loop3A_1175 : i32 to vector<16xi32>
        %parallel_loop3A_1177 = arith.addi %iota3A, %parallel_loop3A_1176 : vector<16xi32>
        %parallel_loop3A_1178 = arith.constant 0 : i32
        %parallel_loop3A_1179 = arith.constant 0 : i32
        %parallel_loop3A_1180 = arith.constant 0 : i32
        %parallel_loop3A_1181 = tpu.memref_slice %arg7[%rem3A_440, %parallel_loop3A_1178, %parallel_loop3A_1179, %parallel_loop3A_1180] : memref<2x50x32x17xf32, #tpu.memory_space<vmem>> -> memref<1x50x32x17xf32, #tpu.memory_space<vmem>>
        %parallel_loop3A_1182 = tpu.memref_squeeze %parallel_loop3A_1181 : memref<1x50x32x17xf32, #tpu.memory_space<vmem>> -> memref<50x32x17xf32, #tpu.memory_space<vmem>>
        tpu.vector_store_idx %parallel_loop3A_1182[%parallel_loop3A_852, %parallel_loop3A_1177, %parallel_loop3A_1154], %parallel_loop3A_1174 : memref<50x32x17xf32, #tpu.memory_space<vmem>>[vector<16xi32>, vector<16xi32>, vector<16xi32>], vector<16xf32>,
        %parallel_loop3A_1183 = arith.constant 11 : i32
        %parallel_loop3A_1184 = vector.broadcast %parallel_loop3A_1183 : i32 to vector<16xi32>
        %parallel_loop3A_1185 = arith.constant 11 : i32
        %parallel_loop3A_1186 = arith.index_cast %rem3A_440 : i32 to index
        %parallel_loop3A_1187 = arith.index_cast %parallel_loop3A_1185 : i32 to index
        %parallel_loop3A_1188 = arith.index_cast %parallel_loop3A_848 : i32 to index
        %parallel_loop3A_1189 = arith.constant 0 : index
        %parallel_loop3A_1190 = tpu.vector_load %arg6[%parallel_loop3A_1186, %parallel_loop3A_1187, %parallel_loop3A_1188, %parallel_loop3A_1189] {strides = array<i32>} : memref<2x16x50x32xf32, #tpu.memory_space<vmem>>, vector<16xf32>,
        %parallel_loop3A_1191 = arith.constant 0 : i32
        %parallel_loop3A_1192 = vector.broadcast %parallel_loop3A_1191 : i32 to vector<16xi32>
        %parallel_loop3A_1193 = arith.addi %iota3A, %parallel_loop3A_1192 : vector<16xi32>
        %parallel_loop3A_1194 = arith.constant 0 : i32
        %parallel_loop3A_1195 = arith.constant 0 : i32
        %parallel_loop3A_1196 = arith.constant 0 : i32
        %parallel_loop3A_1197 = tpu.memref_slice %arg7[%rem3A_440, %parallel_loop3A_1194, %parallel_loop3A_1195, %parallel_loop3A_1196] : memref<2x50x32x17xf32, #tpu.memory_space<vmem>> -> memref<1x50x32x17xf32, #tpu.memory_space<vmem>>
        %parallel_loop3A_1198 = tpu.memref_squeeze %parallel_loop3A_1197 : memref<1x50x32x17xf32, #tpu.memory_space<vmem>> -> memref<50x32x17xf32, #tpu.memory_space<vmem>>
        tpu.vector_store_idx %parallel_loop3A_1198[%parallel_loop3A_852, %parallel_loop3A_1193, %parallel_loop3A_1184], %parallel_loop3A_1190 : memref<50x32x17xf32, #tpu.memory_space<vmem>>[vector<16xi32>, vector<16xi32>, vector<16xi32>], vector<16xf32>,
        %parallel_loop3A_1199 = arith.constant 11 : i32
        %parallel_loop3A_1200 = arith.index_cast %rem3A_440 : i32 to index
        %parallel_loop3A_1201 = arith.index_cast %parallel_loop3A_1199 : i32 to index
        %parallel_loop3A_1202 = arith.index_cast %parallel_loop3A_848 : i32 to index
        %parallel_loop3A_1203 = arith.constant 16 : index
        %parallel_loop3A_1204 = tpu.vector_load %arg6[%parallel_loop3A_1200, %parallel_loop3A_1201, %parallel_loop3A_1202, %parallel_loop3A_1203] {strides = array<i32>} : memref<2x16x50x32xf32, #tpu.memory_space<vmem>>, vector<16xf32>,
        %parallel_loop3A_1205 = arith.constant 16 : i32
        %parallel_loop3A_1206 = vector.broadcast %parallel_loop3A_1205 : i32 to vector<16xi32>
        %parallel_loop3A_1207 = arith.addi %iota3A, %parallel_loop3A_1206 : vector<16xi32>
        %parallel_loop3A_1208 = arith.constant 0 : i32
        %parallel_loop3A_1209 = arith.constant 0 : i32
        %parallel_loop3A_1210 = arith.constant 0 : i32
        %parallel_loop3A_1211 = tpu.memref_slice %arg7[%rem3A_440, %parallel_loop3A_1208, %parallel_loop3A_1209, %parallel_loop3A_1210] : memref<2x50x32x17xf32, #tpu.memory_space<vmem>> -> memref<1x50x32x17xf32, #tpu.memory_space<vmem>>
        %parallel_loop3A_1212 = tpu.memref_squeeze %parallel_loop3A_1211 : memref<1x50x32x17xf32, #tpu.memory_space<vmem>> -> memref<50x32x17xf32, #tpu.memory_space<vmem>>
        tpu.vector_store_idx %parallel_loop3A_1212[%parallel_loop3A_852, %parallel_loop3A_1207, %parallel_loop3A_1184], %parallel_loop3A_1204 : memref<50x32x17xf32, #tpu.memory_space<vmem>>[vector<16xi32>, vector<16xi32>, vector<16xi32>], vector<16xf32>,
        %parallel_loop3A_1213 = arith.constant 12 : i32
        %parallel_loop3A_1214 = vector.broadcast %parallel_loop3A_1213 : i32 to vector<16xi32>
        %parallel_loop3A_1215 = arith.constant 12 : i32
        %parallel_loop3A_1216 = arith.index_cast %rem3A_440 : i32 to index
        %parallel_loop3A_1217 = arith.index_cast %parallel_loop3A_1215 : i32 to index
        %parallel_loop3A_1218 = arith.index_cast %parallel_loop3A_848 : i32 to index
        %parallel_loop3A_1219 = arith.constant 0 : index
        %parallel_loop3A_1220 = tpu.vector_load %arg6[%parallel_loop3A_1216, %parallel_loop3A_1217, %parallel_loop3A_1218, %parallel_loop3A_1219] {strides = array<i32>} : memref<2x16x50x32xf32, #tpu.memory_space<vmem>>, vector<16xf32>,
        %parallel_loop3A_1221 = arith.constant 0 : i32
        %parallel_loop3A_1222 = vector.broadcast %parallel_loop3A_1221 : i32 to vector<16xi32>
        %parallel_loop3A_1223 = arith.addi %iota3A, %parallel_loop3A_1222 : vector<16xi32>
        %parallel_loop3A_1224 = arith.constant 0 : i32
        %parallel_loop3A_1225 = arith.constant 0 : i32
        %parallel_loop3A_1226 = arith.constant 0 : i32
        %parallel_loop3A_1227 = tpu.memref_slice %arg7[%rem3A_440, %parallel_loop3A_1224, %parallel_loop3A_1225, %parallel_loop3A_1226] : memref<2x50x32x17xf32, #tpu.memory_space<vmem>> -> memref<1x50x32x17xf32, #tpu.memory_space<vmem>>
        %parallel_loop3A_1228 = tpu.memref_squeeze %parallel_loop3A_1227 : memref<1x50x32x17xf32, #tpu.memory_space<vmem>> -> memref<50x32x17xf32, #tpu.memory_space<vmem>>
        tpu.vector_store_idx %parallel_loop3A_1228[%parallel_loop3A_852, %parallel_loop3A_1223, %parallel_loop3A_1214], %parallel_loop3A_1220 : memref<50x32x17xf32, #tpu.memory_space<vmem>>[vector<16xi32>, vector<16xi32>, vector<16xi32>], vector<16xf32>,
        %parallel_loop3A_1229 = arith.constant 12 : i32
        %parallel_loop3A_1230 = arith.index_cast %rem3A_440 : i32 to index
        %parallel_loop3A_1231 = arith.index_cast %parallel_loop3A_1229 : i32 to index
        %parallel_loop3A_1232 = arith.index_cast %parallel_loop3A_848 : i32 to index
        %parallel_loop3A_1233 = arith.constant 16 : index
        %parallel_loop3A_1234 = tpu.vector_load %arg6[%parallel_loop3A_1230, %parallel_loop3A_1231, %parallel_loop3A_1232, %parallel_loop3A_1233] {strides = array<i32>} : memref<2x16x50x32xf32, #tpu.memory_space<vmem>>, vector<16xf32>,
        %parallel_loop3A_1235 = arith.constant 16 : i32
        %parallel_loop3A_1236 = vector.broadcast %parallel_loop3A_1235 : i32 to vector<16xi32>
        %parallel_loop3A_1237 = arith.addi %iota3A, %parallel_loop3A_1236 : vector<16xi32>
        %parallel_loop3A_1238 = arith.constant 0 : i32
        %parallel_loop3A_1239 = arith.constant 0 : i32
        %parallel_loop3A_1240 = arith.constant 0 : i32
        %parallel_loop3A_1241 = tpu.memref_slice %arg7[%rem3A_440, %parallel_loop3A_1238, %parallel_loop3A_1239, %parallel_loop3A_1240] : memref<2x50x32x17xf32, #tpu.memory_space<vmem>> -> memref<1x50x32x17xf32, #tpu.memory_space<vmem>>
        %parallel_loop3A_1242 = tpu.memref_squeeze %parallel_loop3A_1241 : memref<1x50x32x17xf32, #tpu.memory_space<vmem>> -> memref<50x32x17xf32, #tpu.memory_space<vmem>>
        tpu.vector_store_idx %parallel_loop3A_1242[%parallel_loop3A_852, %parallel_loop3A_1237, %parallel_loop3A_1214], %parallel_loop3A_1234 : memref<50x32x17xf32, #tpu.memory_space<vmem>>[vector<16xi32>, vector<16xi32>, vector<16xi32>], vector<16xf32>,
        %parallel_loop3A_1243 = arith.constant 13 : i32
        %parallel_loop3A_1244 = vector.broadcast %parallel_loop3A_1243 : i32 to vector<16xi32>
        %parallel_loop3A_1245 = arith.constant 13 : i32
        %parallel_loop3A_1246 = arith.index_cast %rem3A_440 : i32 to index
        %parallel_loop3A_1247 = arith.index_cast %parallel_loop3A_1245 : i32 to index
        %parallel_loop3A_1248 = arith.index_cast %parallel_loop3A_848 : i32 to index
        %parallel_loop3A_1249 = arith.constant 0 : index
        %parallel_loop3A_1250 = tpu.vector_load %arg6[%parallel_loop3A_1246, %parallel_loop3A_1247, %parallel_loop3A_1248, %parallel_loop3A_1249] {strides = array<i32>} : memref<2x16x50x32xf32, #tpu.memory_space<vmem>>, vector<16xf32>,
        %parallel_loop3A_1251 = arith.constant 0 : i32
        %parallel_loop3A_1252 = vector.broadcast %parallel_loop3A_1251 : i32 to vector<16xi32>
        %parallel_loop3A_1253 = arith.addi %iota3A, %parallel_loop3A_1252 : vector<16xi32>
        %parallel_loop3A_1254 = arith.constant 0 : i32
        %parallel_loop3A_1255 = arith.constant 0 : i32
        %parallel_loop3A_1256 = arith.constant 0 : i32
        %parallel_loop3A_1257 = tpu.memref_slice %arg7[%rem3A_440, %parallel_loop3A_1254, %parallel_loop3A_1255, %parallel_loop3A_1256] : memref<2x50x32x17xf32, #tpu.memory_space<vmem>> -> memref<1x50x32x17xf32, #tpu.memory_space<vmem>>
        %parallel_loop3A_1258 = tpu.memref_squeeze %parallel_loop3A_1257 : memref<1x50x32x17xf32, #tpu.memory_space<vmem>> -> memref<50x32x17xf32, #tpu.memory_space<vmem>>
        tpu.vector_store_idx %parallel_loop3A_1258[%parallel_loop3A_852, %parallel_loop3A_1253, %parallel_loop3A_1244], %parallel_loop3A_1250 : memref<50x32x17xf32, #tpu.memory_space<vmem>>[vector<16xi32>, vector<16xi32>, vector<16xi32>], vector<16xf32>,
        %parallel_loop3A_1259 = arith.constant 13 : i32
        %parallel_loop3A_1260 = arith.index_cast %rem3A_440 : i32 to index
        %parallel_loop3A_1261 = arith.index_cast %parallel_loop3A_1259 : i32 to index
        %parallel_loop3A_1262 = arith.index_cast %parallel_loop3A_848 : i32 to index
        %parallel_loop3A_1263 = arith.constant 16 : index
        %parallel_loop3A_1264 = tpu.vector_load %arg6[%parallel_loop3A_1260, %parallel_loop3A_1261, %parallel_loop3A_1262, %parallel_loop3A_1263] {strides = array<i32>} : memref<2x16x50x32xf32, #tpu.memory_space<vmem>>, vector<16xf32>,
        %parallel_loop3A_1265 = arith.constant 16 : i32
        %parallel_loop3A_1266 = vector.broadcast %parallel_loop3A_1265 : i32 to vector<16xi32>
        %parallel_loop3A_1267 = arith.addi %iota3A, %parallel_loop3A_1266 : vector<16xi32>
        %parallel_loop3A_1268 = arith.constant 0 : i32
        %parallel_loop3A_1269 = arith.constant 0 : i32
        %parallel_loop3A_1270 = arith.constant 0 : i32
        %parallel_loop3A_1271 = tpu.memref_slice %arg7[%rem3A_440, %parallel_loop3A_1268, %parallel_loop3A_1269, %parallel_loop3A_1270] : memref<2x50x32x17xf32, #tpu.memory_space<vmem>> -> memref<1x50x32x17xf32, #tpu.memory_space<vmem>>
        %parallel_loop3A_1272 = tpu.memref_squeeze %parallel_loop3A_1271 : memref<1x50x32x17xf32, #tpu.memory_space<vmem>> -> memref<50x32x17xf32, #tpu.memory_space<vmem>>
        tpu.vector_store_idx %parallel_loop3A_1272[%parallel_loop3A_852, %parallel_loop3A_1267, %parallel_loop3A_1244], %parallel_loop3A_1264 : memref<50x32x17xf32, #tpu.memory_space<vmem>>[vector<16xi32>, vector<16xi32>, vector<16xi32>], vector<16xf32>,
        %parallel_loop3A_1273 = arith.constant 14 : i32
        %parallel_loop3A_1274 = vector.broadcast %parallel_loop3A_1273 : i32 to vector<16xi32>
        %parallel_loop3A_1275 = arith.constant 14 : i32
        %parallel_loop3A_1276 = arith.index_cast %rem3A_440 : i32 to index
        %parallel_loop3A_1277 = arith.index_cast %parallel_loop3A_1275 : i32 to index
        %parallel_loop3A_1278 = arith.index_cast %parallel_loop3A_848 : i32 to index
        %parallel_loop3A_1279 = arith.constant 0 : index
        %parallel_loop3A_1280 = tpu.vector_load %arg6[%parallel_loop3A_1276, %parallel_loop3A_1277, %parallel_loop3A_1278, %parallel_loop3A_1279] {strides = array<i32>} : memref<2x16x50x32xf32, #tpu.memory_space<vmem>>, vector<16xf32>,
        %parallel_loop3A_1281 = arith.constant 0 : i32
        %parallel_loop3A_1282 = vector.broadcast %parallel_loop3A_1281 : i32 to vector<16xi32>
        %parallel_loop3A_1283 = arith.addi %iota3A, %parallel_loop3A_1282 : vector<16xi32>
        %parallel_loop3A_1284 = arith.constant 0 : i32
        %parallel_loop3A_1285 = arith.constant 0 : i32
        %parallel_loop3A_1286 = arith.constant 0 : i32
        %parallel_loop3A_1287 = tpu.memref_slice %arg7[%rem3A_440, %parallel_loop3A_1284, %parallel_loop3A_1285, %parallel_loop3A_1286] : memref<2x50x32x17xf32, #tpu.memory_space<vmem>> -> memref<1x50x32x17xf32, #tpu.memory_space<vmem>>
        %parallel_loop3A_1288 = tpu.memref_squeeze %parallel_loop3A_1287 : memref<1x50x32x17xf32, #tpu.memory_space<vmem>> -> memref<50x32x17xf32, #tpu.memory_space<vmem>>
        tpu.vector_store_idx %parallel_loop3A_1288[%parallel_loop3A_852, %parallel_loop3A_1283, %parallel_loop3A_1274], %parallel_loop3A_1280 : memref<50x32x17xf32, #tpu.memory_space<vmem>>[vector<16xi32>, vector<16xi32>, vector<16xi32>], vector<16xf32>,
        %parallel_loop3A_1289 = arith.constant 14 : i32
        %parallel_loop3A_1290 = arith.index_cast %rem3A_440 : i32 to index
        %parallel_loop3A_1291 = arith.index_cast %parallel_loop3A_1289 : i32 to index
        %parallel_loop3A_1292 = arith.index_cast %parallel_loop3A_848 : i32 to index
        %parallel_loop3A_1293 = arith.constant 16 : index
        %parallel_loop3A_1294 = tpu.vector_load %arg6[%parallel_loop3A_1290, %parallel_loop3A_1291, %parallel_loop3A_1292, %parallel_loop3A_1293] {strides = array<i32>} : memref<2x16x50x32xf32, #tpu.memory_space<vmem>>, vector<16xf32>,
        %parallel_loop3A_1295 = arith.constant 16 : i32
        %parallel_loop3A_1296 = vector.broadcast %parallel_loop3A_1295 : i32 to vector<16xi32>
        %parallel_loop3A_1297 = arith.addi %iota3A, %parallel_loop3A_1296 : vector<16xi32>
        %parallel_loop3A_1298 = arith.constant 0 : i32
        %parallel_loop3A_1299 = arith.constant 0 : i32
        %parallel_loop3A_1300 = arith.constant 0 : i32
        %parallel_loop3A_1301 = tpu.memref_slice %arg7[%rem3A_440, %parallel_loop3A_1298, %parallel_loop3A_1299, %parallel_loop3A_1300] : memref<2x50x32x17xf32, #tpu.memory_space<vmem>> -> memref<1x50x32x17xf32, #tpu.memory_space<vmem>>
        %parallel_loop3A_1302 = tpu.memref_squeeze %parallel_loop3A_1301 : memref<1x50x32x17xf32, #tpu.memory_space<vmem>> -> memref<50x32x17xf32, #tpu.memory_space<vmem>>
        tpu.vector_store_idx %parallel_loop3A_1302[%parallel_loop3A_852, %parallel_loop3A_1297, %parallel_loop3A_1274], %parallel_loop3A_1294 : memref<50x32x17xf32, #tpu.memory_space<vmem>>[vector<16xi32>, vector<16xi32>, vector<16xi32>], vector<16xf32>,
        %parallel_loop3A_1303 = arith.constant 15 : i32
        %parallel_loop3A_1304 = vector.broadcast %parallel_loop3A_1303 : i32 to vector<16xi32>
        %parallel_loop3A_1305 = arith.constant 15 : i32
        %parallel_loop3A_1306 = arith.index_cast %rem3A_440 : i32 to index
        %parallel_loop3A_1307 = arith.index_cast %parallel_loop3A_1305 : i32 to index
        %parallel_loop3A_1308 = arith.index_cast %parallel_loop3A_848 : i32 to index
        %parallel_loop3A_1309 = arith.constant 0 : index
        %parallel_loop3A_1310 = tpu.vector_load %arg6[%parallel_loop3A_1306, %parallel_loop3A_1307, %parallel_loop3A_1308, %parallel_loop3A_1309] {strides = array<i32>} : memref<2x16x50x32xf32, #tpu.memory_space<vmem>>, vector<16xf32>,
        %parallel_loop3A_1311 = arith.constant 0 : i32
        %parallel_loop3A_1312 = vector.broadcast %parallel_loop3A_1311 : i32 to vector<16xi32>
        %parallel_loop3A_1313 = arith.addi %iota3A, %parallel_loop3A_1312 : vector<16xi32>
        %parallel_loop3A_1314 = arith.constant 0 : i32
        %parallel_loop3A_1315 = arith.constant 0 : i32
        %parallel_loop3A_1316 = arith.constant 0 : i32
        %parallel_loop3A_1317 = tpu.memref_slice %arg7[%rem3A_440, %parallel_loop3A_1314, %parallel_loop3A_1315, %parallel_loop3A_1316] : memref<2x50x32x17xf32, #tpu.memory_space<vmem>> -> memref<1x50x32x17xf32, #tpu.memory_space<vmem>>
        %parallel_loop3A_1318 = tpu.memref_squeeze %parallel_loop3A_1317 : memref<1x50x32x17xf32, #tpu.memory_space<vmem>> -> memref<50x32x17xf32, #tpu.memory_space<vmem>>
        tpu.vector_store_idx %parallel_loop3A_1318[%parallel_loop3A_852, %parallel_loop3A_1313, %parallel_loop3A_1304], %parallel_loop3A_1310 : memref<50x32x17xf32, #tpu.memory_space<vmem>>[vector<16xi32>, vector<16xi32>, vector<16xi32>], vector<16xf32>,
        %parallel_loop3A_1319 = arith.constant 15 : i32
        %parallel_loop3A_1320 = arith.index_cast %rem3A_440 : i32 to index
        %parallel_loop3A_1321 = arith.index_cast %parallel_loop3A_1319 : i32 to index
        %parallel_loop3A_1322 = arith.index_cast %parallel_loop3A_848 : i32 to index
        %parallel_loop3A_1323 = arith.constant 16 : index
        %parallel_loop3A_1324 = tpu.vector_load %arg6[%parallel_loop3A_1320, %parallel_loop3A_1321, %parallel_loop3A_1322, %parallel_loop3A_1323] {strides = array<i32>} : memref<2x16x50x32xf32, #tpu.memory_space<vmem>>, vector<16xf32>,
        %parallel_loop3A_1325 = arith.constant 16 : i32
        %parallel_loop3A_1326 = vector.broadcast %parallel_loop3A_1325 : i32 to vector<16xi32>
        %parallel_loop3A_1327 = arith.addi %iota3A, %parallel_loop3A_1326 : vector<16xi32>
        %parallel_loop3A_1328 = arith.constant 0 : i32
        %parallel_loop3A_1329 = arith.constant 0 : i32
        %parallel_loop3A_1330 = arith.constant 0 : i32
        %parallel_loop3A_1331 = tpu.memref_slice %arg7[%rem3A_440, %parallel_loop3A_1328, %parallel_loop3A_1329, %parallel_loop3A_1330] : memref<2x50x32x17xf32, #tpu.memory_space<vmem>> -> memref<1x50x32x17xf32, #tpu.memory_space<vmem>>
        %parallel_loop3A_1332 = tpu.memref_squeeze %parallel_loop3A_1331 : memref<1x50x32x17xf32, #tpu.memory_space<vmem>> -> memref<50x32x17xf32, #tpu.memory_space<vmem>>
        tpu.vector_store_idx %parallel_loop3A_1332[%parallel_loop3A_852, %parallel_loop3A_1327, %parallel_loop3A_1304], %parallel_loop3A_1324 : memref<50x32x17xf32, #tpu.memory_space<vmem>>[vector<16xi32>, vector<16xi32>, vector<16xi32>], vector<16xf32>,
      } {sc.loop_unroll_factor = 4 : i64, sc.parallel_access}
      %dma_start3A_822 = arith.constant 0 : i32
      %dma_start3A_823 = arith.constant 0 : i32
      %dma_start3A_824 = arith.constant 0 : i32
      %dma_start3A_825 = tpu.memref_slice %arg7[%rem3A_440, %dma_start3A_822, %dma_start3A_823, %dma_start3A_824] : memref<2x50x32x17xf32, #tpu.memory_space<vmem>> -> memref<1x50x32x17xf32, #tpu.memory_space<vmem>>
      %dma_start3A_826 = tpu.memref_squeeze %dma_start3A_825 : memref<1x50x32x17xf32, #tpu.memory_space<vmem>> -> memref<50x32x17xf32, #tpu.memory_space<vmem>>
      %dma_start3A_827 = arith.constant 0 : i32
      %dma_start3A_828 = arith.constant 0 : i32
      %dma_start3A_829 = arith.constant 0 : i32
      %dma_start3A_830 = tpu.memref_slice %dma_start3A_826[%dma_start3A_827, %dma_start3A_828, %dma_start3A_829] : memref<50x32x17xf32, #tpu.memory_space<vmem>> -> memref<50x32x16xf32, #tpu.memory_space<vmem>>
      %dma_start3A_831 = arith.constant 0 : i32
      %dma_start3A_832 = arith.constant 0 : i32
      %dma_start3A_833 = tpu.memref_slice %arg4[%dma_start3A_831, %dma_start3A_832, %add3A_443] : memref<50x32x16384xf32, #tpu.memory_space<hbm>> -> memref<50x32x16xf32, #tpu.memory_space<hbm>>
      %dma_start3A_834 = tpu.memref_slice %arg9[%rem3A_440] : memref<2x!tpu.dma_semaphore, #tpu.memory_space<semaphore_mem>> -> memref<1x!tpu.dma_semaphore, #tpu.memory_space<semaphore_mem>>
      %dma_start3A_835 = tpu.memref_squeeze %dma_start3A_834 : memref<1x!tpu.dma_semaphore, #tpu.memory_space<semaphore_mem>> -> memref<!tpu.dma_semaphore, #tpu.memory_space<semaphore_mem>>
      %dma_start3A_836 = arith.constant 0 : i32
      %dma_start3A_837 = arith.constant 0 : i32
      %dma_start3A_838 = tpu.memref_slice %arg4[%dma_start3A_836, %dma_start3A_837, %add3A_443] : memref<50x32x16384xf32, #tpu.memory_space<hbm>> -> memref<50x32x16xf32, #tpu.memory_space<hbm>>
      %dma_start3A_839 = arith.constant 0 : i32
      %dma_start3A_840 = arith.constant 0 : i32
      %dma_start3A_841 = arith.constant 0 : i32
      %dma_start3A_842 = tpu.memref_slice %arg7[%rem3A_440, %dma_start3A_839, %dma_start3A_840, %dma_start3A_841] : memref<2x50x32x17xf32, #tpu.memory_space<vmem>> -> memref<1x50x32x17xf32, #tpu.memory_space<vmem>>
      %dma_start3A_843 = tpu.memref_squeeze %dma_start3A_842 : memref<1x50x32x17xf32, #tpu.memory_space<vmem>> -> memref<50x32x17xf32, #tpu.memory_space<vmem>>
      %dma_start3A_844 = arith.constant 0 : i32
      %dma_start3A_845 = arith.constant 0 : i32
      %dma_start3A_846 = arith.constant 0 : i32
      %dma_start3A_847 = tpu.memref_slice %dma_start3A_843[%dma_start3A_844, %dma_start3A_845, %dma_start3A_846] : memref<50x32x17xf32, #tpu.memory_space<vmem>> -> memref<50x32x16xf32, #tpu.memory_space<vmem>>
      tpu.enqueue_dma source(%dma_start3A_847 : memref<50x32x16xf32, #tpu.memory_space<vmem>>) target(%dma_start3A_838 : memref<50x32x16xf32, #tpu.memory_space<hbm>>) target_semaphore(%dma_start3A_835 : memref<!tpu.dma_semaphore, #tpu.memory_space<semaphore_mem>>)
    }
    %scan3A_378 = arith.constant 32 : i32
    %dma_wait3A = arith.constant 0 : i32
    %dma_wait3A_379 = arith.constant 0 : i32
    %dma_wait3A_380 = arith.constant 0 : i32
    %dma_wait3A_381 = arith.constant 0 : i32
    %dma_wait3A_382 = arith.constant 0 : i32
    %dma_wait3A_383 = tpu.memref_slice %arg7[%dma_wait3A, %dma_wait3A_380, %dma_wait3A_381, %dma_wait3A_382] : memref<2x50x32x17xf32, #tpu.memory_space<vmem>> -> memref<1x50x32x17xf32, #tpu.memory_space<vmem>>
    %dma_wait3A_384 = tpu.memref_squeeze %dma_wait3A_383 : memref<1x50x32x17xf32, #tpu.memory_space<vmem>> -> memref<50x32x17xf32, #tpu.memory_space<vmem>>
    %dma_wait3A_385 = arith.constant 0 : i32
    %dma_wait3A_386 = arith.constant 0 : i32
    %dma_wait3A_387 = arith.constant 0 : i32
    %dma_wait3A_388 = tpu.memref_slice %dma_wait3A_384[%dma_wait3A_385, %dma_wait3A_386, %dma_wait3A_387] : memref<50x32x17xf32, #tpu.memory_space<vmem>> -> memref<50x32x16xf32, #tpu.memory_space<vmem>>
    %dma_wait3A_389 = arith.constant 0 : i32
    %dma_wait3A_390 = arith.constant 0 : i32
    %dma_wait3A_391 = arith.constant 0 : i32
    %dma_wait3A_392 = tpu.memref_slice %arg4[%dma_wait3A_389, %dma_wait3A_390, %dma_wait3A_391] : memref<50x32x16384xf32, #tpu.memory_space<hbm>> -> memref<50x32x16xf32, #tpu.memory_space<hbm>>
    %dma_wait3A_393 = tpu.memref_slice %arg9[%dma_wait3A_379] : memref<2x!tpu.dma_semaphore, #tpu.memory_space<semaphore_mem>> -> memref<1x!tpu.dma_semaphore, #tpu.memory_space<semaphore_mem>>
    %dma_wait3A_394 = tpu.memref_squeeze %dma_wait3A_393 : memref<1x!tpu.dma_semaphore, #tpu.memory_space<semaphore_mem>> -> memref<!tpu.dma_semaphore, #tpu.memory_space<semaphore_mem>>
    %dma_wait3A_395 = arith.constant 0 : i32
    %dma_wait3A_396 = arith.constant 0 : i32
    %dma_wait3A_397 = arith.constant 0 : i32
    %dma_wait3A_398 = tpu.memref_slice %arg4[%dma_wait3A_395, %dma_wait3A_396, %dma_wait3A_397] : memref<50x32x16384xf32, #tpu.memory_space<hbm>> -> memref<50x32x16xf32, #tpu.memory_space<hbm>>
    %dma_wait3A_399 = arith.constant 0 : i32
    %dma_wait3A_400 = arith.constant 0 : i32
    %dma_wait3A_401 = arith.constant 0 : i32
    %dma_wait3A_402 = tpu.memref_slice %arg7[%dma_wait3A, %dma_wait3A_399, %dma_wait3A_400, %dma_wait3A_401] : memref<2x50x32x17xf32, #tpu.memory_space<vmem>> -> memref<1x50x32x17xf32, #tpu.memory_space<vmem>>
    %dma_wait3A_403 = tpu.memref_squeeze %dma_wait3A_402 : memref<1x50x32x17xf32, #tpu.memory_space<vmem>> -> memref<50x32x17xf32, #tpu.memory_space<vmem>>
    %dma_wait3A_404 = arith.constant 0 : i32
    %dma_wait3A_405 = arith.constant 0 : i32
    %dma_wait3A_406 = arith.constant 0 : i32
    %dma_wait3A_407 = tpu.memref_slice %dma_wait3A_403[%dma_wait3A_404, %dma_wait3A_405, %dma_wait3A_406] : memref<50x32x17xf32, #tpu.memory_space<vmem>> -> memref<50x32x16xf32, #tpu.memory_space<vmem>>
    tpu.wait_dma2 semaphore(%dma_wait3A_394 : memref<!tpu.dma_semaphore, #tpu.memory_space<semaphore_mem>>) src(%dma_wait3A_407 : memref<50x32x16xf32, #tpu.memory_space<vmem>>) dst(%dma_wait3A_398 : memref<50x32x16xf32, #tpu.memory_space<hbm>>)
    %dma_wait3A_408 = arith.constant 1 : i32
    %dma_wait3A_409 = arith.constant 1 : i32
    %dma_wait3A_410 = arith.constant 0 : i32
    %dma_wait3A_411 = arith.constant 0 : i32
    %dma_wait3A_412 = arith.constant 0 : i32
    %dma_wait3A_413 = tpu.memref_slice %arg7[%dma_wait3A_408, %dma_wait3A_410, %dma_wait3A_411, %dma_wait3A_412] : memref<2x50x32x17xf32, #tpu.memory_space<vmem>> -> memref<1x50x32x17xf32, #tpu.memory_space<vmem>>
    %dma_wait3A_414 = tpu.memref_squeeze %dma_wait3A_413 : memref<1x50x32x17xf32, #tpu.memory_space<vmem>> -> memref<50x32x17xf32, #tpu.memory_space<vmem>>
    %dma_wait3A_415 = arith.constant 0 : i32
    %dma_wait3A_416 = arith.constant 0 : i32
    %dma_wait3A_417 = arith.constant 0 : i32
    %dma_wait3A_418 = tpu.memref_slice %dma_wait3A_414[%dma_wait3A_415, %dma_wait3A_416, %dma_wait3A_417] : memref<50x32x17xf32, #tpu.memory_space<vmem>> -> memref<50x32x16xf32, #tpu.memory_space<vmem>>
    %dma_wait3A_419 = arith.constant 0 : i32
    %dma_wait3A_420 = arith.constant 0 : i32
    %dma_wait3A_421 = arith.constant 0 : i32
    %dma_wait3A_422 = tpu.memref_slice %arg4[%dma_wait3A_419, %dma_wait3A_420, %dma_wait3A_421] : memref<50x32x16384xf32, #tpu.memory_space<hbm>> -> memref<50x32x16xf32, #tpu.memory_space<hbm>>
    %dma_wait3A_423 = tpu.memref_slice %arg9[%dma_wait3A_409] : memref<2x!tpu.dma_semaphore, #tpu.memory_space<semaphore_mem>> -> memref<1x!tpu.dma_semaphore, #tpu.memory_space<semaphore_mem>>
    %dma_wait3A_424 = tpu.memref_squeeze %dma_wait3A_423 : memref<1x!tpu.dma_semaphore, #tpu.memory_space<semaphore_mem>> -> memref<!tpu.dma_semaphore, #tpu.memory_space<semaphore_mem>>
    %dma_wait3A_425 = arith.constant 0 : i32
    %dma_wait3A_426 = arith.constant 0 : i32
    %dma_wait3A_427 = arith.constant 0 : i32
    %dma_wait3A_428 = tpu.memref_slice %arg4[%dma_wait3A_425, %dma_wait3A_426, %dma_wait3A_427] : memref<50x32x16384xf32, #tpu.memory_space<hbm>> -> memref<50x32x16xf32, #tpu.memory_space<hbm>>
    %dma_wait3A_429 = arith.constant 0 : i32
    %dma_wait3A_430 = arith.constant 0 : i32
    %dma_wait3A_431 = arith.constant 0 : i32
    %dma_wait3A_432 = tpu.memref_slice %arg7[%dma_wait3A_408, %dma_wait3A_429, %dma_wait3A_430, %dma_wait3A_431] : memref<2x50x32x17xf32, #tpu.memory_space<vmem>> -> memref<1x50x32x17xf32, #tpu.memory_space<vmem>>
    %dma_wait3A_433 = tpu.memref_squeeze %dma_wait3A_432 : memref<1x50x32x17xf32, #tpu.memory_space<vmem>> -> memref<50x32x17xf32, #tpu.memory_space<vmem>>
    %dma_wait3A_434 = arith.constant 0 : i32
    %dma_wait3A_435 = arith.constant 0 : i32
    %dma_wait3A_436 = arith.constant 0 : i32
    %dma_wait3A_437 = tpu.memref_slice %dma_wait3A_433[%dma_wait3A_434, %dma_wait3A_435, %dma_wait3A_436] : memref<50x32x17xf32, #tpu.memory_space<vmem>> -> memref<50x32x16xf32, #tpu.memory_space<vmem>>
    tpu.wait_dma2 semaphore(%dma_wait3A_424 : memref<!tpu.dma_semaphore, #tpu.memory_space<semaphore_mem>>) src(%dma_wait3A_437 : memref<50x32x16xf32, #tpu.memory_space<vmem>>) dst(%dma_wait3A_428 : memref<50x32x16xf32, #tpu.memory_space<hbm>>)
    return
  }
}

</mosaic_0001>

<sc_bundles>
// kernel: kernel.3.cloned.1.call-start
scs
__scs_entry_jumppad:
0x0: {  	(pc) =	sbr.rel $0x88, $3  }
0x1: {  	(tag) =	ssettag $0x0;
	lr =	simm.s32 $0x1  }
0x2: {  	[smem:$0x3F9F] =	sst lr;
	_ =	strace $0xD0000000  }
0x3: {  	_ = 	snop  }
0x4: {  	_ = 	snop  }
0x5: {  	_ = 	snop  }
0x6: {  	_ = 	snop  }
0x7: {  	_ = 	snop  }
__scs_overlays_trampoline_lowered:
0x8: {  	[smem:$0x3FAE] =	sst s0  }
0x9: {  	[smem:$0x3FAF] =	sst s1  }
0xa: {  	[smem:$0x3FB0] =	sst s2  }
0xb: {  	[smem:$0x3FB1] =	sst s3  }
0xc: {  	[smem:$0x3FB2] =	sst s4  }
0xd: {  	[smem:$0x3FB3] =	sst s5  }
0xe: {  	[smem:$0x3FB4] =	sst s6  }
0xf: {  	[smem:$0x3FB5] =	sst s7  }
0x10: {  	[smem:$0x3FB6] =	sst s8  }
0x11: {  	[smem:$0x3FB7] =	sst s9;
	s0 =	simm.s32 @!p0 $0x0  }
0x12: {  	s1 =	sld [smem:$0x3F9D];
	s0 =	simm.s32 @p0 $0x1  }
0x13: {  	[smem:$0x3FB8] =	sst s0;
	s0 =	simm.s32 @!p1 $0x0  }
0x14: {  	s2 =	sld [smem:$0x3F9C];
	s0 =	simm.s32 @p1 $0x1  }
0x15: {  	[smem:$0x3FB9] =	sst s0;
	s0 =	simm.s32 @!p2 $0x0  }
0x16: {  	s3 =	sld [smem:$0x3FDB];
	s0 =	simm.s32 @p2 $0x1  }
0x17: {  	s4 =	simm.s32 $0x1BF5;
	[smem:$0x3FBB] =	sst s0  }
0x18: {  	s0 =	sld [smem:$0x3F9E];
	_ =	swait.ge [sflag:s4], $0x0  }
0x19: {  	s7 =	sld [smem:$0x3F9F]  }
0x1a: {  	s8 =	sadd.s32 $0xFFFFE003, lr  }
0x1b: {  	s9 =	sadd.s32 $0xFFFFFEF7, lr;
	s5 =	simm.s32 $0xFFFFFFFF;
	p2 =	slt.u32 s8, $0xFFFFF086  }
0x1c: {  	p1 =	slt.u32 s9, $0xF7A;
	s5 =	simm.s32 @!p2 $0x0  }
0x1d: {  	s5 =	simm.s32 @p1 $0x1;
	p0 =	seq.s32 s7, s2  }
0x1e: {  	s7 =	smul.u32 @!p0 $0xF7A, s2;
	p2 =	seq.s32 @!p0 s5, $0x0  }
0x1f: {  	s9 =	smul.u32 $0xF7A, s1;
	s8 =	simm.s32 @!p0 $0x1BF5;
	p2 =	por !p2, p0  }
0x20: {  	[sflag:s8] =	ssyncset.s32 @!p0 $0xFFFFF086;
	s6 =	sadd.s32 @!p0 s3, s7;
	s7 =	simm.s32 @!p0 $0x108  }
0x21: {  	s3 =	sadd.s32 s3, s9;
	s6 =	sadd.s32 @!p0 $0x88, s6;
	s7 =	simm.s32 @p2 $0x1082  }
0x22: {  	[simem:s7], [sflag:s8] =	dma.local @!p0 [hbm:s6], $0xF7A  }
0x23: {  	s9 =	sor.u32 $0xD0000000, s2;
	s6 =	simm.s32 $0x108;
	_ =	swait.ge @!p0 [sflag:s8], $0x0  }
0x24: {  	s3 =	sadd.s32 $0x88, s3;
	s6 =	simm.s32 @!p1 $0x1082;
	[sflag:s4] =	ssyncset.s32 $0xFFFFF086  }
0x25: {  	[simem:s6], [sflag:s4] =	dma.local [hbm:s3], $0xF7A  }
0x26: {  	[smem:$0x3F9F] =	sst s1;
	(tag) =	ssettag s2;
	_ =	strace s9  }
0x27: {  	s1 =	sld [smem:$0x3FAF]  }
0x28: {  	s2 =	sld [smem:$0x3FB0]  }
0x29: {  	s4 =	sld [smem:$0x3FB2]  }
0x2a: {  	p0 =	seq.s32 s5, $0x0;
	s5 =	sld [smem:$0x3FB3]  }
0x2b: {  	s6 =	sld [smem:$0x3FB4]  }
0x2c: {  	s7 =	sld [smem:$0x3FB5]  }
0x2d: {  	s3 =	simm.s32 $0x108;
	s8 =	sld [smem:$0x3FB6]  }
0x2e: {  	s3 =	simm.s32 @!p0 $0x1082;
	s9 =	sld [smem:$0x3FB7]  }
0x2f: {  	lr =	sadd.s32 s0, s3;
	s0 =	sld [smem:$0x3FAE]  }
0x30: {  	s3 =	sld [smem:$0x3FB1]  }
0x31: {  	[smem:$0x3FBA] =	sst s10  }
0x32: {  	s10 =	sld [smem:$0x3FB8];
	_ =	sdelay $0x3  }
0x33: {  	p0 =	seq.s32 s10, $0x1;
	s10 =	sld [smem:$0x3FBA];
	_ =	sdelay $0x3  }
0x34: {  	[smem:$0x3FBA] =	sst s10  }
0x35: {  	s10 =	sld [smem:$0x3FB9];
	_ =	sdelay $0x3  }
0x36: {  	p1 =	seq.s32 s10, $0x1;
	s10 =	sld [smem:$0x3FBA];
	_ =	sdelay $0x3  }
0x37: {  	[smem:$0x3FBA] =	sst s10  }
0x38: {  	s10 =	sld [smem:$0x3FBB]  }
0x39: {  	_ = 	snop;
	(pc) =	sbr.ind lr, $3  }
0x3a: {  	_ = 	snop  }
0x3b: {  	_ = 	snop  }
0x3c: {  	p2 =	seq.s32 s10, $0x1;
	s10 =	sld [smem:$0x3FBA]  }
0x3d: {  	_ =	shalt  }
0x3e: {  	_ =	shalt  }
0x3f: {  	_ =	shalt  }
0x40: {  	_ =	shalt  }
0x41: {  	_ =	shalt  }
0x42: {  	_ =	shalt  }
0x43: {  	_ =	shalt  }
0x44: {  	_ =	shalt  }
0x45: {  	_ =	shalt  }
0x46: {  	_ =	shalt  }
0x47: {  	_ =	shalt  }
0x48: {  	_ =	shalt  }
0x49: {  	_ =	shalt  }
0x4a: {  	_ =	shalt  }
0x4b: {  	_ =	shalt  }
0x4c: {  	_ =	shalt  }
0x4d: {  	_ =	shalt  }
0x4e: {  	_ =	shalt  }
0x4f: {  	_ =	shalt  }
0x50: {  	_ =	shalt  }
0x51: {  	_ =	shalt  }
0x52: {  	_ =	shalt  }
0x53: {  	_ =	shalt  }
0x54: {  	_ =	shalt  }
0x55: {  	_ =	shalt  }
0x56: {  	_ =	shalt  }
0x57: {  	_ =	shalt  }
0x58: {  	_ =	shalt  }
0x59: {  	_ =	shalt  }
0x5a: {  	_ =	shalt  }
0x5b: {  	_ =	shalt  }
0x5c: {  	_ =	shalt  }
0x5d: {  	_ =	shalt  }
0x5e: {  	_ =	shalt  }
0x5f: {  	_ =	shalt  }
0x60: {  	_ =	shalt  }
0x61: {  	_ =	shalt  }
0x62: {  	_ =	shalt  }
0x63: {  	_ =	shalt  }
0x64: {  	_ =	shalt  }
0x65: {  	_ =	shalt  }
0x66: {  	_ =	shalt  }
0x67: {  	_ =	shalt  }
0x68: {  	_ =	shalt  }
0x69: {  	_ =	shalt  }
0x6a: {  	_ =	shalt  }
0x6b: {  	_ =	shalt  }
0x6c: {  	_ =	shalt  }
0x6d: {  	_ =	shalt  }
0x6e: {  	_ =	shalt  }
0x6f: {  	_ =	shalt  }
0x70: {  	_ =	shalt  }
0x71: {  	_ =	shalt  }
0x72: {  	_ =	shalt  }
0x73: {  	_ =	shalt  }
0x74: {  	_ =	shalt  }
0x75: {  	_ =	shalt  }
0x76: {  	_ =	shalt  }
0x77: {  	_ =	shalt  }
0x78: {  	_ =	shalt  }
0x79: {  	_ =	shalt  }
0x7a: {  	_ =	shalt  }
0x7b: {  	_ =	shalt  }
0x7c: {  	_ =	shalt  }
0x7d: {  	_ =	shalt  }
0x7e: {  	_ =	shalt  }
0x7f: {  	_ =	shalt  }
0x80: {  	_ =	shalt  }
0x81: {  	_ =	shalt  }
0x82: {  	_ =	shalt  }
0x83: {  	_ =	shalt  }
0x84: {  	_ =	shalt  }
0x85: {  	_ =	shalt  }
0x86: {  	_ =	shalt  }
0x87: {  	_ =	shalt  }
.Lfunc_end0:
.L_simem_size_0:
called_computation_lowered:
.L_overlay_start_0:
0x88: {  	s2 =	sld [smem:$0x3FD9]  }
0x89: {  	s3 =	sld [smem:$0x3FFE];
	_ =	sdelay $0x1  }
0x8a: {  	s1 =	srdreg.scid  }
0x8b: {  	s0 =	sand.u32 $0x1, s1  }
0x8c: {  	s17 =	sshll.u32 s0, $0xA;
	s2 =	sadd.s32 s3, s2  }
0x8d: {  	s2 =	sadd.s32 s2, s17  }
0x8e: {  	[smem:$0x3FC6] =	sst s2  }
0x8f: {  	_ = 	snop  }
0x90: {  	s2 =	sld [smem:$0x3FD0];
	(tm) =	ssettm $0x1  }
0x91: {  	s18 =	sld [smem:$0x3FFB];
	_ =	sdelay $0x3  }
0x92: {  	_ =	strace s18  }
0x93: {  	s3 =	sld [smem:$0x3FFC];
	_ =	sdelay $0x3  }
0x94: {  	_ =	strace s3  }
0x95: {  	s3 =	sld [smem:$0x3FFD];
	_ =	sdelay $0x3  }
0x96: {  	_ =	strace s3  }
0x97: {  	_ =	strace $0x8FFFFFFF  }
0x98: {  	s19 =	sld [smem:$0x3FDB];
	_ =	sdelay $0x1  }
0x99: {  	s4 =	simm.s32 $_scs_section_size  }
0x9a: {  	s5 =	simm.s32 $_size__tile_overlayer_lowered;
	s6 =	simm.s32 $_tile_overlayer_lowered  }
0x9b: {  	s22 =	simm.s32 $0x1BFF;
	s21 =	sshll.u32 s6, $0x1;
	s3 =	sadd.s32 s4, s19  }
0x9c: {  	s7 =	simm.s32 $0x0;
	s20 =	sshll.u32 s5, $0x1;
	s5 =	sadd.s32 s21, s3  }
0x9d: {  	[timem:s7], [sflag:s22] =	dma.local [hbm:s5], s20  }
0x9e: {  	_ =	swait.ge [sflag:s22], s20  }
0x9f: {  	s4 =	ssub.s32 $0x0, s20;
	[sflag:s22] =	ssyncset.done $0x0  }
0xa0: {  	[sflag:s22] =	ssyncadd.s32 s4;
	_ =	sdelay $0x1  }
0xa1: {  	s23 =	simm.s32 $0x1B8B  }
0xa2: {  	_ =	swait.ge [sflag:s23], $0x1  }
0xa3: {  	[sflag:s23] =	ssyncset.done $0x0  }
0xa4: {  	s25 =	simm.s32 $0x1B8E;
	s24 =	sld [smem:$0x3FFE];
	[sflag:s23] =	ssyncadd.s32 $0xFFFFFFFF  }
0xa5: {  	s26 =	simm.s32 $execute0_lowered;
	[smem:$0x3FD2] =	sst s25  }
0xa6: {  	s5 =	sshll.u32 s26, $0x1;
	_ =	strace $0x80000046;
	[dreg:$0x1] =	wrdreg $0xFFFFFFFF  }
0xa7: {  	s28 =	simm.s32 $_size_execute0_lowered;
	s3 =	sadd.s32 s3, s5;
	[dreg:$0x0] =	wrdreg $0x0  }
0xa8: {  	s5 =	sshll.u32 s28, $0x1;
	[dreg:$0x2] =	wrdreg s3  }
0xa9: {  	[dreg:$0x3] =	wrdreg s5  }
0xaa: {  	[dreg:$0x4] =	wrdreg $0xC0  }
0xab: {  	_ =	task [dreg:s7], $0x5FFFF  }
0xac: {  	[dreg:$0x1] =	wrdreg $0xFFFFFFFF  }
0xad: {  	[dreg:$0x0] =	wrdreg $0x60  }
0xae: {  	[dreg:$0x2] =	wrdreg s2  }
0xaf: {  	[dreg:$0x3] =	wrdreg s24  }
0xb0: {  	[dreg:$0x4] =	wrdreg $0x9  }
0xb1: {  	_ =	task.clear_ibuf [dreg:s7], $0x5FFFF;
	_ =	strace $0x90000046  }
0xb2: {  	s29 =	simm.s32 $0x9;
	_ =	strace $0x80000048  }
0xb3: {  	_ =	swait.ge [sflag:s29], $0x1  }
0xb4: {  	[sflag:s29] =	ssyncadd.s32 $0xFFFFFFFF  }
0xb5: {  	_ =	strace $0x90000048  }
0xb6: {  	_ =	sfence  }
0xb7: {  	s30 =	sld [smem:$0x0];
	_ =	sdelay $0x2  }
0xb8: {  	s31 =	sshll.u32 s1, $0xD;
	s1 =	sshrl.u32 s1, $0x2  }
0xb9: {  	s3 =	sand.u32 $0x4000, s31;
	s1 =	sadd.s32 s1, s30  }
0xba: {  	s0 =	sor.u32 s3, s0;
	s1 =	sshll.u32 s1, $0x11  }
0xbb: {  	s0 =	sor.u32 s1, s0  }
0xbc: {  	s0 =	sadd.s32 $0x8F2B, s0  }
0xbd: {  	[sflag:s0] =	ssyncadd.remote.s32 $0x1  }
0xbe: {  	_ =	sfence.sel $0xFFFF  }
0xbf: {  	[dreg:$0x0] =	wrdreg $0xFFFFFFFF;
	(pc) =	sbr.abs _section_cstart, $3  }
0xc0: {  	[dreg:$0x1] =	wrdreg $0xFFFFFFFF  }
0xc1: {  	_ =	task.clear_ibuf [dreg:s7], $0x2FFFF;
	_ =	strace $0x9FFFFFFF  }
0xc2: {  	(tm) =	ssettm $0x7FFFFFFF  }
0xc3: {  	_ =	shalt  }
tec
execute0_lowered:
.L_overlay_start_1:
0x0: {  	(tag) =	ssettag $0x1  }
0x1: {  	v0 =	vlaneseq.u32  }
0x2: {  	v0 =	vmul.u32 $0x18, v0;
	_ =	sdelay $0x1  }
0x3: {  	s2 =	rddreg [dreg:$0x0];
	v1 =	vadd.s32 $0x180, v0  }
0x4: {  	s0 =	srdreg.scid;
	s1 =	rddreg [dreg:$0x1];
	v2 =	vor.u32 $0x1, v0;
	v3 =	vadd.s32 $0x181, v0;
	v4 =	vor.u32 $0x2, v0  }
0x5: {  	s3 =	stileid.u32;
	s9 =	simm.s32 $0x5;
	s10 =	simm.s32 $0x32;
	v5 =	vadd.s32 $0x182, v0;
	v6 =	vor.u32 $0x3, v0;
	v7 =	vadd.s32 $0x183, v0  }
0x6: {  	s14 =	simm.s32 $0x2D8;
	s15 =	simm.s32 $0x5840;
	s16 =	simm.s32 $0x310;
	v8 =	vor.u32 $0x4, v0;
	v9 =	vadd.s32 $0x184, v0;
	v10 =	vor.u32 $0x5, v0  }
0x7: {  	s17 =	simm.s32 $0x5E80;
	s18 =	simm.s32 $0x348;
	s19 =	simm.s32 $0x64C0;
	v11 =	vadd.s32 $0x185, v0;
	v12 =	vor.u32 $0x6, v0;
	v13 =	vadd.s32 $0x186, v0  }
0x8: {  	s20 =	simm.s32 $0x3;
	s21 =	simm.s32 $0x4;
	s0 =	sand.u32 $0x1, s0;
	v14 =	vor.u32 $0x7, v0;
	v15 =	vadd.s32 $0x187, v0;
	v16 =	vadd.s32 $0x8, v0  }
0x9: {  	s4 =	sshll.u32 s3, $0xA;
	s3 =	simm.s32 $0x0;
	s5 =	sshll.u32 s0, $0x9;
	v17 =	vadd.s32 $0x188, v0;
	v18 =	vadd.s32 $0x9, v0;
	v19 =	vadd.s32 $0x189, v0  }
0xa: {  	s0 =	ssub.s32 $0x2, s0;
	[smem:$0x7FF] =	sst s3;
	s4 =	sor.u32 s5, s4;
	v20 =	vadd.s32 $0xA, v0;
	v21 =	vadd.s32 $0x18A, v0;
	v22 =	vadd.s32 $0xB, v0  }
0xb: {  	s6 =	sshrl.u32 s0, $0x1;
	_ =	strace $0x80000047;
	v23 =	vadd.s32 $0x18B, v0;
	v24 =	vadd.s32 $0xC, v0;
	v25 =	vadd.s32 $0x18C, v0;
	s7 =	smul.u32 $0x7, s4  }
0xc: {  	s22 =	simm.s32 $0x0;
	s5 =	sadd.s32 $0xF42A00, s1;
	v26 =	vadd.s32 $0xD, v0;
	v27 =	vadd.s32 $0x18D, v0;
	v28 =	vadd.s32 $0xE, v0;
	s0 =	ssub.s32 s0, s6  }
0xd: {  	v29 =	vadd.s32 $0x18E, v0;
	v30 =	vadd.s32 $0xF, v0;
	v31 =	vadd.s32 $0x18F, v0;
	s6 =	sadd.s32 $0x600, s1;
	s8 =	smax.u32 s0, $0x1;
	s7 =	sadd.s32 s2, s7  }
.LBB2_1:
0xe: {  	[tilespmem:s3], [sflag:$0x5] =	stream.linear.gather [hbm4b:s7+s3], $0x380, $0x38;
	[tilespmem:$0x1FB00] =	vst v63  }
0xf: {  	_ =	swait.ge [sflag:s9], $0x380  }
0x10: {  	[sflag:s9] =	ssyncset.done $0x0  }
0x11: {  	s0 =	simm.s32 $0x700;
	[sflag:s9] =	ssyncadd.s32 $0xFFFFFC80  }
0x12: {  	[tilespmem:s0], [sflag:$0x1] =	stream.indirect.gather [hbm4b:s5+s10], $0x20, s3, s10, $0xb8;
	[tilespmem:$0x1FB00] =	vst v63  }
0x13: {  	s11 =	simm.s32 $0x38;
	s1 =	simm.s32 $0xD40  }
0x14: {  	[tilespmem:s1], [sflag:$0x1] =	stream.indirect.gather [hbm4b:s5+s10], $0x20, s11, s10, $0xb8;
	[tilespmem:$0x1FB00] =	vst v63  }
0x15: {  	s12 =	simm.s32 $0x70;
	s13 =	simm.s32 $0x1380  }
0x16: {  	[tilespmem:s13], [sflag:$0x1] =	stream.indirect.gather [hbm4b:s5+s10], $0x20, s12, s10, $0xb8;
	[tilespmem:$0x1FB00] =	vst v63  }
0x17: {  	s23 =	simm.s32 $0xA8;
	s24 =	simm.s32 $0x19C0  }
0x18: {  	[tilespmem:s24], [sflag:$0x1] =	stream.indirect.gather [hbm4b:s5+s10], $0x20, s23, s10, $0xb8;
	[tilespmem:$0x1FB00] =	vst v63  }
0x19: {  	s25 =	simm.s32 $0xE0;
	s26 =	simm.s32 $0x2000  }
0x1a: {  	[tilespmem:s26], [sflag:$0x1] =	stream.indirect.gather [hbm4b:s5+s10], $0x20, s25, s10, $0xb8;
	[tilespmem:$0x1FB00] =	vst v63  }
0x1b: {  	s28 =	simm.s32 $0x118;
	s29 =	simm.s32 $0x2640  }
0x1c: {  	[tilespmem:s29], [sflag:$0x1] =	stream.indirect.gather [hbm4b:s5+s10], $0x20, s28, s10, $0xb8;
	[tilespmem:$0x1FB00] =	vst v63  }
0x1d: {  	s30 =	simm.s32 $0x150;
	s31 =	simm.s32 $0x2C80  }
0x1e: {  	[tilespmem:s31], [sflag:$0x1] =	stream.indirect.gather [hbm4b:s5+s10], $0x20, s30, s10, $0xb8;
	[tilespmem:$0x1FB00] =	vst v63  }
0x1f: {  	s1 =	simm.s32 $0x188;
	s11 =	simm.s32 $0x32C0  }
0x20: {  	[tilespmem:s11], [sflag:$0x1] =	stream.indirect.gather [hbm4b:s5+s10], $0x20, s1, s10, $0xb8;
	[tilespmem:$0x1FB00] =	vst v63  }
0x21: {  	s12 =	simm.s32 $0x1C0;
	s13 =	simm.s32 $0x3900  }
0x22: {  	[tilespmem:s13], [sflag:$0x1] =	stream.indirect.gather [hbm4b:s5+s10], $0x20, s12, s10, $0xb8;
	[tilespmem:$0x1FB00] =	vst v63  }
0x23: {  	s23 =	simm.s32 $0x1F8;
	s24 =	simm.s32 $0x3F40  }
0x24: {  	[tilespmem:s24], [sflag:$0x1] =	stream.indirect.gather [hbm4b:s5+s10], $0x20, s23, s10, $0xb8;
	[tilespmem:$0x1FB00] =	vst v63  }
0x25: {  	s25 =	simm.s32 $0x230;
	s26 =	simm.s32 $0x4580  }
0x26: {  	[tilespmem:s26], [sflag:$0x1] =	stream.indirect.gather [hbm4b:s5+s10], $0x20, s25, s10, $0xb8;
	[tilespmem:$0x1FB00] =	vst v63  }
0x27: {  	s28 =	simm.s32 $0x268;
	s29 =	simm.s32 $0x4BC0  }
0x28: {  	[tilespmem:s29], [sflag:$0x1] =	stream.indirect.gather [hbm4b:s5+s10], $0x20, s28, s10, $0xb8;
	[tilespmem:$0x1FB00] =	vst v63  }
0x29: {  	s30 =	simm.s32 $0x2A0;
	s31 =	simm.s32 $0x5200  }
0x2a: {  	[tilespmem:s31], [sflag:$0x1] =	stream.indirect.gather [hbm4b:s5+s10], $0x20, s30, s10, $0xb8;
	[tilespmem:$0x1FB00] =	vst v63  }
0x2b: {  	_ = 	snop  }
0x2c: {  	[tilespmem:s15], [sflag:$0x1] =	stream.indirect.gather [hbm4b:s5+s10], $0x20, s14, s10, $0xb8;
	[tilespmem:$0x1FB00] =	vst v63  }
0x2d: {  	_ = 	snop  }
0x2e: {  	[tilespmem:s17], [sflag:$0x1] =	stream.indirect.gather [hbm4b:s5+s10], $0x20, s16, s10, $0xb8;
	[tilespmem:$0x1FB00] =	vst v63  }
0x2f: {  	p0 =	por $0x0, $0x0;
	s23 =	simm.s32 $0x0  }
0x30: {  	[tilespmem:s19], [sflag:$0x1] =	stream.indirect.gather [hbm4b:s5+s10], $0x20, s18, s10, $0xb8;
	[tilespmem:$0x1FB00] =	vst v63  }
.LBB2_3:
0x31: {  	s30 =	smov.u32 s23  }
0x32: {  	s23 =	sadd.s32 $0x1, s23;
	p1 =	seq.s32 s30, $0x1F  }
0x33: {  	s0 =	sshll.u32 @!p1 s23, $0x4;
	s1 =	sand.u32 @!p1 $0x1, s23  }
0x34: {  	s0 =	sadd.s32 @!p1 s4, s0;
	s11 =	smul.u32 @!p1 $0xE00, s1  }
0x35: {  	s0 =	smul.u32 @!p1 $0x7, s0;
	_ =	sdelay $0x1  }
0x36: {  	s12 =	simm.s32 @!p1 $0x0;
	s11 =	sshrl.u32 @!p1 s11, $0x2;
	s0 =	sadd.s32 @!p1 s2, s0  }
0x37: {  	[tilespmem:s11], [sflag:$0x5] =	stream.linear.gather @!p1 [hbm4b:s0+s12], $0x380, $0x38;
	[tilespmem:$0x1FB00] =	vst v63  }
0x38: {  	s0 =	simm.s32 @!p1 $0x5  }
0x39: {  	s12 =	smul.u32 @!p1 $0x19000, s1;
	_ =	swait.ge @!p1 [sflag:s0], $0x380  }
0x3a: {  	[sflag:s0] =	ssyncset.done @!p1 $0x0  }
0x3b: {  	[sflag:s0] =	ssyncadd.s32 @!p1 $0xFFFFFC80;
	s0 =	sshrl.u32 @!p1 s12, $0x2  }
0x3c: {  	s25 =	simm.s32 @!p1 $0x32;
	s1 =	sadd.s32 @!p1 $0x1, s1;
	s12 =	sadd.s32 @!p1 $0x700, s0  }
0x3d: {  	[tilespmem:s12], [sflag:s1] =	stream.indirect.gather @!p1 [hbm4b:s5+s25], $0x20, s11, s25, $0xb8;
	[tilespmem:$0x1FB00] =	vst v63  }
0x3e: {  	s24 =	sor.u32 @!p1 $0x38, s11;
	s12 =	sadd.s32 @!p1 $0xD40, s0  }
0x3f: {  	[tilespmem:s12], [sflag:s1] =	stream.indirect.gather @!p1 [hbm4b:s5+s25], $0x20, s24, s25, $0xb8;
	[tilespmem:$0x1FB00] =	vst v63  }
0x40: {  	s12 =	sadd.s32 @!p1 $0x1380, s0;
	s24 =	sor.u32 @!p1 $0x70, s11  }
0x41: {  	[tilespmem:s12], [sflag:s1] =	stream.indirect.gather @!p1 [hbm4b:s5+s25], $0x20, s24, s25, $0xb8;
	[tilespmem:$0x1FB00] =	vst v63  }
0x42: {  	s12 =	sadd.s32 @!p1 $0x19C0, s0;
	s24 =	sadd.s32 @!p1 $0xA8, s11  }
0x43: {  	[tilespmem:s12], [sflag:s1] =	stream.indirect.gather @!p1 [hbm4b:s5+s25], $0x20, s24, s25, $0xb8;
	[tilespmem:$0x1FB00] =	vst v63  }
0x44: {  	s12 =	sadd.s32 @!p1 $0x2000, s0;
	s24 =	sadd.s32 @!p1 $0xE0, s11  }
0x45: {  	[tilespmem:s12], [sflag:s1] =	stream.indirect.gather @!p1 [hbm4b:s5+s25], $0x20, s24, s25, $0xb8;
	[tilespmem:$0x1FB00] =	vst v63  }
0x46: {  	s12 =	sadd.s32 @!p1 $0x2640, s0;
	s24 =	sadd.s32 @!p1 $0x118, s11  }
0x47: {  	[tilespmem:s12], [sflag:s1] =	stream.indirect.gather @!p1 [hbm4b:s5+s25], $0x20, s24, s25, $0xb8;
	[tilespmem:$0x1FB00] =	vst v63  }
0x48: {  	s12 =	sadd.s32 @!p1 $0x2C80, s0;
	s24 =	sadd.s32 @!p1 $0x150, s11  }
0x49: {  	[tilespmem:s12], [sflag:s1] =	stream.indirect.gather @!p1 [hbm4b:s5+s25], $0x20, s24, s25, $0xb8;
	[tilespmem:$0x1FB00] =	vst v63  }
0x4a: {  	s12 =	sadd.s32 @!p1 $0x32C0, s0;
	s24 =	sadd.s32 @!p1 $0x188, s11  }
0x4b: {  	[tilespmem:s12], [sflag:s1] =	stream.indirect.gather @!p1 [hbm4b:s5+s25], $0x20, s24, s25, $0xb8;
	[tilespmem:$0x1FB00] =	vst v63  }
0x4c: {  	s12 =	sadd.s32 @!p1 $0x3900, s0;
	s24 =	sadd.s32 @!p1 $0x1C0, s11  }
0x4d: {  	[tilespmem:s12], [sflag:s1] =	stream.indirect.gather @!p1 [hbm4b:s5+s25], $0x20, s24, s25, $0xb8;
	[tilespmem:$0x1FB00] =	vst v63  }
0x4e: {  	s12 =	sadd.s32 @!p1 $0x3F40, s0;
	s24 =	sadd.s32 @!p1 $0x1F8, s11  }
0x4f: {  	[tilespmem:s12], [sflag:s1] =	stream.indirect.gather @!p1 [hbm4b:s5+s25], $0x20, s24, s25, $0xb8;
	[tilespmem:$0x1FB00] =	vst v63  }
0x50: {  	s12 =	sadd.s32 @!p1 $0x4580, s0;
	s24 =	sadd.s32 @!p1 $0x230, s11  }
0x51: {  	[tilespmem:s12], [sflag:s1] =	stream.indirect.gather @!p1 [hbm4b:s5+s25], $0x20, s24, s25, $0xb8;
	[tilespmem:$0x1FB00] =	vst v63  }
0x52: {  	s12 =	sadd.s32 @!p1 $0x4BC0, s0;
	s24 =	sadd.s32 @!p1 $0x268, s11  }
0x53: {  	[tilespmem:s12], [sflag:s1] =	stream.indirect.gather @!p1 [hbm4b:s5+s25], $0x20, s24, s25, $0xb8;
	[tilespmem:$0x1FB00] =	vst v63  }
0x54: {  	s12 =	sadd.s32 @!p1 $0x5200, s0;
	s24 =	sadd.s32 @!p1 $0x2A0, s11  }
0x55: {  	[tilespmem:s12], [sflag:s1] =	stream.indirect.gather @!p1 [hbm4b:s5+s25], $0x20, s24, s25, $0xb8;
	[tilespmem:$0x1FB00] =	vst v63  }
0x56: {  	s12 =	sadd.s32 @!p1 $0x5840, s0;
	s24 =	sadd.s32 @!p1 $0x2D8, s11  }
0x57: {  	[tilespmem:s12], [sflag:s1] =	stream.indirect.gather @!p1 [hbm4b:s5+s25], $0x20, s24, s25, $0xb8;
	[tilespmem:$0x1FB00] =	vst v63  }
0x58: {  	s12 =	sadd.s32 @!p1 $0x5E80, s0;
	s24 =	sadd.s32 @!p1 $0x310, s11  }
0x59: {  	[tilespmem:s12], [sflag:s1] =	stream.indirect.gather @!p1 [hbm4b:s5+s25], $0x20, s24, s25, $0xb8;
	[tilespmem:$0x1FB00] =	vst v63  }
0x5a: {  	s0 =	sadd.s32 @!p1 $0x64C0, s0;
	s11 =	sadd.s32 @!p1 $0x348, s11;
	s24 =	sand.u32 $0x1, s30  }
0x5b: {  	[tilespmem:s0], [sflag:s1] =	stream.indirect.gather @!p1 [hbm4b:s5+s25], $0x20, s11, s25, $0xb8;
	[tilespmem:$0x1FB00] =	vst v63  }
0x5c: {  	s11 =	sadd.s32 $0x1, s24  }
0x5d: {  	_ =	swait.ge [sflag:s11], $0x640  }
0x5e: {  	[sflag:s11] =	ssyncset.done $0x0  }
0x5f: {  	[sflag:s11] =	ssyncadd.s32 $0xFFFFF9C0  }
0x60: {  	_ =	swait.ge [sflag:s11], $0x640  }
0x61: {  	[sflag:s11] =	ssyncset.done $0x0  }
0x62: {  	[sflag:s11] =	ssyncadd.s32 $0xFFFFF9C0  }
0x63: {  	_ =	swait.ge [sflag:s11], $0x640  }
0x64: {  	[sflag:s11] =	ssyncset.done $0x0  }
0x65: {  	[sflag:s11] =	ssyncadd.s32 $0xFFFFF9C0  }
0x66: {  	_ =	swait.ge [sflag:s11], $0x640  }
0x67: {  	[sflag:s11] =	ssyncset.done $0x0  }
0x68: {  	[sflag:s11] =	ssyncadd.s32 $0xFFFFF9C0  }
0x69: {  	_ =	swait.ge [sflag:s11], $0x640  }
0x6a: {  	[sflag:s11] =	ssyncset.done $0x0  }
0x6b: {  	[sflag:s11] =	ssyncadd.s32 $0xFFFFF9C0  }
0x6c: {  	_ =	swait.ge [sflag:s11], $0x640  }
0x6d: {  	[sflag:s11] =	ssyncset.done $0x0  }
0x6e: {  	[sflag:s11] =	ssyncadd.s32 $0xFFFFF9C0  }
0x6f: {  	_ =	swait.ge [sflag:s11], $0x640  }
0x70: {  	[sflag:s11] =	ssyncset.done $0x0  }
0x71: {  	[sflag:s11] =	ssyncadd.s32 $0xFFFFF9C0  }
0x72: {  	_ =	swait.ge [sflag:s11], $0x640  }
0x73: {  	[sflag:s11] =	ssyncset.done $0x0  }
0x74: {  	[sflag:s11] =	ssyncadd.s32 $0xFFFFF9C0  }
0x75: {  	_ =	swait.ge [sflag:s11], $0x640  }
0x76: {  	[sflag:s11] =	ssyncset.done $0x0  }
0x77: {  	[sflag:s11] =	ssyncadd.s32 $0xFFFFF9C0  }
0x78: {  	_ =	swait.ge [sflag:s11], $0x640  }
0x79: {  	[sflag:s11] =	ssyncset.done $0x0  }
0x7a: {  	[sflag:s11] =	ssyncadd.s32 $0xFFFFF9C0  }
0x7b: {  	_ =	swait.ge [sflag:s11], $0x640  }
0x7c: {  	[sflag:s11] =	ssyncset.done $0x0  }
0x7d: {  	[sflag:s11] =	ssyncadd.s32 $0xFFFFF9C0  }
0x7e: {  	_ =	swait.ge [sflag:s11], $0x640  }
0x7f: {  	[sflag:s11] =	ssyncset.done $0x0  }
0x80: {  	[sflag:s11] =	ssyncadd.s32 $0xFFFFF9C0  }
0x81: {  	_ =	swait.ge [sflag:s11], $0x640  }
0x82: {  	[sflag:s11] =	ssyncset.done $0x0  }
0x83: {  	[sflag:s11] =	ssyncadd.s32 $0xFFFFF9C0  }
0x84: {  	_ =	swait.ge [sflag:s11], $0x640  }
0x85: {  	[sflag:s11] =	ssyncset.done $0x0  }
0x86: {  	[sflag:s11] =	ssyncadd.s32 $0xFFFFF9C0  }
0x87: {  	_ =	swait.ge [sflag:s11], $0x640  }
0x88: {  	s26 =	simm.s32 $0x1;
	[sflag:s11] =	ssyncset.done $0x0  }
0x89: {  	s26 =	simm.s32 @!p0 $0x0;
	[sflag:s11] =	ssyncadd.s32 $0xFFFFF9C0  }
0x8a: {  	s13 =	smul.u32 $0x19000, s26;
	s12 =	simm.s32 $0x3;
	_ =	swait.ge [sflag:s11], $0x640  }
0x8b: {  	v32 =	vmov s12;
	p1 =	slt.u32 s30, $0x2;
	s25 =	simm.s32 $0x0;
	[sflag:s11] =	ssyncset.done $0x0  }
0x8c: {  	s12 =	simm.s32 $0x1;
	v32 =	vmul.u32 $0x300, v32;
	v33 =	vmov s25;
	[sflag:s11] =	ssyncadd.s32 $0xFFFFF9C0;
	s11 =	sadd.s32 @!p1 $0x3, s24  }
0x8d: {  	v49 =	vmov s12;
	v33 =	vmul.u32 $0x300, v33;
	_ =	swait.ge @!p1 [sflag:s11], $0x6400  }
0x8e: {  	s1 =	sshrl.u32 s13, $0x2;
	s13 =	simm.s32 $0x2;
	v39 =	vbroadcast v32, $0x0;
	v32 =	vmul.u32 $0x300, v49;
	[sflag:s11] =	ssyncset.done @!p1 $0x0  }
0x8f: {  	s0 =	sadd.s32 $0x700, s1;
	v50 =	vmov s13;
	v35 =	vbroadcast v33, $0x0;
	[sflag:s11] =	ssyncadd.s32 @!p1 $0xFFFF9C00  }
0x90: {  	v37 =	vadd.s32 v0, v39;
	v33 =	vmul.u32 $0x300, v50;
	v38 =	vbroadcast v32, $0x0;
	v34 =	vld [tilespmem:s0+$0x60]  }
0x91: {  	v41 =	vor.u32 v0, v35;
	s11 =	smul.u32 $0x25800, s24;
	v40 =	vld [tilespmem:s0+$0x0]  }
0x92: {  	v36 =	vbroadcast v33, $0x0;
	v52 =	vadd.s32 v0, v38;
	v51 =	vld [tilespmem:s0+$0x20]  }
0x93: {  	s1 =	sshrl.u32 s11, $0x2  }
0x94: {  	v43 =	vor.u32 v0, v36;
	v42 =	vld [tilespmem:s0+$0x40];
	s28 =	sadd.s32 $0xCF00, s1  }
0x95: {  	[tilespmem:v37+s28+$0x0] =	vst.idx.msk $0xffff, v34  }
0x96: {  	v53 =	vadd.s32 v1, v39;
	[tilespmem:v41+s28+$0x0] =	vst.idx.msk $0xffff, v40;
	v34 =	vld [tilespmem:s0+$0x70]  }
0x97: {  	v54 =	vor.u32 v1, v35;
	[tilespmem:v52+s28+$0x0] =	vst.idx.msk $0xffff, v51;
	v40 =	vld [tilespmem:s0+$0x10]  }
0x98: {  	v55 =	vadd.s32 v1, v38;
	v32 =	vld [tilespmem:s0+$0x30]  }
0x99: {  	[tilespmem:v43+s28+$0x0] =	vst.idx.msk $0xffff, v42  }
0x9a: {  	v56 =	vadd.s32 v1, v36;
	v42 =	vld [tilespmem:s0+$0x50]  }
0x9b: {  	[tilespmem:v53+s28+$0x0] =	vst.idx.msk $0xffff, v34  }
0x9c: {  	v57 =	vadd.s32 v2, v39;
	[tilespmem:v54+s28+$0x0] =	vst.idx.msk $0xffff, v40;
	v34 =	vld [tilespmem:s0+$0x6A0]  }
0x9d: {  	v58 =	vor.u32 v2, v35;
	[tilespmem:v55+s28+$0x0] =	vst.idx.msk $0xffff, v32;
	v40 =	vld [tilespmem:s0+$0x640]  }
0x9e: {  	v59 =	vadd.s32 v2, v38;
	v32 =	vld [tilespmem:s0+$0x660]  }
0x9f: {  	[tilespmem:v56+s28+$0x0] =	vst.idx.msk $0xffff, v42  }
0xa0: {  	v60 =	vor.u32 v2, v36;
	v42 =	vld [tilespmem:s0+$0x680]  }
0xa1: {  	[tilespmem:v57+s28+$0x0] =	vst.idx.msk $0xffff, v34  }
0xa2: {  	v61 =	vadd.s32 v3, v39;
	[tilespmem:v58+s28+$0x0] =	vst.idx.msk $0xffff, v40;
	v34 =	vld [tilespmem:s0+$0x6B0]  }
0xa3: {  	v62 =	vor.u32 v3, v35;
	[tilespmem:v59+s28+$0x0] =	vst.idx.msk $0xffff, v32;
	v40 =	vld [tilespmem:s0+$0x650]  }
0xa4: {  	v63 =	vadd.s32 v3, v38;
	v32 =	vld [tilespmem:s0+$0x670]  }
0xa5: {  	[tilespmem:v60+s28+$0x0] =	vst.idx.msk $0xffff, v42  }
0xa6: {  	v45 =	vadd.s32 v3, v36;
	v42 =	vld [tilespmem:s0+$0x690]  }
0xa7: {  	[tilespmem:v61+s28+$0x0] =	vst.idx.msk $0xffff, v34  }
0xa8: {  	v46 =	vadd.s32 v4, v39;
	[tilespmem:v62+s28+$0x0] =	vst.idx.msk $0xffff, v40;
	v34 =	vld [tilespmem:s0+$0xCE0]  }
0xa9: {  	v47 =	vor.u32 v4, v35;
	[tilespmem:v63+s28+$0x0] =	vst.idx.msk $0xffff, v32;
	v40 =	vld [tilespmem:s0+$0xC80]  }
0xaa: {  	v48 =	vadd.s32 v4, v38;
	v32 =	vld [tilespmem:s0+$0xCA0]  }
0xab: {  	[tilespmem:v45+s28+$0x0] =	vst.idx.msk $0xffff, v42  }
0xac: {  	v49 =	vor.u32 v4, v36;
	v42 =	vld [tilespmem:s0+$0xCC0]  }
0xad: {  	[tilespmem:v46+s28+$0x0] =	vst.idx.msk $0xffff, v34  }
0xae: {  	v50 =	vadd.s32 v5, v39;
	[tilespmem:v47+s28+$0x0] =	vst.idx.msk $0xffff, v40;
	v34 =	vld [tilespmem:s0+$0xCF0]  }
0xaf: {  	v51 =	vor.u32 v5, v35;
	[tilespmem:v48+s28+$0x0] =	vst.idx.msk $0xffff, v32;
	v40 =	vld [tilespmem:s0+$0xC90]  }
0xb0: {  	v52 =	vadd.s32 v5, v38;
	v32 =	vld [tilespmem:s0+$0xCB0]  }
0xb1: {  	[tilespmem:v49+s28+$0x0] =	vst.idx.msk $0xffff, v42  }
0xb2: {  	v53 =	vadd.s32 v5, v36;
	v42 =	vld [tilespmem:s0+$0xCD0]  }
0xb3: {  	[tilespmem:v50+s28+$0x0] =	vst.idx.msk $0xffff, v34  }
0xb4: {  	v54 =	vadd.s32 v6, v39;
	[tilespmem:v51+s28+$0x0] =	vst.idx.msk $0xffff, v40;
	v34 =	vld [tilespmem:s0+$0x1320]  }
0xb5: {  	v55 =	vor.u32 v6, v35;
	[tilespmem:v52+s28+$0x0] =	vst.idx.msk $0xffff, v32;
	v40 =	vld [tilespmem:s0+$0x12C0]  }
0xb6: {  	v56 =	vadd.s32 v6, v38;
	v32 =	vld [tilespmem:s0+$0x12E0]  }
0xb7: {  	[tilespmem:v53+s28+$0x0] =	vst.idx.msk $0xffff, v42  }
0xb8: {  	v57 =	vor.u32 v6, v36;
	v42 =	vld [tilespmem:s0+$0x1300]  }
0xb9: {  	[tilespmem:v54+s28+$0x0] =	vst.idx.msk $0xffff, v34  }
0xba: {  	v58 =	vadd.s32 v7, v39;
	[tilespmem:v55+s28+$0x0] =	vst.idx.msk $0xffff, v40;
	v34 =	vld [tilespmem:s0+$0x1330]  }
0xbb: {  	v59 =	vor.u32 v7, v35;
	[tilespmem:v56+s28+$0x0] =	vst.idx.msk $0xffff, v32;
	v40 =	vld [tilespmem:s0+$0x12D0]  }
0xbc: {  	v60 =	vadd.s32 v7, v38;
	v32 =	vld [tilespmem:s0+$0x12F0]  }
0xbd: {  	[tilespmem:v57+s28+$0x0] =	vst.idx.msk $0xffff, v42  }
0xbe: {  	v61 =	vadd.s32 v7, v36;
	v42 =	vld [tilespmem:s0+$0x1310]  }
0xbf: {  	[tilespmem:v58+s28+$0x0] =	vst.idx.msk $0xffff, v34  }
0xc0: {  	v62 =	vadd.s32 v8, v39;
	[tilespmem:v59+s28+$0x0] =	vst.idx.msk $0xffff, v40;
	v34 =	vld [tilespmem:s0+$0x1960]  }
0xc1: {  	v63 =	vor.u32 v8, v35;
	[tilespmem:v60+s28+$0x0] =	vst.idx.msk $0xffff, v32;
	v40 =	vld [tilespmem:s0+$0x1900]  }
0xc2: {  	v45 =	vadd.s32 v8, v38;
	v32 =	vld [tilespmem:s0+$0x1920]  }
0xc3: {  	[tilespmem:v61+s28+$0x0] =	vst.idx.msk $0xffff, v42  }
0xc4: {  	v46 =	vor.u32 v8, v36;
	v42 =	vld [tilespmem:s0+$0x1940]  }
0xc5: {  	[tilespmem:v62+s28+$0x0] =	vst.idx.msk $0xffff, v34  }
0xc6: {  	v47 =	vadd.s32 v9, v39;
	[tilespmem:v63+s28+$0x0] =	vst.idx.msk $0xffff, v40;
	v34 =	vld [tilespmem:s0+$0x1970]  }
0xc7: {  	v48 =	vor.u32 v9, v35;
	[tilespmem:v45+s28+$0x0] =	vst.idx.msk $0xffff, v32;
	v40 =	vld [tilespmem:s0+$0x1910]  }
0xc8: {  	v49 =	vadd.s32 v9, v38;
	v32 =	vld [tilespmem:s0+$0x1930]  }
0xc9: {  	[tilespmem:v46+s28+$0x0] =	vst.idx.msk $0xffff, v42  }
0xca: {  	v50 =	vadd.s32 v9, v36;
	v42 =	vld [tilespmem:s0+$0x1950]  }
0xcb: {  	[tilespmem:v47+s28+$0x0] =	vst.idx.msk $0xffff, v34  }
0xcc: {  	v51 =	vadd.s32 v10, v39;
	[tilespmem:v48+s28+$0x0] =	vst.idx.msk $0xffff, v40;
	v34 =	vld [tilespmem:s0+$0x1FA0]  }
0xcd: {  	v52 =	vor.u32 v10, v35;
	[tilespmem:v49+s28+$0x0] =	vst.idx.msk $0xffff, v32;
	v40 =	vld [tilespmem:s0+$0x1F40]  }
0xce: {  	v53 =	vadd.s32 v10, v38;
	v32 =	vld [tilespmem:s0+$0x1F60]  }
0xcf: {  	[tilespmem:v50+s28+$0x0] =	vst.idx.msk $0xffff, v42  }
0xd0: {  	v54 =	vor.u32 v10, v36;
	v42 =	vld [tilespmem:s0+$0x1F80]  }
0xd1: {  	[tilespmem:v51+s28+$0x0] =	vst.idx.msk $0xffff, v34  }
0xd2: {  	v55 =	vadd.s32 v11, v39;
	[tilespmem:v52+s28+$0x0] =	vst.idx.msk $0xffff, v40;
	v34 =	vld [tilespmem:s0+$0x1FB0]  }
0xd3: {  	v56 =	vor.u32 v11, v35;
	[tilespmem:v53+s28+$0x0] =	vst.idx.msk $0xffff, v32;
	v40 =	vld [tilespmem:s0+$0x1F50]  }
0xd4: {  	v57 =	vadd.s32 v11, v38;
	v32 =	vld [tilespmem:s0+$0x1F70]  }
0xd5: {  	[tilespmem:v54+s28+$0x0] =	vst.idx.msk $0xffff, v42  }
0xd6: {  	v58 =	vadd.s32 v11, v36;
	v42 =	vld [tilespmem:s0+$0x1F90]  }
0xd7: {  	[tilespmem:v55+s28+$0x0] =	vst.idx.msk $0xffff, v34  }
0xd8: {  	v59 =	vadd.s32 v12, v39;
	[tilespmem:v56+s28+$0x0] =	vst.idx.msk $0xffff, v40;
	v34 =	vld [tilespmem:s0+$0x25E0]  }
0xd9: {  	v60 =	vor.u32 v12, v35;
	[tilespmem:v57+s28+$0x0] =	vst.idx.msk $0xffff, v32;
	v40 =	vld [tilespmem:s0+$0x2580]  }
0xda: {  	v61 =	vadd.s32 v12, v38;
	v32 =	vld [tilespmem:s0+$0x25A0]  }
0xdb: {  	[tilespmem:v58+s28+$0x0] =	vst.idx.msk $0xffff, v42  }
0xdc: {  	v62 =	vor.u32 v12, v36;
	v42 =	vld [tilespmem:s0+$0x25C0]  }
0xdd: {  	[tilespmem:v59+s28+$0x0] =	vst.idx.msk $0xffff, v34  }
0xde: {  	v63 =	vadd.s32 v13, v39;
	[tilespmem:v60+s28+$0x0] =	vst.idx.msk $0xffff, v40;
	v34 =	vld [tilespmem:s0+$0x25F0]  }
0xdf: {  	v45 =	vor.u32 v13, v35;
	[tilespmem:v61+s28+$0x0] =	vst.idx.msk $0xffff, v32;
	v40 =	vld [tilespmem:s0+$0x2590]  }
0xe0: {  	v46 =	vadd.s32 v13, v38;
	v32 =	vld [tilespmem:s0+$0x25B0]  }
0xe1: {  	[tilespmem:v62+s28+$0x0] =	vst.idx.msk $0xffff, v42  }
0xe2: {  	v47 =	vadd.s32 v13, v36;
	v42 =	vld [tilespmem:s0+$0x25D0]  }
0xe3: {  	[tilespmem:v63+s28+$0x0] =	vst.idx.msk $0xffff, v34  }
0xe4: {  	v48 =	vadd.s32 v14, v39;
	[tilespmem:v45+s28+$0x0] =	vst.idx.msk $0xffff, v40;
	v34 =	vld [tilespmem:s0+$0x2C20]  }
0xe5: {  	v49 =	vor.u32 v14, v35;
	[tilespmem:v46+s28+$0x0] =	vst.idx.msk $0xffff, v32;
	v40 =	vld [tilespmem:s0+$0x2BC0]  }
0xe6: {  	v50 =	vadd.s32 v14, v38;
	v32 =	vld [tilespmem:s0+$0x2BE0]  }
0xe7: {  	[tilespmem:v47+s28+$0x0] =	vst.idx.msk $0xffff, v42  }
0xe8: {  	v51 =	vor.u32 v14, v36;
	v42 =	vld [tilespmem:s0+$0x2C00]  }
0xe9: {  	[tilespmem:v48+s28+$0x0] =	vst.idx.msk $0xffff, v34  }
0xea: {  	v52 =	vadd.s32 v15, v39;
	[tilespmem:v49+s28+$0x0] =	vst.idx.msk $0xffff, v40;
	v34 =	vld [tilespmem:s0+$0x2C30]  }
0xeb: {  	v53 =	vor.u32 v15, v35;
	[tilespmem:v50+s28+$0x0] =	vst.idx.msk $0xffff, v32;
	v40 =	vld [tilespmem:s0+$0x2BD0]  }
0xec: {  	v54 =	vadd.s32 v15, v38;
	v32 =	vld [tilespmem:s0+$0x2BF0]  }
0xed: {  	[tilespmem:v51+s28+$0x0] =	vst.idx.msk $0xffff, v42  }
0xee: {  	v55 =	vadd.s32 v15, v36;
	v42 =	vld [tilespmem:s0+$0x2C10]  }
0xef: {  	[tilespmem:v52+s28+$0x0] =	vst.idx.msk $0xffff, v34  }
0xf0: {  	v56 =	vadd.s32 v16, v39;
	[tilespmem:v53+s28+$0x0] =	vst.idx.msk $0xffff, v40;
	v34 =	vld [tilespmem:s0+$0x3260]  }
0xf1: {  	v57 =	vor.u32 v16, v35;
	[tilespmem:v54+s28+$0x0] =	vst.idx.msk $0xffff, v32;
	v40 =	vld [tilespmem:s0+$0x3200]  }
0xf2: {  	v58 =	vadd.s32 v16, v38;
	v32 =	vld [tilespmem:s0+$0x3220]  }
0xf3: {  	[tilespmem:v55+s28+$0x0] =	vst.idx.msk $0xffff, v42  }
0xf4: {  	v59 =	vor.u32 v16, v36;
	v42 =	vld [tilespmem:s0+$0x3240]  }
0xf5: {  	[tilespmem:v56+s28+$0x0] =	vst.idx.msk $0xffff, v34  }
0xf6: {  	v60 =	vadd.s32 v17, v39;
	[tilespmem:v57+s28+$0x0] =	vst.idx.msk $0xffff, v40;
	v34 =	vld [tilespmem:s0+$0x3270]  }
0xf7: {  	v61 =	vor.u32 v17, v35;
	[tilespmem:v58+s28+$0x0] =	vst.idx.msk $0xffff, v32;
	v40 =	vld [tilespmem:s0+$0x3210]  }
0xf8: {  	v62 =	vadd.s32 v17, v38;
	v32 =	vld [tilespmem:s0+$0x3230]  }
0xf9: {  	[tilespmem:v59+s28+$0x0] =	vst.idx.msk $0xffff, v42  }
0xfa: {  	v63 =	vadd.s32 v17, v36;
	v42 =	vld [tilespmem:s0+$0x3250]  }
0xfb: {  	[tilespmem:v60+s28+$0x0] =	vst.idx.msk $0xffff, v34  }
0xfc: {  	v45 =	vadd.s32 v18, v39;
	[tilespmem:v61+s28+$0x0] =	vst.idx.msk $0xffff, v40;
	v34 =	vld [tilespmem:s0+$0x38A0]  }
0xfd: {  	v46 =	vor.u32 v18, v35;
	[tilespmem:v62+s28+$0x0] =	vst.idx.msk $0xffff, v32;
	v40 =	vld [tilespmem:s0+$0x3840]  }
0xfe: {  	v47 =	vadd.s32 v18, v38;
	v32 =	vld [tilespmem:s0+$0x3860]  }
0xff: {  	[tilespmem:v63+s28+$0x0] =	vst.idx.msk $0xffff, v42  }
0x100: {  	v48 =	vor.u32 v18, v36;
	v42 =	vld [tilespmem:s0+$0x3880]  }
0x101: {  	[tilespmem:v45+s28+$0x0] =	vst.idx.msk $0xffff, v34  }
0x102: {  	v49 =	vadd.s32 v19, v39;
	[tilespmem:v46+s28+$0x0] =	vst.idx.msk $0xffff, v40;
	v34 =	vld [tilespmem:s0+$0x38B0]  }
0x103: {  	v50 =	vor.u32 v19, v35;
	[tilespmem:v47+s28+$0x0] =	vst.idx.msk $0xffff, v32;
	v40 =	vld [tilespmem:s0+$0x3850]  }
0x104: {  	v51 =	vadd.s32 v19, v38;
	v32 =	vld [tilespmem:s0+$0x3870]  }
0x105: {  	[tilespmem:v48+s28+$0x0] =	vst.idx.msk $0xffff, v42  }
0x106: {  	v52 =	vadd.s32 v19, v36;
	v42 =	vld [tilespmem:s0+$0x3890]  }
0x107: {  	s12 =	simm.s32 $0x7;
	[tilespmem:v49+s28+$0x0] =	vst.idx.msk $0xffff, v34  }
0x108: {  	s13 =	simm.s32 $0x4;
	s11 =	simm.s32 $0x5;
	v53 =	vadd.s32 v20, v39;
	v55 =	vmov s12;
	[tilespmem:v50+s28+$0x0] =	vst.idx.msk $0xffff, v40  }
0x109: {  	v56 =	vmov s13;
	v46 =	vmov s11;
	[tilespmem:v51+s28+$0x0] =	vst.idx.msk $0xffff, v32;
	v32 =	vmul.u32 $0x300, v55;
	v34 =	vld [tilespmem:s0+$0x3EE0]  }
0x10a: {  	v54 =	vor.u32 v20, v35;
	v33 =	vmul.u32 $0x300, v56;
	v58 =	vmul.u32 $0x300, v46;
	v40 =	vld [tilespmem:s0+$0x3E80]  }
0x10b: {  	v44 =	vadd.s32 v20, v38;
	[tilespmem:v52+s28+$0x0] =	vst.idx.msk $0xffff, v42;
	v45 =	vld [tilespmem:s0+$0x3EA0];
	v37 =	vbroadcast v32, $0x0  }
0x10c: {  	s29 =	sadd.s32 $0x80, s0;
	v57 =	vor.u32 v20, v36;
	v43 =	vld [tilespmem:s0+$0x3EC0];
	v32 =	vbroadcast v33, $0x0;
	v33 =	vbroadcast v58, $0x0  }
0x10d: {  	s12 =	simm.s32 $0x6;
	v49 =	vld [tilespmem:s29+$0x60];
	v50 =	vadd.s32 v0, v37  }
0x10e: {  	v47 =	vmov s12;
	v55 =	vld [tilespmem:s29+$0x20];
	v56 =	vadd.s32 v0, v33;
	[tilespmem:v53+s28+$0x0] =	vst.idx.msk $0xffff, v34  }
0x10f: {  	v63 =	vld [tilespmem:s29+$0x0];
	v61 =	vmul.u32 $0x300, v47;
	[tilespmem:v54+s28+$0x0] =	vst.idx.msk $0xffff, v40;
	v54 =	vor.u32 v0, v32  }
0x110: {  	v60 =	vadd.s32 v21, v39;
	[tilespmem:v44+s28+$0x0] =	vst.idx.msk $0xffff, v45;
	v59 =	vld [tilespmem:s0+$0x3EF0]  }
0x111: {  	v48 =	vor.u32 v21, v35;
	v34 =	vbroadcast v61, $0x0;
	[tilespmem:v57+s28+$0x0] =	vst.idx.msk $0xffff, v43;
	v62 =	vld [tilespmem:s0+$0x3E90]  }
0x112: {  	[tilespmem:v50+s28+$0x0] =	vst.idx.msk $0xffff, v49  }
0x113: {  	v57 =	vld [tilespmem:s29+$0x40];
	v51 =	vor.u32 v0, v34;
	[tilespmem:v56+s28+$0x0] =	vst.idx.msk $0xffff, v55  }
0x114: {  	v55 =	vadd.s32 v1, v33;
	v42 =	vld [tilespmem:s29+$0x30];
	[tilespmem:v54+s28+$0x0] =	vst.idx.msk $0xffff, v63  }
0x115: {  	[tilespmem:v60+s28+$0x0] =	vst.idx.msk $0xffff, v59;
	v59 =	vld [tilespmem:s0+$0x3EB0];
	v60 =	vadd.s32 v21, v38  }
0x116: {  	v61 =	vld [tilespmem:s29+$0x70];
	[tilespmem:v48+s28+$0x0] =	vst.idx.msk $0xffff, v62;
	v62 =	vadd.s32 v1, v37  }
0x117: {  	v54 =	vor.u32 v1, v32;
	v63 =	vld [tilespmem:s29+$0x10]  }
0x118: {  	v58 =	vadd.s32 v22, v39;
	v40 =	vld [tilespmem:s0+$0x4520];
	[tilespmem:v51+s28+$0x0] =	vst.idx.msk $0xffff, v57  }
0x119: {  	[tilespmem:v55+s28+$0x0] =	vst.idx.msk $0xffff, v42  }
0x11a: {  	[tilespmem:v60+s28+$0x0] =	vst.idx.msk $0xffff, v59  }
0x11b: {  	v56 =	vadd.s32 v1, v34;
	v46 =	vld [tilespmem:s29+$0x50];
	[tilespmem:v62+s28+$0x0] =	vst.idx.msk $0xffff, v61  }
0x11c: {  	v42 =	vld [tilespmem:s29+$0x660];
	[tilespmem:v54+s28+$0x0] =	vst.idx.msk $0xffff, v63;
	v63 =	vadd.s32 v2, v33  }
0x11d: {  	v59 =	vadd.s32 v21, v36;
	[tilespmem:v58+s28+$0x0] =	vst.idx.msk $0xffff, v40;
	v58 =	vld [tilespmem:s0+$0x3ED0]  }
0x11e: {  	v61 =	vadd.s32 v2, v37;
	v60 =	vld [tilespmem:s29+$0x6A0]  }
0x11f: {  	v57 =	vadd.s32 v23, v39;
	v40 =	vld [tilespmem:s0+$0x4530]  }
0x120: {  	v62 =	vor.u32 v2, v32;
	v49 =	vld [tilespmem:s29+$0x640];
	[tilespmem:v56+s28+$0x0] =	vst.idx.msk $0xffff, v46  }
0x121: {  	[tilespmem:v63+s28+$0x0] =	vst.idx.msk $0xffff, v42  }
0x122: {  	v54 =	vor.u32 v2, v34;
	v46 =	vld [tilespmem:s29+$0x680];
	[tilespmem:v59+s28+$0x0] =	vst.idx.msk $0xffff, v58  }
0x123: {  	[tilespmem:v61+s28+$0x0] =	vst.idx.msk $0xffff, v60;
	v42 =	vld [tilespmem:s29+$0x670];
	v60 =	vadd.s32 v3, v33  }
0x124: {  	v56 =	vld [tilespmem:s0+$0x44E0];
	[tilespmem:v57+s28+$0x0] =	vst.idx.msk $0xffff, v40;
	v57 =	vadd.s32 v22, v38  }
0x125: {  	[tilespmem:v62+s28+$0x0] =	vst.idx.msk $0xffff, v49;
	v58 =	vadd.s32 v3, v37;
	v47 =	vld [tilespmem:s29+$0x6B0]  }
0x126: {  	v59 =	vor.u32 v3, v32;
	v49 =	vld [tilespmem:s29+$0x650]  }
0x127: {  	v55 =	vadd.s32 v24, v39;
	v40 =	vld [tilespmem:s0+$0x4B60];
	[tilespmem:v54+s28+$0x0] =	vst.idx.msk $0xffff, v46  }
0x128: {  	[tilespmem:v60+s28+$0x0] =	vst.idx.msk $0xffff, v42  }
0x129: {  	v63 =	vld [tilespmem:s0+$0x4500];
	v54 =	vor.u32 v22, v36;
	[tilespmem:v57+s28+$0x0] =	vst.idx.msk $0xffff, v56  }
0x12a: {  	v61 =	vadd.s32 v3, v34;
	v46 =	vld [tilespmem:s29+$0x690];
	[tilespmem:v58+s28+$0x0] =	vst.idx.msk $0xffff, v47  }
0x12b: {  	[tilespmem:v59+s28+$0x0] =	vst.idx.msk $0xffff, v49;
	v42 =	vld [tilespmem:s29+$0xCA0];
	v57 =	vadd.s32 v4, v33  }
0x12c: {  	[tilespmem:v55+s28+$0x0] =	vst.idx.msk $0xffff, v40;
	v47 =	vld [tilespmem:s29+$0xCE0];
	v55 =	vadd.s32 v4, v37  }
0x12d: {  	v56 =	vor.u32 v4, v32;
	v49 =	vld [tilespmem:s29+$0xC80]  }
0x12e: {  	v62 =	vadd.s32 v25, v39;
	[tilespmem:v54+s28+$0x0] =	vst.idx.msk $0xffff, v63;
	v40 =	vld [tilespmem:s0+$0x4B70]  }
0x12f: {  	[tilespmem:v61+s28+$0x0] =	vst.idx.msk $0xffff, v46  }
0x130: {  	v60 =	vld [tilespmem:s0+$0x44C0];
	v61 =	vor.u32 v22, v35;
	[tilespmem:v57+s28+$0x0] =	vst.idx.msk $0xffff, v42  }
0x131: {  	v58 =	vor.u32 v4, v34;
	v46 =	vld [tilespmem:s29+$0xCC0];
	[tilespmem:v55+s28+$0x0] =	vst.idx.msk $0xffff, v47  }
0x132: {  	v54 =	vadd.s32 v5, v33;
	[tilespmem:v56+s28+$0x0] =	vst.idx.msk $0xffff, v49;
	v42 =	vld [tilespmem:s29+$0xCB0]  }
0x133: {  	[tilespmem:v62+s28+$0x0] =	vst.idx.msk $0xffff, v40;
	v47 =	vld [tilespmem:s29+$0xCF0];
	v62 =	vadd.s32 v5, v37  }
0x134: {  	v63 =	vor.u32 v5, v32;
	v49 =	vld [tilespmem:s29+$0xC90]  }
0x135: {  	v59 =	vadd.s32 v26, v39;
	[tilespmem:v61+s28+$0x0] =	vst.idx.msk $0xffff, v60;
	v40 =	vld [tilespmem:s0+$0x51A0]  }
0x136: {  	[tilespmem:v58+s28+$0x0] =	vst.idx.msk $0xffff, v46  }
0x137: {  	v57 =	vld [tilespmem:s0+$0x44F0];
	v58 =	vadd.s32 v23, v38;
	[tilespmem:v54+s28+$0x0] =	vst.idx.msk $0xffff, v42  }
0x138: {  	v55 =	vadd.s32 v5, v34;
	v46 =	vld [tilespmem:s29+$0xCD0];
	[tilespmem:v62+s28+$0x0] =	vst.idx.msk $0xffff, v47  }
0x139: {  	v61 =	vadd.s32 v6, v33;
	[tilespmem:v63+s28+$0x0] =	vst.idx.msk $0xffff, v49;
	v42 =	vld [tilespmem:s29+$0x12E0]  }
0x13a: {  	[tilespmem:v59+s28+$0x0] =	vst.idx.msk $0xffff, v40;
	v47 =	vld [tilespmem:s29+$0x1320];
	v59 =	vadd.s32 v6, v37  }
0x13b: {  	v60 =	vor.u32 v6, v32;
	v49 =	vld [tilespmem:s29+$0x12C0]  }
0x13c: {  	v56 =	vadd.s32 v27, v39;
	[tilespmem:v58+s28+$0x0] =	vst.idx.msk $0xffff, v57;
	v40 =	vld [tilespmem:s0+$0x51B0]  }
0x13d: {  	[tilespmem:v55+s28+$0x0] =	vst.idx.msk $0xffff, v46  }
0x13e: {  	v54 =	vld [tilespmem:s0+$0x4510];
	v55 =	vadd.s32 v23, v36;
	[tilespmem:v61+s28+$0x0] =	vst.idx.msk $0xffff, v42  }
0x13f: {  	v62 =	vor.u32 v6, v34;
	v46 =	vld [tilespmem:s29+$0x1300];
	[tilespmem:v59+s28+$0x0] =	vst.idx.msk $0xffff, v47  }
0x140: {  	v58 =	vadd.s32 v7, v33;
	[tilespmem:v60+s28+$0x0] =	vst.idx.msk $0xffff, v49;
	v42 =	vld [tilespmem:s29+$0x12F0]  }
0x141: {  	[tilespmem:v56+s28+$0x0] =	vst.idx.msk $0xffff, v40;
	v47 =	vld [tilespmem:s29+$0x1330];
	v56 =	vadd.s32 v7, v37  }
0x142: {  	v57 =	vor.u32 v7, v32;
	v49 =	vld [tilespmem:s29+$0x12D0]  }
0x143: {  	v63 =	vadd.s32 v28, v39;
	[tilespmem:v55+s28+$0x0] =	vst.idx.msk $0xffff, v54;
	v40 =	vld [tilespmem:s0+$0x57E0]  }
0x144: {  	[tilespmem:v62+s28+$0x0] =	vst.idx.msk $0xffff, v46  }
0x145: {  	v61 =	vld [tilespmem:s0+$0x44D0];
	v62 =	vor.u32 v23, v35;
	[tilespmem:v58+s28+$0x0] =	vst.idx.msk $0xffff, v42  }
0x146: {  	v59 =	vadd.s32 v7, v34;
	v46 =	vld [tilespmem:s29+$0x1310];
	[tilespmem:v56+s28+$0x0] =	vst.idx.msk $0xffff, v47  }
0x147: {  	v55 =	vadd.s32 v8, v33;
	[tilespmem:v57+s28+$0x0] =	vst.idx.msk $0xffff, v49;
	v42 =	vld [tilespmem:s29+$0x1920]  }
0x148: {  	[tilespmem:v63+s28+$0x0] =	vst.idx.msk $0xffff, v40;
	v47 =	vld [tilespmem:s29+$0x1960];
	v63 =	vadd.s32 v8, v37  }
0x149: {  	v54 =	vor.u32 v8, v32;
	v49 =	vld [tilespmem:s29+$0x1900]  }
0x14a: {  	v60 =	vadd.s32 v29, v39;
	[tilespmem:v62+s28+$0x0] =	vst.idx.msk $0xffff, v61;
	v40 =	vld [tilespmem:s0+$0x57F0]  }
0x14b: {  	[tilespmem:v59+s28+$0x0] =	vst.idx.msk $0xffff, v46  }
0x14c: {  	v56 =	vor.u32 v8, v34;
	v46 =	vld [tilespmem:s29+$0x1940];
	[tilespmem:v55+s28+$0x0] =	vst.idx.msk $0xffff, v42  }
0x14d: {  	v58 =	vld [tilespmem:s0+$0x4B20];
	v59 =	vadd.s32 v24, v38;
	[tilespmem:v63+s28+$0x0] =	vst.idx.msk $0xffff, v47  }
0x14e: {  	v62 =	vadd.s32 v9, v33;
	[tilespmem:v54+s28+$0x0] =	vst.idx.msk $0xffff, v49;
	v42 =	vld [tilespmem:s29+$0x1930]  }
0x14f: {  	[tilespmem:v60+s28+$0x0] =	vst.idx.msk $0xffff, v40;
	v47 =	vld [tilespmem:s29+$0x1970];
	v60 =	vadd.s32 v9, v37  }
0x150: {  	v61 =	vor.u32 v9, v32;
	v49 =	vld [tilespmem:s29+$0x1910]  }
0x151: {  	v57 =	vadd.s32 v30, v39;
	v40 =	vld [tilespmem:s0+$0x5E20];
	[tilespmem:v56+s28+$0x0] =	vst.idx.msk $0xffff, v46  }
0x152: {  	v63 =	vadd.s32 v9, v34;
	[tilespmem:v59+s28+$0x0] =	vst.idx.msk $0xffff, v58;
	v46 =	vld [tilespmem:s29+$0x1950]  }
0x153: {  	v53 =	vld [tilespmem:s0+$0x4B40];
	v54 =	vor.u32 v24, v36;
	[tilespmem:v62+s28+$0x0] =	vst.idx.msk $0xffff, v42  }
0x154: {  	v59 =	vadd.s32 v10, v33;
	[tilespmem:v60+s28+$0x0] =	vst.idx.msk $0xffff, v47;
	v42 =	vld [tilespmem:s29+$0x1F60]  }
0x155: {  	v56 =	vadd.s32 v10, v37;
	[tilespmem:v61+s28+$0x0] =	vst.idx.msk $0xffff, v49;
	v55 =	vld [tilespmem:s29+$0x1FA0]  }
0x156: {  	v58 =	vor.u32 v10, v32;
	[tilespmem:v57+s28+$0x0] =	vst.idx.msk $0xffff, v40;
	v57 =	vld [tilespmem:s29+$0x1F40]  }
0x157: {  	v62 =	vor.u32 v24, v35;
	v61 =	vld [tilespmem:s0+$0x4B00];
	[tilespmem:v63+s28+$0x0] =	vst.idx.msk $0xffff, v46  }
0x158: {  	[tilespmem:v54+s28+$0x0] =	vst.idx.msk $0xffff, v53;
	v60 =	vor.u32 v10, v34;
	v46 =	vld [tilespmem:s29+$0x1F80]  }
0x159: {  	v39 =	vadd.s32 v31, v39;
	v40 =	vld [tilespmem:s0+$0x5E30];
	[tilespmem:v59+s28+$0x0] =	vst.idx.msk $0xffff, v42  }
0x15a: {  	v52 =	vadd.s32 v25, v38;
	v63 =	vld [tilespmem:s0+$0x4B30];
	[tilespmem:v56+s28+$0x0] =	vst.idx.msk $0xffff, v55  }
0x15b: {  	v53 =	vadd.s32 v11, v37;
	[tilespmem:v58+s28+$0x0] =	vst.idx.msk $0xffff, v57;
	v45 =	vld [tilespmem:s29+$0x1FB0]  }
0x15c: {  	v54 =	vor.u32 v11, v32;
	[tilespmem:v62+s28+$0x0] =	vst.idx.msk $0xffff, v61;
	v48 =	vld [tilespmem:s29+$0x1F50]  }
0x15d: {  	v42 =	vld [tilespmem:s29+$0x1F70];
	v55 =	vadd.s32 v11, v33;
	[tilespmem:v60+s28+$0x0] =	vst.idx.msk $0xffff, v46  }
0x15e: {  	v56 =	vadd.s32 v11, v34;
	[tilespmem:v39+s28+$0x0] =	vst.idx.msk $0xffff, v40;
	v46 =	vld [tilespmem:s29+$0x1F90]  }
0x15f: {  	v57 =	vld [tilespmem:s0+$0x4B50];
	v58 =	vadd.s32 v25, v36;
	[tilespmem:v52+s28+$0x0] =	vst.idx.msk $0xffff, v63  }
0x160: {  	v59 =	vld [tilespmem:s0+$0x4B10];
	v60 =	vor.u32 v25, v35;
	[tilespmem:v53+s28+$0x0] =	vst.idx.msk $0xffff, v45  }
0x161: {  	v61 =	vadd.s32 v12, v37;
	[tilespmem:v54+s28+$0x0] =	vst.idx.msk $0xffff, v48;
	v45 =	vld [tilespmem:s29+$0x25E0]  }
0x162: {  	v62 =	vor.u32 v12, v32;
	[tilespmem:v55+s28+$0x0] =	vst.idx.msk $0xffff, v42;
	v48 =	vld [tilespmem:s29+$0x2580]  }
0x163: {  	v63 =	vadd.s32 v12, v33;
	v42 =	vld [tilespmem:s29+$0x25A0];
	[tilespmem:v56+s28+$0x0] =	vst.idx.msk $0xffff, v46  }
0x164: {  	v52 =	vor.u32 v12, v34;
	[tilespmem:v58+s28+$0x0] =	vst.idx.msk $0xffff, v57;
	v46 =	vld [tilespmem:s29+$0x25C0]  }
0x165: {  	v53 =	vld [tilespmem:s0+$0x5160];
	v54 =	vadd.s32 v26, v38;
	[tilespmem:v60+s28+$0x0] =	vst.idx.msk $0xffff, v59  }
0x166: {  	v55 =	vld [tilespmem:s0+$0x5180];
	v56 =	vor.u32 v26, v36;
	[tilespmem:v61+s28+$0x0] =	vst.idx.msk $0xffff, v45  }
0x167: {  	v57 =	vadd.s32 v13, v37;
	[tilespmem:v62+s28+$0x0] =	vst.idx.msk $0xffff, v48;
	v45 =	vld [tilespmem:s29+$0x25F0]  }
0x168: {  	v58 =	vor.u32 v13, v32;
	[tilespmem:v63+s28+$0x0] =	vst.idx.msk $0xffff, v42;
	v48 =	vld [tilespmem:s29+$0x2590]  }
0x169: {  	v59 =	vadd.s32 v13, v33;
	v42 =	vld [tilespmem:s29+$0x25B0];
	[tilespmem:v52+s28+$0x0] =	vst.idx.msk $0xffff, v46  }
0x16a: {  	v60 =	vadd.s32 v13, v34;
	[tilespmem:v54+s28+$0x0] =	vst.idx.msk $0xffff, v53;
	v46 =	vld [tilespmem:s29+$0x25D0]  }
0x16b: {  	v61 =	vld [tilespmem:s0+$0x5140];
	v62 =	vor.u32 v26, v35;
	[tilespmem:v56+s28+$0x0] =	vst.idx.msk $0xffff, v55  }
0x16c: {  	v63 =	vld [tilespmem:s0+$0x5170];
	v52 =	vadd.s32 v27, v38;
	[tilespmem:v57+s28+$0x0] =	vst.idx.msk $0xffff, v45  }
0x16d: {  	v53 =	vadd.s32 v14, v37;
	[tilespmem:v58+s28+$0x0] =	vst.idx.msk $0xffff, v48;
	v45 =	vld [tilespmem:s29+$0x2C20]  }
0x16e: {  	v54 =	vor.u32 v14, v32;
	[tilespmem:v59+s28+$0x0] =	vst.idx.msk $0xffff, v42;
	v48 =	vld [tilespmem:s29+$0x2BC0]  }
0x16f: {  	v55 =	vadd.s32 v14, v33;
	v42 =	vld [tilespmem:s29+$0x2BE0];
	[tilespmem:v60+s28+$0x0] =	vst.idx.msk $0xffff, v46  }
0x170: {  	v56 =	vor.u32 v14, v34;
	[tilespmem:v62+s28+$0x0] =	vst.idx.msk $0xffff, v61;
	v46 =	vld [tilespmem:s29+$0x2C00]  }
0x171: {  	v57 =	vld [tilespmem:s0+$0x5190];
	v58 =	vadd.s32 v27, v36;
	[tilespmem:v52+s28+$0x0] =	vst.idx.msk $0xffff, v63  }
0x172: {  	v59 =	vld [tilespmem:s0+$0x5150];
	v60 =	vor.u32 v27, v35;
	[tilespmem:v53+s28+$0x0] =	vst.idx.msk $0xffff, v45  }
0x173: {  	v61 =	vadd.s32 v15, v37;
	[tilespmem:v54+s28+$0x0] =	vst.idx.msk $0xffff, v48;
	v45 =	vld [tilespmem:s29+$0x2C30]  }
0x174: {  	v62 =	vor.u32 v15, v32;
	[tilespmem:v55+s28+$0x0] =	vst.idx.msk $0xffff, v42;
	v48 =	vld [tilespmem:s29+$0x2BD0]  }
0x175: {  	v63 =	vadd.s32 v15, v33;
	v42 =	vld [tilespmem:s29+$0x2BF0];
	[tilespmem:v56+s28+$0x0] =	vst.idx.msk $0xffff, v46  }
0x176: {  	v52 =	vadd.s32 v15, v34;
	[tilespmem:v58+s28+$0x0] =	vst.idx.msk $0xffff, v57;
	v46 =	vld [tilespmem:s29+$0x2C10]  }
0x177: {  	v53 =	vld [tilespmem:s0+$0x57A0];
	v54 =	vadd.s32 v28, v38;
	[tilespmem:v60+s28+$0x0] =	vst.idx.msk $0xffff, v59  }
0x178: {  	v55 =	vld [tilespmem:s0+$0x57C0];
	v56 =	vor.u32 v28, v36;
	[tilespmem:v61+s28+$0x0] =	vst.idx.msk $0xffff, v45  }
0x179: {  	v57 =	vadd.s32 v16, v37;
	[tilespmem:v62+s28+$0x0] =	vst.idx.msk $0xffff, v48;
	v45 =	vld [tilespmem:s29+$0x3260]  }
0x17a: {  	v58 =	vor.u32 v16, v32;
	[tilespmem:v63+s28+$0x0] =	vst.idx.msk $0xffff, v42;
	v48 =	vld [tilespmem:s29+$0x3200]  }
0x17b: {  	v59 =	vadd.s32 v16, v33;
	v42 =	vld [tilespmem:s29+$0x3220];
	[tilespmem:v52+s28+$0x0] =	vst.idx.msk $0xffff, v46  }
0x17c: {  	v60 =	vor.u32 v16, v34;
	[tilespmem:v54+s28+$0x0] =	vst.idx.msk $0xffff, v53;
	v46 =	vld [tilespmem:s29+$0x3240]  }
0x17d: {  	v61 =	vld [tilespmem:s0+$0x5780];
	v62 =	vor.u32 v28, v35;
	[tilespmem:v56+s28+$0x0] =	vst.idx.msk $0xffff, v55  }
0x17e: {  	v63 =	vld [tilespmem:s0+$0x57B0];
	v52 =	vadd.s32 v29, v38;
	[tilespmem:v57+s28+$0x0] =	vst.idx.msk $0xffff, v45  }
0x17f: {  	v53 =	vadd.s32 v17, v37;
	[tilespmem:v58+s28+$0x0] =	vst.idx.msk $0xffff, v48;
	v45 =	vld [tilespmem:s29+$0x3270]  }
0x180: {  	v54 =	vor.u32 v17, v32;
	[tilespmem:v59+s28+$0x0] =	vst.idx.msk $0xffff, v42;
	v48 =	vld [tilespmem:s29+$0x3210]  }
0x181: {  	v55 =	vadd.s32 v17, v33;
	v42 =	vld [tilespmem:s29+$0x3230];
	[tilespmem:v60+s28+$0x0] =	vst.idx.msk $0xffff, v46  }
0x182: {  	v56 =	vadd.s32 v17, v34;
	[tilespmem:v62+s28+$0x0] =	vst.idx.msk $0xffff, v61;
	v46 =	vld [tilespmem:s29+$0x3250]  }
0x183: {  	v57 =	vld [tilespmem:s0+$0x57D0];
	v58 =	vadd.s32 v29, v36;
	[tilespmem:v52+s28+$0x0] =	vst.idx.msk $0xffff, v63  }
0x184: {  	v59 =	vld [tilespmem:s0+$0x5790];
	v60 =	vor.u32 v29, v35;
	[tilespmem:v53+s28+$0x0] =	vst.idx.msk $0xffff, v45  }
0x185: {  	v61 =	vadd.s32 v18, v37;
	[tilespmem:v54+s28+$0x0] =	vst.idx.msk $0xffff, v48;
	v45 =	vld [tilespmem:s29+$0x38A0]  }
0x186: {  	v62 =	vor.u32 v18, v32;
	[tilespmem:v55+s28+$0x0] =	vst.idx.msk $0xffff, v42;
	v48 =	vld [tilespmem:s29+$0x3840]  }
0x187: {  	v63 =	vadd.s32 v18, v33;
	v42 =	vld [tilespmem:s29+$0x3860];
	[tilespmem:v56+s28+$0x0] =	vst.idx.msk $0xffff, v46  }
0x188: {  	[tilespmem:v58+s28+$0x0] =	vst.idx.msk $0xffff, v57;
	v56 =	vor.u32 v18, v34;
	v46 =	vld [tilespmem:s29+$0x3880]  }
0x189: {  	v57 =	vld [tilespmem:s0+$0x5DE0];
	v58 =	vadd.s32 v30, v38;
	[tilespmem:v60+s28+$0x0] =	vst.idx.msk $0xffff, v59  }
0x18a: {  	v59 =	vld [tilespmem:s0+$0x5E00];
	v60 =	vor.u32 v30, v36;
	[tilespmem:v61+s28+$0x0] =	vst.idx.msk $0xffff, v45  }
0x18b: {  	[tilespmem:v62+s28+$0x0] =	vst.idx.msk $0xffff, v48;
	v61 =	vadd.s32 v19, v37;
	v45 =	vld [tilespmem:s29+$0x38B0]  }
0x18c: {  	v52 =	vor.u32 v19, v32;
	[tilespmem:v63+s28+$0x0] =	vst.idx.msk $0xffff, v42;
	v62 =	vld [tilespmem:s29+$0x3850]  }
0x18d: {  	v63 =	vadd.s32 v19, v33;
	v42 =	vld [tilespmem:s29+$0x3870];
	[tilespmem:v56+s28+$0x0] =	vst.idx.msk $0xffff, v46  }
0x18e: {  	v54 =	vadd.s32 v19, v34;
	[tilespmem:v58+s28+$0x0] =	vst.idx.msk $0xffff, v57;
	v53 =	vld [tilespmem:s29+$0x3890]  }
0x18f: {  	s13 =	smul.u32 $0x25800, s26;
	v50 =	vor.u32 v30, v35;
	v49 =	vld [tilespmem:s0+$0x5DC0];
	[tilespmem:v60+s28+$0x0] =	vst.idx.msk $0xffff, v59  }
0x190: {  	v51 =	vadd.s32 v31, v38;
	v48 =	vld [tilespmem:s0+$0x5DF0];
	[tilespmem:v61+s28+$0x0] =	vst.idx.msk $0xffff, v45  }
0x191: {  	s26 =	sshll.u32 s30, $0x4;
	s1 =	sshrl.u32 s13, $0x2;
	v47 =	vadd.s32 v20, v37;
	[tilespmem:v52+s28+$0x0] =	vst.idx.msk $0xffff, v62;
	v45 =	vld [tilespmem:s29+$0x3EE0]  }
0x192: {  	s31 =	sadd.s32 s4, s26;
	s26 =	smov.u32 s0;
	s30 =	sadd.s32 $0xCF00, s1;
	v46 =	vor.u32 v20, v32;
	[tilespmem:v63+s28+$0x0] =	vst.idx.msk $0xffff, v42;
	v44 =	vld [tilespmem:s29+$0x3E80]  }
0x193: {  	s1 =	simm.s32 $0x8;
	s12 =	simm.s32 $0xB;
	s11 =	simm.s32 $0xC;
	v43 =	vadd.s32 v20, v33;
	v42 =	vld [tilespmem:s29+$0x3EA0];
	[tilespmem:v54+s28+$0x0] =	vst.idx.msk $0xffff, v53  }
.LBB2_4:
0x194: {  	p1 =	slt.u32 s11, $0x2C;
	v38 =	vmov s1;
	v39 =	vmov s12;
	v40 =	vld [tilespmem:s29+$0x3EC0];
	v41 =	vor.u32 v20, v34;
	[tilespmem:v50+s28+$0x0] =	vst.idx.msk $0xffff, v49  }
0x195: {  	s12 =	sadd.s32 $0x1, s1;
	s13 =	sadd.s32 $0x2, s1;
	v49 =	vadd.s32 v31, v36;
	v36 =	vmovc v34;
	s1 =	smov.u32 s11;
	v38 =	vmul.u32 $0x300, v38;
	v39 =	vmul.u32 $0x300, v39;
	[tilespmem:v51+s28+$0x0] =	vst.idx.msk $0xffff, v48;
	v48 =	vld [tilespmem:s26+$0x5E10]  }
0x196: {  	v34 =	vmov s12;
	v50 =	vmov s13;
	[tilespmem:v47+s28+$0x0] =	vst.idx.msk $0xffff, v45;
	v45 =	vld [tilespmem:s26+$0x5DD0];
	v47 =	vor.u32 v31, v35;
	v35 =	vmovc v32;
	s26 =	smov.u32 s29  }
0x197: {  	v34 =	vmul.u32 $0x300, v34;
	v39 =	vbroadcast v39, $0x0;
	[tilespmem:v46+s28+$0x0] =	vst.idx.msk $0xffff, v44;
	v44 =	vld [tilespmem:s29+$0x3EF0];
	v46 =	vadd.s32 v21, v37  }
0x198: {  	v50 =	vmul.u32 $0x300, v50;
	v32 =	vbroadcast v38, $0x0;
	v52 =	vor.u32 v21, v35;
	s29 =	sadd.s32 $0x80, s29;
	v51 =	vld [tilespmem:s26+$0x3E90];
	[tilespmem:v43+s28+$0x0] =	vst.idx.msk $0xffff, v42  }
0x199: {  	v38 =	vbroadcast v34, $0x0;
	v42 =	vld [tilespmem:s29+$0x60];
	v43 =	vadd.s32 v0, v39;
	[tilespmem:v41+s28+$0x0] =	vst.idx.msk $0xffff, v40  }
0x19a: {  	v34 =	vbroadcast v50, $0x0;
	v41 =	vor.u32 v0, v32;
	v40 =	vld [tilespmem:s29+$0x0];
	[tilespmem:v49+s28+$0x0] =	vst.idx.msk $0xffff, v48  }
0x19b: {  	v49 =	vadd.s32 v0, v38;
	v48 =	vld [tilespmem:s29+$0x20];
	[tilespmem:v47+s28+$0x0] =	vst.idx.msk $0xffff, v45  }
0x19c: {  	v47 =	vor.u32 v0, v34;
	v45 =	vld [tilespmem:s29+$0x40];
	[tilespmem:v46+s28+$0x0] =	vst.idx.msk $0xffff, v44  }
0x19d: {  	v46 =	vadd.s32 v22, v37;
	[tilespmem:v52+s28+$0x0] =	vst.idx.msk $0xffff, v51;
	v44 =	vld [tilespmem:s26+$0x4520]  }
0x19e: {  	[tilespmem:v43+s28+$0x0] =	vst.idx.msk $0xffff, v42;
	v42 =	vld [tilespmem:s26+$0x3EB0];
	v43 =	vadd.s32 v21, v33  }
0x19f: {  	[tilespmem:v41+s28+$0x0] =	vst.idx.msk $0xffff, v40;
	v40 =	vld [tilespmem:s29+$0x70];
	v41 =	vadd.s32 v1, v39  }
0x1a0: {  	v51 =	vor.u32 v1, v32;
	v50 =	vld [tilespmem:s29+$0x10];
	[tilespmem:v49+s28+$0x0] =	vst.idx.msk $0xffff, v48  }
0x1a1: {  	v49 =	vadd.s32 v1, v38;
	v48 =	vld [tilespmem:s29+$0x30];
	[tilespmem:v47+s28+$0x0] =	vst.idx.msk $0xffff, v45  }
0x1a2: {  	v47 =	vadd.s32 v1, v34;
	v45 =	vld [tilespmem:s29+$0x50];
	[tilespmem:v46+s28+$0x0] =	vst.idx.msk $0xffff, v44  }
0x1a3: {  	[tilespmem:v43+s28+$0x0] =	vst.idx.msk $0xffff, v42;
	v42 =	vld [tilespmem:s26+$0x4530];
	v43 =	vadd.s32 v23, v37  }
0x1a4: {  	[tilespmem:v41+s28+$0x0] =	vst.idx.msk $0xffff, v40;
	v40 =	vld [tilespmem:s26+$0x3ED0];
	v41 =	vadd.s32 v21, v36  }
0x1a5: {  	v46 =	vadd.s32 v2, v39;
	[tilespmem:v51+s28+$0x0] =	vst.idx.msk $0xffff, v50;
	v44 =	vld [tilespmem:s29+$0x6A0]  }
0x1a6: {  	v51 =	vor.u32 v2, v32;
	v50 =	vld [tilespmem:s29+$0x640];
	[tilespmem:v49+s28+$0x0] =	vst.idx.msk $0xffff, v48  }
0x1a7: {  	v49 =	vadd.s32 v2, v38;
	v48 =	vld [tilespmem:s29+$0x660];
	[tilespmem:v47+s28+$0x0] =	vst.idx.msk $0xffff, v45  }
0x1a8: {  	v47 =	vor.u32 v2, v34;
	v45 =	vld [tilespmem:s29+$0x680];
	[tilespmem:v43+s28+$0x0] =	vst.idx.msk $0xffff, v42  }
0x1a9: {  	[tilespmem:v41+s28+$0x0] =	vst.idx.msk $0xffff, v40;
	v40 =	vld [tilespmem:s26+$0x4B60];
	v41 =	vadd.s32 v24, v37  }
0x1aa: {  	v43 =	vadd.s32 v22, v33;
	[tilespmem:v46+s28+$0x0] =	vst.idx.msk $0xffff, v44;
	v42 =	vld [tilespmem:s26+$0x44E0]  }
0x1ab: {  	v46 =	vadd.s32 v3, v39;
	[tilespmem:v51+s28+$0x0] =	vst.idx.msk $0xffff, v50;
	v44 =	vld [tilespmem:s29+$0x6B0]  }
0x1ac: {  	v51 =	vor.u32 v3, v32;
	v50 =	vld [tilespmem:s29+$0x650];
	[tilespmem:v49+s28+$0x0] =	vst.idx.msk $0xffff, v48  }
0x1ad: {  	v49 =	vadd.s32 v3, v38;
	v48 =	vld [tilespmem:s29+$0x670];
	[tilespmem:v47+s28+$0x0] =	vst.idx.msk $0xffff, v45  }
0x1ae: {  	v47 =	vadd.s32 v3, v34;
	v45 =	vld [tilespmem:s29+$0x690];
	[tilespmem:v41+s28+$0x0] =	vst.idx.msk $0xffff, v40  }
0x1af: {  	v41 =	vadd.s32 v25, v37;
	[tilespmem:v43+s28+$0x0] =	vst.idx.msk $0xffff, v42;
	v40 =	vld [tilespmem:s26+$0x4B70]  }
0x1b0: {  	v43 =	vor.u32 v22, v36;
	[tilespmem:v46+s28+$0x0] =	vst.idx.msk $0xffff, v44;
	v42 =	vld [tilespmem:s26+$0x4500]  }
0x1b1: {  	v46 =	vadd.s32 v4, v39;
	[tilespmem:v51+s28+$0x0] =	vst.idx.msk $0xffff, v50;
	v44 =	vld [tilespmem:s29+$0xCE0]  }
0x1b2: {  	v51 =	vor.u32 v4, v32;
	v50 =	vld [tilespmem:s29+$0xC80];
	[tilespmem:v49+s28+$0x0] =	vst.idx.msk $0xffff, v48  }
0x1b3: {  	v49 =	vadd.s32 v4, v38;
	v48 =	vld [tilespmem:s29+$0xCA0];
	[tilespmem:v47+s28+$0x0] =	vst.idx.msk $0xffff, v45  }
0x1b4: {  	v47 =	vor.u32 v4, v34;
	v45 =	vld [tilespmem:s29+$0xCC0];
	[tilespmem:v41+s28+$0x0] =	vst.idx.msk $0xffff, v40  }
0x1b5: {  	v41 =	vadd.s32 v26, v37;
	[tilespmem:v43+s28+$0x0] =	vst.idx.msk $0xffff, v42;
	v40 =	vld [tilespmem:s26+$0x51A0]  }
0x1b6: {  	v43 =	vor.u32 v22, v35;
	[tilespmem:v46+s28+$0x0] =	vst.idx.msk $0xffff, v44;
	v42 =	vld [tilespmem:s26+$0x44C0]  }
0x1b7: {  	v46 =	vadd.s32 v5, v39;
	[tilespmem:v51+s28+$0x0] =	vst.idx.msk $0xffff, v50;
	v44 =	vld [tilespmem:s29+$0xCF0]  }
0x1b8: {  	v51 =	vor.u32 v5, v32;
	v50 =	vld [tilespmem:s29+$0xC90];
	[tilespmem:v49+s28+$0x0] =	vst.idx.msk $0xffff, v48  }
0x1b9: {  	v49 =	vadd.s32 v5, v38;
	v48 =	vld [tilespmem:s29+$0xCB0];
	[tilespmem:v47+s28+$0x0] =	vst.idx.msk $0xffff, v45  }
0x1ba: {  	v47 =	vadd.s32 v5, v34;
	v45 =	vld [tilespmem:s29+$0xCD0];
	[tilespmem:v41+s28+$0x0] =	vst.idx.msk $0xffff, v40  }
0x1bb: {  	v41 =	vadd.s32 v27, v37;
	[tilespmem:v43+s28+$0x0] =	vst.idx.msk $0xffff, v42;
	v40 =	vld [tilespmem:s26+$0x51B0]  }
0x1bc: {  	v43 =	vadd.s32 v23, v33;
	[tilespmem:v46+s28+$0x0] =	vst.idx.msk $0xffff, v44;
	v42 =	vld [tilespmem:s26+$0x44F0]  }
0x1bd: {  	v46 =	vadd.s32 v6, v39;
	[tilespmem:v51+s28+$0x0] =	vst.idx.msk $0xffff, v50;
	v44 =	vld [tilespmem:s29+$0x1320]  }
0x1be: {  	v51 =	vor.u32 v6, v32;
	v50 =	vld [tilespmem:s29+$0x12C0];
	[tilespmem:v49+s28+$0x0] =	vst.idx.msk $0xffff, v48  }
0x1bf: {  	v49 =	vadd.s32 v6, v38;
	v48 =	vld [tilespmem:s29+$0x12E0];
	[tilespmem:v47+s28+$0x0] =	vst.idx.msk $0xffff, v45  }
0x1c0: {  	v47 =	vor.u32 v6, v34;
	v45 =	vld [tilespmem:s29+$0x1300];
	[tilespmem:v41+s28+$0x0] =	vst.idx.msk $0xffff, v40  }
0x1c1: {  	v41 =	vadd.s32 v28, v37;
	[tilespmem:v43+s28+$0x0] =	vst.idx.msk $0xffff, v42;
	v40 =	vld [tilespmem:s26+$0x57E0]  }
0x1c2: {  	v43 =	vadd.s32 v23, v36;
	[tilespmem:v46+s28+$0x0] =	vst.idx.msk $0xffff, v44;
	v42 =	vld [tilespmem:s26+$0x4510]  }
0x1c3: {  	v46 =	vadd.s32 v7, v39;
	[tilespmem:v51+s28+$0x0] =	vst.idx.msk $0xffff, v50;
	v44 =	vld [tilespmem:s29+$0x1330]  }
0x1c4: {  	v51 =	vor.u32 v7, v32;
	v50 =	vld [tilespmem:s29+$0x12D0];
	[tilespmem:v49+s28+$0x0] =	vst.idx.msk $0xffff, v48  }
0x1c5: {  	v49 =	vadd.s32 v7, v38;
	v48 =	vld [tilespmem:s29+$0x12F0];
	[tilespmem:v47+s28+$0x0] =	vst.idx.msk $0xffff, v45  }
0x1c6: {  	v47 =	vadd.s32 v7, v34;
	v45 =	vld [tilespmem:s29+$0x1310];
	[tilespmem:v41+s28+$0x0] =	vst.idx.msk $0xffff, v40  }
0x1c7: {  	v41 =	vadd.s32 v29, v37;
	[tilespmem:v43+s28+$0x0] =	vst.idx.msk $0xffff, v42;
	v40 =	vld [tilespmem:s26+$0x57F0]  }
0x1c8: {  	v43 =	vor.u32 v23, v35;
	[tilespmem:v46+s28+$0x0] =	vst.idx.msk $0xffff, v44;
	v42 =	vld [tilespmem:s26+$0x44D0]  }
0x1c9: {  	v46 =	vadd.s32 v8, v39;
	[tilespmem:v51+s28+$0x0] =	vst.idx.msk $0xffff, v50;
	v44 =	vld [tilespmem:s29+$0x1960]  }
0x1ca: {  	v51 =	vor.u32 v8, v32;
	v50 =	vld [tilespmem:s29+$0x1900];
	[tilespmem:v49+s28+$0x0] =	vst.idx.msk $0xffff, v48  }
0x1cb: {  	v49 =	vadd.s32 v8, v38;
	v48 =	vld [tilespmem:s29+$0x1920];
	[tilespmem:v47+s28+$0x0] =	vst.idx.msk $0xffff, v45  }
0x1cc: {  	v47 =	vor.u32 v8, v34;
	v45 =	vld [tilespmem:s29+$0x1940];
	[tilespmem:v41+s28+$0x0] =	vst.idx.msk $0xffff, v40  }
0x1cd: {  	v41 =	vadd.s32 v30, v37;
	[tilespmem:v43+s28+$0x0] =	vst.idx.msk $0xffff, v42;
	v40 =	vld [tilespmem:s26+$0x5E20]  }
0x1ce: {  	v43 =	vadd.s32 v24, v33;
	[tilespmem:v46+s28+$0x0] =	vst.idx.msk $0xffff, v44;
	v42 =	vld [tilespmem:s26+$0x4B20]  }
0x1cf: {  	v46 =	vadd.s32 v9, v39;
	[tilespmem:v51+s28+$0x0] =	vst.idx.msk $0xffff, v50;
	v44 =	vld [tilespmem:s29+$0x1970]  }
0x1d0: {  	v51 =	vor.u32 v9, v32;
	v50 =	vld [tilespmem:s29+$0x1910];
	[tilespmem:v49+s28+$0x0] =	vst.idx.msk $0xffff, v48  }
0x1d1: {  	v49 =	vadd.s32 v9, v38;
	v48 =	vld [tilespmem:s29+$0x1930];
	[tilespmem:v47+s28+$0x0] =	vst.idx.msk $0xffff, v45  }
0x1d2: {  	v47 =	vadd.s32 v9, v34;
	v45 =	vld [tilespmem:s29+$0x1950];
	[tilespmem:v41+s28+$0x0] =	vst.idx.msk $0xffff, v40  }
0x1d3: {  	v41 =	vadd.s32 v31, v37;
	v37 =	vmov v39;
	[tilespmem:v43+s28+$0x0] =	vst.idx.msk $0xffff, v42;
	v40 =	vld [tilespmem:s26+$0x5E30]  }
0x1d4: {  	v42 =	vor.u32 v24, v36;
	[tilespmem:v46+s28+$0x0] =	vst.idx.msk $0xffff, v44;
	v39 =	vld [tilespmem:s26+$0x4B40]  }
0x1d5: {  	v44 =	vadd.s32 v10, v37;
	[tilespmem:v51+s28+$0x0] =	vst.idx.msk $0xffff, v50;
	v43 =	vld [tilespmem:s29+$0x1FA0]  }
0x1d6: {  	v50 =	vor.u32 v10, v32;
	v46 =	vld [tilespmem:s29+$0x1F40];
	[tilespmem:v49+s28+$0x0] =	vst.idx.msk $0xffff, v48  }
0x1d7: {  	v49 =	vadd.s32 v10, v38;
	v48 =	vld [tilespmem:s29+$0x1F60];
	[tilespmem:v47+s28+$0x0] =	vst.idx.msk $0xffff, v45  }
0x1d8: {  	v47 =	vor.u32 v10, v34;
	v45 =	vld [tilespmem:s29+$0x1F80];
	[tilespmem:v41+s28+$0x0] =	vst.idx.msk $0xffff, v40  }
0x1d9: {  	v41 =	vor.u32 v24, v35;
	v40 =	vld [tilespmem:s26+$0x4B00];
	[tilespmem:v42+s28+$0x0] =	vst.idx.msk $0xffff, v39  }
0x1da: {  	v42 =	vadd.s32 v25, v33;
	[tilespmem:v44+s28+$0x0] =	vst.idx.msk $0xffff, v43;
	v39 =	vld [tilespmem:s26+$0x4B30]  }
0x1db: {  	v44 =	vadd.s32 v11, v37;
	[tilespmem:v50+s28+$0x0] =	vst.idx.msk $0xffff, v46;
	v43 =	vld [tilespmem:s29+$0x1FB0]  }
0x1dc: {  	v50 =	vor.u32 v11, v32;
	v46 =	vld [tilespmem:s29+$0x1F50];
	[tilespmem:v49+s28+$0x0] =	vst.idx.msk $0xffff, v48  }
0x1dd: {  	v49 =	vadd.s32 v11, v38;
	v48 =	vld [tilespmem:s29+$0x1F70];
	[tilespmem:v47+s28+$0x0] =	vst.idx.msk $0xffff, v45  }
0x1de: {  	v47 =	vadd.s32 v11, v34;
	v45 =	vld [tilespmem:s29+$0x1F90];
	[tilespmem:v41+s28+$0x0] =	vst.idx.msk $0xffff, v40  }
0x1df: {  	v40 =	vadd.s32 v25, v36;
	[tilespmem:v42+s28+$0x0] =	vst.idx.msk $0xffff, v39;
	v39 =	vld [tilespmem:s26+$0x4B50]  }
0x1e0: {  	v42 =	vor.u32 v25, v35;
	[tilespmem:v44+s28+$0x0] =	vst.idx.msk $0xffff, v43;
	v41 =	vld [tilespmem:s26+$0x4B10]  }
0x1e1: {  	v44 =	vadd.s32 v12, v37;
	[tilespmem:v50+s28+$0x0] =	vst.idx.msk $0xffff, v46;
	v43 =	vld [tilespmem:s29+$0x25E0]  }
0x1e2: {  	v50 =	vor.u32 v12, v32;
	v46 =	vld [tilespmem:s29+$0x2580];
	[tilespmem:v49+s28+$0x0] =	vst.idx.msk $0xffff, v48  }
0x1e3: {  	v49 =	vadd.s32 v12, v38;
	v48 =	vld [tilespmem:s29+$0x25A0];
	[tilespmem:v47+s28+$0x0] =	vst.idx.msk $0xffff, v45  }
0x1e4: {  	v47 =	vor.u32 v12, v34;
	v45 =	vld [tilespmem:s29+$0x25C0];
	[tilespmem:v40+s28+$0x0] =	vst.idx.msk $0xffff, v39  }
0x1e5: {  	v40 =	vadd.s32 v26, v33;
	[tilespmem:v42+s28+$0x0] =	vst.idx.msk $0xffff, v41;
	v39 =	vld [tilespmem:s26+$0x5160]  }
0x1e6: {  	v42 =	vor.u32 v26, v36;
	[tilespmem:v44+s28+$0x0] =	vst.idx.msk $0xffff, v43;
	v41 =	vld [tilespmem:s26+$0x5180]  }
0x1e7: {  	v44 =	vadd.s32 v13, v37;
	[tilespmem:v50+s28+$0x0] =	vst.idx.msk $0xffff, v46;
	v43 =	vld [tilespmem:s29+$0x25F0]  }
0x1e8: {  	v50 =	vor.u32 v13, v32;
	v46 =	vld [tilespmem:s29+$0x2590];
	[tilespmem:v49+s28+$0x0] =	vst.idx.msk $0xffff, v48  }
0x1e9: {  	v49 =	vadd.s32 v13, v38;
	v48 =	vld [tilespmem:s29+$0x25B0];
	[tilespmem:v47+s28+$0x0] =	vst.idx.msk $0xffff, v45  }
0x1ea: {  	v47 =	vadd.s32 v13, v34;
	v45 =	vld [tilespmem:s29+$0x25D0];
	[tilespmem:v40+s28+$0x0] =	vst.idx.msk $0xffff, v39  }
0x1eb: {  	v40 =	vor.u32 v26, v35;
	v39 =	vld [tilespmem:s26+$0x5140];
	[tilespmem:v42+s28+$0x0] =	vst.idx.msk $0xffff, v41  }
0x1ec: {  	v42 =	vadd.s32 v27, v33;
	[tilespmem:v44+s28+$0x0] =	vst.idx.msk $0xffff, v43;
	v41 =	vld [tilespmem:s26+$0x5170]  }
0x1ed: {  	v44 =	vadd.s32 v14, v37;
	[tilespmem:v50+s28+$0x0] =	vst.idx.msk $0xffff, v46;
	v43 =	vld [tilespmem:s29+$0x2C20]  }
0x1ee: {  	v50 =	vor.u32 v14, v32;
	v46 =	vld [tilespmem:s29+$0x2BC0];
	[tilespmem:v49+s28+$0x0] =	vst.idx.msk $0xffff, v48  }
0x1ef: {  	v49 =	vadd.s32 v14, v38;
	v48 =	vld [tilespmem:s29+$0x2BE0];
	[tilespmem:v47+s28+$0x0] =	vst.idx.msk $0xffff, v45  }
0x1f0: {  	v47 =	vor.u32 v14, v34;
	v45 =	vld [tilespmem:s29+$0x2C00];
	[tilespmem:v40+s28+$0x0] =	vst.idx.msk $0xffff, v39  }
0x1f1: {  	v40 =	vadd.s32 v27, v36;
	[tilespmem:v42+s28+$0x0] =	vst.idx.msk $0xffff, v41;
	v39 =	vld [tilespmem:s26+$0x5190]  }
0x1f2: {  	v42 =	vor.u32 v27, v35;
	[tilespmem:v44+s28+$0x0] =	vst.idx.msk $0xffff, v43;
	v41 =	vld [tilespmem:s26+$0x5150]  }
0x1f3: {  	v44 =	vadd.s32 v15, v37;
	[tilespmem:v50+s28+$0x0] =	vst.idx.msk $0xffff, v46;
	v43 =	vld [tilespmem:s29+$0x2C30]  }
0x1f4: {  	v50 =	vor.u32 v15, v32;
	v46 =	vld [tilespmem:s29+$0x2BD0];
	[tilespmem:v49+s28+$0x0] =	vst.idx.msk $0xffff, v48  }
0x1f5: {  	v49 =	vadd.s32 v15, v38;
	v48 =	vld [tilespmem:s29+$0x2BF0];
	[tilespmem:v47+s28+$0x0] =	vst.idx.msk $0xffff, v45  }
0x1f6: {  	v47 =	vadd.s32 v15, v34;
	v45 =	vld [tilespmem:s29+$0x2C10];
	[tilespmem:v40+s28+$0x0] =	vst.idx.msk $0xffff, v39  }
0x1f7: {  	v40 =	vadd.s32 v28, v33;
	[tilespmem:v42+s28+$0x0] =	vst.idx.msk $0xffff, v41;
	v39 =	vld [tilespmem:s26+$0x57A0]  }
0x1f8: {  	v42 =	vor.u32 v28, v36;
	[tilespmem:v44+s28+$0x0] =	vst.idx.msk $0xffff, v43;
	v41 =	vld [tilespmem:s26+$0x57C0]  }
0x1f9: {  	v44 =	vadd.s32 v16, v37;
	[tilespmem:v50+s28+$0x0] =	vst.idx.msk $0xffff, v46;
	v43 =	vld [tilespmem:s29+$0x3260]  }
0x1fa: {  	v50 =	vor.u32 v16, v32;
	v46 =	vld [tilespmem:s29+$0x3200];
	[tilespmem:v49+s28+$0x0] =	vst.idx.msk $0xffff, v48  }
0x1fb: {  	v49 =	vadd.s32 v16, v38;
	v48 =	vld [tilespmem:s29+$0x3220];
	[tilespmem:v47+s28+$0x0] =	vst.idx.msk $0xffff, v45  }
0x1fc: {  	v47 =	vor.u32 v16, v34;
	v45 =	vld [tilespmem:s29+$0x3240];
	[tilespmem:v40+s28+$0x0] =	vst.idx.msk $0xffff, v39  }
0x1fd: {  	v40 =	vor.u32 v28, v35;
	v39 =	vld [tilespmem:s26+$0x5780];
	[tilespmem:v42+s28+$0x0] =	vst.idx.msk $0xffff, v41  }
0x1fe: {  	v42 =	vadd.s32 v29, v33;
	[tilespmem:v44+s28+$0x0] =	vst.idx.msk $0xffff, v43;
	v41 =	vld [tilespmem:s26+$0x57B0]  }
0x1ff: {  	v44 =	vadd.s32 v17, v37;
	[tilespmem:v50+s28+$0x0] =	vst.idx.msk $0xffff, v46;
	v43 =	vld [tilespmem:s29+$0x3270]  }
0x200: {  	v50 =	vor.u32 v17, v32;
	v46 =	vld [tilespmem:s29+$0x3210];
	[tilespmem:v49+s28+$0x0] =	vst.idx.msk $0xffff, v48  }
0x201: {  	v49 =	vadd.s32 v17, v38;
	v48 =	vld [tilespmem:s29+$0x3230];
	[tilespmem:v47+s28+$0x0] =	vst.idx.msk $0xffff, v45  }
0x202: {  	v47 =	vadd.s32 v17, v34;
	v45 =	vld [tilespmem:s29+$0x3250];
	[tilespmem:v40+s28+$0x0] =	vst.idx.msk $0xffff, v39  }
0x203: {  	v40 =	vadd.s32 v29, v36;
	[tilespmem:v42+s28+$0x0] =	vst.idx.msk $0xffff, v41;
	v39 =	vld [tilespmem:s26+$0x57D0]  }
0x204: {  	v42 =	vor.u32 v29, v35;
	[tilespmem:v44+s28+$0x0] =	vst.idx.msk $0xffff, v43;
	v41 =	vld [tilespmem:s26+$0x5790]  }
0x205: {  	v44 =	vadd.s32 v18, v37;
	[tilespmem:v50+s28+$0x0] =	vst.idx.msk $0xffff, v46;
	v43 =	vld [tilespmem:s29+$0x38A0]  }
0x206: {  	v50 =	vor.u32 v18, v32;
	v46 =	vld [tilespmem:s29+$0x3840];
	[tilespmem:v49+s28+$0x0] =	vst.idx.msk $0xffff, v48  }
0x207: {  	v49 =	vadd.s32 v18, v38;
	v48 =	vld [tilespmem:s29+$0x3860];
	[tilespmem:v47+s28+$0x0] =	vst.idx.msk $0xffff, v45  }
0x208: {  	v47 =	vor.u32 v18, v34;
	v45 =	vld [tilespmem:s29+$0x3880];
	[tilespmem:v40+s28+$0x0] =	vst.idx.msk $0xffff, v39  }
0x209: {  	v40 =	vadd.s32 v30, v33;
	[tilespmem:v42+s28+$0x0] =	vst.idx.msk $0xffff, v41;
	v39 =	vld [tilespmem:s26+$0x5DE0]  }
0x20a: {  	v42 =	vor.u32 v30, v36;
	[tilespmem:v44+s28+$0x0] =	vst.idx.msk $0xffff, v43;
	v41 =	vld [tilespmem:s26+$0x5E00]  }
0x20b: {  	v44 =	vadd.s32 v19, v37;
	[tilespmem:v50+s28+$0x0] =	vst.idx.msk $0xffff, v46;
	v43 =	vld [tilespmem:s29+$0x38B0]  }
0x20c: {  	v52 =	vor.u32 v19, v32;
	v46 =	vld [tilespmem:s29+$0x3850];
	[tilespmem:v49+s28+$0x0] =	vst.idx.msk $0xffff, v48  }
0x20d: {  	v54 =	vadd.s32 v19, v38;
	v53 =	vld [tilespmem:s29+$0x3870];
	[tilespmem:v47+s28+$0x0] =	vst.idx.msk $0xffff, v45  }
0x20e: {  	v56 =	vadd.s32 v19, v34;
	v55 =	vld [tilespmem:s29+$0x3890];
	[tilespmem:v40+s28+$0x0] =	vst.idx.msk $0xffff, v39  }
.Ltmp0:
0x20f: {  	v50 =	vor.u32 v30, v35;
	v49 =	vld [tilespmem:s26+$0x5DC0];
	[tilespmem:v42+s28+$0x0] =	vst.idx.msk $0xffff, v41;
	(pc) =	sbr.rel @p1 .LBB2_4-.Ltmp0, $4  }
0x210: {  	v51 =	vadd.s32 v31, v33;
	v33 =	vmov v38;
	[tilespmem:v44+s28+$0x0] =	vst.idx.msk $0xffff, v43;
	v48 =	vld [tilespmem:s26+$0x5DF0]  }
0x211: {  	v47 =	vadd.s32 v20, v37;
	[tilespmem:v52+s28+$0x0] =	vst.idx.msk $0xffff, v46;
	v45 =	vld [tilespmem:s29+$0x3EE0]  }
0x212: {  	v46 =	vor.u32 v20, v32;
	v44 =	vld [tilespmem:s29+$0x3E80];
	[tilespmem:v54+s28+$0x0] =	vst.idx.msk $0xffff, v53  }
0x213: {  	s11 =	sadd.s32 $0x4, s11;
	s12 =	sadd.s32 $0x3, s1;
	v43 =	vadd.s32 v20, v33;
	v42 =	vld [tilespmem:s29+$0x3EA0];
	[tilespmem:v56+s28+$0x0] =	vst.idx.msk $0xffff, v55  }
0x214: {  	v38 =	vmov s12  }
0x215: {  	s11 =	sadd.s32 $0x1, s1;
	v52 =	vmov s1;
	v38 =	vmul.u32 $0x300, v38  }
0x216: {  	s12 =	sadd.s32 $0x2, s1;
	v39 =	vmov s11;
	v52 =	vmul.u32 $0x300, v52  }
0x217: {  	v40 =	vmov s12;
	v41 =	vmul.u32 $0x300, v39;
	v39 =	vbroadcast v38, $0x0  }
0x218: {  	s13 =	sadd.s32 $0x80, s29;
	v62 =	vmul.u32 $0x300, v40;
	v38 =	vbroadcast v52, $0x0  }
0x219: {  	v53 =	vld [tilespmem:s13+$0x60];
	v40 =	vbroadcast v41, $0x0;
	v54 =	vadd.s32 v0, v39  }
0x21a: {  	v58 =	vld [tilespmem:s13+$0x0];
	v41 =	vbroadcast v62, $0x0;
	v59 =	vor.u32 v0, v38  }
0x21b: {  	v63 =	vld [tilespmem:s13+$0x20];
	v55 =	vadd.s32 v0, v40  }
0x21c: {  	v56 =	vld [tilespmem:s13+$0x40];
	v57 =	vor.u32 v0, v41;
	_ =	sdelay $0x1  }
0x21d: {  	[tilespmem:v54+s28+$0x0] =	vst.idx.msk $0xffff, v53  }
0x21e: {  	v60 =	vadd.s32 v1, v39;
	[tilespmem:v59+s28+$0x0] =	vst.idx.msk $0xffff, v58;
	v53 =	vld [tilespmem:s13+$0x70]  }
0x21f: {  	[tilespmem:v55+s28+$0x0] =	vst.idx.msk $0xffff, v63;
	v58 =	vld [tilespmem:s13+$0x10];
	v63 =	vor.u32 v1, v38  }
0x220: {  	v61 =	vadd.s32 v1, v40;
	[tilespmem:v57+s28+$0x0] =	vst.idx.msk $0xffff, v56;
	v52 =	vld [tilespmem:s13+$0x30]  }
0x221: {  	v62 =	vadd.s32 v1, v41;
	v56 =	vld [tilespmem:s13+$0x50];
	_ =	sdelay $0x1  }
0x222: {  	[tilespmem:v60+s28+$0x0] =	vst.idx.msk $0xffff, v53  }
0x223: {  	v60 =	vadd.s32 v2, v39;
	[tilespmem:v63+s28+$0x0] =	vst.idx.msk $0xffff, v58;
	v53 =	vld [tilespmem:s13+$0x6A0]  }
0x224: {  	v63 =	vor.u32 v2, v38;
	[tilespmem:v61+s28+$0x0] =	vst.idx.msk $0xffff, v52;
	v58 =	vld [tilespmem:s13+$0x640]  }
0x225: {  	v61 =	vadd.s32 v2, v40;
	[tilespmem:v62+s28+$0x0] =	vst.idx.msk $0xffff, v56;
	v52 =	vld [tilespmem:s13+$0x660]  }
0x226: {  	v62 =	vor.u32 v2, v41;
	v56 =	vld [tilespmem:s13+$0x680];
	_ =	sdelay $0x1  }
0x227: {  	[tilespmem:v60+s28+$0x0] =	vst.idx.msk $0xffff, v53  }
0x228: {  	v60 =	vadd.s32 v3, v39;
	[tilespmem:v63+s28+$0x0] =	vst.idx.msk $0xffff, v58;
	v53 =	vld [tilespmem:s13+$0x6B0]  }
0x229: {  	v63 =	vor.u32 v3, v38;
	[tilespmem:v61+s28+$0x0] =	vst.idx.msk $0xffff, v52;
	v58 =	vld [tilespmem:s13+$0x650]  }
0x22a: {  	v61 =	vadd.s32 v3, v40;
	[tilespmem:v62+s28+$0x0] =	vst.idx.msk $0xffff, v56;
	v52 =	vld [tilespmem:s13+$0x670]  }
0x22b: {  	v62 =	vadd.s32 v3, v41;
	v56 =	vld [tilespmem:s13+$0x690];
	_ =	sdelay $0x1  }
0x22c: {  	[tilespmem:v60+s28+$0x0] =	vst.idx.msk $0xffff, v53  }
0x22d: {  	v60 =	vadd.s32 v4, v39;
	[tilespmem:v63+s28+$0x0] =	vst.idx.msk $0xffff, v58;
	v53 =	vld [tilespmem:s13+$0xCE0]  }
0x22e: {  	v63 =	vor.u32 v4, v38;
	[tilespmem:v61+s28+$0x0] =	vst.idx.msk $0xffff, v52;
	v58 =	vld [tilespmem:s13+$0xC80]  }
0x22f: {  	v61 =	vadd.s32 v4, v40;
	[tilespmem:v62+s28+$0x0] =	vst.idx.msk $0xffff, v56;
	v52 =	vld [tilespmem:s13+$0xCA0]  }
0x230: {  	v62 =	vor.u32 v4, v41;
	v56 =	vld [tilespmem:s13+$0xCC0];
	_ =	sdelay $0x1  }
0x231: {  	[tilespmem:v60+s28+$0x0] =	vst.idx.msk $0xffff, v53  }
0x232: {  	v60 =	vadd.s32 v5, v39;
	[tilespmem:v63+s28+$0x0] =	vst.idx.msk $0xffff, v58;
	v53 =	vld [tilespmem:s13+$0xCF0]  }
0x233: {  	v63 =	vor.u32 v5, v38;
	[tilespmem:v61+s28+$0x0] =	vst.idx.msk $0xffff, v52;
	v58 =	vld [tilespmem:s13+$0xC90]  }
0x234: {  	v61 =	vadd.s32 v5, v40;
	[tilespmem:v62+s28+$0x0] =	vst.idx.msk $0xffff, v56;
	v52 =	vld [tilespmem:s13+$0xCB0]  }
0x235: {  	v62 =	vadd.s32 v5, v41;
	v56 =	vld [tilespmem:s13+$0xCD0];
	_ =	sdelay $0x1  }
0x236: {  	[tilespmem:v60+s28+$0x0] =	vst.idx.msk $0xffff, v53  }
0x237: {  	[tilespmem:v63+s28+$0x0] =	vst.idx.msk $0xffff, v58  }
0x238: {  	v53 =	vadd.s32 v6, v39;
	[tilespmem:v61+s28+$0x0] =	vst.idx.msk $0xffff, v52;
	v52 =	vld [tilespmem:s13+$0x1320]  }
0x239: {  	v63 =	vor.u32 v6, v38;
	[tilespmem:v62+s28+$0x0] =	vst.idx.msk $0xffff, v56;
	v62 =	vld [tilespmem:s13+$0x12C0]  }
0x23a: {  	v60 =	vadd.s32 v6, v40;
	v54 =	vld [tilespmem:s13+$0x12E0]  }
0x23b: {  	v61 =	vor.u32 v6, v41;
	v56 =	vld [tilespmem:s13+$0x1300]  }
0x23c: {  	[tilespmem:v51+s28+$0x0] =	vst.idx.msk $0xffff, v48  }
0x23d: {  	[tilespmem:v53+s28+$0x0] =	vst.idx.msk $0xffff, v52  }
0x23e: {  	v58 =	vadd.s32 v7, v39;
	[tilespmem:v63+s28+$0x0] =	vst.idx.msk $0xffff, v62;
	v48 =	vld [tilespmem:s13+$0x1330]  }
0x23f: {  	[tilespmem:v60+s28+$0x0] =	vst.idx.msk $0xffff, v54;
	v63 =	vld [tilespmem:s13+$0x12D0];
	v54 =	vor.u32 v7, v38  }
0x240: {  	[tilespmem:v61+s28+$0x0] =	vst.idx.msk $0xffff, v56;
	v60 =	vadd.s32 v7, v40;
	v59 =	vld [tilespmem:s13+$0x12F0]  }
0x241: {  	v62 =	vadd.s32 v7, v41;
	v61 =	vld [tilespmem:s13+$0x1310]  }
0x242: {  	[tilespmem:v50+s28+$0x0] =	vst.idx.msk $0xffff, v49  }
0x243: {  	[tilespmem:v58+s28+$0x0] =	vst.idx.msk $0xffff, v48  }
0x244: {  	v55 =	vld [tilespmem:s29+$0x3EC0];
	v56 =	vor.u32 v20, v34;
	[tilespmem:v54+s28+$0x0] =	vst.idx.msk $0xffff, v63  }
0x245: {  	v57 =	vadd.s32 v8, v39;
	[tilespmem:v60+s28+$0x0] =	vst.idx.msk $0xffff, v59;
	v48 =	vld [tilespmem:s13+$0x1960]  }
0x246: {  	v63 =	vor.u32 v8, v38;
	[tilespmem:v62+s28+$0x0] =	vst.idx.msk $0xffff, v61;
	v62 =	vld [tilespmem:s13+$0x1900]  }
0x247: {  	[tilespmem:v47+s28+$0x0] =	vst.idx.msk $0xffff, v45;
	v59 =	vadd.s32 v8, v40;
	v58 =	vld [tilespmem:s13+$0x1920]  }
0x248: {  	[tilespmem:v46+s28+$0x0] =	vst.idx.msk $0xffff, v44;
	v61 =	vor.u32 v8, v41;
	v60 =	vld [tilespmem:s13+$0x1940]  }
0x249: {  	[tilespmem:v56+s28+$0x0] =	vst.idx.msk $0xffff, v55  }
0x24a: {  	v36 =	vadd.s32 v31, v36;
	v54 =	vld [tilespmem:s26+$0x5E10];
	[tilespmem:v57+s28+$0x0] =	vst.idx.msk $0xffff, v48  }
0x24b: {  	v35 =	vor.u32 v31, v35;
	v55 =	vld [tilespmem:s26+$0x5DD0];
	[tilespmem:v63+s28+$0x0] =	vst.idx.msk $0xffff, v62  }
0x24c: {  	v56 =	vadd.s32 v9, v39;
	v48 =	vld [tilespmem:s13+$0x1970];
	[tilespmem:v59+s28+$0x0] =	vst.idx.msk $0xffff, v58  }
0x24d: {  	[tilespmem:v61+s28+$0x0] =	vst.idx.msk $0xffff, v60;
	v60 =	vld [tilespmem:s13+$0x1910];
	v61 =	vor.u32 v9, v38  }
0x24e: {  	[tilespmem:v43+s28+$0x0] =	vst.idx.msk $0xffff, v42;
	v57 =	vadd.s32 v9, v40;
	v49 =	vld [tilespmem:s13+$0x1930]  }
0x24f: {  	[tilespmem:v36+s28+$0x0] =	vst.idx.msk $0xffff, v54;
	v59 =	vadd.s32 v9, v41;
	v58 =	vld [tilespmem:s13+$0x1950]  }
0x250: {  	[tilespmem:v35+s28+$0x0] =	vst.idx.msk $0xffff, v55;
	v54 =	vld [tilespmem:s29+$0x3E90];
	v55 =	vor.u32 v21, v32  }
0x251: {  	v62 =	vld [tilespmem:s29+$0x3EF0];
	v63 =	vadd.s32 v21, v37;
	[tilespmem:v56+s28+$0x0] =	vst.idx.msk $0xffff, v48  }
0x252: {  	v56 =	vadd.s32 v10, v39;
	[tilespmem:v61+s28+$0x0] =	vst.idx.msk $0xffff, v60;
	v48 =	vld [tilespmem:s13+$0x1FA0]  }
0x253: {  	v61 =	vor.u32 v10, v38;
	[tilespmem:v57+s28+$0x0] =	vst.idx.msk $0xffff, v49;
	v60 =	vld [tilespmem:s13+$0x1F40]  }
0x254: {  	v57 =	vadd.s32 v10, v40;
	[tilespmem:v59+s28+$0x0] =	vst.idx.msk $0xffff, v58;
	v49 =	vld [tilespmem:s13+$0x1F60]  }
0x255: {  	[tilespmem:v55+s28+$0x0] =	vst.idx.msk $0xffff, v54;
	v59 =	vor.u32 v10, v41;
	v58 =	vld [tilespmem:s13+$0x1F80]  }
0x256: {  	[tilespmem:v63+s28+$0x0] =	vst.idx.msk $0xffff, v62  }
0x257: {  	v54 =	vld [tilespmem:s29+$0x3EB0];
	v55 =	vadd.s32 v21, v33;
	[tilespmem:v56+s28+$0x0] =	vst.idx.msk $0xffff, v48  }
0x258: {  	v63 =	vadd.s32 v22, v37;
	v62 =	vld [tilespmem:s29+$0x4520];
	[tilespmem:v61+s28+$0x0] =	vst.idx.msk $0xffff, v60  }
0x259: {  	v56 =	vadd.s32 v11, v39;
	v48 =	vld [tilespmem:s13+$0x1FB0];
	[tilespmem:v57+s28+$0x0] =	vst.idx.msk $0xffff, v49  }
0x25a: {  	v60 =	vor.u32 v11, v38;
	[tilespmem:v59+s28+$0x0] =	vst.idx.msk $0xffff, v58;
	v59 =	vld [tilespmem:s13+$0x1F50]  }
0x25b: {  	v57 =	vadd.s32 v11, v40;
	v49 =	vld [tilespmem:s13+$0x1F70]  }
0x25c: {  	[tilespmem:v55+s28+$0x0] =	vst.idx.msk $0xffff, v54;
	v58 =	vadd.s32 v11, v41;
	v36 =	vld [tilespmem:s13+$0x1F90]  }
0x25d: {  	v54 =	vadd.s32 v21, v34;
	[tilespmem:v63+s28+$0x0] =	vst.idx.msk $0xffff, v62;
	v63 =	vld [tilespmem:s29+$0x3ED0]  }
0x25e: {  	v62 =	vadd.s32 v23, v37;
	v61 =	vld [tilespmem:s29+$0x4530];
	[tilespmem:v56+s28+$0x0] =	vst.idx.msk $0xffff, v48  }
0x25f: {  	v55 =	vadd.s32 v12, v39;
	[tilespmem:v60+s28+$0x0] =	vst.idx.msk $0xffff, v59;
	v48 =	vld [tilespmem:s13+$0x25E0]  }
0x260: {  	v60 =	vor.u32 v12, v38;
	[tilespmem:v57+s28+$0x0] =	vst.idx.msk $0xffff, v49;
	v59 =	vld [tilespmem:s13+$0x2580]  }
0x261: {  	v56 =	vadd.s32 v12, v40;
	[tilespmem:v58+s28+$0x0] =	vst.idx.msk $0xffff, v36;
	v49 =	vld [tilespmem:s13+$0x25A0]  }
0x262: {  	[tilespmem:v54+s28+$0x0] =	vst.idx.msk $0xffff, v63;
	v58 =	vor.u32 v12, v41;
	v57 =	vld [tilespmem:s13+$0x25C0]  }
0x263: {  	[tilespmem:v62+s28+$0x0] =	vst.idx.msk $0xffff, v61  }
0x264: {  	v61 =	vadd.s32 v24, v37;
	v44 =	vld [tilespmem:s29+$0x4B60];
	[tilespmem:v55+s28+$0x0] =	vst.idx.msk $0xffff, v48  }
0x265: {  	v63 =	vadd.s32 v22, v33;
	v62 =	vld [tilespmem:s29+$0x44E0];
	[tilespmem:v60+s28+$0x0] =	vst.idx.msk $0xffff, v59  }
0x266: {  	v54 =	vadd.s32 v13, v39;
	v48 =	vld [tilespmem:s13+$0x25F0];
	[tilespmem:v56+s28+$0x0] =	vst.idx.msk $0xffff, v49  }
0x267: {  	[tilespmem:v58+s28+$0x0] =	vst.idx.msk $0xffff, v57;
	v42 =	vld [tilespmem:s13+$0x2590];
	v57 =	vor.u32 v13, v38  }
0x268: {  	v55 =	vadd.s32 v13, v40;
	v49 =	vld [tilespmem:s13+$0x25B0]  }
0x269: {  	[tilespmem:v61+s28+$0x0] =	vst.idx.msk $0xffff, v44;
	v56 =	vadd.s32 v13, v41;
	v35 =	vld [tilespmem:s13+$0x25D0]  }
0x26a: {  	[tilespmem:v63+s28+$0x0] =	vst.idx.msk $0xffff, v62;
	v44 =	vld [tilespmem:s29+$0x4B70];
	v58 =	vadd.s32 v25, v37  }
0x26b: {  	v59 =	vld [tilespmem:s29+$0x4500];
	v60 =	vor.u32 v22, v34;
	[tilespmem:v54+s28+$0x0] =	vst.idx.msk $0xffff, v48  }
0x26c: {  	v61 =	vadd.s32 v14, v39;
	[tilespmem:v57+s28+$0x0] =	vst.idx.msk $0xffff, v42;
	v48 =	vld [tilespmem:s13+$0x2C20]  }
0x26d: {  	v54 =	vor.u32 v14, v38;
	[tilespmem:v55+s28+$0x0] =	vst.idx.msk $0xffff, v49;
	v42 =	vld [tilespmem:s13+$0x2BC0]  }
0x26e: {  	v62 =	vadd.s32 v14, v40;
	[tilespmem:v56+s28+$0x0] =	vst.idx.msk $0xffff, v35;
	v49 =	vld [tilespmem:s13+$0x2BE0]  }
0x26f: {  	v63 =	vor.u32 v14, v41;
	[tilespmem:v58+s28+$0x0] =	vst.idx.msk $0xffff, v44;
	v35 =	vld [tilespmem:s13+$0x2C00]  }
0x270: {  	[tilespmem:v60+s28+$0x0] =	vst.idx.msk $0xffff, v59;
	v44 =	vld [tilespmem:s29+$0x51A0];
	v55 =	vadd.s32 v26, v37  }
0x271: {  	v57 =	vor.u32 v22, v32;
	v56 =	vld [tilespmem:s29+$0x44C0];
	[tilespmem:v61+s28+$0x0] =	vst.idx.msk $0xffff, v48  }
0x272: {  	v58 =	vadd.s32 v15, v39;
	[tilespmem:v54+s28+$0x0] =	vst.idx.msk $0xffff, v42;
	v48 =	vld [tilespmem:s13+$0x2C30]  }
0x273: {  	v61 =	vor.u32 v15, v38;
	[tilespmem:v62+s28+$0x0] =	vst.idx.msk $0xffff, v49;
	v42 =	vld [tilespmem:s13+$0x2BD0]  }
0x274: {  	v59 =	vadd.s32 v15, v40;
	[tilespmem:v63+s28+$0x0] =	vst.idx.msk $0xffff, v35;
	v49 =	vld [tilespmem:s13+$0x2BF0]  }
0x275: {  	v60 =	vadd.s32 v15, v41;
	[tilespmem:v55+s28+$0x0] =	vst.idx.msk $0xffff, v44;
	v35 =	vld [tilespmem:s13+$0x2C10]  }
0x276: {  	[tilespmem:v57+s28+$0x0] =	vst.idx.msk $0xffff, v56;
	v44 =	vld [tilespmem:s29+$0x51B0];
	v62 =	vadd.s32 v27, v37  }
0x277: {  	v54 =	vadd.s32 v23, v33;
	v63 =	vld [tilespmem:s29+$0x44F0];
	[tilespmem:v58+s28+$0x0] =	vst.idx.msk $0xffff, v48  }
0x278: {  	v55 =	vadd.s32 v16, v39;
	[tilespmem:v61+s28+$0x0] =	vst.idx.msk $0xffff, v42;
	v48 =	vld [tilespmem:s13+$0x3260]  }
0x279: {  	v58 =	vor.u32 v16, v38;
	[tilespmem:v59+s28+$0x0] =	vst.idx.msk $0xffff, v49;
	v42 =	vld [tilespmem:s13+$0x3200]  }
0x27a: {  	v56 =	vadd.s32 v16, v40;
	[tilespmem:v60+s28+$0x0] =	vst.idx.msk $0xffff, v35;
	v49 =	vld [tilespmem:s13+$0x3220]  }
0x27b: {  	v57 =	vor.u32 v16, v41;
	[tilespmem:v62+s28+$0x0] =	vst.idx.msk $0xffff, v44;
	v35 =	vld [tilespmem:s13+$0x3240]  }
0x27c: {  	[tilespmem:v54+s28+$0x0] =	vst.idx.msk $0xffff, v63;
	v44 =	vld [tilespmem:s29+$0x57E0];
	v59 =	vadd.s32 v28, v37  }
0x27d: {  	v61 =	vadd.s32 v23, v34;
	v60 =	vld [tilespmem:s29+$0x4510];
	[tilespmem:v55+s28+$0x0] =	vst.idx.msk $0xffff, v48  }
0x27e: {  	v62 =	vadd.s32 v17, v39;
	[tilespmem:v58+s28+$0x0] =	vst.idx.msk $0xffff, v42;
	v48 =	vld [tilespmem:s13+$0x3270]  }
0x27f: {  	v55 =	vor.u32 v17, v38;
	[tilespmem:v56+s28+$0x0] =	vst.idx.msk $0xffff, v49;
	v42 =	vld [tilespmem:s13+$0x3210]  }
0x280: {  	v63 =	vadd.s32 v17, v40;
	[tilespmem:v57+s28+$0x0] =	vst.idx.msk $0xffff, v35;
	v49 =	vld [tilespmem:s13+$0x3230]  }
0x281: {  	v54 =	vadd.s32 v17, v41;
	[tilespmem:v59+s28+$0x0] =	vst.idx.msk $0xffff, v44;
	v35 =	vld [tilespmem:s13+$0x3250]  }
0x282: {  	[tilespmem:v61+s28+$0x0] =	vst.idx.msk $0xffff, v60;
	v44 =	vld [tilespmem:s29+$0x57F0];
	v56 =	vadd.s32 v29, v37  }
0x283: {  	v58 =	vor.u32 v23, v32;
	v57 =	vld [tilespmem:s29+$0x44D0];
	[tilespmem:v62+s28+$0x0] =	vst.idx.msk $0xffff, v48  }
0x284: {  	v59 =	vadd.s32 v18, v39;
	[tilespmem:v55+s28+$0x0] =	vst.idx.msk $0xffff, v42;
	v48 =	vld [tilespmem:s13+$0x38A0]  }
0x285: {  	v62 =	vor.u32 v18, v38;
	[tilespmem:v63+s28+$0x0] =	vst.idx.msk $0xffff, v49;
	v42 =	vld [tilespmem:s13+$0x3840]  }
0x286: {  	v60 =	vadd.s32 v18, v40;
	[tilespmem:v54+s28+$0x0] =	vst.idx.msk $0xffff, v35;
	v49 =	vld [tilespmem:s13+$0x3860]  }
0x287: {  	v61 =	vor.u32 v18, v41;
	[tilespmem:v56+s28+$0x0] =	vst.idx.msk $0xffff, v44;
	v35 =	vld [tilespmem:s13+$0x3880]  }
0x288: {  	[tilespmem:v58+s28+$0x0] =	vst.idx.msk $0xffff, v57;
	v44 =	vld [tilespmem:s29+$0x5E20];
	v63 =	vadd.s32 v30, v37  }
0x289: {  	v55 =	vadd.s32 v24, v33;
	v54 =	vld [tilespmem:s29+$0x4B20];
	[tilespmem:v59+s28+$0x0] =	vst.idx.msk $0xffff, v48  }
0x28a: {  	v56 =	vadd.s32 v19, v39;
	[tilespmem:v62+s28+$0x0] =	vst.idx.msk $0xffff, v42;
	v48 =	vld [tilespmem:s13+$0x38B0]  }
0x28b: {  	v59 =	vor.u32 v19, v38;
	[tilespmem:v60+s28+$0x0] =	vst.idx.msk $0xffff, v49;
	v42 =	vld [tilespmem:s13+$0x3850]  }
0x28c: {  	v57 =	vadd.s32 v19, v40;
	[tilespmem:v61+s28+$0x0] =	vst.idx.msk $0xffff, v35;
	v49 =	vld [tilespmem:s13+$0x3870]  }
0x28d: {  	v58 =	vadd.s32 v19, v41;
	[tilespmem:v63+s28+$0x0] =	vst.idx.msk $0xffff, v44;
	v35 =	vld [tilespmem:s13+$0x3890]  }
0x28e: {  	[tilespmem:v55+s28+$0x0] =	vst.idx.msk $0xffff, v54;
	v44 =	vld [tilespmem:s29+$0x5E30];
	v60 =	vadd.s32 v31, v37  }
0x28f: {  	v62 =	vor.u32 v24, v34;
	v61 =	vld [tilespmem:s29+$0x4B40];
	[tilespmem:v56+s28+$0x0] =	vst.idx.msk $0xffff, v48  }
0x290: {  	v52 =	vadd.s32 v20, v39;
	[tilespmem:v59+s28+$0x0] =	vst.idx.msk $0xffff, v42;
	v63 =	vld [tilespmem:s13+$0x3EE0]  }
0x291: {  	v56 =	vor.u32 v20, v38;
	[tilespmem:v57+s28+$0x0] =	vst.idx.msk $0xffff, v49;
	v55 =	vld [tilespmem:s13+$0x3E80]  }
0x292: {  	v53 =	vadd.s32 v20, v40;
	[tilespmem:v58+s28+$0x0] =	vst.idx.msk $0xffff, v35;
	v49 =	vld [tilespmem:s13+$0x3EA0]  }
0x293: {  	v54 =	vor.u32 v20, v41;
	[tilespmem:v60+s28+$0x0] =	vst.idx.msk $0xffff, v44;
	v35 =	vld [tilespmem:s13+$0x3EC0]  }
0x294: {  	[tilespmem:v62+s28+$0x0] =	vst.idx.msk $0xffff, v61  }
0x295: {  	v59 =	vld [tilespmem:s29+$0x4B30];
	v60 =	vadd.s32 v25, v33;
	[tilespmem:v52+s28+$0x0] =	vst.idx.msk $0xffff, v63  }
0x296: {  	v57 =	vld [tilespmem:s29+$0x4B00];
	v58 =	vor.u32 v24, v32;
	[tilespmem:v56+s28+$0x0] =	vst.idx.msk $0xffff, v55  }
0x297: {  	v61 =	vadd.s32 v21, v39;
	v47 =	vld [tilespmem:s13+$0x3EF0];
	[tilespmem:v53+s28+$0x0] =	vst.idx.msk $0xffff, v49  }
0x298: {  	v55 =	vor.u32 v21, v38;
	[tilespmem:v54+s28+$0x0] =	vst.idx.msk $0xffff, v35;
	v54 =	vld [tilespmem:s13+$0x3E90]  }
0x299: {  	v63 =	vadd.s32 v21, v40;
	v62 =	vld [tilespmem:s13+$0x3EB0]  }
0x29a: {  	[tilespmem:v60+s28+$0x0] =	vst.idx.msk $0xffff, v59;
	v53 =	vadd.s32 v21, v41;
	v52 =	vld [tilespmem:s13+$0x3ED0]  }
0x29b: {  	[tilespmem:v58+s28+$0x0] =	vst.idx.msk $0xffff, v57;
	v56 =	vld [tilespmem:s29+$0x4B50];
	v57 =	vadd.s32 v25, v34  }
0x29c: {  	v59 =	vor.u32 v25, v32;
	v58 =	vld [tilespmem:s29+$0x4B10];
	[tilespmem:v61+s28+$0x0] =	vst.idx.msk $0xffff, v47  }
0x29d: {  	v60 =	vadd.s32 v22, v39;
	[tilespmem:v55+s28+$0x0] =	vst.idx.msk $0xffff, v54;
	v47 =	vld [tilespmem:s13+$0x4520]  }
0x29e: {  	[tilespmem:v63+s28+$0x0] =	vst.idx.msk $0xffff, v62;
	v43 =	vld [tilespmem:s13+$0x44C0];
	v63 =	vor.u32 v22, v38  }
0x29f: {  	v61 =	vadd.s32 v22, v40;
	[tilespmem:v53+s28+$0x0] =	vst.idx.msk $0xffff, v52;
	v35 =	vld [tilespmem:s13+$0x44E0]  }
0x2a0: {  	[tilespmem:v57+s28+$0x0] =	vst.idx.msk $0xffff, v56;
	v62 =	vor.u32 v22, v41;
	v37 =	vld [tilespmem:s13+$0x4500]  }
0x2a1: {  	[tilespmem:v59+s28+$0x0] =	vst.idx.msk $0xffff, v58;
	v54 =	vld [tilespmem:s29+$0x5180];
	v55 =	vor.u32 v26, v34  }
0x2a2: {  	v52 =	vld [tilespmem:s29+$0x5160];
	v53 =	vadd.s32 v26, v33;
	[tilespmem:v60+s28+$0x0] =	vst.idx.msk $0xffff, v47  }
0x2a3: {  	v56 =	vadd.s32 v23, v39;
	[tilespmem:v63+s28+$0x0] =	vst.idx.msk $0xffff, v43;
	v47 =	vld [tilespmem:s13+$0x4530]  }
0x2a4: {  	v59 =	vor.u32 v23, v38;
	[tilespmem:v61+s28+$0x0] =	vst.idx.msk $0xffff, v35;
	v43 =	vld [tilespmem:s13+$0x44D0]  }
0x2a5: {  	v57 =	vadd.s32 v23, v40;
	[tilespmem:v62+s28+$0x0] =	vst.idx.msk $0xffff, v37;
	v35 =	vld [tilespmem:s13+$0x44F0]  }
0x2a6: {  	v58 =	vadd.s32 v23, v41;
	[tilespmem:v55+s28+$0x0] =	vst.idx.msk $0xffff, v54;
	v37 =	vld [tilespmem:s13+$0x4510]  }
0x2a7: {  	[tilespmem:v53+s28+$0x0] =	vst.idx.msk $0xffff, v52;
	v60 =	vld [tilespmem:s29+$0x5140];
	v61 =	vor.u32 v26, v32  }
0x2a8: {  	v63 =	vadd.s32 v27, v33;
	v62 =	vld [tilespmem:s29+$0x5170];
	[tilespmem:v56+s28+$0x0] =	vst.idx.msk $0xffff, v47  }
0x2a9: {  	v52 =	vadd.s32 v24, v39;
	[tilespmem:v59+s28+$0x0] =	vst.idx.msk $0xffff, v43;
	v47 =	vld [tilespmem:s13+$0x4B60]  }
0x2aa: {  	v55 =	vor.u32 v24, v38;
	[tilespmem:v57+s28+$0x0] =	vst.idx.msk $0xffff, v35;
	v43 =	vld [tilespmem:s13+$0x4B00]  }
0x2ab: {  	v53 =	vadd.s32 v24, v40;
	[tilespmem:v58+s28+$0x0] =	vst.idx.msk $0xffff, v37;
	v35 =	vld [tilespmem:s13+$0x4B20]  }
0x2ac: {  	v54 =	vor.u32 v24, v41;
	[tilespmem:v61+s28+$0x0] =	vst.idx.msk $0xffff, v60;
	v37 =	vld [tilespmem:s13+$0x4B40]  }
0x2ad: {  	[tilespmem:v63+s28+$0x0] =	vst.idx.msk $0xffff, v62;
	v56 =	vld [tilespmem:s29+$0x5190];
	v57 =	vadd.s32 v27, v34  }
0x2ae: {  	v59 =	vor.u32 v27, v32;
	v58 =	vld [tilespmem:s29+$0x5150];
	[tilespmem:v52+s28+$0x0] =	vst.idx.msk $0xffff, v47  }
0x2af: {  	v60 =	vadd.s32 v25, v39;
	[tilespmem:v55+s28+$0x0] =	vst.idx.msk $0xffff, v43;
	v47 =	vld [tilespmem:s13+$0x4B70]  }
0x2b0: {  	v63 =	vor.u32 v25, v38;
	[tilespmem:v53+s28+$0x0] =	vst.idx.msk $0xffff, v35;
	v43 =	vld [tilespmem:s13+$0x4B10]  }
0x2b1: {  	v61 =	vadd.s32 v25, v40;
	[tilespmem:v54+s28+$0x0] =	vst.idx.msk $0xffff, v37;
	v35 =	vld [tilespmem:s13+$0x4B30]  }
0x2b2: {  	v62 =	vadd.s32 v25, v41;
	[tilespmem:v57+s28+$0x0] =	vst.idx.msk $0xffff, v56;
	v37 =	vld [tilespmem:s13+$0x4B50]  }
0x2b3: {  	[tilespmem:v59+s28+$0x0] =	vst.idx.msk $0xffff, v58;
	v52 =	vld [tilespmem:s29+$0x57A0];
	v53 =	vadd.s32 v28, v33  }
0x2b4: {  	v55 =	vor.u32 v28, v34;
	v54 =	vld [tilespmem:s29+$0x57C0];
	[tilespmem:v60+s28+$0x0] =	vst.idx.msk $0xffff, v47  }
0x2b5: {  	v56 =	vadd.s32 v26, v39;
	[tilespmem:v63+s28+$0x0] =	vst.idx.msk $0xffff, v43;
	v47 =	vld [tilespmem:s13+$0x51A0]  }
0x2b6: {  	v59 =	vor.u32 v26, v38;
	[tilespmem:v61+s28+$0x0] =	vst.idx.msk $0xffff, v35;
	v43 =	vld [tilespmem:s13+$0x5140]  }
0x2b7: {  	v57 =	vadd.s32 v26, v40;
	[tilespmem:v62+s28+$0x0] =	vst.idx.msk $0xffff, v37;
	v35 =	vld [tilespmem:s13+$0x5160]  }
0x2b8: {  	v58 =	vor.u32 v26, v41;
	[tilespmem:v53+s28+$0x0] =	vst.idx.msk $0xffff, v52;
	v37 =	vld [tilespmem:s13+$0x5180]  }
0x2b9: {  	v60 =	vld [tilespmem:s29+$0x5780];
	[tilespmem:v55+s28+$0x0] =	vst.idx.msk $0xffff, v54;
	v61 =	vor.u32 v28, v32  }
0x2ba: {  	v63 =	vadd.s32 v29, v33;
	v62 =	vld [tilespmem:s29+$0x57B0];
	[tilespmem:v56+s28+$0x0] =	vst.idx.msk $0xffff, v47  }
0x2bb: {  	v52 =	vadd.s32 v27, v39;
	[tilespmem:v59+s28+$0x0] =	vst.idx.msk $0xffff, v43;
	v47 =	vld [tilespmem:s13+$0x51B0]  }
0x2bc: {  	v55 =	vor.u32 v27, v38;
	[tilespmem:v57+s28+$0x0] =	vst.idx.msk $0xffff, v35;
	v43 =	vld [tilespmem:s13+$0x5150]  }
0x2bd: {  	v53 =	vadd.s32 v27, v40;
	[tilespmem:v58+s28+$0x0] =	vst.idx.msk $0xffff, v37;
	v35 =	vld [tilespmem:s13+$0x5170]  }
0x2be: {  	v54 =	vadd.s32 v27, v41;
	[tilespmem:v61+s28+$0x0] =	vst.idx.msk $0xffff, v60;
	v37 =	vld [tilespmem:s13+$0x5190]  }
0x2bf: {  	[tilespmem:v63+s28+$0x0] =	vst.idx.msk $0xffff, v62;
	v56 =	vld [tilespmem:s29+$0x57D0];
	v57 =	vadd.s32 v29, v34  }
0x2c0: {  	v59 =	vor.u32 v29, v32;
	v58 =	vld [tilespmem:s29+$0x5790];
	[tilespmem:v52+s28+$0x0] =	vst.idx.msk $0xffff, v47  }
0x2c1: {  	v60 =	vadd.s32 v28, v39;
	[tilespmem:v55+s28+$0x0] =	vst.idx.msk $0xffff, v43;
	v47 =	vld [tilespmem:s13+$0x57E0]  }
0x2c2: {  	v63 =	vor.u32 v28, v38;
	[tilespmem:v53+s28+$0x0] =	vst.idx.msk $0xffff, v35;
	v43 =	vld [tilespmem:s13+$0x5780]  }
0x2c3: {  	v61 =	vadd.s32 v28, v40;
	[tilespmem:v54+s28+$0x0] =	vst.idx.msk $0xffff, v37;
	v35 =	vld [tilespmem:s13+$0x57A0]  }
0x2c4: {  	v62 =	vor.u32 v28, v41;
	[tilespmem:v57+s28+$0x0] =	vst.idx.msk $0xffff, v56;
	v37 =	vld [tilespmem:s13+$0x57C0]  }
0x2c5: {  	[tilespmem:v59+s28+$0x0] =	vst.idx.msk $0xffff, v58;
	v52 =	vld [tilespmem:s29+$0x5DE0];
	v53 =	vadd.s32 v30, v33  }
0x2c6: {  	v55 =	vor.u32 v30, v34;
	v54 =	vld [tilespmem:s29+$0x5E00];
	[tilespmem:v60+s28+$0x0] =	vst.idx.msk $0xffff, v47  }
0x2c7: {  	v56 =	vadd.s32 v29, v39;
	[tilespmem:v63+s28+$0x0] =	vst.idx.msk $0xffff, v43;
	v47 =	vld [tilespmem:s13+$0x57F0]  }
0x2c8: {  	v59 =	vor.u32 v29, v38;
	[tilespmem:v61+s28+$0x0] =	vst.idx.msk $0xffff, v35;
	v43 =	vld [tilespmem:s13+$0x5790]  }
0x2c9: {  	v57 =	vadd.s32 v29, v40;
	[tilespmem:v62+s28+$0x0] =	vst.idx.msk $0xffff, v37;
	v35 =	vld [tilespmem:s13+$0x57B0]  }
0x2ca: {  	v58 =	vadd.s32 v29, v41;
	[tilespmem:v53+s28+$0x0] =	vst.idx.msk $0xffff, v52;
	v37 =	vld [tilespmem:s13+$0x57D0]  }
0x2cb: {  	v60 =	vld [tilespmem:s29+$0x5DC0];
	[tilespmem:v55+s28+$0x0] =	vst.idx.msk $0xffff, v54;
	v61 =	vor.u32 v30, v32  }
0x2cc: {  	v63 =	vadd.s32 v31, v33;
	v62 =	vld [tilespmem:s29+$0x5DF0];
	[tilespmem:v56+s28+$0x0] =	vst.idx.msk $0xffff, v47  }
0x2cd: {  	v52 =	vadd.s32 v30, v39;
	[tilespmem:v59+s28+$0x0] =	vst.idx.msk $0xffff, v43;
	v47 =	vld [tilespmem:s13+$0x5E20]  }
0x2ce: {  	v55 =	vor.u32 v30, v38;
	[tilespmem:v57+s28+$0x0] =	vst.idx.msk $0xffff, v35;
	v43 =	vld [tilespmem:s13+$0x5DC0]  }
0x2cf: {  	v53 =	vadd.s32 v30, v40;
	[tilespmem:v58+s28+$0x0] =	vst.idx.msk $0xffff, v37;
	v35 =	vld [tilespmem:s13+$0x5DE0]  }
0x2d0: {  	v54 =	vor.u32 v30, v41;
	[tilespmem:v61+s28+$0x0] =	vst.idx.msk $0xffff, v60;
	v37 =	vld [tilespmem:s13+$0x5E00]  }
0x2d1: {  	[tilespmem:v63+s28+$0x0] =	vst.idx.msk $0xffff, v62;
	v56 =	vld [tilespmem:s29+$0x5E10];
	v57 =	vadd.s32 v31, v34  }
0x2d2: {  	v45 =	vld [tilespmem:s29+$0x5DD0];
	v58 =	vor.u32 v31, v32;
	[tilespmem:v52+s28+$0x0] =	vst.idx.msk $0xffff, v47  }
0x2d3: {  	v39 =	vadd.s32 v31, v39;
	[tilespmem:v55+s28+$0x0] =	vst.idx.msk $0xffff, v43;
	v59 =	vld [tilespmem:s13+$0x5E30]  }
0x2d4: {  	v63 =	vor.u32 v31, v38;
	[tilespmem:v53+s28+$0x0] =	vst.idx.msk $0xffff, v35;
	v62 =	vld [tilespmem:s13+$0x5DD0]  }
0x2d5: {  	v60 =	vadd.s32 v31, v40;
	[tilespmem:v54+s28+$0x0] =	vst.idx.msk $0xffff, v37;
	v35 =	vld [tilespmem:s13+$0x5DF0]  }
0x2d6: {  	v61 =	vadd.s32 v31, v41;
	[tilespmem:v57+s28+$0x0] =	vst.idx.msk $0xffff, v56;
	v37 =	vld [tilespmem:s13+$0x5E10]  }
0x2d7: {  	[tilespmem:v58+s28+$0x0] =	vst.idx.msk $0xffff, v45  }
0x2d8: {  	[tilespmem:v39+s28+$0x0] =	vst.idx.msk $0xffff, v59  }
0x2d9: {  	[tilespmem:v63+s28+$0x0] =	vst.idx.msk $0xffff, v62  }
0x2da: {  	[tilespmem:v60+s28+$0x0] =	vst.idx.msk $0xffff, v35  }
0x2db: {  	s1 =	simm.s32 $0x30;
	[tilespmem:v61+s28+$0x0] =	vst.idx.msk $0xffff, v37  }
.LBB2_6:
0x2dc: {  	v32 =	vmov s1  }
0x2dd: {  	v32 =	vmul.u32 $0x300, v32;
	_ =	sdelay $0x1  }
0x2de: {  	s11 =	sshra.s32 s25, $0x2;
	v32 =	vbroadcast v32, $0x0  }
0x2df: {  	s11 =	sadd.s32 s11, s0  }
0x2e0: {  	v33 =	vld [tilespmem:s11+$0x600];
	v34 =	vadd.s32 v0, v32;
	_ =	sdelay $0x4  }
0x2e1: {  	[tilespmem:v34+s28+$0x0] =	vst.idx.msk $0xffff, v33  }
0x2e2: {  	v62 =	vadd.s32 v1, v32;
	v33 =	vld [tilespmem:s11+$0x610];
	_ =	sdelay $0x4  }
0x2e3: {  	[tilespmem:v62+s28+$0x0] =	vst.idx.msk $0xffff, v33  }
0x2e4: {  	v63 =	vadd.s32 v2, v32;
	v33 =	vld [tilespmem:s11+$0xC40];
	_ =	sdelay $0x4  }
0x2e5: {  	[tilespmem:v63+s28+$0x0] =	vst.idx.msk $0xffff, v33  }
0x2e6: {  	v36 =	vadd.s32 v3, v32;
	v33 =	vld [tilespmem:s11+$0xC50];
	_ =	sdelay $0x4  }
0x2e7: {  	[tilespmem:v36+s28+$0x0] =	vst.idx.msk $0xffff, v33  }
0x2e8: {  	v37 =	vadd.s32 v4, v32;
	v33 =	vld [tilespmem:s11+$0x1280];
	_ =	sdelay $0x4  }
0x2e9: {  	[tilespmem:v37+s28+$0x0] =	vst.idx.msk $0xffff, v33  }
0x2ea: {  	v38 =	vadd.s32 v5, v32;
	v33 =	vld [tilespmem:s11+$0x1290];
	_ =	sdelay $0x4  }
0x2eb: {  	[tilespmem:v38+s28+$0x0] =	vst.idx.msk $0xffff, v33  }
0x2ec: {  	v39 =	vadd.s32 v6, v32;
	v33 =	vld [tilespmem:s11+$0x18C0];
	_ =	sdelay $0x4  }
0x2ed: {  	[tilespmem:v39+s28+$0x0] =	vst.idx.msk $0xffff, v33  }
0x2ee: {  	v40 =	vadd.s32 v7, v32;
	v33 =	vld [tilespmem:s11+$0x18D0];
	_ =	sdelay $0x4  }
0x2ef: {  	[tilespmem:v40+s28+$0x0] =	vst.idx.msk $0xffff, v33  }
0x2f0: {  	v41 =	vadd.s32 v8, v32;
	v33 =	vld [tilespmem:s11+$0x1F00];
	_ =	sdelay $0x4  }
0x2f1: {  	[tilespmem:v41+s28+$0x0] =	vst.idx.msk $0xffff, v33  }
0x2f2: {  	v42 =	vadd.s32 v9, v32;
	v33 =	vld [tilespmem:s11+$0x1F10];
	_ =	sdelay $0x4  }
0x2f3: {  	[tilespmem:v42+s28+$0x0] =	vst.idx.msk $0xffff, v33  }
0x2f4: {  	v43 =	vadd.s32 v10, v32;
	v33 =	vld [tilespmem:s11+$0x2540];
	_ =	sdelay $0x4  }
0x2f5: {  	[tilespmem:v43+s28+$0x0] =	vst.idx.msk $0xffff, v33  }
0x2f6: {  	v44 =	vadd.s32 v11, v32;
	v33 =	vld [tilespmem:s11+$0x2550];
	_ =	sdelay $0x4  }
0x2f7: {  	[tilespmem:v44+s28+$0x0] =	vst.idx.msk $0xffff, v33  }
0x2f8: {  	v45 =	vadd.s32 v12, v32;
	v33 =	vld [tilespmem:s11+$0x2B80];
	_ =	sdelay $0x4  }
0x2f9: {  	[tilespmem:v45+s28+$0x0] =	vst.idx.msk $0xffff, v33  }
0x2fa: {  	v46 =	vadd.s32 v13, v32;
	v33 =	vld [tilespmem:s11+$0x2B90];
	_ =	sdelay $0x4  }
0x2fb: {  	[tilespmem:v46+s28+$0x0] =	vst.idx.msk $0xffff, v33  }
0x2fc: {  	v47 =	vadd.s32 v14, v32;
	v33 =	vld [tilespmem:s11+$0x31C0];
	_ =	sdelay $0x4  }
0x2fd: {  	[tilespmem:v47+s28+$0x0] =	vst.idx.msk $0xffff, v33  }
0x2fe: {  	v48 =	vadd.s32 v15, v32;
	v33 =	vld [tilespmem:s11+$0x31D0];
	_ =	sdelay $0x4  }
0x2ff: {  	[tilespmem:v48+s28+$0x0] =	vst.idx.msk $0xffff, v33  }
0x300: {  	v49 =	vadd.s32 v16, v32;
	v33 =	vld [tilespmem:s11+$0x3800];
	_ =	sdelay $0x4  }
0x301: {  	[tilespmem:v49+s28+$0x0] =	vst.idx.msk $0xffff, v33  }
0x302: {  	v50 =	vadd.s32 v17, v32;
	v33 =	vld [tilespmem:s11+$0x3810];
	_ =	sdelay $0x4  }
0x303: {  	[tilespmem:v50+s28+$0x0] =	vst.idx.msk $0xffff, v33  }
0x304: {  	v51 =	vadd.s32 v18, v32;
	v33 =	vld [tilespmem:s11+$0x3E40];
	_ =	sdelay $0x4  }
0x305: {  	[tilespmem:v51+s28+$0x0] =	vst.idx.msk $0xffff, v33  }
0x306: {  	v52 =	vadd.s32 v19, v32;
	v33 =	vld [tilespmem:s11+$0x3E50];
	_ =	sdelay $0x4  }
0x307: {  	[tilespmem:v52+s28+$0x0] =	vst.idx.msk $0xffff, v33  }
0x308: {  	v53 =	vadd.s32 v20, v32;
	v33 =	vld [tilespmem:s11+$0x4480];
	_ =	sdelay $0x4  }
0x309: {  	[tilespmem:v53+s28+$0x0] =	vst.idx.msk $0xffff, v33  }
0x30a: {  	v54 =	vadd.s32 v21, v32;
	v33 =	vld [tilespmem:s11+$0x4490];
	_ =	sdelay $0x4  }
0x30b: {  	[tilespmem:v54+s28+$0x0] =	vst.idx.msk $0xffff, v33  }
0x30c: {  	v55 =	vadd.s32 v22, v32;
	v33 =	vld [tilespmem:s11+$0x4AC0];
	_ =	sdelay $0x4  }
0x30d: {  	[tilespmem:v55+s28+$0x0] =	vst.idx.msk $0xffff, v33  }
0x30e: {  	v56 =	vadd.s32 v23, v32;
	v33 =	vld [tilespmem:s11+$0x4AD0];
	_ =	sdelay $0x4  }
0x30f: {  	[tilespmem:v56+s28+$0x0] =	vst.idx.msk $0xffff, v33  }
0x310: {  	v57 =	vadd.s32 v24, v32;
	v33 =	vld [tilespmem:s11+$0x5100];
	_ =	sdelay $0x4  }
0x311: {  	[tilespmem:v57+s28+$0x0] =	vst.idx.msk $0xffff, v33  }
0x312: {  	v58 =	vadd.s32 v25, v32;
	v33 =	vld [tilespmem:s11+$0x5110];
	_ =	sdelay $0x4  }
0x313: {  	[tilespmem:v58+s28+$0x0] =	vst.idx.msk $0xffff, v33  }
0x314: {  	v59 =	vadd.s32 v26, v32;
	v33 =	vld [tilespmem:s11+$0x5740];
	_ =	sdelay $0x4  }
0x315: {  	[tilespmem:v59+s28+$0x0] =	vst.idx.msk $0xffff, v33  }
0x316: {  	v60 =	vadd.s32 v27, v32;
	v33 =	vld [tilespmem:s11+$0x5750];
	_ =	sdelay $0x4  }
0x317: {  	[tilespmem:v60+s28+$0x0] =	vst.idx.msk $0xffff, v33  }
0x318: {  	v61 =	vadd.s32 v28, v32;
	v33 =	vld [tilespmem:s11+$0x5D80];
	_ =	sdelay $0x4  }
0x319: {  	[tilespmem:v61+s28+$0x0] =	vst.idx.msk $0xffff, v33  }
0x31a: {  	v62 =	vadd.s32 v29, v32;
	v33 =	vld [tilespmem:s11+$0x5D90];
	_ =	sdelay $0x4  }
0x31b: {  	[tilespmem:v62+s28+$0x0] =	vst.idx.msk $0xffff, v33  }
0x31c: {  	v63 =	vadd.s32 v30, v32;
	v33 =	vld [tilespmem:s11+$0x63C0];
	_ =	sdelay $0x4  }
0x31d: {  	[tilespmem:v63+s28+$0x0] =	vst.idx.msk $0xffff, v33  }
0x31e: {  	p1 =	sne.s32 s25, $0x80;
	v32 =	vadd.s32 v31, v32;
	v33 =	vld [tilespmem:s11+$0x63D0]  }
.Ltmp1:
0x31f: {  	_ = 	snop;
	(pc) =	sbr.rel @p1 .LBB2_6-.Ltmp1, $2  }
0x320: {  	_ =	sdelay $0x2  }
0x321: {  	s1 =	sadd.s32 $0x1, s1;
	s25 =	sadd.s32 $0x80, s25;
	[tilespmem:v32+s28+$0x0] =	vst.idx.msk $0xffff, v33  }
0x322: {  	s1 =	sshrl.u32 s31, $0x3  }
0x323: {  	s0 =	sadd.s32 $0x3, s24;
	s11 =	sadd.s32 $0x0, s30;
	s1 =	sadd.s32 s6, s1  }
0x324: {  	[hbm4b:s1+s3] =	stream.linear.scatter [tilespmem:s11], [sflag:s0], $0x10, $0x38;
	[tilespmem:$0x1FB00] =	vst v63  }
0x325: {  	s11 =	simm.s32 $0x60  }
.LBB2_8:
0x326: {  	p1 =	seq.s32 s11, $0x257A0  }
.Ltmp2:
0x327: {  	_ = 	snop;
	(pc) =	sbr.rel @!p1 .LBB2_8-.Ltmp2, $4  }
0x328: {  	_ = 	snop  }
0x329: {  	s12 =	sshra.s32 s11, $0x2;
	s11 =	sadd.s32 $0x60, s11  }
0x32a: {  	s1 =	sadd.s32 $0x800, s1;
	s12 =	sadd.s32 s12, s30  }
0x32b: {  	[hbm4b:s1+s3] =	stream.linear.scatter [tilespmem:s12], [sflag:s0], $0x10, $0x38;
	[tilespmem:$0x1FB00] =	vst v63  }
0x32c: {  	p1 =	seq.s32 s23, $0x20  }
.Ltmp3:
0x32d: {  	_ = 	snop;
	(pc) =	sbr.rel @!p1 .LBB2_3-.Ltmp3, $2  }
0x32e: {  	_ =	sdelay $0x2  }
0x32f: {  	p0 =	por !p0, !p0  }
0x330: {  	s22 =	sadd.s32 $0x1, s22  }
0x331: {  	_ =	swait.ge [sflag:s20], $0x6400;
	p0 =	sne.s32 s22, s8  }
.Ltmp4:
0x332: {  	[sflag:s20] =	ssyncset.done $0x0;
	(pc) =	sbr.rel @p0 .LBB2_1-.Ltmp4, $4  }
0x333: {  	[sflag:s20] =	ssyncadd.s32 $0xFFFF9C00  }
0x334: {  	_ =	swait.ge [sflag:s21], $0x6400  }
0x335: {  	[sflag:s21] =	ssyncset.done $0x0  }
0x336: {  	[sflag:s21] =	ssyncadd.s32 $0xFFFF9C00  }
0x337: {  	_ =	sfence.sel $0x180000  }
0x338: {  	[bflag:$0x0] =	sbarrier.arrive $0xFFFF  }
0x339: {  	_ =	strace $0x90000047  }
0x33a: {  	s0 =	stileid.u32;
	[bflag:$0x2] =	sbarrier.arrive $0xFFFF  }
0x33b: {  	p0 =	sne.s32 s0, $0x0;
	s0 =	rddreg [dreg:$0x2]  }
0x33c: {  	s0 =	sadd.s32 @!p0 $0x100000, s0  }
0x33d: {  	[sflag:s0] =	ssyncadd.tile.s32 @!p0 $0x1;
	_ =	shalt  }
.Lfunc_end2:
_tile_overlayer_lowered:
.L_overlay_start_2:
0x33e: {  	(tag) =	ssettag $0x2  }
0x33f: {  	s0 =	rddreg [dreg:$0x0];
	s2 =	stileid.u32  }
0x340: {  	s1 =	rddreg [dreg:$0x1];
	p0 =	sne.s32 s2, $0x0  }
0x341: {  	s3 =	rddreg [dreg:$0x2];
	[bflag:$0x3] =	sbarrier.arrive $0xFFFF;
	s2 =	simm.s32 @!p0 $0x1C05  }
0x342: {  	[timem:s3], [sflag:s2] =	dma.local @!p0 [hbm:s0], s1  }
0x343: {  	s0 =	simm.s32 @!p0 $0x5  }
0x344: {  	_ =	swait.ge @!p0 [sflag:s0], s1  }
0x345: {  	s1 =	ssub.s32 @!p0 $0x0, s1;
	[sflag:s0] =	ssyncset.done @!p0 $0x0  }
0x346: {  	[sflag:s0] =	ssyncadd.s32 @!p0 s1  }
0x347: {  	[bflag:$0x3] =	sbarrier.arrive $0xFFFF  }
0x348: {  	_ =	shalt  }

</sc_bundles>
